<compile_context>
chip_gen: v7x
topology: tpu7x:2x2x1
jax: 0.10.2.dev20260603
libtpu: 0.0.44.dev20260713+nightly
codegen_flags: <defaults>
</compile_context>

<pallas_src>
import functools

import jax
import jax.numpy as jnp
from jax import lax
from jax.experimental import pallas as pl
from jax.experimental.pallas import tpu as pltpu
from jax.experimental.pallas import tpu_sc as plsc

B = 4096
F = 26
V = 100000
K = 32
D = 13

NC = 2
NS = 16
NW = NC * NS
BPW = B // NW
NIDX = BPW * F
NPASS = 2
RPP = NIDX // NPASS
BPP = BPW // NPASS

_mesh = plsc.VectorSubcoreMesh(core_axis_name="c", subcore_axis_name="s")

_SCRATCH = [
    pltpu.VMEM((F, BPW), jnp.int32),
    pltpu.VMEM((NPASS, RPP), jnp.int32),
    pltpu.VMEM((RPP, K), jnp.float32),
    pltpu.VMEM((NIDX,), jnp.float32),
    pltpu.VMEM((BPW, 16), jnp.float32),
    pltpu.VMEM((48,), jnp.float32),
    pltpu.VMEM((BPW, 16), jnp.float32),
    pltpu.VMEM((BPW,), jnp.float32),
    pltpu.SemaphoreType.DMA,
    pltpu.SemaphoreType.DMA,
]


def _fm_body(idxf_hbm, idxl_hbm, xd_hbm, lin_hbm, fm_hbm, wb_hbm, out_hbm,
             idxf_v, idxl_v, rows_v, lin_v, xd_v, wb_v, part_v, out_v,
             sem_fm, sem_l):
    wid = lax.axis_index("s") * NC + lax.axis_index("c")
    base = wid * BPW

    pltpu.sync_copy(idxf_hbm.at[wid], idxf_v)
    pltpu.sync_copy(idxl_hbm.at[wid], idxl_v)
    pltpu.sync_copy(xd_hbm.at[wid], xd_v)
    pltpu.sync_copy(wb_hbm, wb_v)

    def fire_pass(p):
        cps = [pltpu.async_copy(
            fm_hbm.at[f].at[idxf_v.at[f, pl.ds(p * BPP, BPP)]],
            rows_v.at[pl.ds(f * BPP, BPP)], sem_fm) for f in range(F)]
        return cps

    cp_lins = [
        pltpu.async_copy(lin_hbm.at[idxl_v.at[q]],
                         lin_v.at[pl.ds(q * RPP, RPP)], sem_l)
        for q in range(NPASS)]
    cp_fms = fire_pass(0)

    ii = lax.iota(jnp.int32, 16)
    wvec = wb_v[pl.ds(0, 16)]
    hi_mask = wb_v[pl.ds(16, 16)]
    bvec = wb_v[pl.ds(32, 16)]
    hi_off = jnp.minimum(16 + ii, F - 1)

    for p in range(NPASS):
        for cp in cp_fms:
            cp.wait()
        if p == 0:
            for cp in cp_lins:
                cp.wait()

        def row_body(b, carry):
            g = p * BPP + b
            r0 = rows_v[b, pl.ds(0, 16)]
            r1 = rows_v[b, pl.ds(16, 16)]
            s_lo, s_hi = r0, r1
            ss_lo, ss_hi = r0 * r0, r1 * r1
            for f in range(1, F):
                r0 = rows_v[f * BPP + b, pl.ds(0, 16)]
                r1 = rows_v[f * BPP + b, pl.ds(16, 16)]
                s_lo = s_lo + r0
                s_hi = s_hi + r1
                ss_lo = ss_lo + r0 * r0
                ss_hi = ss_hi + r1 * r1
            t = 0.5 * (s_lo * s_lo + s_hi * s_hi - ss_lo - ss_hi)
            gbase = g * F
            l0 = plsc.load_gather(lin_v, [gbase + ii])
            l1 = plsc.load_gather(lin_v, [gbase + hi_off]) * hi_mask
            xrow = xd_v[g, pl.ds(0, 16)]
            part_v[g, pl.ds(0, 16)] = t + l0 + l1 + xrow * wvec + bvec
            return carry

        lax.fori_loop(0, BPP, row_body, 0)

        if p + 1 < NPASS:
            cp_fms = fire_pass(p + 1)

    for c in range(BPW // 16):
        ov = jnp.zeros((16,), jnp.float32)
        rows16 = c * 16 + ii
        for l in range(16):
            ov = ov + plsc.load_gather(
                part_v, [rows16, jnp.full((16,), l, jnp.int32)])
        ov = 1.0 / (1.0 + jnp.exp(-ov))
        out_v[pl.ds(c * 16, 16)] = ov

    pltpu.sync_copy(out_v, out_hbm.at[pl.ds(base, BPW)])


_fm_sc_kernel = functools.partial(
    pl.kernel,
    out_type=jax.ShapeDtypeStruct((B,), jnp.float32),
    mesh=_mesh,
    compiler_params=pltpu.CompilerParams(use_tc_tiling_on_sc=False,
                                         needs_layout_passes=False),
    scratch_types=_SCRATCH,
)(_fm_body)


def kernel(X_sparse, X_dense, lin_tables, fm_tables, W_dense, b_dense):
    xs = X_sparse.astype(jnp.int32)
    idxf = xs.reshape(NW, BPW, F).transpose(0, 2, 1)
    flat_idx = xs + (jnp.arange(F, dtype=jnp.int32) * V)[None, :]
    idxl = flat_idx.reshape(NW, NPASS, RPP)
    xd = jnp.pad(X_dense, ((0, 0), (0, 16 - D))).reshape(NW, BPW, 16)
    lin_flat = lin_tables.reshape(F * V)
    lane_mask = (jnp.arange(16) < (F - 16)).astype(jnp.float32)
    bias_vec = jnp.zeros((16,), jnp.float32).at[0].set(b_dense[0])
    wb = jnp.concatenate([W_dense[:, 0], jnp.zeros((3,), jnp.float32),
                          lane_mask, bias_vec])
    return _fm_sc_kernel(idxf, idxl, xd, lin_flat, fm_tables, wb)

# --- scband reference (transcript-rebuilt; emitter-appended) ---
"""Pipeline reference for scband-fm-67534065762712 (READ-ONLY COPY).

The authoritative reference and input builder live on the scoring server;
editing this copy changes nothing except your own understanding.
"""

import jax, jax.numpy as jnp
import numpy as np

B = 4096
F = 26
V = 100000
K = 32
D = 13


def setup_inputs(seed: int = 0) -> dict:
    key = jax.random.key(seed)
    k1, k2, k3, k4, k5 = jax.random.split(key, 5)
    X_sparse = jax.random.randint(k1, (B, F), 0, V)
    X_dense = jax.random.normal(k2, (B, D), dtype=jnp.float32)
    # learned params: per-field 1-dim linear embeddings and K-dim FM embeddings
    lin_tables = jax.random.normal(k3, (F, V, 1), dtype=jnp.float32) * 0.01
    fm_tables = jax.random.normal(k4, (F, V, K), dtype=jnp.float32) * 0.01
    W_dense = jax.random.normal(k5, (D, 1), dtype=jnp.float32) * 0.02
    b_dense = jnp.zeros((1,), dtype=jnp.float32)
    return {"X_sparse": X_sparse, "X_dense": X_dense,
            "lin_tables": lin_tables, "fm_tables": fm_tables,
            "W_dense": W_dense, "b_dense": b_dense}


def reference(X_sparse, X_dense, lin_tables, fm_tables, W_dense, b_dense):
    fields = jnp.arange(F)
    # linear (1st-order) part: per-field 1-dim embedding lookup -> [B, F, 1]
    lin = lin_tables[fields[None, :], X_sparse]
    linear_sparse = jnp.sum(lin, axis=1)  # [B, 1]
    linear_dense = X_dense @ W_dense + b_dense  # [B, 1]
    linear_part = linear_sparse + linear_dense
    # 2nd-order FM part: per-field K-dim embedding lookup -> [B, F, K]
    fm = fm_tables[fields[None, :], X_sparse]
    square_of_sum = jnp.sum(fm, axis=1) ** 2  # [B, K]
    sum_of_square = jnp.sum(fm ** 2, axis=1)  # [B, K]
    cross_term = square_of_sum - sum_of_square
    cross_term = 0.5 * jnp.sum(cross_term, axis=1, keepdims=True)  # [B, 1]
    out = jax.nn.sigmoid(linear_part + cross_term)
    return out[:, 0]

if __name__ == "__main__":
    import jax
    _d = setup_inputs()
    print(jax.jit(kernel)(*tuple(_d.values())))

</pallas_src>

<mosaic_0001>
#map = affine_map<(d0, d1) -> (0, 0, 0)>
#map1 = affine_map<(d0, d1) -> (0)>
module attributes {stable_mosaic.version = 14 : i64} {
  func.func @_fm_body(%arg0: i32, %arg1: i32, %arg2: memref<32x26x128xi32, #tpu.memory_space<hbm>>, %arg3: memref<32x2x1664xi32, #tpu.memory_space<hbm>>, %arg4: memref<32x128x16xf32, #tpu.memory_space<hbm>>, %arg5: memref<2600000xf32, #tpu.memory_space<hbm>>, %arg6: memref<26x100000x32xf32, #tpu.memory_space<hbm>>, %arg7: memref<48xf32, #tpu.memory_space<hbm>>, %arg8: memref<4096xf32, #tpu.memory_space<hbm>>, %arg9: memref<26x128xi32, #tpu.memory_space<vmem>>, %arg10: memref<2x1664xi32, #tpu.memory_space<vmem>>, %arg11: memref<1664x32xf32, #tpu.memory_space<vmem>>, %arg12: memref<3328xf32, #tpu.memory_space<vmem>>, %arg13: memref<128x16xf32, #tpu.memory_space<vmem>>, %arg14: memref<48xf32, #tpu.memory_space<vmem>>, %arg15: memref<128x16xf32, #tpu.memory_space<vmem>>, %arg16: memref<128xf32, #tpu.memory_space<vmem>>, %arg17: memref<!tpu.dma_semaphore, #tpu.memory_space<semaphore_mem>>, %arg18: memref<!tpu.dma_semaphore, #tpu.memory_space<semaphore_mem>>) attributes {dimension_semantics = [#tpu.dimension_semantics<core_parallel>, #tpu.dimension_semantics<subcore_parallel>], iteration_bounds = array<i64: 2, 16>, scalar_prefetch = 0 : i64, scratch_operands = 10 : i64, tpu.core_type = #tpu.core_type<sc_vector_subcore>, window_params = [{transform_indices = #map}, {transform_indices = #map}, {transform_indices = #map}, {transform_indices = #map1}, {transform_indices = #map}, {transform_indices = #map1}, {transform_indices = #map1}]} {
    %mul3A = arith.constant 2 : i32
    %mul3A_0 = arith.muli %arg1, %mul3A : i32
    %add3A = arith.addi %mul3A_0, %arg0 : i32
    %mul3A_1 = arith.constant 128 : i32
    %mul3A_2 = arith.muli %add3A, %mul3A_1 : i32
    "tpu.region"() ({
      %run_scoped3A = tpu.sem_alloc : memref<!tpu.dma_semaphore, #tpu.memory_space<semaphore_mem>>
      %dma_start3A_2256 = arith.constant 0 : i32
      %dma_start3A_2257 = arith.constant 0 : i32
      %dma_start3A_2258 = tpu.memref_slice %arg2[%add3A, %dma_start3A_2256, %dma_start3A_2257] : memref<32x26x128xi32, #tpu.memory_space<hbm>> -> memref<1x26x128xi32, #tpu.memory_space<hbm>>
      %dma_start3A_2259 = tpu.memref_squeeze %dma_start3A_2258 : memref<1x26x128xi32, #tpu.memory_space<hbm>> -> memref<26x128xi32, #tpu.memory_space<hbm>>
      %dma_start3A_2260 = arith.constant 0 : i32
      %dma_start3A_2261 = arith.constant 0 : i32
      %dma_start3A_2262 = tpu.memref_slice %arg2[%add3A, %dma_start3A_2260, %dma_start3A_2261] : memref<32x26x128xi32, #tpu.memory_space<hbm>> -> memref<1x26x128xi32, #tpu.memory_space<hbm>>
      %dma_start3A_2263 = tpu.memref_squeeze %dma_start3A_2262 : memref<1x26x128xi32, #tpu.memory_space<hbm>> -> memref<26x128xi32, #tpu.memory_space<hbm>>
      tpu.enqueue_dma source(%dma_start3A_2263 : memref<26x128xi32, #tpu.memory_space<hbm>>) target(%arg9 : memref<26x128xi32, #tpu.memory_space<vmem>>) target_semaphore(%run_scoped3A : memref<!tpu.dma_semaphore, #tpu.memory_space<semaphore_mem>>)
      %dma_wait3A_2264 = arith.constant 0 : i32
      %dma_wait3A_2265 = arith.constant 0 : i32
      %dma_wait3A_2266 = tpu.memref_slice %arg2[%add3A, %dma_wait3A_2264, %dma_wait3A_2265] : memref<32x26x128xi32, #tpu.memory_space<hbm>> -> memref<1x26x128xi32, #tpu.memory_space<hbm>>
      %dma_wait3A_2267 = tpu.memref_squeeze %dma_wait3A_2266 : memref<1x26x128xi32, #tpu.memory_space<hbm>> -> memref<26x128xi32, #tpu.memory_space<hbm>>
      %dma_wait3A_2268 = arith.constant 0 : i32
      %dma_wait3A_2269 = arith.constant 0 : i32
      %dma_wait3A_2270 = tpu.memref_slice %arg2[%add3A, %dma_wait3A_2268, %dma_wait3A_2269] : memref<32x26x128xi32, #tpu.memory_space<hbm>> -> memref<1x26x128xi32, #tpu.memory_space<hbm>>
      %dma_wait3A_2271 = tpu.memref_squeeze %dma_wait3A_2270 : memref<1x26x128xi32, #tpu.memory_space<hbm>> -> memref<26x128xi32, #tpu.memory_space<hbm>>
      tpu.wait_dma2 semaphore(%run_scoped3A : memref<!tpu.dma_semaphore, #tpu.memory_space<semaphore_mem>>) src(%dma_wait3A_2271 : memref<26x128xi32, #tpu.memory_space<hbm>>) dst(%arg9 : memref<26x128xi32, #tpu.memory_space<vmem>>)
      tpu.yield
    }) : () -> ()
    "tpu.region"() ({
      %run_scoped3A = tpu.sem_alloc : memref<!tpu.dma_semaphore, #tpu.memory_space<semaphore_mem>>
      %dma_start3A_2256 = arith.constant 0 : i32
      %dma_start3A_2257 = arith.constant 0 : i32
      %dma_start3A_2258 = tpu.memref_slice %arg3[%add3A, %dma_start3A_2256, %dma_start3A_2257] : memref<32x2x1664xi32, #tpu.memory_space<hbm>> -> memref<1x2x1664xi32, #tpu.memory_space<hbm>>
      %dma_start3A_2259 = tpu.memref_squeeze %dma_start3A_2258 : memref<1x2x1664xi32, #tpu.memory_space<hbm>> -> memref<2x1664xi32, #tpu.memory_space<hbm>>
      %dma_start3A_2260 = arith.constant 0 : i32
      %dma_start3A_2261 = arith.constant 0 : i32
      %dma_start3A_2262 = tpu.memref_slice %arg3[%add3A, %dma_start3A_2260, %dma_start3A_2261] : memref<32x2x1664xi32, #tpu.memory_space<hbm>> -> memref<1x2x1664xi32, #tpu.memory_space<hbm>>
      %dma_start3A_2263 = tpu.memref_squeeze %dma_start3A_2262 : memref<1x2x1664xi32, #tpu.memory_space<hbm>> -> memref<2x1664xi32, #tpu.memory_space<hbm>>
      tpu.enqueue_dma source(%dma_start3A_2263 : memref<2x1664xi32, #tpu.memory_space<hbm>>) target(%arg10 : memref<2x1664xi32, #tpu.memory_space<vmem>>) target_semaphore(%run_scoped3A : memref<!tpu.dma_semaphore, #tpu.memory_space<semaphore_mem>>)
      %dma_wait3A_2264 = arith.constant 0 : i32
      %dma_wait3A_2265 = arith.constant 0 : i32
      %dma_wait3A_2266 = tpu.memref_slice %arg3[%add3A, %dma_wait3A_2264, %dma_wait3A_2265] : memref<32x2x1664xi32, #tpu.memory_space<hbm>> -> memref<1x2x1664xi32, #tpu.memory_space<hbm>>
      %dma_wait3A_2267 = tpu.memref_squeeze %dma_wait3A_2266 : memref<1x2x1664xi32, #tpu.memory_space<hbm>> -> memref<2x1664xi32, #tpu.memory_space<hbm>>
      %dma_wait3A_2268 = arith.constant 0 : i32
      %dma_wait3A_2269 = arith.constant 0 : i32
      %dma_wait3A_2270 = tpu.memref_slice %arg3[%add3A, %dma_wait3A_2268, %dma_wait3A_2269] : memref<32x2x1664xi32, #tpu.memory_space<hbm>> -> memref<1x2x1664xi32, #tpu.memory_space<hbm>>
      %dma_wait3A_2271 = tpu.memref_squeeze %dma_wait3A_2270 : memref<1x2x1664xi32, #tpu.memory_space<hbm>> -> memref<2x1664xi32, #tpu.memory_space<hbm>>
      tpu.wait_dma2 semaphore(%run_scoped3A : memref<!tpu.dma_semaphore, #tpu.memory_space<semaphore_mem>>) src(%dma_wait3A_2271 : memref<2x1664xi32, #tpu.memory_space<hbm>>) dst(%arg10 : memref<2x1664xi32, #tpu.memory_space<vmem>>)
      tpu.yield
    }) : () -> ()
    "tpu.region"() ({
      %run_scoped3A = tpu.sem_alloc : memref<!tpu.dma_semaphore, #tpu.memory_space<semaphore_mem>>
      %dma_start3A_2256 = arith.constant 0 : i32
      %dma_start3A_2257 = arith.constant 0 : i32
      %dma_start3A_2258 = tpu.memref_slice %arg4[%add3A, %dma_start3A_2256, %dma_start3A_2257] : memref<32x128x16xf32, #tpu.memory_space<hbm>> -> memref<1x128x16xf32, #tpu.memory_space<hbm>>
      %dma_start3A_2259 = tpu.memref_squeeze %dma_start3A_2258 : memref<1x128x16xf32, #tpu.memory_space<hbm>> -> memref<128x16xf32, #tpu.memory_space<hbm>>
      %dma_start3A_2260 = arith.constant 0 : i32
      %dma_start3A_2261 = arith.constant 0 : i32
      %dma_start3A_2262 = tpu.memref_slice %arg4[%add3A, %dma_start3A_2260, %dma_start3A_2261] : memref<32x128x16xf32, #tpu.memory_space<hbm>> -> memref<1x128x16xf32, #tpu.memory_space<hbm>>
      %dma_start3A_2263 = tpu.memref_squeeze %dma_start3A_2262 : memref<1x128x16xf32, #tpu.memory_space<hbm>> -> memref<128x16xf32, #tpu.memory_space<hbm>>
      tpu.enqueue_dma source(%dma_start3A_2263 : memref<128x16xf32, #tpu.memory_space<hbm>>) target(%arg13 : memref<128x16xf32, #tpu.memory_space<vmem>>) target_semaphore(%run_scoped3A : memref<!tpu.dma_semaphore, #tpu.memory_space<semaphore_mem>>)
      %dma_wait3A_2264 = arith.constant 0 : i32
      %dma_wait3A_2265 = arith.constant 0 : i32
      %dma_wait3A_2266 = tpu.memref_slice %arg4[%add3A, %dma_wait3A_2264, %dma_wait3A_2265] : memref<32x128x16xf32, #tpu.memory_space<hbm>> -> memref<1x128x16xf32, #tpu.memory_space<hbm>>
      %dma_wait3A_2267 = tpu.memref_squeeze %dma_wait3A_2266 : memref<1x128x16xf32, #tpu.memory_space<hbm>> -> memref<128x16xf32, #tpu.memory_space<hbm>>
      %dma_wait3A_2268 = arith.constant 0 : i32
      %dma_wait3A_2269 = arith.constant 0 : i32
      %dma_wait3A_2270 = tpu.memref_slice %arg4[%add3A, %dma_wait3A_2268, %dma_wait3A_2269] : memref<32x128x16xf32, #tpu.memory_space<hbm>> -> memref<1x128x16xf32, #tpu.memory_space<hbm>>
      %dma_wait3A_2271 = tpu.memref_squeeze %dma_wait3A_2270 : memref<1x128x16xf32, #tpu.memory_space<hbm>> -> memref<128x16xf32, #tpu.memory_space<hbm>>
      tpu.wait_dma2 semaphore(%run_scoped3A : memref<!tpu.dma_semaphore, #tpu.memory_space<semaphore_mem>>) src(%dma_wait3A_2271 : memref<128x16xf32, #tpu.memory_space<hbm>>) dst(%arg13 : memref<128x16xf32, #tpu.memory_space<vmem>>)
      tpu.yield
    }) : () -> ()
    "tpu.region"() ({
      %run_scoped3A = tpu.sem_alloc : memref<!tpu.dma_semaphore, #tpu.memory_space<semaphore_mem>>
      tpu.enqueue_dma source(%arg7 : memref<48xf32, #tpu.memory_space<hbm>>) target(%arg14 : memref<48xf32, #tpu.memory_space<vmem>>) target_semaphore(%run_scoped3A : memref<!tpu.dma_semaphore, #tpu.memory_space<semaphore_mem>>)
      tpu.wait_dma2 semaphore(%run_scoped3A : memref<!tpu.dma_semaphore, #tpu.memory_space<semaphore_mem>>) src(%arg7 : memref<48xf32, #tpu.memory_space<hbm>>) dst(%arg14 : memref<48xf32, #tpu.memory_space<vmem>>)
      tpu.yield
    }) : () -> ()
    %dma_start3A = arith.constant 0 : i32
    %dma_start3A_3 = arith.constant 0 : i32
    %dma_start3A_4 = tpu.memref_slice %arg12[%dma_start3A_3] : memref<3328xf32, #tpu.memory_space<vmem>> -> memref<1664xf32, #tpu.memory_space<vmem>>
    %dma_start3A_5 = arith.constant 0 : i32
    %dma_start3A_6 = tpu.memref_slice %arg10[%dma_start3A, %dma_start3A_5] : memref<2x1664xi32, #tpu.memory_space<vmem>> -> memref<1x1664xi32, #tpu.memory_space<vmem>>
    %dma_start3A_7 = tpu.memref_squeeze %dma_start3A_6 : memref<1x1664xi32, #tpu.memory_space<vmem>> -> memref<1664xi32, #tpu.memory_space<vmem>>
    %dma_start3A_8 = arith.constant 0 : i32
    %dma_start3A_9 = tpu.memref_slice %arg5[%dma_start3A_8] : memref<2600000xf32, #tpu.memory_space<hbm>> -> memref<2600000xf32, #tpu.memory_space<hbm>>
    tpu.enqueue_indirect_dma source(%dma_start3A_9 : memref<2600000xf32, #tpu.memory_space<hbm>>) target(%dma_start3A_4 : memref<1664xf32, #tpu.memory_space<vmem>>) offsets(%dma_start3A_7 : memref<1664xi32, #tpu.memory_space<vmem>>) semaphore(%arg18 : memref<!tpu.dma_semaphore, #tpu.memory_space<semaphore_mem>>)
    %dma_start3A_10 = arith.constant 1 : i32
    %dma_start3A_11 = arith.constant 1664 : i32
    %dma_start3A_12 = tpu.memref_slice %arg12[%dma_start3A_11] : memref<3328xf32, #tpu.memory_space<vmem>> -> memref<1664xf32, #tpu.memory_space<vmem>>
    %dma_start3A_13 = arith.constant 0 : i32
    %dma_start3A_14 = tpu.memref_slice %arg10[%dma_start3A_10, %dma_start3A_13] : memref<2x1664xi32, #tpu.memory_space<vmem>> -> memref<1x1664xi32, #tpu.memory_space<vmem>>
    %dma_start3A_15 = tpu.memref_squeeze %dma_start3A_14 : memref<1x1664xi32, #tpu.memory_space<vmem>> -> memref<1664xi32, #tpu.memory_space<vmem>>
    %dma_start3A_16 = arith.constant 0 : i32
    %dma_start3A_17 = tpu.memref_slice %arg5[%dma_start3A_16] : memref<2600000xf32, #tpu.memory_space<hbm>> -> memref<2600000xf32, #tpu.memory_space<hbm>>
    tpu.enqueue_indirect_dma source(%dma_start3A_17 : memref<2600000xf32, #tpu.memory_space<hbm>>) target(%dma_start3A_12 : memref<1664xf32, #tpu.memory_space<vmem>>) offsets(%dma_start3A_15 : memref<1664xi32, #tpu.memory_space<vmem>>) semaphore(%arg18 : memref<!tpu.dma_semaphore, #tpu.memory_space<semaphore_mem>>)
    %dma_start3A_18 = arith.constant 0 : i32
    %dma_start3A_19 = arith.constant 0 : i32
    %dma_start3A_20 = arith.constant 0 : i32
    %dma_start3A_21 = arith.constant 0 : i32
    %dma_start3A_22 = tpu.memref_slice %arg11[%dma_start3A_20, %dma_start3A_21] : memref<1664x32xf32, #tpu.memory_space<vmem>> -> memref<64x32xf32, #tpu.memory_space<vmem>>
    %dma_start3A_23 = arith.constant 0 : i32
    %dma_start3A_24 = tpu.memref_slice %arg9[%dma_start3A_19, %dma_start3A_23] : memref<26x128xi32, #tpu.memory_space<vmem>> -> memref<1x64xi32, #tpu.memory_space<vmem>>
    %dma_start3A_25 = tpu.memref_squeeze %dma_start3A_24 : memref<1x64xi32, #tpu.memory_space<vmem>> -> memref<64xi32, #tpu.memory_space<vmem>>
    %dma_start3A_26 = arith.constant 0 : i32
    %dma_start3A_27 = arith.constant 0 : i32
    %dma_start3A_28 = tpu.memref_slice %arg6[%dma_start3A_18, %dma_start3A_26, %dma_start3A_27] : memref<26x100000x32xf32, #tpu.memory_space<hbm>> -> memref<1x100000x32xf32, #tpu.memory_space<hbm>>
    %dma_start3A_29 = tpu.memref_squeeze %dma_start3A_28 : memref<1x100000x32xf32, #tpu.memory_space<hbm>> -> memref<100000x32xf32, #tpu.memory_space<hbm>>
    %dma_start3A_30 = arith.constant 0 : i32
    %dma_start3A_31 = arith.constant 0 : i32
    %dma_start3A_32 = tpu.memref_slice %dma_start3A_29[%dma_start3A_30, %dma_start3A_31] : memref<100000x32xf32, #tpu.memory_space<hbm>> -> memref<100000x32xf32, #tpu.memory_space<hbm>>
    tpu.enqueue_indirect_dma source(%dma_start3A_32 : memref<100000x32xf32, #tpu.memory_space<hbm>>) target(%dma_start3A_22 : memref<64x32xf32, #tpu.memory_space<vmem>>) offsets(%dma_start3A_25 : memref<64xi32, #tpu.memory_space<vmem>>) semaphore(%arg17 : memref<!tpu.dma_semaphore, #tpu.memory_space<semaphore_mem>>)
    %dma_start3A_33 = arith.constant 1 : i32
    %dma_start3A_34 = arith.constant 1 : i32
    %dma_start3A_35 = arith.constant 64 : i32
    %dma_start3A_36 = arith.constant 0 : i32
    %dma_start3A_37 = tpu.memref_slice %arg11[%dma_start3A_35, %dma_start3A_36] : memref<1664x32xf32, #tpu.memory_space<vmem>> -> memref<64x32xf32, #tpu.memory_space<vmem>>
    %dma_start3A_38 = arith.constant 0 : i32
    %dma_start3A_39 = tpu.memref_slice %arg9[%dma_start3A_34, %dma_start3A_38] : memref<26x128xi32, #tpu.memory_space<vmem>> -> memref<1x64xi32, #tpu.memory_space<vmem>>
    %dma_start3A_40 = tpu.memref_squeeze %dma_start3A_39 : memref<1x64xi32, #tpu.memory_space<vmem>> -> memref<64xi32, #tpu.memory_space<vmem>>
    %dma_start3A_41 = arith.constant 0 : i32
    %dma_start3A_42 = arith.constant 0 : i32
    %dma_start3A_43 = tpu.memref_slice %arg6[%dma_start3A_33, %dma_start3A_41, %dma_start3A_42] : memref<26x100000x32xf32, #tpu.memory_space<hbm>> -> memref<1x100000x32xf32, #tpu.memory_space<hbm>>
    %dma_start3A_44 = tpu.memref_squeeze %dma_start3A_43 : memref<1x100000x32xf32, #tpu.memory_space<hbm>> -> memref<100000x32xf32, #tpu.memory_space<hbm>>
    %dma_start3A_45 = arith.constant 0 : i32
    %dma_start3A_46 = arith.constant 0 : i32
    %dma_start3A_47 = tpu.memref_slice %dma_start3A_44[%dma_start3A_45, %dma_start3A_46] : memref<100000x32xf32, #tpu.memory_space<hbm>> -> memref<100000x32xf32, #tpu.memory_space<hbm>>
    tpu.enqueue_indirect_dma source(%dma_start3A_47 : memref<100000x32xf32, #tpu.memory_space<hbm>>) target(%dma_start3A_37 : memref<64x32xf32, #tpu.memory_space<vmem>>) offsets(%dma_start3A_40 : memref<64xi32, #tpu.memory_space<vmem>>) semaphore(%arg17 : memref<!tpu.dma_semaphore, #tpu.memory_space<semaphore_mem>>)
    %dma_start3A_48 = arith.constant 2 : i32
    %dma_start3A_49 = arith.constant 2 : i32
    %dma_start3A_50 = arith.constant 128 : i32
    %dma_start3A_51 = arith.constant 0 : i32
    %dma_start3A_52 = tpu.memref_slice %arg11[%dma_start3A_50, %dma_start3A_51] : memref<1664x32xf32, #tpu.memory_space<vmem>> -> memref<64x32xf32, #tpu.memory_space<vmem>>
    %dma_start3A_53 = arith.constant 0 : i32
    %dma_start3A_54 = tpu.memref_slice %arg9[%dma_start3A_49, %dma_start3A_53] : memref<26x128xi32, #tpu.memory_space<vmem>> -> memref<1x64xi32, #tpu.memory_space<vmem>>
    %dma_start3A_55 = tpu.memref_squeeze %dma_start3A_54 : memref<1x64xi32, #tpu.memory_space<vmem>> -> memref<64xi32, #tpu.memory_space<vmem>>
    %dma_start3A_56 = arith.constant 0 : i32
    %dma_start3A_57 = arith.constant 0 : i32
    %dma_start3A_58 = tpu.memref_slice %arg6[%dma_start3A_48, %dma_start3A_56, %dma_start3A_57] : memref<26x100000x32xf32, #tpu.memory_space<hbm>> -> memref<1x100000x32xf32, #tpu.memory_space<hbm>>
    %dma_start3A_59 = tpu.memref_squeeze %dma_start3A_58 : memref<1x100000x32xf32, #tpu.memory_space<hbm>> -> memref<100000x32xf32, #tpu.memory_space<hbm>>
    %dma_start3A_60 = arith.constant 0 : i32
    %dma_start3A_61 = arith.constant 0 : i32
    %dma_start3A_62 = tpu.memref_slice %dma_start3A_59[%dma_start3A_60, %dma_start3A_61] : memref<100000x32xf32, #tpu.memory_space<hbm>> -> memref<100000x32xf32, #tpu.memory_space<hbm>>
    tpu.enqueue_indirect_dma source(%dma_start3A_62 : memref<100000x32xf32, #tpu.memory_space<hbm>>) target(%dma_start3A_52 : memref<64x32xf32, #tpu.memory_space<vmem>>) offsets(%dma_start3A_55 : memref<64xi32, #tpu.memory_space<vmem>>) semaphore(%arg17 : memref<!tpu.dma_semaphore, #tpu.memory_space<semaphore_mem>>)
    %dma_start3A_63 = arith.constant 3 : i32
    %dma_start3A_64 = arith.constant 3 : i32
    %dma_start3A_65 = arith.constant 192 : i32
    %dma_start3A_66 = arith.constant 0 : i32
    %dma_start3A_67 = tpu.memref_slice %arg11[%dma_start3A_65, %dma_start3A_66] : memref<1664x32xf32, #tpu.memory_space<vmem>> -> memref<64x32xf32, #tpu.memory_space<vmem>>
    %dma_start3A_68 = arith.constant 0 : i32
    %dma_start3A_69 = tpu.memref_slice %arg9[%dma_start3A_64, %dma_start3A_68] : memref<26x128xi32, #tpu.memory_space<vmem>> -> memref<1x64xi32, #tpu.memory_space<vmem>>
    %dma_start3A_70 = tpu.memref_squeeze %dma_start3A_69 : memref<1x64xi32, #tpu.memory_space<vmem>> -> memref<64xi32, #tpu.memory_space<vmem>>
    %dma_start3A_71 = arith.constant 0 : i32
    %dma_start3A_72 = arith.constant 0 : i32
    %dma_start3A_73 = tpu.memref_slice %arg6[%dma_start3A_63, %dma_start3A_71, %dma_start3A_72] : memref<26x100000x32xf32, #tpu.memory_space<hbm>> -> memref<1x100000x32xf32, #tpu.memory_space<hbm>>
    %dma_start3A_74 = tpu.memref_squeeze %dma_start3A_73 : memref<1x100000x32xf32, #tpu.memory_space<hbm>> -> memref<100000x32xf32, #tpu.memory_space<hbm>>
    %dma_start3A_75 = arith.constant 0 : i32
    %dma_start3A_76 = arith.constant 0 : i32
    %dma_start3A_77 = tpu.memref_slice %dma_start3A_74[%dma_start3A_75, %dma_start3A_76] : memref<100000x32xf32, #tpu.memory_space<hbm>> -> memref<100000x32xf32, #tpu.memory_space<hbm>>
    tpu.enqueue_indirect_dma source(%dma_start3A_77 : memref<100000x32xf32, #tpu.memory_space<hbm>>) target(%dma_start3A_67 : memref<64x32xf32, #tpu.memory_space<vmem>>) offsets(%dma_start3A_70 : memref<64xi32, #tpu.memory_space<vmem>>) semaphore(%arg17 : memref<!tpu.dma_semaphore, #tpu.memory_space<semaphore_mem>>)
    %dma_start3A_78 = arith.constant 4 : i32
    %dma_start3A_79 = arith.constant 4 : i32
    %dma_start3A_80 = arith.constant 256 : i32
    %dma_start3A_81 = arith.constant 0 : i32
    %dma_start3A_82 = tpu.memref_slice %arg11[%dma_start3A_80, %dma_start3A_81] : memref<1664x32xf32, #tpu.memory_space<vmem>> -> memref<64x32xf32, #tpu.memory_space<vmem>>
    %dma_start3A_83 = arith.constant 0 : i32
    %dma_start3A_84 = tpu.memref_slice %arg9[%dma_start3A_79, %dma_start3A_83] : memref<26x128xi32, #tpu.memory_space<vmem>> -> memref<1x64xi32, #tpu.memory_space<vmem>>
    %dma_start3A_85 = tpu.memref_squeeze %dma_start3A_84 : memref<1x64xi32, #tpu.memory_space<vmem>> -> memref<64xi32, #tpu.memory_space<vmem>>
    %dma_start3A_86 = arith.constant 0 : i32
    %dma_start3A_87 = arith.constant 0 : i32
    %dma_start3A_88 = tpu.memref_slice %arg6[%dma_start3A_78, %dma_start3A_86, %dma_start3A_87] : memref<26x100000x32xf32, #tpu.memory_space<hbm>> -> memref<1x100000x32xf32, #tpu.memory_space<hbm>>
    %dma_start3A_89 = tpu.memref_squeeze %dma_start3A_88 : memref<1x100000x32xf32, #tpu.memory_space<hbm>> -> memref<100000x32xf32, #tpu.memory_space<hbm>>
    %dma_start3A_90 = arith.constant 0 : i32
    %dma_start3A_91 = arith.constant 0 : i32
    %dma_start3A_92 = tpu.memref_slice %dma_start3A_89[%dma_start3A_90, %dma_start3A_91] : memref<100000x32xf32, #tpu.memory_space<hbm>> -> memref<100000x32xf32, #tpu.memory_space<hbm>>
    tpu.enqueue_indirect_dma source(%dma_start3A_92 : memref<100000x32xf32, #tpu.memory_space<hbm>>) target(%dma_start3A_82 : memref<64x32xf32, #tpu.memory_space<vmem>>) offsets(%dma_start3A_85 : memref<64xi32, #tpu.memory_space<vmem>>) semaphore(%arg17 : memref<!tpu.dma_semaphore, #tpu.memory_space<semaphore_mem>>)
    %dma_start3A_93 = arith.constant 5 : i32
    %dma_start3A_94 = arith.constant 5 : i32
    %dma_start3A_95 = arith.constant 320 : i32
    %dma_start3A_96 = arith.constant 0 : i32
    %dma_start3A_97 = tpu.memref_slice %arg11[%dma_start3A_95, %dma_start3A_96] : memref<1664x32xf32, #tpu.memory_space<vmem>> -> memref<64x32xf32, #tpu.memory_space<vmem>>
    %dma_start3A_98 = arith.constant 0 : i32
    %dma_start3A_99 = tpu.memref_slice %arg9[%dma_start3A_94, %dma_start3A_98] : memref<26x128xi32, #tpu.memory_space<vmem>> -> memref<1x64xi32, #tpu.memory_space<vmem>>
    %dma_start3A_100 = tpu.memref_squeeze %dma_start3A_99 : memref<1x64xi32, #tpu.memory_space<vmem>> -> memref<64xi32, #tpu.memory_space<vmem>>
    %dma_start3A_101 = arith.constant 0 : i32
    %dma_start3A_102 = arith.constant 0 : i32
    %dma_start3A_103 = tpu.memref_slice %arg6[%dma_start3A_93, %dma_start3A_101, %dma_start3A_102] : memref<26x100000x32xf32, #tpu.memory_space<hbm>> -> memref<1x100000x32xf32, #tpu.memory_space<hbm>>
    %dma_start3A_104 = tpu.memref_squeeze %dma_start3A_103 : memref<1x100000x32xf32, #tpu.memory_space<hbm>> -> memref<100000x32xf32, #tpu.memory_space<hbm>>
    %dma_start3A_105 = arith.constant 0 : i32
    %dma_start3A_106 = arith.constant 0 : i32
    %dma_start3A_107 = tpu.memref_slice %dma_start3A_104[%dma_start3A_105, %dma_start3A_106] : memref<100000x32xf32, #tpu.memory_space<hbm>> -> memref<100000x32xf32, #tpu.memory_space<hbm>>
    tpu.enqueue_indirect_dma source(%dma_start3A_107 : memref<100000x32xf32, #tpu.memory_space<hbm>>) target(%dma_start3A_97 : memref<64x32xf32, #tpu.memory_space<vmem>>) offsets(%dma_start3A_100 : memref<64xi32, #tpu.memory_space<vmem>>) semaphore(%arg17 : memref<!tpu.dma_semaphore, #tpu.memory_space<semaphore_mem>>)
    %dma_start3A_108 = arith.constant 6 : i32
    %dma_start3A_109 = arith.constant 6 : i32
    %dma_start3A_110 = arith.constant 384 : i32
    %dma_start3A_111 = arith.constant 0 : i32
    %dma_start3A_112 = tpu.memref_slice %arg11[%dma_start3A_110, %dma_start3A_111] : memref<1664x32xf32, #tpu.memory_space<vmem>> -> memref<64x32xf32, #tpu.memory_space<vmem>>
    %dma_start3A_113 = arith.constant 0 : i32
    %dma_start3A_114 = tpu.memref_slice %arg9[%dma_start3A_109, %dma_start3A_113] : memref<26x128xi32, #tpu.memory_space<vmem>> -> memref<1x64xi32, #tpu.memory_space<vmem>>
    %dma_start3A_115 = tpu.memref_squeeze %dma_start3A_114 : memref<1x64xi32, #tpu.memory_space<vmem>> -> memref<64xi32, #tpu.memory_space<vmem>>
    %dma_start3A_116 = arith.constant 0 : i32
    %dma_start3A_117 = arith.constant 0 : i32
    %dma_start3A_118 = tpu.memref_slice %arg6[%dma_start3A_108, %dma_start3A_116, %dma_start3A_117] : memref<26x100000x32xf32, #tpu.memory_space<hbm>> -> memref<1x100000x32xf32, #tpu.memory_space<hbm>>
    %dma_start3A_119 = tpu.memref_squeeze %dma_start3A_118 : memref<1x100000x32xf32, #tpu.memory_space<hbm>> -> memref<100000x32xf32, #tpu.memory_space<hbm>>
    %dma_start3A_120 = arith.constant 0 : i32
    %dma_start3A_121 = arith.constant 0 : i32
    %dma_start3A_122 = tpu.memref_slice %dma_start3A_119[%dma_start3A_120, %dma_start3A_121] : memref<100000x32xf32, #tpu.memory_space<hbm>> -> memref<100000x32xf32, #tpu.memory_space<hbm>>
    tpu.enqueue_indirect_dma source(%dma_start3A_122 : memref<100000x32xf32, #tpu.memory_space<hbm>>) target(%dma_start3A_112 : memref<64x32xf32, #tpu.memory_space<vmem>>) offsets(%dma_start3A_115 : memref<64xi32, #tpu.memory_space<vmem>>) semaphore(%arg17 : memref<!tpu.dma_semaphore, #tpu.memory_space<semaphore_mem>>)
    %dma_start3A_123 = arith.constant 7 : i32
    %dma_start3A_124 = arith.constant 7 : i32
    %dma_start3A_125 = arith.constant 448 : i32
    %dma_start3A_126 = arith.constant 0 : i32
    %dma_start3A_127 = tpu.memref_slice %arg11[%dma_start3A_125, %dma_start3A_126] : memref<1664x32xf32, #tpu.memory_space<vmem>> -> memref<64x32xf32, #tpu.memory_space<vmem>>
    %dma_start3A_128 = arith.constant 0 : i32
    %dma_start3A_129 = tpu.memref_slice %arg9[%dma_start3A_124, %dma_start3A_128] : memref<26x128xi32, #tpu.memory_space<vmem>> -> memref<1x64xi32, #tpu.memory_space<vmem>>
    %dma_start3A_130 = tpu.memref_squeeze %dma_start3A_129 : memref<1x64xi32, #tpu.memory_space<vmem>> -> memref<64xi32, #tpu.memory_space<vmem>>
    %dma_start3A_131 = arith.constant 0 : i32
    %dma_start3A_132 = arith.constant 0 : i32
    %dma_start3A_133 = tpu.memref_slice %arg6[%dma_start3A_123, %dma_start3A_131, %dma_start3A_132] : memref<26x100000x32xf32, #tpu.memory_space<hbm>> -> memref<1x100000x32xf32, #tpu.memory_space<hbm>>
    %dma_start3A_134 = tpu.memref_squeeze %dma_start3A_133 : memref<1x100000x32xf32, #tpu.memory_space<hbm>> -> memref<100000x32xf32, #tpu.memory_space<hbm>>
    %dma_start3A_135 = arith.constant 0 : i32
    %dma_start3A_136 = arith.constant 0 : i32
    %dma_start3A_137 = tpu.memref_slice %dma_start3A_134[%dma_start3A_135, %dma_start3A_136] : memref<100000x32xf32, #tpu.memory_space<hbm>> -> memref<100000x32xf32, #tpu.memory_space<hbm>>
    tpu.enqueue_indirect_dma source(%dma_start3A_137 : memref<100000x32xf32, #tpu.memory_space<hbm>>) target(%dma_start3A_127 : memref<64x32xf32, #tpu.memory_space<vmem>>) offsets(%dma_start3A_130 : memref<64xi32, #tpu.memory_space<vmem>>) semaphore(%arg17 : memref<!tpu.dma_semaphore, #tpu.memory_space<semaphore_mem>>)
    %dma_start3A_138 = arith.constant 8 : i32
    %dma_start3A_139 = arith.constant 8 : i32
    %dma_start3A_140 = arith.constant 512 : i32
    %dma_start3A_141 = arith.constant 0 : i32
    %dma_start3A_142 = tpu.memref_slice %arg11[%dma_start3A_140, %dma_start3A_141] : memref<1664x32xf32, #tpu.memory_space<vmem>> -> memref<64x32xf32, #tpu.memory_space<vmem>>
    %dma_start3A_143 = arith.constant 0 : i32
    %dma_start3A_144 = tpu.memref_slice %arg9[%dma_start3A_139, %dma_start3A_143] : memref<26x128xi32, #tpu.memory_space<vmem>> -> memref<1x64xi32, #tpu.memory_space<vmem>>
    %dma_start3A_145 = tpu.memref_squeeze %dma_start3A_144 : memref<1x64xi32, #tpu.memory_space<vmem>> -> memref<64xi32, #tpu.memory_space<vmem>>
    %dma_start3A_146 = arith.constant 0 : i32
    %dma_start3A_147 = arith.constant 0 : i32
    %dma_start3A_148 = tpu.memref_slice %arg6[%dma_start3A_138, %dma_start3A_146, %dma_start3A_147] : memref<26x100000x32xf32, #tpu.memory_space<hbm>> -> memref<1x100000x32xf32, #tpu.memory_space<hbm>>
    %dma_start3A_149 = tpu.memref_squeeze %dma_start3A_148 : memref<1x100000x32xf32, #tpu.memory_space<hbm>> -> memref<100000x32xf32, #tpu.memory_space<hbm>>
    %dma_start3A_150 = arith.constant 0 : i32
    %dma_start3A_151 = arith.constant 0 : i32
    %dma_start3A_152 = tpu.memref_slice %dma_start3A_149[%dma_start3A_150, %dma_start3A_151] : memref<100000x32xf32, #tpu.memory_space<hbm>> -> memref<100000x32xf32, #tpu.memory_space<hbm>>
    tpu.enqueue_indirect_dma source(%dma_start3A_152 : memref<100000x32xf32, #tpu.memory_space<hbm>>) target(%dma_start3A_142 : memref<64x32xf32, #tpu.memory_space<vmem>>) offsets(%dma_start3A_145 : memref<64xi32, #tpu.memory_space<vmem>>) semaphore(%arg17 : memref<!tpu.dma_semaphore, #tpu.memory_space<semaphore_mem>>)
    %dma_start3A_153 = arith.constant 9 : i32
    %dma_start3A_154 = arith.constant 9 : i32
    %dma_start3A_155 = arith.constant 576 : i32
    %dma_start3A_156 = arith.constant 0 : i32
    %dma_start3A_157 = tpu.memref_slice %arg11[%dma_start3A_155, %dma_start3A_156] : memref<1664x32xf32, #tpu.memory_space<vmem>> -> memref<64x32xf32, #tpu.memory_space<vmem>>
    %dma_start3A_158 = arith.constant 0 : i32
    %dma_start3A_159 = tpu.memref_slice %arg9[%dma_start3A_154, %dma_start3A_158] : memref<26x128xi32, #tpu.memory_space<vmem>> -> memref<1x64xi32, #tpu.memory_space<vmem>>
    %dma_start3A_160 = tpu.memref_squeeze %dma_start3A_159 : memref<1x64xi32, #tpu.memory_space<vmem>> -> memref<64xi32, #tpu.memory_space<vmem>>
    %dma_start3A_161 = arith.constant 0 : i32
    %dma_start3A_162 = arith.constant 0 : i32
    %dma_start3A_163 = tpu.memref_slice %arg6[%dma_start3A_153, %dma_start3A_161, %dma_start3A_162] : memref<26x100000x32xf32, #tpu.memory_space<hbm>> -> memref<1x100000x32xf32, #tpu.memory_space<hbm>>
    %dma_start3A_164 = tpu.memref_squeeze %dma_start3A_163 : memref<1x100000x32xf32, #tpu.memory_space<hbm>> -> memref<100000x32xf32, #tpu.memory_space<hbm>>
    %dma_start3A_165 = arith.constant 0 : i32
    %dma_start3A_166 = arith.constant 0 : i32
    %dma_start3A_167 = tpu.memref_slice %dma_start3A_164[%dma_start3A_165, %dma_start3A_166] : memref<100000x32xf32, #tpu.memory_space<hbm>> -> memref<100000x32xf32, #tpu.memory_space<hbm>>
    tpu.enqueue_indirect_dma source(%dma_start3A_167 : memref<100000x32xf32, #tpu.memory_space<hbm>>) target(%dma_start3A_157 : memref<64x32xf32, #tpu.memory_space<vmem>>) offsets(%dma_start3A_160 : memref<64xi32, #tpu.memory_space<vmem>>) semaphore(%arg17 : memref<!tpu.dma_semaphore, #tpu.memory_space<semaphore_mem>>)
    %dma_start3A_168 = arith.constant 10 : i32
    %dma_start3A_169 = arith.constant 10 : i32
    %dma_start3A_170 = arith.constant 640 : i32
    %dma_start3A_171 = arith.constant 0 : i32
    %dma_start3A_172 = tpu.memref_slice %arg11[%dma_start3A_170, %dma_start3A_171] : memref<1664x32xf32, #tpu.memory_space<vmem>> -> memref<64x32xf32, #tpu.memory_space<vmem>>
    %dma_start3A_173 = arith.constant 0 : i32
    %dma_start3A_174 = tpu.memref_slice %arg9[%dma_start3A_169, %dma_start3A_173] : memref<26x128xi32, #tpu.memory_space<vmem>> -> memref<1x64xi32, #tpu.memory_space<vmem>>
    %dma_start3A_175 = tpu.memref_squeeze %dma_start3A_174 : memref<1x64xi32, #tpu.memory_space<vmem>> -> memref<64xi32, #tpu.memory_space<vmem>>
    %dma_start3A_176 = arith.constant 0 : i32
    %dma_start3A_177 = arith.constant 0 : i32
    %dma_start3A_178 = tpu.memref_slice %arg6[%dma_start3A_168, %dma_start3A_176, %dma_start3A_177] : memref<26x100000x32xf32, #tpu.memory_space<hbm>> -> memref<1x100000x32xf32, #tpu.memory_space<hbm>>
    %dma_start3A_179 = tpu.memref_squeeze %dma_start3A_178 : memref<1x100000x32xf32, #tpu.memory_space<hbm>> -> memref<100000x32xf32, #tpu.memory_space<hbm>>
    %dma_start3A_180 = arith.constant 0 : i32
    %dma_start3A_181 = arith.constant 0 : i32
    %dma_start3A_182 = tpu.memref_slice %dma_start3A_179[%dma_start3A_180, %dma_start3A_181] : memref<100000x32xf32, #tpu.memory_space<hbm>> -> memref<100000x32xf32, #tpu.memory_space<hbm>>
    tpu.enqueue_indirect_dma source(%dma_start3A_182 : memref<100000x32xf32, #tpu.memory_space<hbm>>) target(%dma_start3A_172 : memref<64x32xf32, #tpu.memory_space<vmem>>) offsets(%dma_start3A_175 : memref<64xi32, #tpu.memory_space<vmem>>) semaphore(%arg17 : memref<!tpu.dma_semaphore, #tpu.memory_space<semaphore_mem>>)
    %dma_start3A_183 = arith.constant 11 : i32
    %dma_start3A_184 = arith.constant 11 : i32
    %dma_start3A_185 = arith.constant 704 : i32
    %dma_start3A_186 = arith.constant 0 : i32
    %dma_start3A_187 = tpu.memref_slice %arg11[%dma_start3A_185, %dma_start3A_186] : memref<1664x32xf32, #tpu.memory_space<vmem>> -> memref<64x32xf32, #tpu.memory_space<vmem>>
    %dma_start3A_188 = arith.constant 0 : i32
    %dma_start3A_189 = tpu.memref_slice %arg9[%dma_start3A_184, %dma_start3A_188] : memref<26x128xi32, #tpu.memory_space<vmem>> -> memref<1x64xi32, #tpu.memory_space<vmem>>
    %dma_start3A_190 = tpu.memref_squeeze %dma_start3A_189 : memref<1x64xi32, #tpu.memory_space<vmem>> -> memref<64xi32, #tpu.memory_space<vmem>>
    %dma_start3A_191 = arith.constant 0 : i32
    %dma_start3A_192 = arith.constant 0 : i32
    %dma_start3A_193 = tpu.memref_slice %arg6[%dma_start3A_183, %dma_start3A_191, %dma_start3A_192] : memref<26x100000x32xf32, #tpu.memory_space<hbm>> -> memref<1x100000x32xf32, #tpu.memory_space<hbm>>
    %dma_start3A_194 = tpu.memref_squeeze %dma_start3A_193 : memref<1x100000x32xf32, #tpu.memory_space<hbm>> -> memref<100000x32xf32, #tpu.memory_space<hbm>>
    %dma_start3A_195 = arith.constant 0 : i32
    %dma_start3A_196 = arith.constant 0 : i32
    %dma_start3A_197 = tpu.memref_slice %dma_start3A_194[%dma_start3A_195, %dma_start3A_196] : memref<100000x32xf32, #tpu.memory_space<hbm>> -> memref<100000x32xf32, #tpu.memory_space<hbm>>
    tpu.enqueue_indirect_dma source(%dma_start3A_197 : memref<100000x32xf32, #tpu.memory_space<hbm>>) target(%dma_start3A_187 : memref<64x32xf32, #tpu.memory_space<vmem>>) offsets(%dma_start3A_190 : memref<64xi32, #tpu.memory_space<vmem>>) semaphore(%arg17 : memref<!tpu.dma_semaphore, #tpu.memory_space<semaphore_mem>>)
    %dma_start3A_198 = arith.constant 12 : i32
    %dma_start3A_199 = arith.constant 12 : i32
    %dma_start3A_200 = arith.constant 768 : i32
    %dma_start3A_201 = arith.constant 0 : i32
    %dma_start3A_202 = tpu.memref_slice %arg11[%dma_start3A_200, %dma_start3A_201] : memref<1664x32xf32, #tpu.memory_space<vmem>> -> memref<64x32xf32, #tpu.memory_space<vmem>>
    %dma_start3A_203 = arith.constant 0 : i32
    %dma_start3A_204 = tpu.memref_slice %arg9[%dma_start3A_199, %dma_start3A_203] : memref<26x128xi32, #tpu.memory_space<vmem>> -> memref<1x64xi32, #tpu.memory_space<vmem>>
    %dma_start3A_205 = tpu.memref_squeeze %dma_start3A_204 : memref<1x64xi32, #tpu.memory_space<vmem>> -> memref<64xi32, #tpu.memory_space<vmem>>
    %dma_start3A_206 = arith.constant 0 : i32
    %dma_start3A_207 = arith.constant 0 : i32
    %dma_start3A_208 = tpu.memref_slice %arg6[%dma_start3A_198, %dma_start3A_206, %dma_start3A_207] : memref<26x100000x32xf32, #tpu.memory_space<hbm>> -> memref<1x100000x32xf32, #tpu.memory_space<hbm>>
    %dma_start3A_209 = tpu.memref_squeeze %dma_start3A_208 : memref<1x100000x32xf32, #tpu.memory_space<hbm>> -> memref<100000x32xf32, #tpu.memory_space<hbm>>
    %dma_start3A_210 = arith.constant 0 : i32
    %dma_start3A_211 = arith.constant 0 : i32
    %dma_start3A_212 = tpu.memref_slice %dma_start3A_209[%dma_start3A_210, %dma_start3A_211] : memref<100000x32xf32, #tpu.memory_space<hbm>> -> memref<100000x32xf32, #tpu.memory_space<hbm>>
    tpu.enqueue_indirect_dma source(%dma_start3A_212 : memref<100000x32xf32, #tpu.memory_space<hbm>>) target(%dma_start3A_202 : memref<64x32xf32, #tpu.memory_space<vmem>>) offsets(%dma_start3A_205 : memref<64xi32, #tpu.memory_space<vmem>>) semaphore(%arg17 : memref<!tpu.dma_semaphore, #tpu.memory_space<semaphore_mem>>)
    %dma_start3A_213 = arith.constant 13 : i32
    %dma_start3A_214 = arith.constant 13 : i32
    %dma_start3A_215 = arith.constant 832 : i32
    %dma_start3A_216 = arith.constant 0 : i32
    %dma_start3A_217 = tpu.memref_slice %arg11[%dma_start3A_215, %dma_start3A_216] : memref<1664x32xf32, #tpu.memory_space<vmem>> -> memref<64x32xf32, #tpu.memory_space<vmem>>
    %dma_start3A_218 = arith.constant 0 : i32
    %dma_start3A_219 = tpu.memref_slice %arg9[%dma_start3A_214, %dma_start3A_218] : memref<26x128xi32, #tpu.memory_space<vmem>> -> memref<1x64xi32, #tpu.memory_space<vmem>>
    %dma_start3A_220 = tpu.memref_squeeze %dma_start3A_219 : memref<1x64xi32, #tpu.memory_space<vmem>> -> memref<64xi32, #tpu.memory_space<vmem>>
    %dma_start3A_221 = arith.constant 0 : i32
    %dma_start3A_222 = arith.constant 0 : i32
    %dma_start3A_223 = tpu.memref_slice %arg6[%dma_start3A_213, %dma_start3A_221, %dma_start3A_222] : memref<26x100000x32xf32, #tpu.memory_space<hbm>> -> memref<1x100000x32xf32, #tpu.memory_space<hbm>>
    %dma_start3A_224 = tpu.memref_squeeze %dma_start3A_223 : memref<1x100000x32xf32, #tpu.memory_space<hbm>> -> memref<100000x32xf32, #tpu.memory_space<hbm>>
    %dma_start3A_225 = arith.constant 0 : i32
    %dma_start3A_226 = arith.constant 0 : i32
    %dma_start3A_227 = tpu.memref_slice %dma_start3A_224[%dma_start3A_225, %dma_start3A_226] : memref<100000x32xf32, #tpu.memory_space<hbm>> -> memref<100000x32xf32, #tpu.memory_space<hbm>>
    tpu.enqueue_indirect_dma source(%dma_start3A_227 : memref<100000x32xf32, #tpu.memory_space<hbm>>) target(%dma_start3A_217 : memref<64x32xf32, #tpu.memory_space<vmem>>) offsets(%dma_start3A_220 : memref<64xi32, #tpu.memory_space<vmem>>) semaphore(%arg17 : memref<!tpu.dma_semaphore, #tpu.memory_space<semaphore_mem>>)
    %dma_start3A_228 = arith.constant 14 : i32
    %dma_start3A_229 = arith.constant 14 : i32
    %dma_start3A_230 = arith.constant 896 : i32
    %dma_start3A_231 = arith.constant 0 : i32
    %dma_start3A_232 = tpu.memref_slice %arg11[%dma_start3A_230, %dma_start3A_231] : memref<1664x32xf32, #tpu.memory_space<vmem>> -> memref<64x32xf32, #tpu.memory_space<vmem>>
    %dma_start3A_233 = arith.constant 0 : i32
    %dma_start3A_234 = tpu.memref_slice %arg9[%dma_start3A_229, %dma_start3A_233] : memref<26x128xi32, #tpu.memory_space<vmem>> -> memref<1x64xi32, #tpu.memory_space<vmem>>
    %dma_start3A_235 = tpu.memref_squeeze %dma_start3A_234 : memref<1x64xi32, #tpu.memory_space<vmem>> -> memref<64xi32, #tpu.memory_space<vmem>>
    %dma_start3A_236 = arith.constant 0 : i32
    %dma_start3A_237 = arith.constant 0 : i32
    %dma_start3A_238 = tpu.memref_slice %arg6[%dma_start3A_228, %dma_start3A_236, %dma_start3A_237] : memref<26x100000x32xf32, #tpu.memory_space<hbm>> -> memref<1x100000x32xf32, #tpu.memory_space<hbm>>
    %dma_start3A_239 = tpu.memref_squeeze %dma_start3A_238 : memref<1x100000x32xf32, #tpu.memory_space<hbm>> -> memref<100000x32xf32, #tpu.memory_space<hbm>>
    %dma_start3A_240 = arith.constant 0 : i32
    %dma_start3A_241 = arith.constant 0 : i32
    %dma_start3A_242 = tpu.memref_slice %dma_start3A_239[%dma_start3A_240, %dma_start3A_241] : memref<100000x32xf32, #tpu.memory_space<hbm>> -> memref<100000x32xf32, #tpu.memory_space<hbm>>
    tpu.enqueue_indirect_dma source(%dma_start3A_242 : memref<100000x32xf32, #tpu.memory_space<hbm>>) target(%dma_start3A_232 : memref<64x32xf32, #tpu.memory_space<vmem>>) offsets(%dma_start3A_235 : memref<64xi32, #tpu.memory_space<vmem>>) semaphore(%arg17 : memref<!tpu.dma_semaphore, #tpu.memory_space<semaphore_mem>>)
    %dma_start3A_243 = arith.constant 15 : i32
    %dma_start3A_244 = arith.constant 15 : i32
    %dma_start3A_245 = arith.constant 960 : i32
    %dma_start3A_246 = arith.constant 0 : i32
    %dma_start3A_247 = tpu.memref_slice %arg11[%dma_start3A_245, %dma_start3A_246] : memref<1664x32xf32, #tpu.memory_space<vmem>> -> memref<64x32xf32, #tpu.memory_space<vmem>>
    %dma_start3A_248 = arith.constant 0 : i32
    %dma_start3A_249 = tpu.memref_slice %arg9[%dma_start3A_244, %dma_start3A_248] : memref<26x128xi32, #tpu.memory_space<vmem>> -> memref<1x64xi32, #tpu.memory_space<vmem>>
    %dma_start3A_250 = tpu.memref_squeeze %dma_start3A_249 : memref<1x64xi32, #tpu.memory_space<vmem>> -> memref<64xi32, #tpu.memory_space<vmem>>
    %dma_start3A_251 = arith.constant 0 : i32
    %dma_start3A_252 = arith.constant 0 : i32
    %dma_start3A_253 = tpu.memref_slice %arg6[%dma_start3A_243, %dma_start3A_251, %dma_start3A_252] : memref<26x100000x32xf32, #tpu.memory_space<hbm>> -> memref<1x100000x32xf32, #tpu.memory_space<hbm>>
    %dma_start3A_254 = tpu.memref_squeeze %dma_start3A_253 : memref<1x100000x32xf32, #tpu.memory_space<hbm>> -> memref<100000x32xf32, #tpu.memory_space<hbm>>
    %dma_start3A_255 = arith.constant 0 : i32
    %dma_start3A_256 = arith.constant 0 : i32
    %dma_start3A_257 = tpu.memref_slice %dma_start3A_254[%dma_start3A_255, %dma_start3A_256] : memref<100000x32xf32, #tpu.memory_space<hbm>> -> memref<100000x32xf32, #tpu.memory_space<hbm>>
    tpu.enqueue_indirect_dma source(%dma_start3A_257 : memref<100000x32xf32, #tpu.memory_space<hbm>>) target(%dma_start3A_247 : memref<64x32xf32, #tpu.memory_space<vmem>>) offsets(%dma_start3A_250 : memref<64xi32, #tpu.memory_space<vmem>>) semaphore(%arg17 : memref<!tpu.dma_semaphore, #tpu.memory_space<semaphore_mem>>)
    %dma_start3A_258 = arith.constant 16 : i32
    %dma_start3A_259 = arith.constant 16 : i32
    %dma_start3A_260 = arith.constant 1024 : i32
    %dma_start3A_261 = arith.constant 0 : i32
    %dma_start3A_262 = tpu.memref_slice %arg11[%dma_start3A_260, %dma_start3A_261] : memref<1664x32xf32, #tpu.memory_space<vmem>> -> memref<64x32xf32, #tpu.memory_space<vmem>>
    %dma_start3A_263 = arith.constant 0 : i32
    %dma_start3A_264 = tpu.memref_slice %arg9[%dma_start3A_259, %dma_start3A_263] : memref<26x128xi32, #tpu.memory_space<vmem>> -> memref<1x64xi32, #tpu.memory_space<vmem>>
    %dma_start3A_265 = tpu.memref_squeeze %dma_start3A_264 : memref<1x64xi32, #tpu.memory_space<vmem>> -> memref<64xi32, #tpu.memory_space<vmem>>
    %dma_start3A_266 = arith.constant 0 : i32
    %dma_start3A_267 = arith.constant 0 : i32
    %dma_start3A_268 = tpu.memref_slice %arg6[%dma_start3A_258, %dma_start3A_266, %dma_start3A_267] : memref<26x100000x32xf32, #tpu.memory_space<hbm>> -> memref<1x100000x32xf32, #tpu.memory_space<hbm>>
    %dma_start3A_269 = tpu.memref_squeeze %dma_start3A_268 : memref<1x100000x32xf32, #tpu.memory_space<hbm>> -> memref<100000x32xf32, #tpu.memory_space<hbm>>
    %dma_start3A_270 = arith.constant 0 : i32
    %dma_start3A_271 = arith.constant 0 : i32
    %dma_start3A_272 = tpu.memref_slice %dma_start3A_269[%dma_start3A_270, %dma_start3A_271] : memref<100000x32xf32, #tpu.memory_space<hbm>> -> memref<100000x32xf32, #tpu.memory_space<hbm>>
    tpu.enqueue_indirect_dma source(%dma_start3A_272 : memref<100000x32xf32, #tpu.memory_space<hbm>>) target(%dma_start3A_262 : memref<64x32xf32, #tpu.memory_space<vmem>>) offsets(%dma_start3A_265 : memref<64xi32, #tpu.memory_space<vmem>>) semaphore(%arg17 : memref<!tpu.dma_semaphore, #tpu.memory_space<semaphore_mem>>)
    %dma_start3A_273 = arith.constant 17 : i32
    %dma_start3A_274 = arith.constant 17 : i32
    %dma_start3A_275 = arith.constant 1088 : i32
    %dma_start3A_276 = arith.constant 0 : i32
    %dma_start3A_277 = tpu.memref_slice %arg11[%dma_start3A_275, %dma_start3A_276] : memref<1664x32xf32, #tpu.memory_space<vmem>> -> memref<64x32xf32, #tpu.memory_space<vmem>>
    %dma_start3A_278 = arith.constant 0 : i32
    %dma_start3A_279 = tpu.memref_slice %arg9[%dma_start3A_274, %dma_start3A_278] : memref<26x128xi32, #tpu.memory_space<vmem>> -> memref<1x64xi32, #tpu.memory_space<vmem>>
    %dma_start3A_280 = tpu.memref_squeeze %dma_start3A_279 : memref<1x64xi32, #tpu.memory_space<vmem>> -> memref<64xi32, #tpu.memory_space<vmem>>
    %dma_start3A_281 = arith.constant 0 : i32
    %dma_start3A_282 = arith.constant 0 : i32
    %dma_start3A_283 = tpu.memref_slice %arg6[%dma_start3A_273, %dma_start3A_281, %dma_start3A_282] : memref<26x100000x32xf32, #tpu.memory_space<hbm>> -> memref<1x100000x32xf32, #tpu.memory_space<hbm>>
    %dma_start3A_284 = tpu.memref_squeeze %dma_start3A_283 : memref<1x100000x32xf32, #tpu.memory_space<hbm>> -> memref<100000x32xf32, #tpu.memory_space<hbm>>
    %dma_start3A_285 = arith.constant 0 : i32
    %dma_start3A_286 = arith.constant 0 : i32
    %dma_start3A_287 = tpu.memref_slice %dma_start3A_284[%dma_start3A_285, %dma_start3A_286] : memref<100000x32xf32, #tpu.memory_space<hbm>> -> memref<100000x32xf32, #tpu.memory_space<hbm>>
    tpu.enqueue_indirect_dma source(%dma_start3A_287 : memref<100000x32xf32, #tpu.memory_space<hbm>>) target(%dma_start3A_277 : memref<64x32xf32, #tpu.memory_space<vmem>>) offsets(%dma_start3A_280 : memref<64xi32, #tpu.memory_space<vmem>>) semaphore(%arg17 : memref<!tpu.dma_semaphore, #tpu.memory_space<semaphore_mem>>)
    %dma_start3A_288 = arith.constant 18 : i32
    %dma_start3A_289 = arith.constant 18 : i32
    %dma_start3A_290 = arith.constant 1152 : i32
    %dma_start3A_291 = arith.constant 0 : i32
    %dma_start3A_292 = tpu.memref_slice %arg11[%dma_start3A_290, %dma_start3A_291] : memref<1664x32xf32, #tpu.memory_space<vmem>> -> memref<64x32xf32, #tpu.memory_space<vmem>>
    %dma_start3A_293 = arith.constant 0 : i32
    %dma_start3A_294 = tpu.memref_slice %arg9[%dma_start3A_289, %dma_start3A_293] : memref<26x128xi32, #tpu.memory_space<vmem>> -> memref<1x64xi32, #tpu.memory_space<vmem>>
    %dma_start3A_295 = tpu.memref_squeeze %dma_start3A_294 : memref<1x64xi32, #tpu.memory_space<vmem>> -> memref<64xi32, #tpu.memory_space<vmem>>
    %dma_start3A_296 = arith.constant 0 : i32
    %dma_start3A_297 = arith.constant 0 : i32
    %dma_start3A_298 = tpu.memref_slice %arg6[%dma_start3A_288, %dma_start3A_296, %dma_start3A_297] : memref<26x100000x32xf32, #tpu.memory_space<hbm>> -> memref<1x100000x32xf32, #tpu.memory_space<hbm>>
    %dma_start3A_299 = tpu.memref_squeeze %dma_start3A_298 : memref<1x100000x32xf32, #tpu.memory_space<hbm>> -> memref<100000x32xf32, #tpu.memory_space<hbm>>
    %dma_start3A_300 = arith.constant 0 : i32
    %dma_start3A_301 = arith.constant 0 : i32
    %dma_start3A_302 = tpu.memref_slice %dma_start3A_299[%dma_start3A_300, %dma_start3A_301] : memref<100000x32xf32, #tpu.memory_space<hbm>> -> memref<100000x32xf32, #tpu.memory_space<hbm>>
    tpu.enqueue_indirect_dma source(%dma_start3A_302 : memref<100000x32xf32, #tpu.memory_space<hbm>>) target(%dma_start3A_292 : memref<64x32xf32, #tpu.memory_space<vmem>>) offsets(%dma_start3A_295 : memref<64xi32, #tpu.memory_space<vmem>>) semaphore(%arg17 : memref<!tpu.dma_semaphore, #tpu.memory_space<semaphore_mem>>)
    %dma_start3A_303 = arith.constant 19 : i32
    %dma_start3A_304 = arith.constant 19 : i32
    %dma_start3A_305 = arith.constant 1216 : i32
    %dma_start3A_306 = arith.constant 0 : i32
    %dma_start3A_307 = tpu.memref_slice %arg11[%dma_start3A_305, %dma_start3A_306] : memref<1664x32xf32, #tpu.memory_space<vmem>> -> memref<64x32xf32, #tpu.memory_space<vmem>>
    %dma_start3A_308 = arith.constant 0 : i32
    %dma_start3A_309 = tpu.memref_slice %arg9[%dma_start3A_304, %dma_start3A_308] : memref<26x128xi32, #tpu.memory_space<vmem>> -> memref<1x64xi32, #tpu.memory_space<vmem>>
    %dma_start3A_310 = tpu.memref_squeeze %dma_start3A_309 : memref<1x64xi32, #tpu.memory_space<vmem>> -> memref<64xi32, #tpu.memory_space<vmem>>
    %dma_start3A_311 = arith.constant 0 : i32
    %dma_start3A_312 = arith.constant 0 : i32
    %dma_start3A_313 = tpu.memref_slice %arg6[%dma_start3A_303, %dma_start3A_311, %dma_start3A_312] : memref<26x100000x32xf32, #tpu.memory_space<hbm>> -> memref<1x100000x32xf32, #tpu.memory_space<hbm>>
    %dma_start3A_314 = tpu.memref_squeeze %dma_start3A_313 : memref<1x100000x32xf32, #tpu.memory_space<hbm>> -> memref<100000x32xf32, #tpu.memory_space<hbm>>
    %dma_start3A_315 = arith.constant 0 : i32
    %dma_start3A_316 = arith.constant 0 : i32
    %dma_start3A_317 = tpu.memref_slice %dma_start3A_314[%dma_start3A_315, %dma_start3A_316] : memref<100000x32xf32, #tpu.memory_space<hbm>> -> memref<100000x32xf32, #tpu.memory_space<hbm>>
    tpu.enqueue_indirect_dma source(%dma_start3A_317 : memref<100000x32xf32, #tpu.memory_space<hbm>>) target(%dma_start3A_307 : memref<64x32xf32, #tpu.memory_space<vmem>>) offsets(%dma_start3A_310 : memref<64xi32, #tpu.memory_space<vmem>>) semaphore(%arg17 : memref<!tpu.dma_semaphore, #tpu.memory_space<semaphore_mem>>)
    %dma_start3A_318 = arith.constant 20 : i32
    %dma_start3A_319 = arith.constant 20 : i32
    %dma_start3A_320 = arith.constant 1280 : i32
    %dma_start3A_321 = arith.constant 0 : i32
    %dma_start3A_322 = tpu.memref_slice %arg11[%dma_start3A_320, %dma_start3A_321] : memref<1664x32xf32, #tpu.memory_space<vmem>> -> memref<64x32xf32, #tpu.memory_space<vmem>>
    %dma_start3A_323 = arith.constant 0 : i32
    %dma_start3A_324 = tpu.memref_slice %arg9[%dma_start3A_319, %dma_start3A_323] : memref<26x128xi32, #tpu.memory_space<vmem>> -> memref<1x64xi32, #tpu.memory_space<vmem>>
    %dma_start3A_325 = tpu.memref_squeeze %dma_start3A_324 : memref<1x64xi32, #tpu.memory_space<vmem>> -> memref<64xi32, #tpu.memory_space<vmem>>
    %dma_start3A_326 = arith.constant 0 : i32
    %dma_start3A_327 = arith.constant 0 : i32
    %dma_start3A_328 = tpu.memref_slice %arg6[%dma_start3A_318, %dma_start3A_326, %dma_start3A_327] : memref<26x100000x32xf32, #tpu.memory_space<hbm>> -> memref<1x100000x32xf32, #tpu.memory_space<hbm>>
    %dma_start3A_329 = tpu.memref_squeeze %dma_start3A_328 : memref<1x100000x32xf32, #tpu.memory_space<hbm>> -> memref<100000x32xf32, #tpu.memory_space<hbm>>
    %dma_start3A_330 = arith.constant 0 : i32
    %dma_start3A_331 = arith.constant 0 : i32
    %dma_start3A_332 = tpu.memref_slice %dma_start3A_329[%dma_start3A_330, %dma_start3A_331] : memref<100000x32xf32, #tpu.memory_space<hbm>> -> memref<100000x32xf32, #tpu.memory_space<hbm>>
    tpu.enqueue_indirect_dma source(%dma_start3A_332 : memref<100000x32xf32, #tpu.memory_space<hbm>>) target(%dma_start3A_322 : memref<64x32xf32, #tpu.memory_space<vmem>>) offsets(%dma_start3A_325 : memref<64xi32, #tpu.memory_space<vmem>>) semaphore(%arg17 : memref<!tpu.dma_semaphore, #tpu.memory_space<semaphore_mem>>)
    %dma_start3A_333 = arith.constant 21 : i32
    %dma_start3A_334 = arith.constant 21 : i32
    %dma_start3A_335 = arith.constant 1344 : i32
    %dma_start3A_336 = arith.constant 0 : i32
    %dma_start3A_337 = tpu.memref_slice %arg11[%dma_start3A_335, %dma_start3A_336] : memref<1664x32xf32, #tpu.memory_space<vmem>> -> memref<64x32xf32, #tpu.memory_space<vmem>>
    %dma_start3A_338 = arith.constant 0 : i32
    %dma_start3A_339 = tpu.memref_slice %arg9[%dma_start3A_334, %dma_start3A_338] : memref<26x128xi32, #tpu.memory_space<vmem>> -> memref<1x64xi32, #tpu.memory_space<vmem>>
    %dma_start3A_340 = tpu.memref_squeeze %dma_start3A_339 : memref<1x64xi32, #tpu.memory_space<vmem>> -> memref<64xi32, #tpu.memory_space<vmem>>
    %dma_start3A_341 = arith.constant 0 : i32
    %dma_start3A_342 = arith.constant 0 : i32
    %dma_start3A_343 = tpu.memref_slice %arg6[%dma_start3A_333, %dma_start3A_341, %dma_start3A_342] : memref<26x100000x32xf32, #tpu.memory_space<hbm>> -> memref<1x100000x32xf32, #tpu.memory_space<hbm>>
    %dma_start3A_344 = tpu.memref_squeeze %dma_start3A_343 : memref<1x100000x32xf32, #tpu.memory_space<hbm>> -> memref<100000x32xf32, #tpu.memory_space<hbm>>
    %dma_start3A_345 = arith.constant 0 : i32
    %dma_start3A_346 = arith.constant 0 : i32
    %dma_start3A_347 = tpu.memref_slice %dma_start3A_344[%dma_start3A_345, %dma_start3A_346] : memref<100000x32xf32, #tpu.memory_space<hbm>> -> memref<100000x32xf32, #tpu.memory_space<hbm>>
    tpu.enqueue_indirect_dma source(%dma_start3A_347 : memref<100000x32xf32, #tpu.memory_space<hbm>>) target(%dma_start3A_337 : memref<64x32xf32, #tpu.memory_space<vmem>>) offsets(%dma_start3A_340 : memref<64xi32, #tpu.memory_space<vmem>>) semaphore(%arg17 : memref<!tpu.dma_semaphore, #tpu.memory_space<semaphore_mem>>)
    %dma_start3A_348 = arith.constant 22 : i32
    %dma_start3A_349 = arith.constant 22 : i32
    %dma_start3A_350 = arith.constant 1408 : i32
    %dma_start3A_351 = arith.constant 0 : i32
    %dma_start3A_352 = tpu.memref_slice %arg11[%dma_start3A_350, %dma_start3A_351] : memref<1664x32xf32, #tpu.memory_space<vmem>> -> memref<64x32xf32, #tpu.memory_space<vmem>>
    %dma_start3A_353 = arith.constant 0 : i32
    %dma_start3A_354 = tpu.memref_slice %arg9[%dma_start3A_349, %dma_start3A_353] : memref<26x128xi32, #tpu.memory_space<vmem>> -> memref<1x64xi32, #tpu.memory_space<vmem>>
    %dma_start3A_355 = tpu.memref_squeeze %dma_start3A_354 : memref<1x64xi32, #tpu.memory_space<vmem>> -> memref<64xi32, #tpu.memory_space<vmem>>
    %dma_start3A_356 = arith.constant 0 : i32
    %dma_start3A_357 = arith.constant 0 : i32
    %dma_start3A_358 = tpu.memref_slice %arg6[%dma_start3A_348, %dma_start3A_356, %dma_start3A_357] : memref<26x100000x32xf32, #tpu.memory_space<hbm>> -> memref<1x100000x32xf32, #tpu.memory_space<hbm>>
    %dma_start3A_359 = tpu.memref_squeeze %dma_start3A_358 : memref<1x100000x32xf32, #tpu.memory_space<hbm>> -> memref<100000x32xf32, #tpu.memory_space<hbm>>
    %dma_start3A_360 = arith.constant 0 : i32
    %dma_start3A_361 = arith.constant 0 : i32
    %dma_start3A_362 = tpu.memref_slice %dma_start3A_359[%dma_start3A_360, %dma_start3A_361] : memref<100000x32xf32, #tpu.memory_space<hbm>> -> memref<100000x32xf32, #tpu.memory_space<hbm>>
    tpu.enqueue_indirect_dma source(%dma_start3A_362 : memref<100000x32xf32, #tpu.memory_space<hbm>>) target(%dma_start3A_352 : memref<64x32xf32, #tpu.memory_space<vmem>>) offsets(%dma_start3A_355 : memref<64xi32, #tpu.memory_space<vmem>>) semaphore(%arg17 : memref<!tpu.dma_semaphore, #tpu.memory_space<semaphore_mem>>)
    %dma_start3A_363 = arith.constant 23 : i32
    %dma_start3A_364 = arith.constant 23 : i32
    %dma_start3A_365 = arith.constant 1472 : i32
    %dma_start3A_366 = arith.constant 0 : i32
    %dma_start3A_367 = tpu.memref_slice %arg11[%dma_start3A_365, %dma_start3A_366] : memref<1664x32xf32, #tpu.memory_space<vmem>> -> memref<64x32xf32, #tpu.memory_space<vmem>>
    %dma_start3A_368 = arith.constant 0 : i32
    %dma_start3A_369 = tpu.memref_slice %arg9[%dma_start3A_364, %dma_start3A_368] : memref<26x128xi32, #tpu.memory_space<vmem>> -> memref<1x64xi32, #tpu.memory_space<vmem>>
    %dma_start3A_370 = tpu.memref_squeeze %dma_start3A_369 : memref<1x64xi32, #tpu.memory_space<vmem>> -> memref<64xi32, #tpu.memory_space<vmem>>
    %dma_start3A_371 = arith.constant 0 : i32
    %dma_start3A_372 = arith.constant 0 : i32
    %dma_start3A_373 = tpu.memref_slice %arg6[%dma_start3A_363, %dma_start3A_371, %dma_start3A_372] : memref<26x100000x32xf32, #tpu.memory_space<hbm>> -> memref<1x100000x32xf32, #tpu.memory_space<hbm>>
    %dma_start3A_374 = tpu.memref_squeeze %dma_start3A_373 : memref<1x100000x32xf32, #tpu.memory_space<hbm>> -> memref<100000x32xf32, #tpu.memory_space<hbm>>
    %dma_start3A_375 = arith.constant 0 : i32
    %dma_start3A_376 = arith.constant 0 : i32
    %dma_start3A_377 = tpu.memref_slice %dma_start3A_374[%dma_start3A_375, %dma_start3A_376] : memref<100000x32xf32, #tpu.memory_space<hbm>> -> memref<100000x32xf32, #tpu.memory_space<hbm>>
    tpu.enqueue_indirect_dma source(%dma_start3A_377 : memref<100000x32xf32, #tpu.memory_space<hbm>>) target(%dma_start3A_367 : memref<64x32xf32, #tpu.memory_space<vmem>>) offsets(%dma_start3A_370 : memref<64xi32, #tpu.memory_space<vmem>>) semaphore(%arg17 : memref<!tpu.dma_semaphore, #tpu.memory_space<semaphore_mem>>)
    %dma_start3A_378 = arith.constant 24 : i32
    %dma_start3A_379 = arith.constant 24 : i32
    %dma_start3A_380 = arith.constant 1536 : i32
    %dma_start3A_381 = arith.constant 0 : i32
    %dma_start3A_382 = tpu.memref_slice %arg11[%dma_start3A_380, %dma_start3A_381] : memref<1664x32xf32, #tpu.memory_space<vmem>> -> memref<64x32xf32, #tpu.memory_space<vmem>>
    %dma_start3A_383 = arith.constant 0 : i32
    %dma_start3A_384 = tpu.memref_slice %arg9[%dma_start3A_379, %dma_start3A_383] : memref<26x128xi32, #tpu.memory_space<vmem>> -> memref<1x64xi32, #tpu.memory_space<vmem>>
    %dma_start3A_385 = tpu.memref_squeeze %dma_start3A_384 : memref<1x64xi32, #tpu.memory_space<vmem>> -> memref<64xi32, #tpu.memory_space<vmem>>
    %dma_start3A_386 = arith.constant 0 : i32
    %dma_start3A_387 = arith.constant 0 : i32
    %dma_start3A_388 = tpu.memref_slice %arg6[%dma_start3A_378, %dma_start3A_386, %dma_start3A_387] : memref<26x100000x32xf32, #tpu.memory_space<hbm>> -> memref<1x100000x32xf32, #tpu.memory_space<hbm>>
    %dma_start3A_389 = tpu.memref_squeeze %dma_start3A_388 : memref<1x100000x32xf32, #tpu.memory_space<hbm>> -> memref<100000x32xf32, #tpu.memory_space<hbm>>
    %dma_start3A_390 = arith.constant 0 : i32
    %dma_start3A_391 = arith.constant 0 : i32
    %dma_start3A_392 = tpu.memref_slice %dma_start3A_389[%dma_start3A_390, %dma_start3A_391] : memref<100000x32xf32, #tpu.memory_space<hbm>> -> memref<100000x32xf32, #tpu.memory_space<hbm>>
    tpu.enqueue_indirect_dma source(%dma_start3A_392 : memref<100000x32xf32, #tpu.memory_space<hbm>>) target(%dma_start3A_382 : memref<64x32xf32, #tpu.memory_space<vmem>>) offsets(%dma_start3A_385 : memref<64xi32, #tpu.memory_space<vmem>>) semaphore(%arg17 : memref<!tpu.dma_semaphore, #tpu.memory_space<semaphore_mem>>)
    %dma_start3A_393 = arith.constant 25 : i32
    %dma_start3A_394 = arith.constant 25 : i32
    %dma_start3A_395 = arith.constant 1600 : i32
    %dma_start3A_396 = arith.constant 0 : i32
    %dma_start3A_397 = tpu.memref_slice %arg11[%dma_start3A_395, %dma_start3A_396] : memref<1664x32xf32, #tpu.memory_space<vmem>> -> memref<64x32xf32, #tpu.memory_space<vmem>>
    %dma_start3A_398 = arith.constant 0 : i32
    %dma_start3A_399 = tpu.memref_slice %arg9[%dma_start3A_394, %dma_start3A_398] : memref<26x128xi32, #tpu.memory_space<vmem>> -> memref<1x64xi32, #tpu.memory_space<vmem>>
    %dma_start3A_400 = tpu.memref_squeeze %dma_start3A_399 : memref<1x64xi32, #tpu.memory_space<vmem>> -> memref<64xi32, #tpu.memory_space<vmem>>
    %dma_start3A_401 = arith.constant 0 : i32
    %dma_start3A_402 = arith.constant 0 : i32
    %dma_start3A_403 = tpu.memref_slice %arg6[%dma_start3A_393, %dma_start3A_401, %dma_start3A_402] : memref<26x100000x32xf32, #tpu.memory_space<hbm>> -> memref<1x100000x32xf32, #tpu.memory_space<hbm>>
    %dma_start3A_404 = tpu.memref_squeeze %dma_start3A_403 : memref<1x100000x32xf32, #tpu.memory_space<hbm>> -> memref<100000x32xf32, #tpu.memory_space<hbm>>
    %dma_start3A_405 = arith.constant 0 : i32
    %dma_start3A_406 = arith.constant 0 : i32
    %dma_start3A_407 = tpu.memref_slice %dma_start3A_404[%dma_start3A_405, %dma_start3A_406] : memref<100000x32xf32, #tpu.memory_space<hbm>> -> memref<100000x32xf32, #tpu.memory_space<hbm>>
    tpu.enqueue_indirect_dma source(%dma_start3A_407 : memref<100000x32xf32, #tpu.memory_space<hbm>>) target(%dma_start3A_397 : memref<64x32xf32, #tpu.memory_space<vmem>>) offsets(%dma_start3A_400 : memref<64xi32, #tpu.memory_space<vmem>>) semaphore(%arg17 : memref<!tpu.dma_semaphore, #tpu.memory_space<semaphore_mem>>)
    %iota3A = tpu.iota {dimensions = array<i32: 0>} : vector<16xi32>
    %get3A = arith.constant 0 : index
    %get3A_408 = tpu.vector_load %arg14[%get3A] {strides = array<i32>} : memref<48xf32, #tpu.memory_space<vmem>>, vector<16xf32>,
    %get3A_409 = arith.constant 16 : index
    %get3A_410 = tpu.vector_load %arg14[%get3A_409] {strides = array<i32>} : memref<48xf32, #tpu.memory_space<vmem>>, vector<16xf32>,
    %get3A_411 = arith.constant 32 : index
    %get3A_412 = tpu.vector_load %arg14[%get3A_411] {strides = array<i32>} : memref<48xf32, #tpu.memory_space<vmem>>, vector<16xf32>,
    %add3A_413 = arith.constant 16 : i32
    %add3A_414 = vector.broadcast %add3A_413 : i32 to vector<16xi32>
    %add3A_415 = arith.addi %add3A_414, %iota3A : vector<16xi32>
    %min3A = arith.constant 25 : i32
    %min3A_416 = vector.broadcast %min3A : i32 to vector<16xi32>
    %min3A_417 = arith.minsi %add3A_415, %min3A_416 : vector<16xi32>
    %dma_wait3A = arith.constant 0 : i32
    %dma_wait3A_418 = arith.constant 0 : i32
    %dma_wait3A_419 = arith.constant 0 : i32
    %dma_wait3A_420 = arith.constant 0 : i32
    %dma_wait3A_421 = tpu.memref_slice %arg11[%dma_wait3A_419, %dma_wait3A_420] : memref<1664x32xf32, #tpu.memory_space<vmem>> -> memref<64x32xf32, #tpu.memory_space<vmem>>
    %dma_wait3A_422 = arith.constant 0 : i32
    %dma_wait3A_423 = tpu.memref_slice %arg9[%dma_wait3A_418, %dma_wait3A_422] : memref<26x128xi32, #tpu.memory_space<vmem>> -> memref<1x64xi32, #tpu.memory_space<vmem>>
    %dma_wait3A_424 = tpu.memref_squeeze %dma_wait3A_423 : memref<1x64xi32, #tpu.memory_space<vmem>> -> memref<64xi32, #tpu.memory_space<vmem>>
    %dma_wait3A_425 = arith.constant 0 : i32
    %dma_wait3A_426 = arith.constant 0 : i32
    %dma_wait3A_427 = tpu.memref_slice %arg6[%dma_wait3A, %dma_wait3A_425, %dma_wait3A_426] : memref<26x100000x32xf32, #tpu.memory_space<hbm>> -> memref<1x100000x32xf32, #tpu.memory_space<hbm>>
    %dma_wait3A_428 = tpu.memref_squeeze %dma_wait3A_427 : memref<1x100000x32xf32, #tpu.memory_space<hbm>> -> memref<100000x32xf32, #tpu.memory_space<hbm>>
    %dma_wait3A_429 = arith.constant 0 : i32
    %dma_wait3A_430 = arith.constant 0 : i32
    %dma_wait3A_431 = tpu.memref_slice %dma_wait3A_428[%dma_wait3A_429, %dma_wait3A_430] : memref<100000x32xf32, #tpu.memory_space<hbm>> -> memref<100000x32xf32, #tpu.memory_space<hbm>>
    tpu.wait_indirect_dma semaphore(%arg17 : memref<!tpu.dma_semaphore, #tpu.memory_space<semaphore_mem>>) src(%dma_wait3A_431 : memref<100000x32xf32, #tpu.memory_space<hbm>>) dst(%dma_wait3A_421 : memref<64x32xf32, #tpu.memory_space<vmem>>)
    %dma_wait3A_432 = arith.constant 1 : i32
    %dma_wait3A_433 = arith.constant 1 : i32
    %dma_wait3A_434 = arith.constant 64 : i32
    %dma_wait3A_435 = arith.constant 0 : i32
    %dma_wait3A_436 = tpu.memref_slice %arg11[%dma_wait3A_434, %dma_wait3A_435] : memref<1664x32xf32, #tpu.memory_space<vmem>> -> memref<64x32xf32, #tpu.memory_space<vmem>>
    %dma_wait3A_437 = arith.constant 0 : i32
    %dma_wait3A_438 = tpu.memref_slice %arg9[%dma_wait3A_433, %dma_wait3A_437] : memref<26x128xi32, #tpu.memory_space<vmem>> -> memref<1x64xi32, #tpu.memory_space<vmem>>
    %dma_wait3A_439 = tpu.memref_squeeze %dma_wait3A_438 : memref<1x64xi32, #tpu.memory_space<vmem>> -> memref<64xi32, #tpu.memory_space<vmem>>
    %dma_wait3A_440 = arith.constant 0 : i32
    %dma_wait3A_441 = arith.constant 0 : i32
    %dma_wait3A_442 = tpu.memref_slice %arg6[%dma_wait3A_432, %dma_wait3A_440, %dma_wait3A_441] : memref<26x100000x32xf32, #tpu.memory_space<hbm>> -> memref<1x100000x32xf32, #tpu.memory_space<hbm>>
    %dma_wait3A_443 = tpu.memref_squeeze %dma_wait3A_442 : memref<1x100000x32xf32, #tpu.memory_space<hbm>> -> memref<100000x32xf32, #tpu.memory_space<hbm>>
    %dma_wait3A_444 = arith.constant 0 : i32
    %dma_wait3A_445 = arith.constant 0 : i32
    %dma_wait3A_446 = tpu.memref_slice %dma_wait3A_443[%dma_wait3A_444, %dma_wait3A_445] : memref<100000x32xf32, #tpu.memory_space<hbm>> -> memref<100000x32xf32, #tpu.memory_space<hbm>>
    tpu.wait_indirect_dma semaphore(%arg17 : memref<!tpu.dma_semaphore, #tpu.memory_space<semaphore_mem>>) src(%dma_wait3A_446 : memref<100000x32xf32, #tpu.memory_space<hbm>>) dst(%dma_wait3A_436 : memref<64x32xf32, #tpu.memory_space<vmem>>)
    %dma_wait3A_447 = arith.constant 2 : i32
    %dma_wait3A_448 = arith.constant 2 : i32
    %dma_wait3A_449 = arith.constant 128 : i32
    %dma_wait3A_450 = arith.constant 0 : i32
    %dma_wait3A_451 = tpu.memref_slice %arg11[%dma_wait3A_449, %dma_wait3A_450] : memref<1664x32xf32, #tpu.memory_space<vmem>> -> memref<64x32xf32, #tpu.memory_space<vmem>>
    %dma_wait3A_452 = arith.constant 0 : i32
    %dma_wait3A_453 = tpu.memref_slice %arg9[%dma_wait3A_448, %dma_wait3A_452] : memref<26x128xi32, #tpu.memory_space<vmem>> -> memref<1x64xi32, #tpu.memory_space<vmem>>
    %dma_wait3A_454 = tpu.memref_squeeze %dma_wait3A_453 : memref<1x64xi32, #tpu.memory_space<vmem>> -> memref<64xi32, #tpu.memory_space<vmem>>
    %dma_wait3A_455 = arith.constant 0 : i32
    %dma_wait3A_456 = arith.constant 0 : i32
    %dma_wait3A_457 = tpu.memref_slice %arg6[%dma_wait3A_447, %dma_wait3A_455, %dma_wait3A_456] : memref<26x100000x32xf32, #tpu.memory_space<hbm>> -> memref<1x100000x32xf32, #tpu.memory_space<hbm>>
    %dma_wait3A_458 = tpu.memref_squeeze %dma_wait3A_457 : memref<1x100000x32xf32, #tpu.memory_space<hbm>> -> memref<100000x32xf32, #tpu.memory_space<hbm>>
    %dma_wait3A_459 = arith.constant 0 : i32
    %dma_wait3A_460 = arith.constant 0 : i32
    %dma_wait3A_461 = tpu.memref_slice %dma_wait3A_458[%dma_wait3A_459, %dma_wait3A_460] : memref<100000x32xf32, #tpu.memory_space<hbm>> -> memref<100000x32xf32, #tpu.memory_space<hbm>>
    tpu.wait_indirect_dma semaphore(%arg17 : memref<!tpu.dma_semaphore, #tpu.memory_space<semaphore_mem>>) src(%dma_wait3A_461 : memref<100000x32xf32, #tpu.memory_space<hbm>>) dst(%dma_wait3A_451 : memref<64x32xf32, #tpu.memory_space<vmem>>)
    %dma_wait3A_462 = arith.constant 3 : i32
    %dma_wait3A_463 = arith.constant 3 : i32
    %dma_wait3A_464 = arith.constant 192 : i32
    %dma_wait3A_465 = arith.constant 0 : i32
    %dma_wait3A_466 = tpu.memref_slice %arg11[%dma_wait3A_464, %dma_wait3A_465] : memref<1664x32xf32, #tpu.memory_space<vmem>> -> memref<64x32xf32, #tpu.memory_space<vmem>>
    %dma_wait3A_467 = arith.constant 0 : i32
    %dma_wait3A_468 = tpu.memref_slice %arg9[%dma_wait3A_463, %dma_wait3A_467] : memref<26x128xi32, #tpu.memory_space<vmem>> -> memref<1x64xi32, #tpu.memory_space<vmem>>
    %dma_wait3A_469 = tpu.memref_squeeze %dma_wait3A_468 : memref<1x64xi32, #tpu.memory_space<vmem>> -> memref<64xi32, #tpu.memory_space<vmem>>
    %dma_wait3A_470 = arith.constant 0 : i32
    %dma_wait3A_471 = arith.constant 0 : i32
    %dma_wait3A_472 = tpu.memref_slice %arg6[%dma_wait3A_462, %dma_wait3A_470, %dma_wait3A_471] : memref<26x100000x32xf32, #tpu.memory_space<hbm>> -> memref<1x100000x32xf32, #tpu.memory_space<hbm>>
    %dma_wait3A_473 = tpu.memref_squeeze %dma_wait3A_472 : memref<1x100000x32xf32, #tpu.memory_space<hbm>> -> memref<100000x32xf32, #tpu.memory_space<hbm>>
    %dma_wait3A_474 = arith.constant 0 : i32
    %dma_wait3A_475 = arith.constant 0 : i32
    %dma_wait3A_476 = tpu.memref_slice %dma_wait3A_473[%dma_wait3A_474, %dma_wait3A_475] : memref<100000x32xf32, #tpu.memory_space<hbm>> -> memref<100000x32xf32, #tpu.memory_space<hbm>>
    tpu.wait_indirect_dma semaphore(%arg17 : memref<!tpu.dma_semaphore, #tpu.memory_space<semaphore_mem>>) src(%dma_wait3A_476 : memref<100000x32xf32, #tpu.memory_space<hbm>>) dst(%dma_wait3A_466 : memref<64x32xf32, #tpu.memory_space<vmem>>)
    %dma_wait3A_477 = arith.constant 4 : i32
    %dma_wait3A_478 = arith.constant 4 : i32
    %dma_wait3A_479 = arith.constant 256 : i32
    %dma_wait3A_480 = arith.constant 0 : i32
    %dma_wait3A_481 = tpu.memref_slice %arg11[%dma_wait3A_479, %dma_wait3A_480] : memref<1664x32xf32, #tpu.memory_space<vmem>> -> memref<64x32xf32, #tpu.memory_space<vmem>>
    %dma_wait3A_482 = arith.constant 0 : i32
    %dma_wait3A_483 = tpu.memref_slice %arg9[%dma_wait3A_478, %dma_wait3A_482] : memref<26x128xi32, #tpu.memory_space<vmem>> -> memref<1x64xi32, #tpu.memory_space<vmem>>
    %dma_wait3A_484 = tpu.memref_squeeze %dma_wait3A_483 : memref<1x64xi32, #tpu.memory_space<vmem>> -> memref<64xi32, #tpu.memory_space<vmem>>
    %dma_wait3A_485 = arith.constant 0 : i32
    %dma_wait3A_486 = arith.constant 0 : i32
    %dma_wait3A_487 = tpu.memref_slice %arg6[%dma_wait3A_477, %dma_wait3A_485, %dma_wait3A_486] : memref<26x100000x32xf32, #tpu.memory_space<hbm>> -> memref<1x100000x32xf32, #tpu.memory_space<hbm>>
    %dma_wait3A_488 = tpu.memref_squeeze %dma_wait3A_487 : memref<1x100000x32xf32, #tpu.memory_space<hbm>> -> memref<100000x32xf32, #tpu.memory_space<hbm>>
    %dma_wait3A_489 = arith.constant 0 : i32
    %dma_wait3A_490 = arith.constant 0 : i32
    %dma_wait3A_491 = tpu.memref_slice %dma_wait3A_488[%dma_wait3A_489, %dma_wait3A_490] : memref<100000x32xf32, #tpu.memory_space<hbm>> -> memref<100000x32xf32, #tpu.memory_space<hbm>>
    tpu.wait_indirect_dma semaphore(%arg17 : memref<!tpu.dma_semaphore, #tpu.memory_space<semaphore_mem>>) src(%dma_wait3A_491 : memref<100000x32xf32, #tpu.memory_space<hbm>>) dst(%dma_wait3A_481 : memref<64x32xf32, #tpu.memory_space<vmem>>)
    %dma_wait3A_492 = arith.constant 5 : i32
    %dma_wait3A_493 = arith.constant 5 : i32
    %dma_wait3A_494 = arith.constant 320 : i32
    %dma_wait3A_495 = arith.constant 0 : i32
    %dma_wait3A_496 = tpu.memref_slice %arg11[%dma_wait3A_494, %dma_wait3A_495] : memref<1664x32xf32, #tpu.memory_space<vmem>> -> memref<64x32xf32, #tpu.memory_space<vmem>>
    %dma_wait3A_497 = arith.constant 0 : i32
    %dma_wait3A_498 = tpu.memref_slice %arg9[%dma_wait3A_493, %dma_wait3A_497] : memref<26x128xi32, #tpu.memory_space<vmem>> -> memref<1x64xi32, #tpu.memory_space<vmem>>
    %dma_wait3A_499 = tpu.memref_squeeze %dma_wait3A_498 : memref<1x64xi32, #tpu.memory_space<vmem>> -> memref<64xi32, #tpu.memory_space<vmem>>
    %dma_wait3A_500 = arith.constant 0 : i32
    %dma_wait3A_501 = arith.constant 0 : i32
    %dma_wait3A_502 = tpu.memref_slice %arg6[%dma_wait3A_492, %dma_wait3A_500, %dma_wait3A_501] : memref<26x100000x32xf32, #tpu.memory_space<hbm>> -> memref<1x100000x32xf32, #tpu.memory_space<hbm>>
    %dma_wait3A_503 = tpu.memref_squeeze %dma_wait3A_502 : memref<1x100000x32xf32, #tpu.memory_space<hbm>> -> memref<100000x32xf32, #tpu.memory_space<hbm>>
    %dma_wait3A_504 = arith.constant 0 : i32
    %dma_wait3A_505 = arith.constant 0 : i32
    %dma_wait3A_506 = tpu.memref_slice %dma_wait3A_503[%dma_wait3A_504, %dma_wait3A_505] : memref<100000x32xf32, #tpu.memory_space<hbm>> -> memref<100000x32xf32, #tpu.memory_space<hbm>>
    tpu.wait_indirect_dma semaphore(%arg17 : memref<!tpu.dma_semaphore, #tpu.memory_space<semaphore_mem>>) src(%dma_wait3A_506 : memref<100000x32xf32, #tpu.memory_space<hbm>>) dst(%dma_wait3A_496 : memref<64x32xf32, #tpu.memory_space<vmem>>)
    %dma_wait3A_507 = arith.constant 6 : i32
    %dma_wait3A_508 = arith.constant 6 : i32
    %dma_wait3A_509 = arith.constant 384 : i32
    %dma_wait3A_510 = arith.constant 0 : i32
    %dma_wait3A_511 = tpu.memref_slice %arg11[%dma_wait3A_509, %dma_wait3A_510] : memref<1664x32xf32, #tpu.memory_space<vmem>> -> memref<64x32xf32, #tpu.memory_space<vmem>>
    %dma_wait3A_512 = arith.constant 0 : i32
    %dma_wait3A_513 = tpu.memref_slice %arg9[%dma_wait3A_508, %dma_wait3A_512] : memref<26x128xi32, #tpu.memory_space<vmem>> -> memref<1x64xi32, #tpu.memory_space<vmem>>
    %dma_wait3A_514 = tpu.memref_squeeze %dma_wait3A_513 : memref<1x64xi32, #tpu.memory_space<vmem>> -> memref<64xi32, #tpu.memory_space<vmem>>
    %dma_wait3A_515 = arith.constant 0 : i32
    %dma_wait3A_516 = arith.constant 0 : i32
    %dma_wait3A_517 = tpu.memref_slice %arg6[%dma_wait3A_507, %dma_wait3A_515, %dma_wait3A_516] : memref<26x100000x32xf32, #tpu.memory_space<hbm>> -> memref<1x100000x32xf32, #tpu.memory_space<hbm>>
    %dma_wait3A_518 = tpu.memref_squeeze %dma_wait3A_517 : memref<1x100000x32xf32, #tpu.memory_space<hbm>> -> memref<100000x32xf32, #tpu.memory_space<hbm>>
    %dma_wait3A_519 = arith.constant 0 : i32
    %dma_wait3A_520 = arith.constant 0 : i32
    %dma_wait3A_521 = tpu.memref_slice %dma_wait3A_518[%dma_wait3A_519, %dma_wait3A_520] : memref<100000x32xf32, #tpu.memory_space<hbm>> -> memref<100000x32xf32, #tpu.memory_space<hbm>>
    tpu.wait_indirect_dma semaphore(%arg17 : memref<!tpu.dma_semaphore, #tpu.memory_space<semaphore_mem>>) src(%dma_wait3A_521 : memref<100000x32xf32, #tpu.memory_space<hbm>>) dst(%dma_wait3A_511 : memref<64x32xf32, #tpu.memory_space<vmem>>)
    %dma_wait3A_522 = arith.constant 7 : i32
    %dma_wait3A_523 = arith.constant 7 : i32
    %dma_wait3A_524 = arith.constant 448 : i32
    %dma_wait3A_525 = arith.constant 0 : i32
    %dma_wait3A_526 = tpu.memref_slice %arg11[%dma_wait3A_524, %dma_wait3A_525] : memref<1664x32xf32, #tpu.memory_space<vmem>> -> memref<64x32xf32, #tpu.memory_space<vmem>>
    %dma_wait3A_527 = arith.constant 0 : i32
    %dma_wait3A_528 = tpu.memref_slice %arg9[%dma_wait3A_523, %dma_wait3A_527] : memref<26x128xi32, #tpu.memory_space<vmem>> -> memref<1x64xi32, #tpu.memory_space<vmem>>
    %dma_wait3A_529 = tpu.memref_squeeze %dma_wait3A_528 : memref<1x64xi32, #tpu.memory_space<vmem>> -> memref<64xi32, #tpu.memory_space<vmem>>
    %dma_wait3A_530 = arith.constant 0 : i32
    %dma_wait3A_531 = arith.constant 0 : i32
    %dma_wait3A_532 = tpu.memref_slice %arg6[%dma_wait3A_522, %dma_wait3A_530, %dma_wait3A_531] : memref<26x100000x32xf32, #tpu.memory_space<hbm>> -> memref<1x100000x32xf32, #tpu.memory_space<hbm>>
    %dma_wait3A_533 = tpu.memref_squeeze %dma_wait3A_532 : memref<1x100000x32xf32, #tpu.memory_space<hbm>> -> memref<100000x32xf32, #tpu.memory_space<hbm>>
    %dma_wait3A_534 = arith.constant 0 : i32
    %dma_wait3A_535 = arith.constant 0 : i32
    %dma_wait3A_536 = tpu.memref_slice %dma_wait3A_533[%dma_wait3A_534, %dma_wait3A_535] : memref<100000x32xf32, #tpu.memory_space<hbm>> -> memref<100000x32xf32, #tpu.memory_space<hbm>>
    tpu.wait_indirect_dma semaphore(%arg17 : memref<!tpu.dma_semaphore, #tpu.memory_space<semaphore_mem>>) src(%dma_wait3A_536 : memref<100000x32xf32, #tpu.memory_space<hbm>>) dst(%dma_wait3A_526 : memref<64x32xf32, #tpu.memory_space<vmem>>)
    %dma_wait3A_537 = arith.constant 8 : i32
    %dma_wait3A_538 = arith.constant 8 : i32
    %dma_wait3A_539 = arith.constant 512 : i32
    %dma_wait3A_540 = arith.constant 0 : i32
    %dma_wait3A_541 = tpu.memref_slice %arg11[%dma_wait3A_539, %dma_wait3A_540] : memref<1664x32xf32, #tpu.memory_space<vmem>> -> memref<64x32xf32, #tpu.memory_space<vmem>>
    %dma_wait3A_542 = arith.constant 0 : i32
    %dma_wait3A_543 = tpu.memref_slice %arg9[%dma_wait3A_538, %dma_wait3A_542] : memref<26x128xi32, #tpu.memory_space<vmem>> -> memref<1x64xi32, #tpu.memory_space<vmem>>
    %dma_wait3A_544 = tpu.memref_squeeze %dma_wait3A_543 : memref<1x64xi32, #tpu.memory_space<vmem>> -> memref<64xi32, #tpu.memory_space<vmem>>
    %dma_wait3A_545 = arith.constant 0 : i32
    %dma_wait3A_546 = arith.constant 0 : i32
    %dma_wait3A_547 = tpu.memref_slice %arg6[%dma_wait3A_537, %dma_wait3A_545, %dma_wait3A_546] : memref<26x100000x32xf32, #tpu.memory_space<hbm>> -> memref<1x100000x32xf32, #tpu.memory_space<hbm>>
    %dma_wait3A_548 = tpu.memref_squeeze %dma_wait3A_547 : memref<1x100000x32xf32, #tpu.memory_space<hbm>> -> memref<100000x32xf32, #tpu.memory_space<hbm>>
    %dma_wait3A_549 = arith.constant 0 : i32
    %dma_wait3A_550 = arith.constant 0 : i32
    %dma_wait3A_551 = tpu.memref_slice %dma_wait3A_548[%dma_wait3A_549, %dma_wait3A_550] : memref<100000x32xf32, #tpu.memory_space<hbm>> -> memref<100000x32xf32, #tpu.memory_space<hbm>>
    tpu.wait_indirect_dma semaphore(%arg17 : memref<!tpu.dma_semaphore, #tpu.memory_space<semaphore_mem>>) src(%dma_wait3A_551 : memref<100000x32xf32, #tpu.memory_space<hbm>>) dst(%dma_wait3A_541 : memref<64x32xf32, #tpu.memory_space<vmem>>)
    %dma_wait3A_552 = arith.constant 9 : i32
    %dma_wait3A_553 = arith.constant 9 : i32
    %dma_wait3A_554 = arith.constant 576 : i32
    %dma_wait3A_555 = arith.constant 0 : i32
    %dma_wait3A_556 = tpu.memref_slice %arg11[%dma_wait3A_554, %dma_wait3A_555] : memref<1664x32xf32, #tpu.memory_space<vmem>> -> memref<64x32xf32, #tpu.memory_space<vmem>>
    %dma_wait3A_557 = arith.constant 0 : i32
    %dma_wait3A_558 = tpu.memref_slice %arg9[%dma_wait3A_553, %dma_wait3A_557] : memref<26x128xi32, #tpu.memory_space<vmem>> -> memref<1x64xi32, #tpu.memory_space<vmem>>
    %dma_wait3A_559 = tpu.memref_squeeze %dma_wait3A_558 : memref<1x64xi32, #tpu.memory_space<vmem>> -> memref<64xi32, #tpu.memory_space<vmem>>
    %dma_wait3A_560 = arith.constant 0 : i32
    %dma_wait3A_561 = arith.constant 0 : i32
    %dma_wait3A_562 = tpu.memref_slice %arg6[%dma_wait3A_552, %dma_wait3A_560, %dma_wait3A_561] : memref<26x100000x32xf32, #tpu.memory_space<hbm>> -> memref<1x100000x32xf32, #tpu.memory_space<hbm>>
    %dma_wait3A_563 = tpu.memref_squeeze %dma_wait3A_562 : memref<1x100000x32xf32, #tpu.memory_space<hbm>> -> memref<100000x32xf32, #tpu.memory_space<hbm>>
    %dma_wait3A_564 = arith.constant 0 : i32
    %dma_wait3A_565 = arith.constant 0 : i32
    %dma_wait3A_566 = tpu.memref_slice %dma_wait3A_563[%dma_wait3A_564, %dma_wait3A_565] : memref<100000x32xf32, #tpu.memory_space<hbm>> -> memref<100000x32xf32, #tpu.memory_space<hbm>>
    tpu.wait_indirect_dma semaphore(%arg17 : memref<!tpu.dma_semaphore, #tpu.memory_space<semaphore_mem>>) src(%dma_wait3A_566 : memref<100000x32xf32, #tpu.memory_space<hbm>>) dst(%dma_wait3A_556 : memref<64x32xf32, #tpu.memory_space<vmem>>)
    %dma_wait3A_567 = arith.constant 10 : i32
    %dma_wait3A_568 = arith.constant 10 : i32
    %dma_wait3A_569 = arith.constant 640 : i32
    %dma_wait3A_570 = arith.constant 0 : i32
    %dma_wait3A_571 = tpu.memref_slice %arg11[%dma_wait3A_569, %dma_wait3A_570] : memref<1664x32xf32, #tpu.memory_space<vmem>> -> memref<64x32xf32, #tpu.memory_space<vmem>>
    %dma_wait3A_572 = arith.constant 0 : i32
    %dma_wait3A_573 = tpu.memref_slice %arg9[%dma_wait3A_568, %dma_wait3A_572] : memref<26x128xi32, #tpu.memory_space<vmem>> -> memref<1x64xi32, #tpu.memory_space<vmem>>
    %dma_wait3A_574 = tpu.memref_squeeze %dma_wait3A_573 : memref<1x64xi32, #tpu.memory_space<vmem>> -> memref<64xi32, #tpu.memory_space<vmem>>
    %dma_wait3A_575 = arith.constant 0 : i32
    %dma_wait3A_576 = arith.constant 0 : i32
    %dma_wait3A_577 = tpu.memref_slice %arg6[%dma_wait3A_567, %dma_wait3A_575, %dma_wait3A_576] : memref<26x100000x32xf32, #tpu.memory_space<hbm>> -> memref<1x100000x32xf32, #tpu.memory_space<hbm>>
    %dma_wait3A_578 = tpu.memref_squeeze %dma_wait3A_577 : memref<1x100000x32xf32, #tpu.memory_space<hbm>> -> memref<100000x32xf32, #tpu.memory_space<hbm>>
    %dma_wait3A_579 = arith.constant 0 : i32
    %dma_wait3A_580 = arith.constant 0 : i32
    %dma_wait3A_581 = tpu.memref_slice %dma_wait3A_578[%dma_wait3A_579, %dma_wait3A_580] : memref<100000x32xf32, #tpu.memory_space<hbm>> -> memref<100000x32xf32, #tpu.memory_space<hbm>>
    tpu.wait_indirect_dma semaphore(%arg17 : memref<!tpu.dma_semaphore, #tpu.memory_space<semaphore_mem>>) src(%dma_wait3A_581 : memref<100000x32xf32, #tpu.memory_space<hbm>>) dst(%dma_wait3A_571 : memref<64x32xf32, #tpu.memory_space<vmem>>)
    %dma_wait3A_582 = arith.constant 11 : i32
    %dma_wait3A_583 = arith.constant 11 : i32
    %dma_wait3A_584 = arith.constant 704 : i32
    %dma_wait3A_585 = arith.constant 0 : i32
    %dma_wait3A_586 = tpu.memref_slice %arg11[%dma_wait3A_584, %dma_wait3A_585] : memref<1664x32xf32, #tpu.memory_space<vmem>> -> memref<64x32xf32, #tpu.memory_space<vmem>>
    %dma_wait3A_587 = arith.constant 0 : i32
    %dma_wait3A_588 = tpu.memref_slice %arg9[%dma_wait3A_583, %dma_wait3A_587] : memref<26x128xi32, #tpu.memory_space<vmem>> -> memref<1x64xi32, #tpu.memory_space<vmem>>
    %dma_wait3A_589 = tpu.memref_squeeze %dma_wait3A_588 : memref<1x64xi32, #tpu.memory_space<vmem>> -> memref<64xi32, #tpu.memory_space<vmem>>
    %dma_wait3A_590 = arith.constant 0 : i32
    %dma_wait3A_591 = arith.constant 0 : i32
    %dma_wait3A_592 = tpu.memref_slice %arg6[%dma_wait3A_582, %dma_wait3A_590, %dma_wait3A_591] : memref<26x100000x32xf32, #tpu.memory_space<hbm>> -> memref<1x100000x32xf32, #tpu.memory_space<hbm>>
    %dma_wait3A_593 = tpu.memref_squeeze %dma_wait3A_592 : memref<1x100000x32xf32, #tpu.memory_space<hbm>> -> memref<100000x32xf32, #tpu.memory_space<hbm>>
    %dma_wait3A_594 = arith.constant 0 : i32
    %dma_wait3A_595 = arith.constant 0 : i32
    %dma_wait3A_596 = tpu.memref_slice %dma_wait3A_593[%dma_wait3A_594, %dma_wait3A_595] : memref<100000x32xf32, #tpu.memory_space<hbm>> -> memref<100000x32xf32, #tpu.memory_space<hbm>>
    tpu.wait_indirect_dma semaphore(%arg17 : memref<!tpu.dma_semaphore, #tpu.memory_space<semaphore_mem>>) src(%dma_wait3A_596 : memref<100000x32xf32, #tpu.memory_space<hbm>>) dst(%dma_wait3A_586 : memref<64x32xf32, #tpu.memory_space<vmem>>)
    %dma_wait3A_597 = arith.constant 12 : i32
    %dma_wait3A_598 = arith.constant 12 : i32
    %dma_wait3A_599 = arith.constant 768 : i32
    %dma_wait3A_600 = arith.constant 0 : i32
    %dma_wait3A_601 = tpu.memref_slice %arg11[%dma_wait3A_599, %dma_wait3A_600] : memref<1664x32xf32, #tpu.memory_space<vmem>> -> memref<64x32xf32, #tpu.memory_space<vmem>>
    %dma_wait3A_602 = arith.constant 0 : i32
    %dma_wait3A_603 = tpu.memref_slice %arg9[%dma_wait3A_598, %dma_wait3A_602] : memref<26x128xi32, #tpu.memory_space<vmem>> -> memref<1x64xi32, #tpu.memory_space<vmem>>
    %dma_wait3A_604 = tpu.memref_squeeze %dma_wait3A_603 : memref<1x64xi32, #tpu.memory_space<vmem>> -> memref<64xi32, #tpu.memory_space<vmem>>
    %dma_wait3A_605 = arith.constant 0 : i32
    %dma_wait3A_606 = arith.constant 0 : i32
    %dma_wait3A_607 = tpu.memref_slice %arg6[%dma_wait3A_597, %dma_wait3A_605, %dma_wait3A_606] : memref<26x100000x32xf32, #tpu.memory_space<hbm>> -> memref<1x100000x32xf32, #tpu.memory_space<hbm>>
    %dma_wait3A_608 = tpu.memref_squeeze %dma_wait3A_607 : memref<1x100000x32xf32, #tpu.memory_space<hbm>> -> memref<100000x32xf32, #tpu.memory_space<hbm>>
    %dma_wait3A_609 = arith.constant 0 : i32
    %dma_wait3A_610 = arith.constant 0 : i32
    %dma_wait3A_611 = tpu.memref_slice %dma_wait3A_608[%dma_wait3A_609, %dma_wait3A_610] : memref<100000x32xf32, #tpu.memory_space<hbm>> -> memref<100000x32xf32, #tpu.memory_space<hbm>>
    tpu.wait_indirect_dma semaphore(%arg17 : memref<!tpu.dma_semaphore, #tpu.memory_space<semaphore_mem>>) src(%dma_wait3A_611 : memref<100000x32xf32, #tpu.memory_space<hbm>>) dst(%dma_wait3A_601 : memref<64x32xf32, #tpu.memory_space<vmem>>)
    %dma_wait3A_612 = arith.constant 13 : i32
    %dma_wait3A_613 = arith.constant 13 : i32
    %dma_wait3A_614 = arith.constant 832 : i32
    %dma_wait3A_615 = arith.constant 0 : i32
    %dma_wait3A_616 = tpu.memref_slice %arg11[%dma_wait3A_614, %dma_wait3A_615] : memref<1664x32xf32, #tpu.memory_space<vmem>> -> memref<64x32xf32, #tpu.memory_space<vmem>>
    %dma_wait3A_617 = arith.constant 0 : i32
    %dma_wait3A_618 = tpu.memref_slice %arg9[%dma_wait3A_613, %dma_wait3A_617] : memref<26x128xi32, #tpu.memory_space<vmem>> -> memref<1x64xi32, #tpu.memory_space<vmem>>
    %dma_wait3A_619 = tpu.memref_squeeze %dma_wait3A_618 : memref<1x64xi32, #tpu.memory_space<vmem>> -> memref<64xi32, #tpu.memory_space<vmem>>
    %dma_wait3A_620 = arith.constant 0 : i32
    %dma_wait3A_621 = arith.constant 0 : i32
    %dma_wait3A_622 = tpu.memref_slice %arg6[%dma_wait3A_612, %dma_wait3A_620, %dma_wait3A_621] : memref<26x100000x32xf32, #tpu.memory_space<hbm>> -> memref<1x100000x32xf32, #tpu.memory_space<hbm>>
    %dma_wait3A_623 = tpu.memref_squeeze %dma_wait3A_622 : memref<1x100000x32xf32, #tpu.memory_space<hbm>> -> memref<100000x32xf32, #tpu.memory_space<hbm>>
    %dma_wait3A_624 = arith.constant 0 : i32
    %dma_wait3A_625 = arith.constant 0 : i32
    %dma_wait3A_626 = tpu.memref_slice %dma_wait3A_623[%dma_wait3A_624, %dma_wait3A_625] : memref<100000x32xf32, #tpu.memory_space<hbm>> -> memref<100000x32xf32, #tpu.memory_space<hbm>>
    tpu.wait_indirect_dma semaphore(%arg17 : memref<!tpu.dma_semaphore, #tpu.memory_space<semaphore_mem>>) src(%dma_wait3A_626 : memref<100000x32xf32, #tpu.memory_space<hbm>>) dst(%dma_wait3A_616 : memref<64x32xf32, #tpu.memory_space<vmem>>)
    %dma_wait3A_627 = arith.constant 14 : i32
    %dma_wait3A_628 = arith.constant 14 : i32
    %dma_wait3A_629 = arith.constant 896 : i32
    %dma_wait3A_630 = arith.constant 0 : i32
    %dma_wait3A_631 = tpu.memref_slice %arg11[%dma_wait3A_629, %dma_wait3A_630] : memref<1664x32xf32, #tpu.memory_space<vmem>> -> memref<64x32xf32, #tpu.memory_space<vmem>>
    %dma_wait3A_632 = arith.constant 0 : i32
    %dma_wait3A_633 = tpu.memref_slice %arg9[%dma_wait3A_628, %dma_wait3A_632] : memref<26x128xi32, #tpu.memory_space<vmem>> -> memref<1x64xi32, #tpu.memory_space<vmem>>
    %dma_wait3A_634 = tpu.memref_squeeze %dma_wait3A_633 : memref<1x64xi32, #tpu.memory_space<vmem>> -> memref<64xi32, #tpu.memory_space<vmem>>
    %dma_wait3A_635 = arith.constant 0 : i32
    %dma_wait3A_636 = arith.constant 0 : i32
    %dma_wait3A_637 = tpu.memref_slice %arg6[%dma_wait3A_627, %dma_wait3A_635, %dma_wait3A_636] : memref<26x100000x32xf32, #tpu.memory_space<hbm>> -> memref<1x100000x32xf32, #tpu.memory_space<hbm>>
    %dma_wait3A_638 = tpu.memref_squeeze %dma_wait3A_637 : memref<1x100000x32xf32, #tpu.memory_space<hbm>> -> memref<100000x32xf32, #tpu.memory_space<hbm>>
    %dma_wait3A_639 = arith.constant 0 : i32
    %dma_wait3A_640 = arith.constant 0 : i32
    %dma_wait3A_641 = tpu.memref_slice %dma_wait3A_638[%dma_wait3A_639, %dma_wait3A_640] : memref<100000x32xf32, #tpu.memory_space<hbm>> -> memref<100000x32xf32, #tpu.memory_space<hbm>>
    tpu.wait_indirect_dma semaphore(%arg17 : memref<!tpu.dma_semaphore, #tpu.memory_space<semaphore_mem>>) src(%dma_wait3A_641 : memref<100000x32xf32, #tpu.memory_space<hbm>>) dst(%dma_wait3A_631 : memref<64x32xf32, #tpu.memory_space<vmem>>)
    %dma_wait3A_642 = arith.constant 15 : i32
    %dma_wait3A_643 = arith.constant 15 : i32
    %dma_wait3A_644 = arith.constant 960 : i32
    %dma_wait3A_645 = arith.constant 0 : i32
    %dma_wait3A_646 = tpu.memref_slice %arg11[%dma_wait3A_644, %dma_wait3A_645] : memref<1664x32xf32, #tpu.memory_space<vmem>> -> memref<64x32xf32, #tpu.memory_space<vmem>>
    %dma_wait3A_647 = arith.constant 0 : i32
    %dma_wait3A_648 = tpu.memref_slice %arg9[%dma_wait3A_643, %dma_wait3A_647] : memref<26x128xi32, #tpu.memory_space<vmem>> -> memref<1x64xi32, #tpu.memory_space<vmem>>
    %dma_wait3A_649 = tpu.memref_squeeze %dma_wait3A_648 : memref<1x64xi32, #tpu.memory_space<vmem>> -> memref<64xi32, #tpu.memory_space<vmem>>
    %dma_wait3A_650 = arith.constant 0 : i32
    %dma_wait3A_651 = arith.constant 0 : i32
    %dma_wait3A_652 = tpu.memref_slice %arg6[%dma_wait3A_642, %dma_wait3A_650, %dma_wait3A_651] : memref<26x100000x32xf32, #tpu.memory_space<hbm>> -> memref<1x100000x32xf32, #tpu.memory_space<hbm>>
    %dma_wait3A_653 = tpu.memref_squeeze %dma_wait3A_652 : memref<1x100000x32xf32, #tpu.memory_space<hbm>> -> memref<100000x32xf32, #tpu.memory_space<hbm>>
    %dma_wait3A_654 = arith.constant 0 : i32
    %dma_wait3A_655 = arith.constant 0 : i32
    %dma_wait3A_656 = tpu.memref_slice %dma_wait3A_653[%dma_wait3A_654, %dma_wait3A_655] : memref<100000x32xf32, #tpu.memory_space<hbm>> -> memref<100000x32xf32, #tpu.memory_space<hbm>>
    tpu.wait_indirect_dma semaphore(%arg17 : memref<!tpu.dma_semaphore, #tpu.memory_space<semaphore_mem>>) src(%dma_wait3A_656 : memref<100000x32xf32, #tpu.memory_space<hbm>>) dst(%dma_wait3A_646 : memref<64x32xf32, #tpu.memory_space<vmem>>)
    %dma_wait3A_657 = arith.constant 16 : i32
    %dma_wait3A_658 = arith.constant 16 : i32
    %dma_wait3A_659 = arith.constant 1024 : i32
    %dma_wait3A_660 = arith.constant 0 : i32
    %dma_wait3A_661 = tpu.memref_slice %arg11[%dma_wait3A_659, %dma_wait3A_660] : memref<1664x32xf32, #tpu.memory_space<vmem>> -> memref<64x32xf32, #tpu.memory_space<vmem>>
    %dma_wait3A_662 = arith.constant 0 : i32
    %dma_wait3A_663 = tpu.memref_slice %arg9[%dma_wait3A_658, %dma_wait3A_662] : memref<26x128xi32, #tpu.memory_space<vmem>> -> memref<1x64xi32, #tpu.memory_space<vmem>>
    %dma_wait3A_664 = tpu.memref_squeeze %dma_wait3A_663 : memref<1x64xi32, #tpu.memory_space<vmem>> -> memref<64xi32, #tpu.memory_space<vmem>>
    %dma_wait3A_665 = arith.constant 0 : i32
    %dma_wait3A_666 = arith.constant 0 : i32
    %dma_wait3A_667 = tpu.memref_slice %arg6[%dma_wait3A_657, %dma_wait3A_665, %dma_wait3A_666] : memref<26x100000x32xf32, #tpu.memory_space<hbm>> -> memref<1x100000x32xf32, #tpu.memory_space<hbm>>
    %dma_wait3A_668 = tpu.memref_squeeze %dma_wait3A_667 : memref<1x100000x32xf32, #tpu.memory_space<hbm>> -> memref<100000x32xf32, #tpu.memory_space<hbm>>
    %dma_wait3A_669 = arith.constant 0 : i32
    %dma_wait3A_670 = arith.constant 0 : i32
    %dma_wait3A_671 = tpu.memref_slice %dma_wait3A_668[%dma_wait3A_669, %dma_wait3A_670] : memref<100000x32xf32, #tpu.memory_space<hbm>> -> memref<100000x32xf32, #tpu.memory_space<hbm>>
    tpu.wait_indirect_dma semaphore(%arg17 : memref<!tpu.dma_semaphore, #tpu.memory_space<semaphore_mem>>) src(%dma_wait3A_671 : memref<100000x32xf32, #tpu.memory_space<hbm>>) dst(%dma_wait3A_661 : memref<64x32xf32, #tpu.memory_space<vmem>>)
    %dma_wait3A_672 = arith.constant 17 : i32
    %dma_wait3A_673 = arith.constant 17 : i32
    %dma_wait3A_674 = arith.constant 1088 : i32
    %dma_wait3A_675 = arith.constant 0 : i32
    %dma_wait3A_676 = tpu.memref_slice %arg11[%dma_wait3A_674, %dma_wait3A_675] : memref<1664x32xf32, #tpu.memory_space<vmem>> -> memref<64x32xf32, #tpu.memory_space<vmem>>
    %dma_wait3A_677 = arith.constant 0 : i32
    %dma_wait3A_678 = tpu.memref_slice %arg9[%dma_wait3A_673, %dma_wait3A_677] : memref<26x128xi32, #tpu.memory_space<vmem>> -> memref<1x64xi32, #tpu.memory_space<vmem>>
    %dma_wait3A_679 = tpu.memref_squeeze %dma_wait3A_678 : memref<1x64xi32, #tpu.memory_space<vmem>> -> memref<64xi32, #tpu.memory_space<vmem>>
    %dma_wait3A_680 = arith.constant 0 : i32
    %dma_wait3A_681 = arith.constant 0 : i32
    %dma_wait3A_682 = tpu.memref_slice %arg6[%dma_wait3A_672, %dma_wait3A_680, %dma_wait3A_681] : memref<26x100000x32xf32, #tpu.memory_space<hbm>> -> memref<1x100000x32xf32, #tpu.memory_space<hbm>>
    %dma_wait3A_683 = tpu.memref_squeeze %dma_wait3A_682 : memref<1x100000x32xf32, #tpu.memory_space<hbm>> -> memref<100000x32xf32, #tpu.memory_space<hbm>>
    %dma_wait3A_684 = arith.constant 0 : i32
    %dma_wait3A_685 = arith.constant 0 : i32
    %dma_wait3A_686 = tpu.memref_slice %dma_wait3A_683[%dma_wait3A_684, %dma_wait3A_685] : memref<100000x32xf32, #tpu.memory_space<hbm>> -> memref<100000x32xf32, #tpu.memory_space<hbm>>
    tpu.wait_indirect_dma semaphore(%arg17 : memref<!tpu.dma_semaphore, #tpu.memory_space<semaphore_mem>>) src(%dma_wait3A_686 : memref<100000x32xf32, #tpu.memory_space<hbm>>) dst(%dma_wait3A_676 : memref<64x32xf32, #tpu.memory_space<vmem>>)
    %dma_wait3A_687 = arith.constant 18 : i32
    %dma_wait3A_688 = arith.constant 18 : i32
    %dma_wait3A_689 = arith.constant 1152 : i32
    %dma_wait3A_690 = arith.constant 0 : i32
    %dma_wait3A_691 = tpu.memref_slice %arg11[%dma_wait3A_689, %dma_wait3A_690] : memref<1664x32xf32, #tpu.memory_space<vmem>> -> memref<64x32xf32, #tpu.memory_space<vmem>>
    %dma_wait3A_692 = arith.constant 0 : i32
    %dma_wait3A_693 = tpu.memref_slice %arg9[%dma_wait3A_688, %dma_wait3A_692] : memref<26x128xi32, #tpu.memory_space<vmem>> -> memref<1x64xi32, #tpu.memory_space<vmem>>
    %dma_wait3A_694 = tpu.memref_squeeze %dma_wait3A_693 : memref<1x64xi32, #tpu.memory_space<vmem>> -> memref<64xi32, #tpu.memory_space<vmem>>
    %dma_wait3A_695 = arith.constant 0 : i32
    %dma_wait3A_696 = arith.constant 0 : i32
    %dma_wait3A_697 = tpu.memref_slice %arg6[%dma_wait3A_687, %dma_wait3A_695, %dma_wait3A_696] : memref<26x100000x32xf32, #tpu.memory_space<hbm>> -> memref<1x100000x32xf32, #tpu.memory_space<hbm>>
    %dma_wait3A_698 = tpu.memref_squeeze %dma_wait3A_697 : memref<1x100000x32xf32, #tpu.memory_space<hbm>> -> memref<100000x32xf32, #tpu.memory_space<hbm>>
    %dma_wait3A_699 = arith.constant 0 : i32
    %dma_wait3A_700 = arith.constant 0 : i32
    %dma_wait3A_701 = tpu.memref_slice %dma_wait3A_698[%dma_wait3A_699, %dma_wait3A_700] : memref<100000x32xf32, #tpu.memory_space<hbm>> -> memref<100000x32xf32, #tpu.memory_space<hbm>>
    tpu.wait_indirect_dma semaphore(%arg17 : memref<!tpu.dma_semaphore, #tpu.memory_space<semaphore_mem>>) src(%dma_wait3A_701 : memref<100000x32xf32, #tpu.memory_space<hbm>>) dst(%dma_wait3A_691 : memref<64x32xf32, #tpu.memory_space<vmem>>)
    %dma_wait3A_702 = arith.constant 19 : i32
    %dma_wait3A_703 = arith.constant 19 : i32
    %dma_wait3A_704 = arith.constant 1216 : i32
    %dma_wait3A_705 = arith.constant 0 : i32
    %dma_wait3A_706 = tpu.memref_slice %arg11[%dma_wait3A_704, %dma_wait3A_705] : memref<1664x32xf32, #tpu.memory_space<vmem>> -> memref<64x32xf32, #tpu.memory_space<vmem>>
    %dma_wait3A_707 = arith.constant 0 : i32
    %dma_wait3A_708 = tpu.memref_slice %arg9[%dma_wait3A_703, %dma_wait3A_707] : memref<26x128xi32, #tpu.memory_space<vmem>> -> memref<1x64xi32, #tpu.memory_space<vmem>>
    %dma_wait3A_709 = tpu.memref_squeeze %dma_wait3A_708 : memref<1x64xi32, #tpu.memory_space<vmem>> -> memref<64xi32, #tpu.memory_space<vmem>>
    %dma_wait3A_710 = arith.constant 0 : i32
    %dma_wait3A_711 = arith.constant 0 : i32
    %dma_wait3A_712 = tpu.memref_slice %arg6[%dma_wait3A_702, %dma_wait3A_710, %dma_wait3A_711] : memref<26x100000x32xf32, #tpu.memory_space<hbm>> -> memref<1x100000x32xf32, #tpu.memory_space<hbm>>
    %dma_wait3A_713 = tpu.memref_squeeze %dma_wait3A_712 : memref<1x100000x32xf32, #tpu.memory_space<hbm>> -> memref<100000x32xf32, #tpu.memory_space<hbm>>
    %dma_wait3A_714 = arith.constant 0 : i32
    %dma_wait3A_715 = arith.constant 0 : i32
    %dma_wait3A_716 = tpu.memref_slice %dma_wait3A_713[%dma_wait3A_714, %dma_wait3A_715] : memref<100000x32xf32, #tpu.memory_space<hbm>> -> memref<100000x32xf32, #tpu.memory_space<hbm>>
    tpu.wait_indirect_dma semaphore(%arg17 : memref<!tpu.dma_semaphore, #tpu.memory_space<semaphore_mem>>) src(%dma_wait3A_716 : memref<100000x32xf32, #tpu.memory_space<hbm>>) dst(%dma_wait3A_706 : memref<64x32xf32, #tpu.memory_space<vmem>>)
    %dma_wait3A_717 = arith.constant 20 : i32
    %dma_wait3A_718 = arith.constant 20 : i32
    %dma_wait3A_719 = arith.constant 1280 : i32
    %dma_wait3A_720 = arith.constant 0 : i32
    %dma_wait3A_721 = tpu.memref_slice %arg11[%dma_wait3A_719, %dma_wait3A_720] : memref<1664x32xf32, #tpu.memory_space<vmem>> -> memref<64x32xf32, #tpu.memory_space<vmem>>
    %dma_wait3A_722 = arith.constant 0 : i32
    %dma_wait3A_723 = tpu.memref_slice %arg9[%dma_wait3A_718, %dma_wait3A_722] : memref<26x128xi32, #tpu.memory_space<vmem>> -> memref<1x64xi32, #tpu.memory_space<vmem>>
    %dma_wait3A_724 = tpu.memref_squeeze %dma_wait3A_723 : memref<1x64xi32, #tpu.memory_space<vmem>> -> memref<64xi32, #tpu.memory_space<vmem>>
    %dma_wait3A_725 = arith.constant 0 : i32
    %dma_wait3A_726 = arith.constant 0 : i32
    %dma_wait3A_727 = tpu.memref_slice %arg6[%dma_wait3A_717, %dma_wait3A_725, %dma_wait3A_726] : memref<26x100000x32xf32, #tpu.memory_space<hbm>> -> memref<1x100000x32xf32, #tpu.memory_space<hbm>>
    %dma_wait3A_728 = tpu.memref_squeeze %dma_wait3A_727 : memref<1x100000x32xf32, #tpu.memory_space<hbm>> -> memref<100000x32xf32, #tpu.memory_space<hbm>>
    %dma_wait3A_729 = arith.constant 0 : i32
    %dma_wait3A_730 = arith.constant 0 : i32
    %dma_wait3A_731 = tpu.memref_slice %dma_wait3A_728[%dma_wait3A_729, %dma_wait3A_730] : memref<100000x32xf32, #tpu.memory_space<hbm>> -> memref<100000x32xf32, #tpu.memory_space<hbm>>
    tpu.wait_indirect_dma semaphore(%arg17 : memref<!tpu.dma_semaphore, #tpu.memory_space<semaphore_mem>>) src(%dma_wait3A_731 : memref<100000x32xf32, #tpu.memory_space<hbm>>) dst(%dma_wait3A_721 : memref<64x32xf32, #tpu.memory_space<vmem>>)
    %dma_wait3A_732 = arith.constant 21 : i32
    %dma_wait3A_733 = arith.constant 21 : i32
    %dma_wait3A_734 = arith.constant 1344 : i32
    %dma_wait3A_735 = arith.constant 0 : i32
    %dma_wait3A_736 = tpu.memref_slice %arg11[%dma_wait3A_734, %dma_wait3A_735] : memref<1664x32xf32, #tpu.memory_space<vmem>> -> memref<64x32xf32, #tpu.memory_space<vmem>>
    %dma_wait3A_737 = arith.constant 0 : i32
    %dma_wait3A_738 = tpu.memref_slice %arg9[%dma_wait3A_733, %dma_wait3A_737] : memref<26x128xi32, #tpu.memory_space<vmem>> -> memref<1x64xi32, #tpu.memory_space<vmem>>
    %dma_wait3A_739 = tpu.memref_squeeze %dma_wait3A_738 : memref<1x64xi32, #tpu.memory_space<vmem>> -> memref<64xi32, #tpu.memory_space<vmem>>
    %dma_wait3A_740 = arith.constant 0 : i32
    %dma_wait3A_741 = arith.constant 0 : i32
    %dma_wait3A_742 = tpu.memref_slice %arg6[%dma_wait3A_732, %dma_wait3A_740, %dma_wait3A_741] : memref<26x100000x32xf32, #tpu.memory_space<hbm>> -> memref<1x100000x32xf32, #tpu.memory_space<hbm>>
    %dma_wait3A_743 = tpu.memref_squeeze %dma_wait3A_742 : memref<1x100000x32xf32, #tpu.memory_space<hbm>> -> memref<100000x32xf32, #tpu.memory_space<hbm>>
    %dma_wait3A_744 = arith.constant 0 : i32
    %dma_wait3A_745 = arith.constant 0 : i32
    %dma_wait3A_746 = tpu.memref_slice %dma_wait3A_743[%dma_wait3A_744, %dma_wait3A_745] : memref<100000x32xf32, #tpu.memory_space<hbm>> -> memref<100000x32xf32, #tpu.memory_space<hbm>>
    tpu.wait_indirect_dma semaphore(%arg17 : memref<!tpu.dma_semaphore, #tpu.memory_space<semaphore_mem>>) src(%dma_wait3A_746 : memref<100000x32xf32, #tpu.memory_space<hbm>>) dst(%dma_wait3A_736 : memref<64x32xf32, #tpu.memory_space<vmem>>)
    %dma_wait3A_747 = arith.constant 22 : i32
    %dma_wait3A_748 = arith.constant 22 : i32
    %dma_wait3A_749 = arith.constant 1408 : i32
    %dma_wait3A_750 = arith.constant 0 : i32
    %dma_wait3A_751 = tpu.memref_slice %arg11[%dma_wait3A_749, %dma_wait3A_750] : memref<1664x32xf32, #tpu.memory_space<vmem>> -> memref<64x32xf32, #tpu.memory_space<vmem>>
    %dma_wait3A_752 = arith.constant 0 : i32
    %dma_wait3A_753 = tpu.memref_slice %arg9[%dma_wait3A_748, %dma_wait3A_752] : memref<26x128xi32, #tpu.memory_space<vmem>> -> memref<1x64xi32, #tpu.memory_space<vmem>>
    %dma_wait3A_754 = tpu.memref_squeeze %dma_wait3A_753 : memref<1x64xi32, #tpu.memory_space<vmem>> -> memref<64xi32, #tpu.memory_space<vmem>>
    %dma_wait3A_755 = arith.constant 0 : i32
    %dma_wait3A_756 = arith.constant 0 : i32
    %dma_wait3A_757 = tpu.memref_slice %arg6[%dma_wait3A_747, %dma_wait3A_755, %dma_wait3A_756] : memref<26x100000x32xf32, #tpu.memory_space<hbm>> -> memref<1x100000x32xf32, #tpu.memory_space<hbm>>
    %dma_wait3A_758 = tpu.memref_squeeze %dma_wait3A_757 : memref<1x100000x32xf32, #tpu.memory_space<hbm>> -> memref<100000x32xf32, #tpu.memory_space<hbm>>
    %dma_wait3A_759 = arith.constant 0 : i32
    %dma_wait3A_760 = arith.constant 0 : i32
    %dma_wait3A_761 = tpu.memref_slice %dma_wait3A_758[%dma_wait3A_759, %dma_wait3A_760] : memref<100000x32xf32, #tpu.memory_space<hbm>> -> memref<100000x32xf32, #tpu.memory_space<hbm>>
    tpu.wait_indirect_dma semaphore(%arg17 : memref<!tpu.dma_semaphore, #tpu.memory_space<semaphore_mem>>) src(%dma_wait3A_761 : memref<100000x32xf32, #tpu.memory_space<hbm>>) dst(%dma_wait3A_751 : memref<64x32xf32, #tpu.memory_space<vmem>>)
    %dma_wait3A_762 = arith.constant 23 : i32
    %dma_wait3A_763 = arith.constant 23 : i32
    %dma_wait3A_764 = arith.constant 1472 : i32
    %dma_wait3A_765 = arith.constant 0 : i32
    %dma_wait3A_766 = tpu.memref_slice %arg11[%dma_wait3A_764, %dma_wait3A_765] : memref<1664x32xf32, #tpu.memory_space<vmem>> -> memref<64x32xf32, #tpu.memory_space<vmem>>
    %dma_wait3A_767 = arith.constant 0 : i32
    %dma_wait3A_768 = tpu.memref_slice %arg9[%dma_wait3A_763, %dma_wait3A_767] : memref<26x128xi32, #tpu.memory_space<vmem>> -> memref<1x64xi32, #tpu.memory_space<vmem>>
    %dma_wait3A_769 = tpu.memref_squeeze %dma_wait3A_768 : memref<1x64xi32, #tpu.memory_space<vmem>> -> memref<64xi32, #tpu.memory_space<vmem>>
    %dma_wait3A_770 = arith.constant 0 : i32
    %dma_wait3A_771 = arith.constant 0 : i32
    %dma_wait3A_772 = tpu.memref_slice %arg6[%dma_wait3A_762, %dma_wait3A_770, %dma_wait3A_771] : memref<26x100000x32xf32, #tpu.memory_space<hbm>> -> memref<1x100000x32xf32, #tpu.memory_space<hbm>>
    %dma_wait3A_773 = tpu.memref_squeeze %dma_wait3A_772 : memref<1x100000x32xf32, #tpu.memory_space<hbm>> -> memref<100000x32xf32, #tpu.memory_space<hbm>>
    %dma_wait3A_774 = arith.constant 0 : i32
    %dma_wait3A_775 = arith.constant 0 : i32
    %dma_wait3A_776 = tpu.memref_slice %dma_wait3A_773[%dma_wait3A_774, %dma_wait3A_775] : memref<100000x32xf32, #tpu.memory_space<hbm>> -> memref<100000x32xf32, #tpu.memory_space<hbm>>
    tpu.wait_indirect_dma semaphore(%arg17 : memref<!tpu.dma_semaphore, #tpu.memory_space<semaphore_mem>>) src(%dma_wait3A_776 : memref<100000x32xf32, #tpu.memory_space<hbm>>) dst(%dma_wait3A_766 : memref<64x32xf32, #tpu.memory_space<vmem>>)
    %dma_wait3A_777 = arith.constant 24 : i32
    %dma_wait3A_778 = arith.constant 24 : i32
    %dma_wait3A_779 = arith.constant 1536 : i32
    %dma_wait3A_780 = arith.constant 0 : i32
    %dma_wait3A_781 = tpu.memref_slice %arg11[%dma_wait3A_779, %dma_wait3A_780] : memref<1664x32xf32, #tpu.memory_space<vmem>> -> memref<64x32xf32, #tpu.memory_space<vmem>>
    %dma_wait3A_782 = arith.constant 0 : i32
    %dma_wait3A_783 = tpu.memref_slice %arg9[%dma_wait3A_778, %dma_wait3A_782] : memref<26x128xi32, #tpu.memory_space<vmem>> -> memref<1x64xi32, #tpu.memory_space<vmem>>
    %dma_wait3A_784 = tpu.memref_squeeze %dma_wait3A_783 : memref<1x64xi32, #tpu.memory_space<vmem>> -> memref<64xi32, #tpu.memory_space<vmem>>
    %dma_wait3A_785 = arith.constant 0 : i32
    %dma_wait3A_786 = arith.constant 0 : i32
    %dma_wait3A_787 = tpu.memref_slice %arg6[%dma_wait3A_777, %dma_wait3A_785, %dma_wait3A_786] : memref<26x100000x32xf32, #tpu.memory_space<hbm>> -> memref<1x100000x32xf32, #tpu.memory_space<hbm>>
    %dma_wait3A_788 = tpu.memref_squeeze %dma_wait3A_787 : memref<1x100000x32xf32, #tpu.memory_space<hbm>> -> memref<100000x32xf32, #tpu.memory_space<hbm>>
    %dma_wait3A_789 = arith.constant 0 : i32
    %dma_wait3A_790 = arith.constant 0 : i32
    %dma_wait3A_791 = tpu.memref_slice %dma_wait3A_788[%dma_wait3A_789, %dma_wait3A_790] : memref<100000x32xf32, #tpu.memory_space<hbm>> -> memref<100000x32xf32, #tpu.memory_space<hbm>>
    tpu.wait_indirect_dma semaphore(%arg17 : memref<!tpu.dma_semaphore, #tpu.memory_space<semaphore_mem>>) src(%dma_wait3A_791 : memref<100000x32xf32, #tpu.memory_space<hbm>>) dst(%dma_wait3A_781 : memref<64x32xf32, #tpu.memory_space<vmem>>)
    %dma_wait3A_792 = arith.constant 25 : i32
    %dma_wait3A_793 = arith.constant 25 : i32
    %dma_wait3A_794 = arith.constant 1600 : i32
    %dma_wait3A_795 = arith.constant 0 : i32
    %dma_wait3A_796 = tpu.memref_slice %arg11[%dma_wait3A_794, %dma_wait3A_795] : memref<1664x32xf32, #tpu.memory_space<vmem>> -> memref<64x32xf32, #tpu.memory_space<vmem>>
    %dma_wait3A_797 = arith.constant 0 : i32
    %dma_wait3A_798 = tpu.memref_slice %arg9[%dma_wait3A_793, %dma_wait3A_797] : memref<26x128xi32, #tpu.memory_space<vmem>> -> memref<1x64xi32, #tpu.memory_space<vmem>>
    %dma_wait3A_799 = tpu.memref_squeeze %dma_wait3A_798 : memref<1x64xi32, #tpu.memory_space<vmem>> -> memref<64xi32, #tpu.memory_space<vmem>>
    %dma_wait3A_800 = arith.constant 0 : i32
    %dma_wait3A_801 = arith.constant 0 : i32
    %dma_wait3A_802 = tpu.memref_slice %arg6[%dma_wait3A_792, %dma_wait3A_800, %dma_wait3A_801] : memref<26x100000x32xf32, #tpu.memory_space<hbm>> -> memref<1x100000x32xf32, #tpu.memory_space<hbm>>
    %dma_wait3A_803 = tpu.memref_squeeze %dma_wait3A_802 : memref<1x100000x32xf32, #tpu.memory_space<hbm>> -> memref<100000x32xf32, #tpu.memory_space<hbm>>
    %dma_wait3A_804 = arith.constant 0 : i32
    %dma_wait3A_805 = arith.constant 0 : i32
    %dma_wait3A_806 = tpu.memref_slice %dma_wait3A_803[%dma_wait3A_804, %dma_wait3A_805] : memref<100000x32xf32, #tpu.memory_space<hbm>> -> memref<100000x32xf32, #tpu.memory_space<hbm>>
    tpu.wait_indirect_dma semaphore(%arg17 : memref<!tpu.dma_semaphore, #tpu.memory_space<semaphore_mem>>) src(%dma_wait3A_806 : memref<100000x32xf32, #tpu.memory_space<hbm>>) dst(%dma_wait3A_796 : memref<64x32xf32, #tpu.memory_space<vmem>>)
    %dma_wait3A_807 = arith.constant 0 : i32
    %dma_wait3A_808 = arith.constant 0 : i32
    %dma_wait3A_809 = tpu.memref_slice %arg12[%dma_wait3A_808] : memref<3328xf32, #tpu.memory_space<vmem>> -> memref<1664xf32, #tpu.memory_space<vmem>>
    %dma_wait3A_810 = arith.constant 0 : i32
    %dma_wait3A_811 = tpu.memref_slice %arg10[%dma_wait3A_807, %dma_wait3A_810] : memref<2x1664xi32, #tpu.memory_space<vmem>> -> memref<1x1664xi32, #tpu.memory_space<vmem>>
    %dma_wait3A_812 = tpu.memref_squeeze %dma_wait3A_811 : memref<1x1664xi32, #tpu.memory_space<vmem>> -> memref<1664xi32, #tpu.memory_space<vmem>>
    %dma_wait3A_813 = arith.constant 0 : i32
    %dma_wait3A_814 = tpu.memref_slice %arg5[%dma_wait3A_813] : memref<2600000xf32, #tpu.memory_space<hbm>> -> memref<2600000xf32, #tpu.memory_space<hbm>>
    tpu.wait_indirect_dma semaphore(%arg18 : memref<!tpu.dma_semaphore, #tpu.memory_space<semaphore_mem>>) src(%dma_wait3A_814 : memref<2600000xf32, #tpu.memory_space<hbm>>) dst(%dma_wait3A_809 : memref<1664xf32, #tpu.memory_space<vmem>>)
    %dma_wait3A_815 = arith.constant 1 : i32
    %dma_wait3A_816 = arith.constant 1664 : i32
    %dma_wait3A_817 = tpu.memref_slice %arg12[%dma_wait3A_816] : memref<3328xf32, #tpu.memory_space<vmem>> -> memref<1664xf32, #tpu.memory_space<vmem>>
    %dma_wait3A_818 = arith.constant 0 : i32
    %dma_wait3A_819 = tpu.memref_slice %arg10[%dma_wait3A_815, %dma_wait3A_818] : memref<2x1664xi32, #tpu.memory_space<vmem>> -> memref<1x1664xi32, #tpu.memory_space<vmem>>
    %dma_wait3A_820 = tpu.memref_squeeze %dma_wait3A_819 : memref<1x1664xi32, #tpu.memory_space<vmem>> -> memref<1664xi32, #tpu.memory_space<vmem>>
    %dma_wait3A_821 = arith.constant 0 : i32
    %dma_wait3A_822 = tpu.memref_slice %arg5[%dma_wait3A_821] : memref<2600000xf32, #tpu.memory_space<hbm>> -> memref<2600000xf32, #tpu.memory_space<hbm>>
    tpu.wait_indirect_dma semaphore(%arg18 : memref<!tpu.dma_semaphore, #tpu.memory_space<semaphore_mem>>) src(%dma_wait3A_822 : memref<2600000xf32, #tpu.memory_space<hbm>>) dst(%dma_wait3A_817 : memref<1664xf32, #tpu.memory_space<vmem>>)
    %scan3A = arith.constant 0 : i32
    %scan3A_823 = arith.constant 0 : i32
    %scan3A_824 = arith.constant 64 : i32
    %scan3A_825 = arith.addi %scan3A_823, %scan3A_824 : i32
    %scan3A_826 = arith.constant 1 : i32
    scf.for %scan3A_2256 = %scan3A_823 to %scan3A_825 step %scan3A_826  : i32 {
      %add3A_2257 = arith.constant 0 : i32
      %add3A_2258 = arith.addi %add3A_2257, %scan3A_2256 : i32
      %get3A_2259 = arith.index_cast %scan3A_2256 : i32 to index
      %get3A_2260 = arith.constant 0 : index
      %get3A_2261 = tpu.vector_load %arg11[%get3A_2259, %get3A_2260] {strides = array<i32>} : memref<1664x32xf32, #tpu.memory_space<vmem>>, vector<16xf32>,
      %get3A_2262 = arith.index_cast %scan3A_2256 : i32 to index
      %get3A_2263 = arith.constant 16 : index
      %get3A_2264 = tpu.vector_load %arg11[%get3A_2262, %get3A_2263] {strides = array<i32>} : memref<1664x32xf32, #tpu.memory_space<vmem>>, vector<16xf32>,
      %mul3A_2265 = arith.mulf %get3A_2261, %get3A_2261 : vector<16xf32>
      %mul3A_2266 = arith.mulf %get3A_2264, %get3A_2264 : vector<16xf32>
      %add3A_2267 = arith.constant 64 : i32
      %add3A_2268 = arith.addi %add3A_2267, %scan3A_2256 : i32
      %get3A_2269 = arith.index_cast %add3A_2268 : i32 to index
      %get3A_2270 = arith.constant 0 : index
      %get3A_2271 = tpu.vector_load %arg11[%get3A_2269, %get3A_2270] {strides = array<i32>} : memref<1664x32xf32, #tpu.memory_space<vmem>>, vector<16xf32>,
      %add3A_2272 = arith.constant 64 : i32
      %add3A_2273 = arith.addi %add3A_2272, %scan3A_2256 : i32
      %get3A_2274 = arith.index_cast %add3A_2273 : i32 to index
      %get3A_2275 = arith.constant 16 : index
      %get3A_2276 = tpu.vector_load %arg11[%get3A_2274, %get3A_2275] {strides = array<i32>} : memref<1664x32xf32, #tpu.memory_space<vmem>>, vector<16xf32>,
      %add3A_2277 = arith.addf %get3A_2261, %get3A_2271 : vector<16xf32>
      %add3A_2278 = arith.addf %get3A_2264, %get3A_2276 : vector<16xf32>
      %mul3A_2279 = arith.mulf %get3A_2271, %get3A_2271 : vector<16xf32>
      %add3A_2280 = arith.addf %mul3A_2265, %mul3A_2279 : vector<16xf32>
      %mul3A_2281 = arith.mulf %get3A_2276, %get3A_2276 : vector<16xf32>
      %add3A_2282 = arith.addf %mul3A_2266, %mul3A_2281 : vector<16xf32>
      %add3A_2283 = arith.constant 128 : i32
      %add3A_2284 = arith.addi %add3A_2283, %scan3A_2256 : i32
      %get3A_2285 = arith.index_cast %add3A_2284 : i32 to index
      %get3A_2286 = arith.constant 0 : index
      %get3A_2287 = tpu.vector_load %arg11[%get3A_2285, %get3A_2286] {strides = array<i32>} : memref<1664x32xf32, #tpu.memory_space<vmem>>, vector<16xf32>,
      %add3A_2288 = arith.constant 128 : i32
      %add3A_2289 = arith.addi %add3A_2288, %scan3A_2256 : i32
      %get3A_2290 = arith.index_cast %add3A_2289 : i32 to index
      %get3A_2291 = arith.constant 16 : index
      %get3A_2292 = tpu.vector_load %arg11[%get3A_2290, %get3A_2291] {strides = array<i32>} : memref<1664x32xf32, #tpu.memory_space<vmem>>, vector<16xf32>,
      %add3A_2293 = arith.addf %add3A_2277, %get3A_2287 : vector<16xf32>
      %add3A_2294 = arith.addf %add3A_2278, %get3A_2292 : vector<16xf32>
      %mul3A_2295 = arith.mulf %get3A_2287, %get3A_2287 : vector<16xf32>
      %add3A_2296 = arith.addf %add3A_2280, %mul3A_2295 : vector<16xf32>
      %mul3A_2297 = arith.mulf %get3A_2292, %get3A_2292 : vector<16xf32>
      %add3A_2298 = arith.addf %add3A_2282, %mul3A_2297 : vector<16xf32>
      %add3A_2299 = arith.constant 192 : i32
      %add3A_2300 = arith.addi %add3A_2299, %scan3A_2256 : i32
      %get3A_2301 = arith.index_cast %add3A_2300 : i32 to index
      %get3A_2302 = arith.constant 0 : index
      %get3A_2303 = tpu.vector_load %arg11[%get3A_2301, %get3A_2302] {strides = array<i32>} : memref<1664x32xf32, #tpu.memory_space<vmem>>, vector<16xf32>,
      %add3A_2304 = arith.constant 192 : i32
      %add3A_2305 = arith.addi %add3A_2304, %scan3A_2256 : i32
      %get3A_2306 = arith.index_cast %add3A_2305 : i32 to index
      %get3A_2307 = arith.constant 16 : index
      %get3A_2308 = tpu.vector_load %arg11[%get3A_2306, %get3A_2307] {strides = array<i32>} : memref<1664x32xf32, #tpu.memory_space<vmem>>, vector<16xf32>,
      %add3A_2309 = arith.addf %add3A_2293, %get3A_2303 : vector<16xf32>
      %add3A_2310 = arith.addf %add3A_2294, %get3A_2308 : vector<16xf32>
      %mul3A_2311 = arith.mulf %get3A_2303, %get3A_2303 : vector<16xf32>
      %add3A_2312 = arith.addf %add3A_2296, %mul3A_2311 : vector<16xf32>
      %mul3A_2313 = arith.mulf %get3A_2308, %get3A_2308 : vector<16xf32>
      %add3A_2314 = arith.addf %add3A_2298, %mul3A_2313 : vector<16xf32>
      %add3A_2315 = arith.constant 256 : i32
      %add3A_2316 = arith.addi %add3A_2315, %scan3A_2256 : i32
      %get3A_2317 = arith.index_cast %add3A_2316 : i32 to index
      %get3A_2318 = arith.constant 0 : index
      %get3A_2319 = tpu.vector_load %arg11[%get3A_2317, %get3A_2318] {strides = array<i32>} : memref<1664x32xf32, #tpu.memory_space<vmem>>, vector<16xf32>,
      %add3A_2320 = arith.constant 256 : i32
      %add3A_2321 = arith.addi %add3A_2320, %scan3A_2256 : i32
      %get3A_2322 = arith.index_cast %add3A_2321 : i32 to index
      %get3A_2323 = arith.constant 16 : index
      %get3A_2324 = tpu.vector_load %arg11[%get3A_2322, %get3A_2323] {strides = array<i32>} : memref<1664x32xf32, #tpu.memory_space<vmem>>, vector<16xf32>,
      %add3A_2325 = arith.addf %add3A_2309, %get3A_2319 : vector<16xf32>
      %add3A_2326 = arith.addf %add3A_2310, %get3A_2324 : vector<16xf32>
      %mul3A_2327 = arith.mulf %get3A_2319, %get3A_2319 : vector<16xf32>
      %add3A_2328 = arith.addf %add3A_2312, %mul3A_2327 : vector<16xf32>
      %mul3A_2329 = arith.mulf %get3A_2324, %get3A_2324 : vector<16xf32>
      %add3A_2330 = arith.addf %add3A_2314, %mul3A_2329 : vector<16xf32>
      %add3A_2331 = arith.constant 320 : i32
      %add3A_2332 = arith.addi %add3A_2331, %scan3A_2256 : i32
      %get3A_2333 = arith.index_cast %add3A_2332 : i32 to index
      %get3A_2334 = arith.constant 0 : index
      %get3A_2335 = tpu.vector_load %arg11[%get3A_2333, %get3A_2334] {strides = array<i32>} : memref<1664x32xf32, #tpu.memory_space<vmem>>, vector<16xf32>,
      %add3A_2336 = arith.constant 320 : i32
      %add3A_2337 = arith.addi %add3A_2336, %scan3A_2256 : i32
      %get3A_2338 = arith.index_cast %add3A_2337 : i32 to index
      %get3A_2339 = arith.constant 16 : index
      %get3A_2340 = tpu.vector_load %arg11[%get3A_2338, %get3A_2339] {strides = array<i32>} : memref<1664x32xf32, #tpu.memory_space<vmem>>, vector<16xf32>,
      %add3A_2341 = arith.addf %add3A_2325, %get3A_2335 : vector<16xf32>
      %add3A_2342 = arith.addf %add3A_2326, %get3A_2340 : vector<16xf32>
      %mul3A_2343 = arith.mulf %get3A_2335, %get3A_2335 : vector<16xf32>
      %add3A_2344 = arith.addf %add3A_2328, %mul3A_2343 : vector<16xf32>
      %mul3A_2345 = arith.mulf %get3A_2340, %get3A_2340 : vector<16xf32>
      %add3A_2346 = arith.addf %add3A_2330, %mul3A_2345 : vector<16xf32>
      %add3A_2347 = arith.constant 384 : i32
      %add3A_2348 = arith.addi %add3A_2347, %scan3A_2256 : i32
      %get3A_2349 = arith.index_cast %add3A_2348 : i32 to index
      %get3A_2350 = arith.constant 0 : index
      %get3A_2351 = tpu.vector_load %arg11[%get3A_2349, %get3A_2350] {strides = array<i32>} : memref<1664x32xf32, #tpu.memory_space<vmem>>, vector<16xf32>,
      %add3A_2352 = arith.constant 384 : i32
      %add3A_2353 = arith.addi %add3A_2352, %scan3A_2256 : i32
      %get3A_2354 = arith.index_cast %add3A_2353 : i32 to index
      %get3A_2355 = arith.constant 16 : index
      %get3A_2356 = tpu.vector_load %arg11[%get3A_2354, %get3A_2355] {strides = array<i32>} : memref<1664x32xf32, #tpu.memory_space<vmem>>, vector<16xf32>,
      %add3A_2357 = arith.addf %add3A_2341, %get3A_2351 : vector<16xf32>
      %add3A_2358 = arith.addf %add3A_2342, %get3A_2356 : vector<16xf32>
      %mul3A_2359 = arith.mulf %get3A_2351, %get3A_2351 : vector<16xf32>
      %add3A_2360 = arith.addf %add3A_2344, %mul3A_2359 : vector<16xf32>
      %mul3A_2361 = arith.mulf %get3A_2356, %get3A_2356 : vector<16xf32>
      %add3A_2362 = arith.addf %add3A_2346, %mul3A_2361 : vector<16xf32>
      %add3A_2363 = arith.constant 448 : i32
      %add3A_2364 = arith.addi %add3A_2363, %scan3A_2256 : i32
      %get3A_2365 = arith.index_cast %add3A_2364 : i32 to index
      %get3A_2366 = arith.constant 0 : index
      %get3A_2367 = tpu.vector_load %arg11[%get3A_2365, %get3A_2366] {strides = array<i32>} : memref<1664x32xf32, #tpu.memory_space<vmem>>, vector<16xf32>,
      %add3A_2368 = arith.constant 448 : i32
      %add3A_2369 = arith.addi %add3A_2368, %scan3A_2256 : i32
      %get3A_2370 = arith.index_cast %add3A_2369 : i32 to index
      %get3A_2371 = arith.constant 16 : index
      %get3A_2372 = tpu.vector_load %arg11[%get3A_2370, %get3A_2371] {strides = array<i32>} : memref<1664x32xf32, #tpu.memory_space<vmem>>, vector<16xf32>,
      %add3A_2373 = arith.addf %add3A_2357, %get3A_2367 : vector<16xf32>
      %add3A_2374 = arith.addf %add3A_2358, %get3A_2372 : vector<16xf32>
      %mul3A_2375 = arith.mulf %get3A_2367, %get3A_2367 : vector<16xf32>
      %add3A_2376 = arith.addf %add3A_2360, %mul3A_2375 : vector<16xf32>
      %mul3A_2377 = arith.mulf %get3A_2372, %get3A_2372 : vector<16xf32>
      %add3A_2378 = arith.addf %add3A_2362, %mul3A_2377 : vector<16xf32>
      %add3A_2379 = arith.constant 512 : i32
      %add3A_2380 = arith.addi %add3A_2379, %scan3A_2256 : i32
      %get3A_2381 = arith.index_cast %add3A_2380 : i32 to index
      %get3A_2382 = arith.constant 0 : index
      %get3A_2383 = tpu.vector_load %arg11[%get3A_2381, %get3A_2382] {strides = array<i32>} : memref<1664x32xf32, #tpu.memory_space<vmem>>, vector<16xf32>,
      %add3A_2384 = arith.constant 512 : i32
      %add3A_2385 = arith.addi %add3A_2384, %scan3A_2256 : i32
      %get3A_2386 = arith.index_cast %add3A_2385 : i32 to index
      %get3A_2387 = arith.constant 16 : index
      %get3A_2388 = tpu.vector_load %arg11[%get3A_2386, %get3A_2387] {strides = array<i32>} : memref<1664x32xf32, #tpu.memory_space<vmem>>, vector<16xf32>,
      %add3A_2389 = arith.addf %add3A_2373, %get3A_2383 : vector<16xf32>
      %add3A_2390 = arith.addf %add3A_2374, %get3A_2388 : vector<16xf32>
      %mul3A_2391 = arith.mulf %get3A_2383, %get3A_2383 : vector<16xf32>
      %add3A_2392 = arith.addf %add3A_2376, %mul3A_2391 : vector<16xf32>
      %mul3A_2393 = arith.mulf %get3A_2388, %get3A_2388 : vector<16xf32>
      %add3A_2394 = arith.addf %add3A_2378, %mul3A_2393 : vector<16xf32>
      %add3A_2395 = arith.constant 576 : i32
      %add3A_2396 = arith.addi %add3A_2395, %scan3A_2256 : i32
      %get3A_2397 = arith.index_cast %add3A_2396 : i32 to index
      %get3A_2398 = arith.constant 0 : index
      %get3A_2399 = tpu.vector_load %arg11[%get3A_2397, %get3A_2398] {strides = array<i32>} : memref<1664x32xf32, #tpu.memory_space<vmem>>, vector<16xf32>,
      %add3A_2400 = arith.constant 576 : i32
      %add3A_2401 = arith.addi %add3A_2400, %scan3A_2256 : i32
      %get3A_2402 = arith.index_cast %add3A_2401 : i32 to index
      %get3A_2403 = arith.constant 16 : index
      %get3A_2404 = tpu.vector_load %arg11[%get3A_2402, %get3A_2403] {strides = array<i32>} : memref<1664x32xf32, #tpu.memory_space<vmem>>, vector<16xf32>,
      %add3A_2405 = arith.addf %add3A_2389, %get3A_2399 : vector<16xf32>
      %add3A_2406 = arith.addf %add3A_2390, %get3A_2404 : vector<16xf32>
      %mul3A_2407 = arith.mulf %get3A_2399, %get3A_2399 : vector<16xf32>
      %add3A_2408 = arith.addf %add3A_2392, %mul3A_2407 : vector<16xf32>
      %mul3A_2409 = arith.mulf %get3A_2404, %get3A_2404 : vector<16xf32>
      %add3A_2410 = arith.addf %add3A_2394, %mul3A_2409 : vector<16xf32>
      %add3A_2411 = arith.constant 640 : i32
      %add3A_2412 = arith.addi %add3A_2411, %scan3A_2256 : i32
      %get3A_2413 = arith.index_cast %add3A_2412 : i32 to index
      %get3A_2414 = arith.constant 0 : index
      %get3A_2415 = tpu.vector_load %arg11[%get3A_2413, %get3A_2414] {strides = array<i32>} : memref<1664x32xf32, #tpu.memory_space<vmem>>, vector<16xf32>,
      %add3A_2416 = arith.constant 640 : i32
      %add3A_2417 = arith.addi %add3A_2416, %scan3A_2256 : i32
      %get3A_2418 = arith.index_cast %add3A_2417 : i32 to index
      %get3A_2419 = arith.constant 16 : index
      %get3A_2420 = tpu.vector_load %arg11[%get3A_2418, %get3A_2419] {strides = array<i32>} : memref<1664x32xf32, #tpu.memory_space<vmem>>, vector<16xf32>,
      %add3A_2421 = arith.addf %add3A_2405, %get3A_2415 : vector<16xf32>
      %add3A_2422 = arith.addf %add3A_2406, %get3A_2420 : vector<16xf32>
      %mul3A_2423 = arith.mulf %get3A_2415, %get3A_2415 : vector<16xf32>
      %add3A_2424 = arith.addf %add3A_2408, %mul3A_2423 : vector<16xf32>
      %mul3A_2425 = arith.mulf %get3A_2420, %get3A_2420 : vector<16xf32>
      %add3A_2426 = arith.addf %add3A_2410, %mul3A_2425 : vector<16xf32>
      %add3A_2427 = arith.constant 704 : i32
      %add3A_2428 = arith.addi %add3A_2427, %scan3A_2256 : i32
      %get3A_2429 = arith.index_cast %add3A_2428 : i32 to index
      %get3A_2430 = arith.constant 0 : index
      %get3A_2431 = tpu.vector_load %arg11[%get3A_2429, %get3A_2430] {strides = array<i32>} : memref<1664x32xf32, #tpu.memory_space<vmem>>, vector<16xf32>,
      %add3A_2432 = arith.constant 704 : i32
      %add3A_2433 = arith.addi %add3A_2432, %scan3A_2256 : i32
      %get3A_2434 = arith.index_cast %add3A_2433 : i32 to index
      %get3A_2435 = arith.constant 16 : index
      %get3A_2436 = tpu.vector_load %arg11[%get3A_2434, %get3A_2435] {strides = array<i32>} : memref<1664x32xf32, #tpu.memory_space<vmem>>, vector<16xf32>,
      %add3A_2437 = arith.addf %add3A_2421, %get3A_2431 : vector<16xf32>
      %add3A_2438 = arith.addf %add3A_2422, %get3A_2436 : vector<16xf32>
      %mul3A_2439 = arith.mulf %get3A_2431, %get3A_2431 : vector<16xf32>
      %add3A_2440 = arith.addf %add3A_2424, %mul3A_2439 : vector<16xf32>
      %mul3A_2441 = arith.mulf %get3A_2436, %get3A_2436 : vector<16xf32>
      %add3A_2442 = arith.addf %add3A_2426, %mul3A_2441 : vector<16xf32>
      %add3A_2443 = arith.constant 768 : i32
      %add3A_2444 = arith.addi %add3A_2443, %scan3A_2256 : i32
      %get3A_2445 = arith.index_cast %add3A_2444 : i32 to index
      %get3A_2446 = arith.constant 0 : index
      %get3A_2447 = tpu.vector_load %arg11[%get3A_2445, %get3A_2446] {strides = array<i32>} : memref<1664x32xf32, #tpu.memory_space<vmem>>, vector<16xf32>,
      %add3A_2448 = arith.constant 768 : i32
      %add3A_2449 = arith.addi %add3A_2448, %scan3A_2256 : i32
      %get3A_2450 = arith.index_cast %add3A_2449 : i32 to index
      %get3A_2451 = arith.constant 16 : index
      %get3A_2452 = tpu.vector_load %arg11[%get3A_2450, %get3A_2451] {strides = array<i32>} : memref<1664x32xf32, #tpu.memory_space<vmem>>, vector<16xf32>,
      %add3A_2453 = arith.addf %add3A_2437, %get3A_2447 : vector<16xf32>
      %add3A_2454 = arith.addf %add3A_2438, %get3A_2452 : vector<16xf32>
      %mul3A_2455 = arith.mulf %get3A_2447, %get3A_2447 : vector<16xf32>
      %add3A_2456 = arith.addf %add3A_2440, %mul3A_2455 : vector<16xf32>
      %mul3A_2457 = arith.mulf %get3A_2452, %get3A_2452 : vector<16xf32>
      %add3A_2458 = arith.addf %add3A_2442, %mul3A_2457 : vector<16xf32>
      %add3A_2459 = arith.constant 832 : i32
      %add3A_2460 = arith.addi %add3A_2459, %scan3A_2256 : i32
      %get3A_2461 = arith.index_cast %add3A_2460 : i32 to index
      %get3A_2462 = arith.constant 0 : index
      %get3A_2463 = tpu.vector_load %arg11[%get3A_2461, %get3A_2462] {strides = array<i32>} : memref<1664x32xf32, #tpu.memory_space<vmem>>, vector<16xf32>,
      %add3A_2464 = arith.constant 832 : i32
      %add3A_2465 = arith.addi %add3A_2464, %scan3A_2256 : i32
      %get3A_2466 = arith.index_cast %add3A_2465 : i32 to index
      %get3A_2467 = arith.constant 16 : index
      %get3A_2468 = tpu.vector_load %arg11[%get3A_2466, %get3A_2467] {strides = array<i32>} : memref<1664x32xf32, #tpu.memory_space<vmem>>, vector<16xf32>,
      %add3A_2469 = arith.addf %add3A_2453, %get3A_2463 : vector<16xf32>
      %add3A_2470 = arith.addf %add3A_2454, %get3A_2468 : vector<16xf32>
      %mul3A_2471 = arith.mulf %get3A_2463, %get3A_2463 : vector<16xf32>
      %add3A_2472 = arith.addf %add3A_2456, %mul3A_2471 : vector<16xf32>
      %mul3A_2473 = arith.mulf %get3A_2468, %get3A_2468 : vector<16xf32>
      %add3A_2474 = arith.addf %add3A_2458, %mul3A_2473 : vector<16xf32>
      %add3A_2475 = arith.constant 896 : i32
      %add3A_2476 = arith.addi %add3A_2475, %scan3A_2256 : i32
      %get3A_2477 = arith.index_cast %add3A_2476 : i32 to index
      %get3A_2478 = arith.constant 0 : index
      %get3A_2479 = tpu.vector_load %arg11[%get3A_2477, %get3A_2478] {strides = array<i32>} : memref<1664x32xf32, #tpu.memory_space<vmem>>, vector<16xf32>,
      %add3A_2480 = arith.constant 896 : i32
      %add3A_2481 = arith.addi %add3A_2480, %scan3A_2256 : i32
      %get3A_2482 = arith.index_cast %add3A_2481 : i32 to index
      %get3A_2483 = arith.constant 16 : index
      %get3A_2484 = tpu.vector_load %arg11[%get3A_2482, %get3A_2483] {strides = array<i32>} : memref<1664x32xf32, #tpu.memory_space<vmem>>, vector<16xf32>,
      %add3A_2485 = arith.addf %add3A_2469, %get3A_2479 : vector<16xf32>
      %add3A_2486 = arith.addf %add3A_2470, %get3A_2484 : vector<16xf32>
      %mul3A_2487 = arith.mulf %get3A_2479, %get3A_2479 : vector<16xf32>
      %add3A_2488 = arith.addf %add3A_2472, %mul3A_2487 : vector<16xf32>
      %mul3A_2489 = arith.mulf %get3A_2484, %get3A_2484 : vector<16xf32>
      %add3A_2490 = arith.addf %add3A_2474, %mul3A_2489 : vector<16xf32>
      %add3A_2491 = arith.constant 960 : i32
      %add3A_2492 = arith.addi %add3A_2491, %scan3A_2256 : i32
      %get3A_2493 = arith.index_cast %add3A_2492 : i32 to index
      %get3A_2494 = arith.constant 0 : index
      %get3A_2495 = tpu.vector_load %arg11[%get3A_2493, %get3A_2494] {strides = array<i32>} : memref<1664x32xf32, #tpu.memory_space<vmem>>, vector<16xf32>,
      %add3A_2496 = arith.constant 960 : i32
      %add3A_2497 = arith.addi %add3A_2496, %scan3A_2256 : i32
      %get3A_2498 = arith.index_cast %add3A_2497 : i32 to index
      %get3A_2499 = arith.constant 16 : index
      %get3A_2500 = tpu.vector_load %arg11[%get3A_2498, %get3A_2499] {strides = array<i32>} : memref<1664x32xf32, #tpu.memory_space<vmem>>, vector<16xf32>,
      %add3A_2501 = arith.addf %add3A_2485, %get3A_2495 : vector<16xf32>
      %add3A_2502 = arith.addf %add3A_2486, %get3A_2500 : vector<16xf32>
      %mul3A_2503 = arith.mulf %get3A_2495, %get3A_2495 : vector<16xf32>
      %add3A_2504 = arith.addf %add3A_2488, %mul3A_2503 : vector<16xf32>
      %mul3A_2505 = arith.mulf %get3A_2500, %get3A_2500 : vector<16xf32>
      %add3A_2506 = arith.addf %add3A_2490, %mul3A_2505 : vector<16xf32>
      %add3A_2507 = arith.constant 1024 : i32
      %add3A_2508 = arith.addi %add3A_2507, %scan3A_2256 : i32
      %get3A_2509 = arith.index_cast %add3A_2508 : i32 to index
      %get3A_2510 = arith.constant 0 : index
      %get3A_2511 = tpu.vector_load %arg11[%get3A_2509, %get3A_2510] {strides = array<i32>} : memref<1664x32xf32, #tpu.memory_space<vmem>>, vector<16xf32>,
      %add3A_2512 = arith.constant 1024 : i32
      %add3A_2513 = arith.addi %add3A_2512, %scan3A_2256 : i32
      %get3A_2514 = arith.index_cast %add3A_2513 : i32 to index
      %get3A_2515 = arith.constant 16 : index
      %get3A_2516 = tpu.vector_load %arg11[%get3A_2514, %get3A_2515] {strides = array<i32>} : memref<1664x32xf32, #tpu.memory_space<vmem>>, vector<16xf32>,
      %add3A_2517 = arith.addf %add3A_2501, %get3A_2511 : vector<16xf32>
      %add3A_2518 = arith.addf %add3A_2502, %get3A_2516 : vector<16xf32>
      %mul3A_2519 = arith.mulf %get3A_2511, %get3A_2511 : vector<16xf32>
      %add3A_2520 = arith.addf %add3A_2504, %mul3A_2519 : vector<16xf32>
      %mul3A_2521 = arith.mulf %get3A_2516, %get3A_2516 : vector<16xf32>
      %add3A_2522 = arith.addf %add3A_2506, %mul3A_2521 : vector<16xf32>
      %add3A_2523 = arith.constant 1088 : i32
      %add3A_2524 = arith.addi %add3A_2523, %scan3A_2256 : i32
      %get3A_2525 = arith.index_cast %add3A_2524 : i32 to index
      %get3A_2526 = arith.constant 0 : index
      %get3A_2527 = tpu.vector_load %arg11[%get3A_2525, %get3A_2526] {strides = array<i32>} : memref<1664x32xf32, #tpu.memory_space<vmem>>, vector<16xf32>,
      %add3A_2528 = arith.constant 1088 : i32
      %add3A_2529 = arith.addi %add3A_2528, %scan3A_2256 : i32
      %get3A_2530 = arith.index_cast %add3A_2529 : i32 to index
      %get3A_2531 = arith.constant 16 : index
      %get3A_2532 = tpu.vector_load %arg11[%get3A_2530, %get3A_2531] {strides = array<i32>} : memref<1664x32xf32, #tpu.memory_space<vmem>>, vector<16xf32>,
      %add3A_2533 = arith.addf %add3A_2517, %get3A_2527 : vector<16xf32>
      %add3A_2534 = arith.addf %add3A_2518, %get3A_2532 : vector<16xf32>
      %mul3A_2535 = arith.mulf %get3A_2527, %get3A_2527 : vector<16xf32>
      %add3A_2536 = arith.addf %add3A_2520, %mul3A_2535 : vector<16xf32>
      %mul3A_2537 = arith.mulf %get3A_2532, %get3A_2532 : vector<16xf32>
      %add3A_2538 = arith.addf %add3A_2522, %mul3A_2537 : vector<16xf32>
      %add3A_2539 = arith.constant 1152 : i32
      %add3A_2540 = arith.addi %add3A_2539, %scan3A_2256 : i32
      %get3A_2541 = arith.index_cast %add3A_2540 : i32 to index
      %get3A_2542 = arith.constant 0 : index
      %get3A_2543 = tpu.vector_load %arg11[%get3A_2541, %get3A_2542] {strides = array<i32>} : memref<1664x32xf32, #tpu.memory_space<vmem>>, vector<16xf32>,
      %add3A_2544 = arith.constant 1152 : i32
      %add3A_2545 = arith.addi %add3A_2544, %scan3A_2256 : i32
      %get3A_2546 = arith.index_cast %add3A_2545 : i32 to index
      %get3A_2547 = arith.constant 16 : index
      %get3A_2548 = tpu.vector_load %arg11[%get3A_2546, %get3A_2547] {strides = array<i32>} : memref<1664x32xf32, #tpu.memory_space<vmem>>, vector<16xf32>,
      %add3A_2549 = arith.addf %add3A_2533, %get3A_2543 : vector<16xf32>
      %add3A_2550 = arith.addf %add3A_2534, %get3A_2548 : vector<16xf32>
      %mul3A_2551 = arith.mulf %get3A_2543, %get3A_2543 : vector<16xf32>
      %add3A_2552 = arith.addf %add3A_2536, %mul3A_2551 : vector<16xf32>
      %mul3A_2553 = arith.mulf %get3A_2548, %get3A_2548 : vector<16xf32>
      %add3A_2554 = arith.addf %add3A_2538, %mul3A_2553 : vector<16xf32>
      %add3A_2555 = arith.constant 1216 : i32
      %add3A_2556 = arith.addi %add3A_2555, %scan3A_2256 : i32
      %get3A_2557 = arith.index_cast %add3A_2556 : i32 to index
      %get3A_2558 = arith.constant 0 : index
      %get3A_2559 = tpu.vector_load %arg11[%get3A_2557, %get3A_2558] {strides = array<i32>} : memref<1664x32xf32, #tpu.memory_space<vmem>>, vector<16xf32>,
      %add3A_2560 = arith.constant 1216 : i32
      %add3A_2561 = arith.addi %add3A_2560, %scan3A_2256 : i32
      %get3A_2562 = arith.index_cast %add3A_2561 : i32 to index
      %get3A_2563 = arith.constant 16 : index
      %get3A_2564 = tpu.vector_load %arg11[%get3A_2562, %get3A_2563] {strides = array<i32>} : memref<1664x32xf32, #tpu.memory_space<vmem>>, vector<16xf32>,
      %add3A_2565 = arith.addf %add3A_2549, %get3A_2559 : vector<16xf32>
      %add3A_2566 = arith.addf %add3A_2550, %get3A_2564 : vector<16xf32>
      %mul3A_2567 = arith.mulf %get3A_2559, %get3A_2559 : vector<16xf32>
      %add3A_2568 = arith.addf %add3A_2552, %mul3A_2567 : vector<16xf32>
      %mul3A_2569 = arith.mulf %get3A_2564, %get3A_2564 : vector<16xf32>
      %add3A_2570 = arith.addf %add3A_2554, %mul3A_2569 : vector<16xf32>
      %add3A_2571 = arith.constant 1280 : i32
      %add3A_2572 = arith.addi %add3A_2571, %scan3A_2256 : i32
      %get3A_2573 = arith.index_cast %add3A_2572 : i32 to index
      %get3A_2574 = arith.constant 0 : index
      %get3A_2575 = tpu.vector_load %arg11[%get3A_2573, %get3A_2574] {strides = array<i32>} : memref<1664x32xf32, #tpu.memory_space<vmem>>, vector<16xf32>,
      %add3A_2576 = arith.constant 1280 : i32
      %add3A_2577 = arith.addi %add3A_2576, %scan3A_2256 : i32
      %get3A_2578 = arith.index_cast %add3A_2577 : i32 to index
      %get3A_2579 = arith.constant 16 : index
      %get3A_2580 = tpu.vector_load %arg11[%get3A_2578, %get3A_2579] {strides = array<i32>} : memref<1664x32xf32, #tpu.memory_space<vmem>>, vector<16xf32>,
      %add3A_2581 = arith.addf %add3A_2565, %get3A_2575 : vector<16xf32>
      %add3A_2582 = arith.addf %add3A_2566, %get3A_2580 : vector<16xf32>
      %mul3A_2583 = arith.mulf %get3A_2575, %get3A_2575 : vector<16xf32>
      %add3A_2584 = arith.addf %add3A_2568, %mul3A_2583 : vector<16xf32>
      %mul3A_2585 = arith.mulf %get3A_2580, %get3A_2580 : vector<16xf32>
      %add3A_2586 = arith.addf %add3A_2570, %mul3A_2585 : vector<16xf32>
      %add3A_2587 = arith.constant 1344 : i32
      %add3A_2588 = arith.addi %add3A_2587, %scan3A_2256 : i32
      %get3A_2589 = arith.index_cast %add3A_2588 : i32 to index
      %get3A_2590 = arith.constant 0 : index
      %get3A_2591 = tpu.vector_load %arg11[%get3A_2589, %get3A_2590] {strides = array<i32>} : memref<1664x32xf32, #tpu.memory_space<vmem>>, vector<16xf32>,
      %add3A_2592 = arith.constant 1344 : i32
      %add3A_2593 = arith.addi %add3A_2592, %scan3A_2256 : i32
      %get3A_2594 = arith.index_cast %add3A_2593 : i32 to index
      %get3A_2595 = arith.constant 16 : index
      %get3A_2596 = tpu.vector_load %arg11[%get3A_2594, %get3A_2595] {strides = array<i32>} : memref<1664x32xf32, #tpu.memory_space<vmem>>, vector<16xf32>,
      %add3A_2597 = arith.addf %add3A_2581, %get3A_2591 : vector<16xf32>
      %add3A_2598 = arith.addf %add3A_2582, %get3A_2596 : vector<16xf32>
      %mul3A_2599 = arith.mulf %get3A_2591, %get3A_2591 : vector<16xf32>
      %add3A_2600 = arith.addf %add3A_2584, %mul3A_2599 : vector<16xf32>
      %mul3A_2601 = arith.mulf %get3A_2596, %get3A_2596 : vector<16xf32>
      %add3A_2602 = arith.addf %add3A_2586, %mul3A_2601 : vector<16xf32>
      %add3A_2603 = arith.constant 1408 : i32
      %add3A_2604 = arith.addi %add3A_2603, %scan3A_2256 : i32
      %get3A_2605 = arith.index_cast %add3A_2604 : i32 to index
      %get3A_2606 = arith.constant 0 : index
      %get3A_2607 = tpu.vector_load %arg11[%get3A_2605, %get3A_2606] {strides = array<i32>} : memref<1664x32xf32, #tpu.memory_space<vmem>>, vector<16xf32>,
      %add3A_2608 = arith.constant 1408 : i32
      %add3A_2609 = arith.addi %add3A_2608, %scan3A_2256 : i32
      %get3A_2610 = arith.index_cast %add3A_2609 : i32 to index
      %get3A_2611 = arith.constant 16 : index
      %get3A_2612 = tpu.vector_load %arg11[%get3A_2610, %get3A_2611] {strides = array<i32>} : memref<1664x32xf32, #tpu.memory_space<vmem>>, vector<16xf32>,
      %add3A_2613 = arith.addf %add3A_2597, %get3A_2607 : vector<16xf32>
      %add3A_2614 = arith.addf %add3A_2598, %get3A_2612 : vector<16xf32>
      %mul3A_2615 = arith.mulf %get3A_2607, %get3A_2607 : vector<16xf32>
      %add3A_2616 = arith.addf %add3A_2600, %mul3A_2615 : vector<16xf32>
      %mul3A_2617 = arith.mulf %get3A_2612, %get3A_2612 : vector<16xf32>
      %add3A_2618 = arith.addf %add3A_2602, %mul3A_2617 : vector<16xf32>
      %add3A_2619 = arith.constant 1472 : i32
      %add3A_2620 = arith.addi %add3A_2619, %scan3A_2256 : i32
      %get3A_2621 = arith.index_cast %add3A_2620 : i32 to index
      %get3A_2622 = arith.constant 0 : index
      %get3A_2623 = tpu.vector_load %arg11[%get3A_2621, %get3A_2622] {strides = array<i32>} : memref<1664x32xf32, #tpu.memory_space<vmem>>, vector<16xf32>,
      %add3A_2624 = arith.constant 1472 : i32
      %add3A_2625 = arith.addi %add3A_2624, %scan3A_2256 : i32
      %get3A_2626 = arith.index_cast %add3A_2625 : i32 to index
      %get3A_2627 = arith.constant 16 : index
      %get3A_2628 = tpu.vector_load %arg11[%get3A_2626, %get3A_2627] {strides = array<i32>} : memref<1664x32xf32, #tpu.memory_space<vmem>>, vector<16xf32>,
      %add3A_2629 = arith.addf %add3A_2613, %get3A_2623 : vector<16xf32>
      %add3A_2630 = arith.addf %add3A_2614, %get3A_2628 : vector<16xf32>
      %mul3A_2631 = arith.mulf %get3A_2623, %get3A_2623 : vector<16xf32>
      %add3A_2632 = arith.addf %add3A_2616, %mul3A_2631 : vector<16xf32>
      %mul3A_2633 = arith.mulf %get3A_2628, %get3A_2628 : vector<16xf32>
      %add3A_2634 = arith.addf %add3A_2618, %mul3A_2633 : vector<16xf32>
      %add3A_2635 = arith.constant 1536 : i32
      %add3A_2636 = arith.addi %add3A_2635, %scan3A_2256 : i32
      %get3A_2637 = arith.index_cast %add3A_2636 : i32 to index
      %get3A_2638 = arith.constant 0 : index
      %get3A_2639 = tpu.vector_load %arg11[%get3A_2637, %get3A_2638] {strides = array<i32>} : memref<1664x32xf32, #tpu.memory_space<vmem>>, vector<16xf32>,
      %add3A_2640 = arith.constant 1536 : i32
      %add3A_2641 = arith.addi %add3A_2640, %scan3A_2256 : i32
      %get3A_2642 = arith.index_cast %add3A_2641 : i32 to index
      %get3A_2643 = arith.constant 16 : index
      %get3A_2644 = tpu.vector_load %arg11[%get3A_2642, %get3A_2643] {strides = array<i32>} : memref<1664x32xf32, #tpu.memory_space<vmem>>, vector<16xf32>,
      %add3A_2645 = arith.addf %add3A_2629, %get3A_2639 : vector<16xf32>
      %add3A_2646 = arith.addf %add3A_2630, %get3A_2644 : vector<16xf32>
      %mul3A_2647 = arith.mulf %get3A_2639, %get3A_2639 : vector<16xf32>
      %add3A_2648 = arith.addf %add3A_2632, %mul3A_2647 : vector<16xf32>
      %mul3A_2649 = arith.mulf %get3A_2644, %get3A_2644 : vector<16xf32>
      %add3A_2650 = arith.addf %add3A_2634, %mul3A_2649 : vector<16xf32>
      %add3A_2651 = arith.constant 1600 : i32
      %add3A_2652 = arith.addi %add3A_2651, %scan3A_2256 : i32
      %get3A_2653 = arith.index_cast %add3A_2652 : i32 to index
      %get3A_2654 = arith.constant 0 : index
      %get3A_2655 = tpu.vector_load %arg11[%get3A_2653, %get3A_2654] {strides = array<i32>} : memref<1664x32xf32, #tpu.memory_space<vmem>>, vector<16xf32>,
      %add3A_2656 = arith.constant 1600 : i32
      %add3A_2657 = arith.addi %add3A_2656, %scan3A_2256 : i32
      %get3A_2658 = arith.index_cast %add3A_2657 : i32 to index
      %get3A_2659 = arith.constant 16 : index
      %get3A_2660 = tpu.vector_load %arg11[%get3A_2658, %get3A_2659] {strides = array<i32>} : memref<1664x32xf32, #tpu.memory_space<vmem>>, vector<16xf32>,
      %add3A_2661 = arith.addf %add3A_2645, %get3A_2655 : vector<16xf32>
      %add3A_2662 = arith.addf %add3A_2646, %get3A_2660 : vector<16xf32>
      %mul3A_2663 = arith.mulf %get3A_2655, %get3A_2655 : vector<16xf32>
      %add3A_2664 = arith.addf %add3A_2648, %mul3A_2663 : vector<16xf32>
      %mul3A_2665 = arith.mulf %get3A_2660, %get3A_2660 : vector<16xf32>
      %add3A_2666 = arith.addf %add3A_2650, %mul3A_2665 : vector<16xf32>
      %mul3A_2667 = arith.mulf %add3A_2661, %add3A_2661 : vector<16xf32>
      %mul3A_2668 = arith.mulf %add3A_2662, %add3A_2662 : vector<16xf32>
      %add3A_2669 = arith.addf %mul3A_2667, %mul3A_2668 : vector<16xf32>
      %sub3A = arith.subf %add3A_2669, %add3A_2664 : vector<16xf32>
      %sub3A_2670 = arith.subf %sub3A, %add3A_2666 : vector<16xf32>
      %mul3A_2671 = arith.constant 5.000000e-01 : f32
      %mul3A_2672 = vector.broadcast %mul3A_2671 : f32 to vector<16xf32>
      %mul3A_2673 = arith.mulf %mul3A_2672, %sub3A_2670 : vector<16xf32>
      %mul3A_2674 = arith.constant 26 : i32
      %mul3A_2675 = arith.muli %add3A_2258, %mul3A_2674 : i32
      %add3A_2676 = vector.broadcast %mul3A_2675 : i32 to vector<16xi32>
      %add3A_2677 = arith.addi %add3A_2676, %iota3A : vector<16xi32>
      %gather3A_2678 = tpu.vector_load_idx %arg12[%add3A_2677] : memref<3328xf32, #tpu.memory_space<vmem>>[vector<16xi32>], vector<16xf32>,
      %add3A_2679 = vector.broadcast %mul3A_2675 : i32 to vector<16xi32>
      %add3A_2680 = arith.addi %add3A_2679, %min3A_417 : vector<16xi32>
      %gather3A_2681 = tpu.vector_load_idx %arg12[%add3A_2680] : memref<3328xf32, #tpu.memory_space<vmem>>[vector<16xi32>], vector<16xf32>,
      %mul3A_2682 = arith.mulf %gather3A_2681, %get3A_410 : vector<16xf32>
      %get3A_2683 = arith.index_cast %add3A_2258 : i32 to index
      %get3A_2684 = arith.constant 0 : index
      %get3A_2685 = tpu.vector_load %arg13[%get3A_2683, %get3A_2684] {strides = array<i32>} : memref<128x16xf32, #tpu.memory_space<vmem>>, vector<16xf32>,
      %add3A_2686 = arith.addf %mul3A_2673, %gather3A_2678 : vector<16xf32>
      %add3A_2687 = arith.addf %add3A_2686, %mul3A_2682 : vector<16xf32>
      %mul3A_2688 = arith.mulf %get3A_2685, %get3A_408 : vector<16xf32>
      %add3A_2689 = arith.addf %add3A_2687, %mul3A_2688 : vector<16xf32>
      %add3A_2690 = arith.addf %add3A_2689, %get3A_412 : vector<16xf32>
      %swap3A_2691 = arith.index_cast %add3A_2258 : i32 to index
      %swap3A_2692 = arith.constant 0 : index
      %swap3A_2693 = tpu.vector_load %arg15[%swap3A_2691, %swap3A_2692] {strides = array<i32>} : memref<128x16xf32, #tpu.memory_space<vmem>>, vector<16xf32>,
      tpu.vector_store %arg15[%swap3A_2691, %swap3A_2692], %add3A_2690 {strides = array<i32>} : memref<128x16xf32, #tpu.memory_space<vmem>>, vector<16xf32>,
    }
    %scan3A_827 = arith.constant 64 : i32
    %dma_start3A_828 = arith.constant 0 : i32
    %dma_start3A_829 = arith.constant 0 : i32
    %dma_start3A_830 = arith.constant 0 : i32
    %dma_start3A_831 = arith.constant 0 : i32
    %dma_start3A_832 = tpu.memref_slice %arg11[%dma_start3A_830, %dma_start3A_831] : memref<1664x32xf32, #tpu.memory_space<vmem>> -> memref<64x32xf32, #tpu.memory_space<vmem>>
    %dma_start3A_833 = arith.constant 64 : i32
    %dma_start3A_834 = tpu.memref_slice %arg9[%dma_start3A_829, %dma_start3A_833] : memref<26x128xi32, #tpu.memory_space<vmem>> -> memref<1x64xi32, #tpu.memory_space<vmem>>
    %dma_start3A_835 = tpu.memref_squeeze %dma_start3A_834 : memref<1x64xi32, #tpu.memory_space<vmem>> -> memref<64xi32, #tpu.memory_space<vmem>>
    %dma_start3A_836 = arith.constant 0 : i32
    %dma_start3A_837 = arith.constant 0 : i32
    %dma_start3A_838 = tpu.memref_slice %arg6[%dma_start3A_828, %dma_start3A_836, %dma_start3A_837] : memref<26x100000x32xf32, #tpu.memory_space<hbm>> -> memref<1x100000x32xf32, #tpu.memory_space<hbm>>
    %dma_start3A_839 = tpu.memref_squeeze %dma_start3A_838 : memref<1x100000x32xf32, #tpu.memory_space<hbm>> -> memref<100000x32xf32, #tpu.memory_space<hbm>>
    %dma_start3A_840 = arith.constant 0 : i32
    %dma_start3A_841 = arith.constant 0 : i32
    %dma_start3A_842 = tpu.memref_slice %dma_start3A_839[%dma_start3A_840, %dma_start3A_841] : memref<100000x32xf32, #tpu.memory_space<hbm>> -> memref<100000x32xf32, #tpu.memory_space<hbm>>
    tpu.enqueue_indirect_dma source(%dma_start3A_842 : memref<100000x32xf32, #tpu.memory_space<hbm>>) target(%dma_start3A_832 : memref<64x32xf32, #tpu.memory_space<vmem>>) offsets(%dma_start3A_835 : memref<64xi32, #tpu.memory_space<vmem>>) semaphore(%arg17 : memref<!tpu.dma_semaphore, #tpu.memory_space<semaphore_mem>>)
    %dma_start3A_843 = arith.constant 1 : i32
    %dma_start3A_844 = arith.constant 1 : i32
    %dma_start3A_845 = arith.constant 64 : i32
    %dma_start3A_846 = arith.constant 0 : i32
    %dma_start3A_847 = tpu.memref_slice %arg11[%dma_start3A_845, %dma_start3A_846] : memref<1664x32xf32, #tpu.memory_space<vmem>> -> memref<64x32xf32, #tpu.memory_space<vmem>>
    %dma_start3A_848 = arith.constant 64 : i32
    %dma_start3A_849 = tpu.memref_slice %arg9[%dma_start3A_844, %dma_start3A_848] : memref<26x128xi32, #tpu.memory_space<vmem>> -> memref<1x64xi32, #tpu.memory_space<vmem>>
    %dma_start3A_850 = tpu.memref_squeeze %dma_start3A_849 : memref<1x64xi32, #tpu.memory_space<vmem>> -> memref<64xi32, #tpu.memory_space<vmem>>
    %dma_start3A_851 = arith.constant 0 : i32
    %dma_start3A_852 = arith.constant 0 : i32
    %dma_start3A_853 = tpu.memref_slice %arg6[%dma_start3A_843, %dma_start3A_851, %dma_start3A_852] : memref<26x100000x32xf32, #tpu.memory_space<hbm>> -> memref<1x100000x32xf32, #tpu.memory_space<hbm>>
    %dma_start3A_854 = tpu.memref_squeeze %dma_start3A_853 : memref<1x100000x32xf32, #tpu.memory_space<hbm>> -> memref<100000x32xf32, #tpu.memory_space<hbm>>
    %dma_start3A_855 = arith.constant 0 : i32
    %dma_start3A_856 = arith.constant 0 : i32
    %dma_start3A_857 = tpu.memref_slice %dma_start3A_854[%dma_start3A_855, %dma_start3A_856] : memref<100000x32xf32, #tpu.memory_space<hbm>> -> memref<100000x32xf32, #tpu.memory_space<hbm>>
    tpu.enqueue_indirect_dma source(%dma_start3A_857 : memref<100000x32xf32, #tpu.memory_space<hbm>>) target(%dma_start3A_847 : memref<64x32xf32, #tpu.memory_space<vmem>>) offsets(%dma_start3A_850 : memref<64xi32, #tpu.memory_space<vmem>>) semaphore(%arg17 : memref<!tpu.dma_semaphore, #tpu.memory_space<semaphore_mem>>)
    %dma_start3A_858 = arith.constant 2 : i32
    %dma_start3A_859 = arith.constant 2 : i32
    %dma_start3A_860 = arith.constant 128 : i32
    %dma_start3A_861 = arith.constant 0 : i32
    %dma_start3A_862 = tpu.memref_slice %arg11[%dma_start3A_860, %dma_start3A_861] : memref<1664x32xf32, #tpu.memory_space<vmem>> -> memref<64x32xf32, #tpu.memory_space<vmem>>
    %dma_start3A_863 = arith.constant 64 : i32
    %dma_start3A_864 = tpu.memref_slice %arg9[%dma_start3A_859, %dma_start3A_863] : memref<26x128xi32, #tpu.memory_space<vmem>> -> memref<1x64xi32, #tpu.memory_space<vmem>>
    %dma_start3A_865 = tpu.memref_squeeze %dma_start3A_864 : memref<1x64xi32, #tpu.memory_space<vmem>> -> memref<64xi32, #tpu.memory_space<vmem>>
    %dma_start3A_866 = arith.constant 0 : i32
    %dma_start3A_867 = arith.constant 0 : i32
    %dma_start3A_868 = tpu.memref_slice %arg6[%dma_start3A_858, %dma_start3A_866, %dma_start3A_867] : memref<26x100000x32xf32, #tpu.memory_space<hbm>> -> memref<1x100000x32xf32, #tpu.memory_space<hbm>>
    %dma_start3A_869 = tpu.memref_squeeze %dma_start3A_868 : memref<1x100000x32xf32, #tpu.memory_space<hbm>> -> memref<100000x32xf32, #tpu.memory_space<hbm>>
    %dma_start3A_870 = arith.constant 0 : i32
    %dma_start3A_871 = arith.constant 0 : i32
    %dma_start3A_872 = tpu.memref_slice %dma_start3A_869[%dma_start3A_870, %dma_start3A_871] : memref<100000x32xf32, #tpu.memory_space<hbm>> -> memref<100000x32xf32, #tpu.memory_space<hbm>>
    tpu.enqueue_indirect_dma source(%dma_start3A_872 : memref<100000x32xf32, #tpu.memory_space<hbm>>) target(%dma_start3A_862 : memref<64x32xf32, #tpu.memory_space<vmem>>) offsets(%dma_start3A_865 : memref<64xi32, #tpu.memory_space<vmem>>) semaphore(%arg17 : memref<!tpu.dma_semaphore, #tpu.memory_space<semaphore_mem>>)
    %dma_start3A_873 = arith.constant 3 : i32
    %dma_start3A_874 = arith.constant 3 : i32
    %dma_start3A_875 = arith.constant 192 : i32
    %dma_start3A_876 = arith.constant 0 : i32
    %dma_start3A_877 = tpu.memref_slice %arg11[%dma_start3A_875, %dma_start3A_876] : memref<1664x32xf32, #tpu.memory_space<vmem>> -> memref<64x32xf32, #tpu.memory_space<vmem>>
    %dma_start3A_878 = arith.constant 64 : i32
    %dma_start3A_879 = tpu.memref_slice %arg9[%dma_start3A_874, %dma_start3A_878] : memref<26x128xi32, #tpu.memory_space<vmem>> -> memref<1x64xi32, #tpu.memory_space<vmem>>
    %dma_start3A_880 = tpu.memref_squeeze %dma_start3A_879 : memref<1x64xi32, #tpu.memory_space<vmem>> -> memref<64xi32, #tpu.memory_space<vmem>>
    %dma_start3A_881 = arith.constant 0 : i32
    %dma_start3A_882 = arith.constant 0 : i32
    %dma_start3A_883 = tpu.memref_slice %arg6[%dma_start3A_873, %dma_start3A_881, %dma_start3A_882] : memref<26x100000x32xf32, #tpu.memory_space<hbm>> -> memref<1x100000x32xf32, #tpu.memory_space<hbm>>
    %dma_start3A_884 = tpu.memref_squeeze %dma_start3A_883 : memref<1x100000x32xf32, #tpu.memory_space<hbm>> -> memref<100000x32xf32, #tpu.memory_space<hbm>>
    %dma_start3A_885 = arith.constant 0 : i32
    %dma_start3A_886 = arith.constant 0 : i32
    %dma_start3A_887 = tpu.memref_slice %dma_start3A_884[%dma_start3A_885, %dma_start3A_886] : memref<100000x32xf32, #tpu.memory_space<hbm>> -> memref<100000x32xf32, #tpu.memory_space<hbm>>
    tpu.enqueue_indirect_dma source(%dma_start3A_887 : memref<100000x32xf32, #tpu.memory_space<hbm>>) target(%dma_start3A_877 : memref<64x32xf32, #tpu.memory_space<vmem>>) offsets(%dma_start3A_880 : memref<64xi32, #tpu.memory_space<vmem>>) semaphore(%arg17 : memref<!tpu.dma_semaphore, #tpu.memory_space<semaphore_mem>>)
    %dma_start3A_888 = arith.constant 4 : i32
    %dma_start3A_889 = arith.constant 4 : i32
    %dma_start3A_890 = arith.constant 256 : i32
    %dma_start3A_891 = arith.constant 0 : i32
    %dma_start3A_892 = tpu.memref_slice %arg11[%dma_start3A_890, %dma_start3A_891] : memref<1664x32xf32, #tpu.memory_space<vmem>> -> memref<64x32xf32, #tpu.memory_space<vmem>>
    %dma_start3A_893 = arith.constant 64 : i32
    %dma_start3A_894 = tpu.memref_slice %arg9[%dma_start3A_889, %dma_start3A_893] : memref<26x128xi32, #tpu.memory_space<vmem>> -> memref<1x64xi32, #tpu.memory_space<vmem>>
    %dma_start3A_895 = tpu.memref_squeeze %dma_start3A_894 : memref<1x64xi32, #tpu.memory_space<vmem>> -> memref<64xi32, #tpu.memory_space<vmem>>
    %dma_start3A_896 = arith.constant 0 : i32
    %dma_start3A_897 = arith.constant 0 : i32
    %dma_start3A_898 = tpu.memref_slice %arg6[%dma_start3A_888, %dma_start3A_896, %dma_start3A_897] : memref<26x100000x32xf32, #tpu.memory_space<hbm>> -> memref<1x100000x32xf32, #tpu.memory_space<hbm>>
    %dma_start3A_899 = tpu.memref_squeeze %dma_start3A_898 : memref<1x100000x32xf32, #tpu.memory_space<hbm>> -> memref<100000x32xf32, #tpu.memory_space<hbm>>
    %dma_start3A_900 = arith.constant 0 : i32
    %dma_start3A_901 = arith.constant 0 : i32
    %dma_start3A_902 = tpu.memref_slice %dma_start3A_899[%dma_start3A_900, %dma_start3A_901] : memref<100000x32xf32, #tpu.memory_space<hbm>> -> memref<100000x32xf32, #tpu.memory_space<hbm>>
    tpu.enqueue_indirect_dma source(%dma_start3A_902 : memref<100000x32xf32, #tpu.memory_space<hbm>>) target(%dma_start3A_892 : memref<64x32xf32, #tpu.memory_space<vmem>>) offsets(%dma_start3A_895 : memref<64xi32, #tpu.memory_space<vmem>>) semaphore(%arg17 : memref<!tpu.dma_semaphore, #tpu.memory_space<semaphore_mem>>)
    %dma_start3A_903 = arith.constant 5 : i32
    %dma_start3A_904 = arith.constant 5 : i32
    %dma_start3A_905 = arith.constant 320 : i32
    %dma_start3A_906 = arith.constant 0 : i32
    %dma_start3A_907 = tpu.memref_slice %arg11[%dma_start3A_905, %dma_start3A_906] : memref<1664x32xf32, #tpu.memory_space<vmem>> -> memref<64x32xf32, #tpu.memory_space<vmem>>
    %dma_start3A_908 = arith.constant 64 : i32
    %dma_start3A_909 = tpu.memref_slice %arg9[%dma_start3A_904, %dma_start3A_908] : memref<26x128xi32, #tpu.memory_space<vmem>> -> memref<1x64xi32, #tpu.memory_space<vmem>>
    %dma_start3A_910 = tpu.memref_squeeze %dma_start3A_909 : memref<1x64xi32, #tpu.memory_space<vmem>> -> memref<64xi32, #tpu.memory_space<vmem>>
    %dma_start3A_911 = arith.constant 0 : i32
    %dma_start3A_912 = arith.constant 0 : i32
    %dma_start3A_913 = tpu.memref_slice %arg6[%dma_start3A_903, %dma_start3A_911, %dma_start3A_912] : memref<26x100000x32xf32, #tpu.memory_space<hbm>> -> memref<1x100000x32xf32, #tpu.memory_space<hbm>>
    %dma_start3A_914 = tpu.memref_squeeze %dma_start3A_913 : memref<1x100000x32xf32, #tpu.memory_space<hbm>> -> memref<100000x32xf32, #tpu.memory_space<hbm>>
    %dma_start3A_915 = arith.constant 0 : i32
    %dma_start3A_916 = arith.constant 0 : i32
    %dma_start3A_917 = tpu.memref_slice %dma_start3A_914[%dma_start3A_915, %dma_start3A_916] : memref<100000x32xf32, #tpu.memory_space<hbm>> -> memref<100000x32xf32, #tpu.memory_space<hbm>>
    tpu.enqueue_indirect_dma source(%dma_start3A_917 : memref<100000x32xf32, #tpu.memory_space<hbm>>) target(%dma_start3A_907 : memref<64x32xf32, #tpu.memory_space<vmem>>) offsets(%dma_start3A_910 : memref<64xi32, #tpu.memory_space<vmem>>) semaphore(%arg17 : memref<!tpu.dma_semaphore, #tpu.memory_space<semaphore_mem>>)
    %dma_start3A_918 = arith.constant 6 : i32
    %dma_start3A_919 = arith.constant 6 : i32
    %dma_start3A_920 = arith.constant 384 : i32
    %dma_start3A_921 = arith.constant 0 : i32
    %dma_start3A_922 = tpu.memref_slice %arg11[%dma_start3A_920, %dma_start3A_921] : memref<1664x32xf32, #tpu.memory_space<vmem>> -> memref<64x32xf32, #tpu.memory_space<vmem>>
    %dma_start3A_923 = arith.constant 64 : i32
    %dma_start3A_924 = tpu.memref_slice %arg9[%dma_start3A_919, %dma_start3A_923] : memref<26x128xi32, #tpu.memory_space<vmem>> -> memref<1x64xi32, #tpu.memory_space<vmem>>
    %dma_start3A_925 = tpu.memref_squeeze %dma_start3A_924 : memref<1x64xi32, #tpu.memory_space<vmem>> -> memref<64xi32, #tpu.memory_space<vmem>>
    %dma_start3A_926 = arith.constant 0 : i32
    %dma_start3A_927 = arith.constant 0 : i32
    %dma_start3A_928 = tpu.memref_slice %arg6[%dma_start3A_918, %dma_start3A_926, %dma_start3A_927] : memref<26x100000x32xf32, #tpu.memory_space<hbm>> -> memref<1x100000x32xf32, #tpu.memory_space<hbm>>
    %dma_start3A_929 = tpu.memref_squeeze %dma_start3A_928 : memref<1x100000x32xf32, #tpu.memory_space<hbm>> -> memref<100000x32xf32, #tpu.memory_space<hbm>>
    %dma_start3A_930 = arith.constant 0 : i32
    %dma_start3A_931 = arith.constant 0 : i32
    %dma_start3A_932 = tpu.memref_slice %dma_start3A_929[%dma_start3A_930, %dma_start3A_931] : memref<100000x32xf32, #tpu.memory_space<hbm>> -> memref<100000x32xf32, #tpu.memory_space<hbm>>
    tpu.enqueue_indirect_dma source(%dma_start3A_932 : memref<100000x32xf32, #tpu.memory_space<hbm>>) target(%dma_start3A_922 : memref<64x32xf32, #tpu.memory_space<vmem>>) offsets(%dma_start3A_925 : memref<64xi32, #tpu.memory_space<vmem>>) semaphore(%arg17 : memref<!tpu.dma_semaphore, #tpu.memory_space<semaphore_mem>>)
    %dma_start3A_933 = arith.constant 7 : i32
    %dma_start3A_934 = arith.constant 7 : i32
    %dma_start3A_935 = arith.constant 448 : i32
    %dma_start3A_936 = arith.constant 0 : i32
    %dma_start3A_937 = tpu.memref_slice %arg11[%dma_start3A_935, %dma_start3A_936] : memref<1664x32xf32, #tpu.memory_space<vmem>> -> memref<64x32xf32, #tpu.memory_space<vmem>>
    %dma_start3A_938 = arith.constant 64 : i32
    %dma_start3A_939 = tpu.memref_slice %arg9[%dma_start3A_934, %dma_start3A_938] : memref<26x128xi32, #tpu.memory_space<vmem>> -> memref<1x64xi32, #tpu.memory_space<vmem>>
    %dma_start3A_940 = tpu.memref_squeeze %dma_start3A_939 : memref<1x64xi32, #tpu.memory_space<vmem>> -> memref<64xi32, #tpu.memory_space<vmem>>
    %dma_start3A_941 = arith.constant 0 : i32
    %dma_start3A_942 = arith.constant 0 : i32
    %dma_start3A_943 = tpu.memref_slice %arg6[%dma_start3A_933, %dma_start3A_941, %dma_start3A_942] : memref<26x100000x32xf32, #tpu.memory_space<hbm>> -> memref<1x100000x32xf32, #tpu.memory_space<hbm>>
    %dma_start3A_944 = tpu.memref_squeeze %dma_start3A_943 : memref<1x100000x32xf32, #tpu.memory_space<hbm>> -> memref<100000x32xf32, #tpu.memory_space<hbm>>
    %dma_start3A_945 = arith.constant 0 : i32
    %dma_start3A_946 = arith.constant 0 : i32
    %dma_start3A_947 = tpu.memref_slice %dma_start3A_944[%dma_start3A_945, %dma_start3A_946] : memref<100000x32xf32, #tpu.memory_space<hbm>> -> memref<100000x32xf32, #tpu.memory_space<hbm>>
    tpu.enqueue_indirect_dma source(%dma_start3A_947 : memref<100000x32xf32, #tpu.memory_space<hbm>>) target(%dma_start3A_937 : memref<64x32xf32, #tpu.memory_space<vmem>>) offsets(%dma_start3A_940 : memref<64xi32, #tpu.memory_space<vmem>>) semaphore(%arg17 : memref<!tpu.dma_semaphore, #tpu.memory_space<semaphore_mem>>)
    %dma_start3A_948 = arith.constant 8 : i32
    %dma_start3A_949 = arith.constant 8 : i32
    %dma_start3A_950 = arith.constant 512 : i32
    %dma_start3A_951 = arith.constant 0 : i32
    %dma_start3A_952 = tpu.memref_slice %arg11[%dma_start3A_950, %dma_start3A_951] : memref<1664x32xf32, #tpu.memory_space<vmem>> -> memref<64x32xf32, #tpu.memory_space<vmem>>
    %dma_start3A_953 = arith.constant 64 : i32
    %dma_start3A_954 = tpu.memref_slice %arg9[%dma_start3A_949, %dma_start3A_953] : memref<26x128xi32, #tpu.memory_space<vmem>> -> memref<1x64xi32, #tpu.memory_space<vmem>>
    %dma_start3A_955 = tpu.memref_squeeze %dma_start3A_954 : memref<1x64xi32, #tpu.memory_space<vmem>> -> memref<64xi32, #tpu.memory_space<vmem>>
    %dma_start3A_956 = arith.constant 0 : i32
    %dma_start3A_957 = arith.constant 0 : i32
    %dma_start3A_958 = tpu.memref_slice %arg6[%dma_start3A_948, %dma_start3A_956, %dma_start3A_957] : memref<26x100000x32xf32, #tpu.memory_space<hbm>> -> memref<1x100000x32xf32, #tpu.memory_space<hbm>>
    %dma_start3A_959 = tpu.memref_squeeze %dma_start3A_958 : memref<1x100000x32xf32, #tpu.memory_space<hbm>> -> memref<100000x32xf32, #tpu.memory_space<hbm>>
    %dma_start3A_960 = arith.constant 0 : i32
    %dma_start3A_961 = arith.constant 0 : i32
    %dma_start3A_962 = tpu.memref_slice %dma_start3A_959[%dma_start3A_960, %dma_start3A_961] : memref<100000x32xf32, #tpu.memory_space<hbm>> -> memref<100000x32xf32, #tpu.memory_space<hbm>>
    tpu.enqueue_indirect_dma source(%dma_start3A_962 : memref<100000x32xf32, #tpu.memory_space<hbm>>) target(%dma_start3A_952 : memref<64x32xf32, #tpu.memory_space<vmem>>) offsets(%dma_start3A_955 : memref<64xi32, #tpu.memory_space<vmem>>) semaphore(%arg17 : memref<!tpu.dma_semaphore, #tpu.memory_space<semaphore_mem>>)
    %dma_start3A_963 = arith.constant 9 : i32
    %dma_start3A_964 = arith.constant 9 : i32
    %dma_start3A_965 = arith.constant 576 : i32
    %dma_start3A_966 = arith.constant 0 : i32
    %dma_start3A_967 = tpu.memref_slice %arg11[%dma_start3A_965, %dma_start3A_966] : memref<1664x32xf32, #tpu.memory_space<vmem>> -> memref<64x32xf32, #tpu.memory_space<vmem>>
    %dma_start3A_968 = arith.constant 64 : i32
    %dma_start3A_969 = tpu.memref_slice %arg9[%dma_start3A_964, %dma_start3A_968] : memref<26x128xi32, #tpu.memory_space<vmem>> -> memref<1x64xi32, #tpu.memory_space<vmem>>
    %dma_start3A_970 = tpu.memref_squeeze %dma_start3A_969 : memref<1x64xi32, #tpu.memory_space<vmem>> -> memref<64xi32, #tpu.memory_space<vmem>>
    %dma_start3A_971 = arith.constant 0 : i32
    %dma_start3A_972 = arith.constant 0 : i32
    %dma_start3A_973 = tpu.memref_slice %arg6[%dma_start3A_963, %dma_start3A_971, %dma_start3A_972] : memref<26x100000x32xf32, #tpu.memory_space<hbm>> -> memref<1x100000x32xf32, #tpu.memory_space<hbm>>
    %dma_start3A_974 = tpu.memref_squeeze %dma_start3A_973 : memref<1x100000x32xf32, #tpu.memory_space<hbm>> -> memref<100000x32xf32, #tpu.memory_space<hbm>>
    %dma_start3A_975 = arith.constant 0 : i32
    %dma_start3A_976 = arith.constant 0 : i32
    %dma_start3A_977 = tpu.memref_slice %dma_start3A_974[%dma_start3A_975, %dma_start3A_976] : memref<100000x32xf32, #tpu.memory_space<hbm>> -> memref<100000x32xf32, #tpu.memory_space<hbm>>
    tpu.enqueue_indirect_dma source(%dma_start3A_977 : memref<100000x32xf32, #tpu.memory_space<hbm>>) target(%dma_start3A_967 : memref<64x32xf32, #tpu.memory_space<vmem>>) offsets(%dma_start3A_970 : memref<64xi32, #tpu.memory_space<vmem>>) semaphore(%arg17 : memref<!tpu.dma_semaphore, #tpu.memory_space<semaphore_mem>>)
    %dma_start3A_978 = arith.constant 10 : i32
    %dma_start3A_979 = arith.constant 10 : i32
    %dma_start3A_980 = arith.constant 640 : i32
    %dma_start3A_981 = arith.constant 0 : i32
    %dma_start3A_982 = tpu.memref_slice %arg11[%dma_start3A_980, %dma_start3A_981] : memref<1664x32xf32, #tpu.memory_space<vmem>> -> memref<64x32xf32, #tpu.memory_space<vmem>>
    %dma_start3A_983 = arith.constant 64 : i32
    %dma_start3A_984 = tpu.memref_slice %arg9[%dma_start3A_979, %dma_start3A_983] : memref<26x128xi32, #tpu.memory_space<vmem>> -> memref<1x64xi32, #tpu.memory_space<vmem>>
    %dma_start3A_985 = tpu.memref_squeeze %dma_start3A_984 : memref<1x64xi32, #tpu.memory_space<vmem>> -> memref<64xi32, #tpu.memory_space<vmem>>
    %dma_start3A_986 = arith.constant 0 : i32
    %dma_start3A_987 = arith.constant 0 : i32
    %dma_start3A_988 = tpu.memref_slice %arg6[%dma_start3A_978, %dma_start3A_986, %dma_start3A_987] : memref<26x100000x32xf32, #tpu.memory_space<hbm>> -> memref<1x100000x32xf32, #tpu.memory_space<hbm>>
    %dma_start3A_989 = tpu.memref_squeeze %dma_start3A_988 : memref<1x100000x32xf32, #tpu.memory_space<hbm>> -> memref<100000x32xf32, #tpu.memory_space<hbm>>
    %dma_start3A_990 = arith.constant 0 : i32
    %dma_start3A_991 = arith.constant 0 : i32
    %dma_start3A_992 = tpu.memref_slice %dma_start3A_989[%dma_start3A_990, %dma_start3A_991] : memref<100000x32xf32, #tpu.memory_space<hbm>> -> memref<100000x32xf32, #tpu.memory_space<hbm>>
    tpu.enqueue_indirect_dma source(%dma_start3A_992 : memref<100000x32xf32, #tpu.memory_space<hbm>>) target(%dma_start3A_982 : memref<64x32xf32, #tpu.memory_space<vmem>>) offsets(%dma_start3A_985 : memref<64xi32, #tpu.memory_space<vmem>>) semaphore(%arg17 : memref<!tpu.dma_semaphore, #tpu.memory_space<semaphore_mem>>)
    %dma_start3A_993 = arith.constant 11 : i32
    %dma_start3A_994 = arith.constant 11 : i32
    %dma_start3A_995 = arith.constant 704 : i32
    %dma_start3A_996 = arith.constant 0 : i32
    %dma_start3A_997 = tpu.memref_slice %arg11[%dma_start3A_995, %dma_start3A_996] : memref<1664x32xf32, #tpu.memory_space<vmem>> -> memref<64x32xf32, #tpu.memory_space<vmem>>
    %dma_start3A_998 = arith.constant 64 : i32
    %dma_start3A_999 = tpu.memref_slice %arg9[%dma_start3A_994, %dma_start3A_998] : memref<26x128xi32, #tpu.memory_space<vmem>> -> memref<1x64xi32, #tpu.memory_space<vmem>>
    %dma_start3A_1000 = tpu.memref_squeeze %dma_start3A_999 : memref<1x64xi32, #tpu.memory_space<vmem>> -> memref<64xi32, #tpu.memory_space<vmem>>
    %dma_start3A_1001 = arith.constant 0 : i32
    %dma_start3A_1002 = arith.constant 0 : i32
    %dma_start3A_1003 = tpu.memref_slice %arg6[%dma_start3A_993, %dma_start3A_1001, %dma_start3A_1002] : memref<26x100000x32xf32, #tpu.memory_space<hbm>> -> memref<1x100000x32xf32, #tpu.memory_space<hbm>>
    %dma_start3A_1004 = tpu.memref_squeeze %dma_start3A_1003 : memref<1x100000x32xf32, #tpu.memory_space<hbm>> -> memref<100000x32xf32, #tpu.memory_space<hbm>>
    %dma_start3A_1005 = arith.constant 0 : i32
    %dma_start3A_1006 = arith.constant 0 : i32
    %dma_start3A_1007 = tpu.memref_slice %dma_start3A_1004[%dma_start3A_1005, %dma_start3A_1006] : memref<100000x32xf32, #tpu.memory_space<hbm>> -> memref<100000x32xf32, #tpu.memory_space<hbm>>
    tpu.enqueue_indirect_dma source(%dma_start3A_1007 : memref<100000x32xf32, #tpu.memory_space<hbm>>) target(%dma_start3A_997 : memref<64x32xf32, #tpu.memory_space<vmem>>) offsets(%dma_start3A_1000 : memref<64xi32, #tpu.memory_space<vmem>>) semaphore(%arg17 : memref<!tpu.dma_semaphore, #tpu.memory_space<semaphore_mem>>)
    %dma_start3A_1008 = arith.constant 12 : i32
    %dma_start3A_1009 = arith.constant 12 : i32
    %dma_start3A_1010 = arith.constant 768 : i32
    %dma_start3A_1011 = arith.constant 0 : i32
    %dma_start3A_1012 = tpu.memref_slice %arg11[%dma_start3A_1010, %dma_start3A_1011] : memref<1664x32xf32, #tpu.memory_space<vmem>> -> memref<64x32xf32, #tpu.memory_space<vmem>>
    %dma_start3A_1013 = arith.constant 64 : i32
    %dma_start3A_1014 = tpu.memref_slice %arg9[%dma_start3A_1009, %dma_start3A_1013] : memref<26x128xi32, #tpu.memory_space<vmem>> -> memref<1x64xi32, #tpu.memory_space<vmem>>
    %dma_start3A_1015 = tpu.memref_squeeze %dma_start3A_1014 : memref<1x64xi32, #tpu.memory_space<vmem>> -> memref<64xi32, #tpu.memory_space<vmem>>
    %dma_start3A_1016 = arith.constant 0 : i32
    %dma_start3A_1017 = arith.constant 0 : i32
    %dma_start3A_1018 = tpu.memref_slice %arg6[%dma_start3A_1008, %dma_start3A_1016, %dma_start3A_1017] : memref<26x100000x32xf32, #tpu.memory_space<hbm>> -> memref<1x100000x32xf32, #tpu.memory_space<hbm>>
    %dma_start3A_1019 = tpu.memref_squeeze %dma_start3A_1018 : memref<1x100000x32xf32, #tpu.memory_space<hbm>> -> memref<100000x32xf32, #tpu.memory_space<hbm>>
    %dma_start3A_1020 = arith.constant 0 : i32
    %dma_start3A_1021 = arith.constant 0 : i32
    %dma_start3A_1022 = tpu.memref_slice %dma_start3A_1019[%dma_start3A_1020, %dma_start3A_1021] : memref<100000x32xf32, #tpu.memory_space<hbm>> -> memref<100000x32xf32, #tpu.memory_space<hbm>>
    tpu.enqueue_indirect_dma source(%dma_start3A_1022 : memref<100000x32xf32, #tpu.memory_space<hbm>>) target(%dma_start3A_1012 : memref<64x32xf32, #tpu.memory_space<vmem>>) offsets(%dma_start3A_1015 : memref<64xi32, #tpu.memory_space<vmem>>) semaphore(%arg17 : memref<!tpu.dma_semaphore, #tpu.memory_space<semaphore_mem>>)
    %dma_start3A_1023 = arith.constant 13 : i32
    %dma_start3A_1024 = arith.constant 13 : i32
    %dma_start3A_1025 = arith.constant 832 : i32
    %dma_start3A_1026 = arith.constant 0 : i32
    %dma_start3A_1027 = tpu.memref_slice %arg11[%dma_start3A_1025, %dma_start3A_1026] : memref<1664x32xf32, #tpu.memory_space<vmem>> -> memref<64x32xf32, #tpu.memory_space<vmem>>
    %dma_start3A_1028 = arith.constant 64 : i32
    %dma_start3A_1029 = tpu.memref_slice %arg9[%dma_start3A_1024, %dma_start3A_1028] : memref<26x128xi32, #tpu.memory_space<vmem>> -> memref<1x64xi32, #tpu.memory_space<vmem>>
    %dma_start3A_1030 = tpu.memref_squeeze %dma_start3A_1029 : memref<1x64xi32, #tpu.memory_space<vmem>> -> memref<64xi32, #tpu.memory_space<vmem>>
    %dma_start3A_1031 = arith.constant 0 : i32
    %dma_start3A_1032 = arith.constant 0 : i32
    %dma_start3A_1033 = tpu.memref_slice %arg6[%dma_start3A_1023, %dma_start3A_1031, %dma_start3A_1032] : memref<26x100000x32xf32, #tpu.memory_space<hbm>> -> memref<1x100000x32xf32, #tpu.memory_space<hbm>>
    %dma_start3A_1034 = tpu.memref_squeeze %dma_start3A_1033 : memref<1x100000x32xf32, #tpu.memory_space<hbm>> -> memref<100000x32xf32, #tpu.memory_space<hbm>>
    %dma_start3A_1035 = arith.constant 0 : i32
    %dma_start3A_1036 = arith.constant 0 : i32
    %dma_start3A_1037 = tpu.memref_slice %dma_start3A_1034[%dma_start3A_1035, %dma_start3A_1036] : memref<100000x32xf32, #tpu.memory_space<hbm>> -> memref<100000x32xf32, #tpu.memory_space<hbm>>
    tpu.enqueue_indirect_dma source(%dma_start3A_1037 : memref<100000x32xf32, #tpu.memory_space<hbm>>) target(%dma_start3A_1027 : memref<64x32xf32, #tpu.memory_space<vmem>>) offsets(%dma_start3A_1030 : memref<64xi32, #tpu.memory_space<vmem>>) semaphore(%arg17 : memref<!tpu.dma_semaphore, #tpu.memory_space<semaphore_mem>>)
    %dma_start3A_1038 = arith.constant 14 : i32
    %dma_start3A_1039 = arith.constant 14 : i32
    %dma_start3A_1040 = arith.constant 896 : i32
    %dma_start3A_1041 = arith.constant 0 : i32
    %dma_start3A_1042 = tpu.memref_slice %arg11[%dma_start3A_1040, %dma_start3A_1041] : memref<1664x32xf32, #tpu.memory_space<vmem>> -> memref<64x32xf32, #tpu.memory_space<vmem>>
    %dma_start3A_1043 = arith.constant 64 : i32
    %dma_start3A_1044 = tpu.memref_slice %arg9[%dma_start3A_1039, %dma_start3A_1043] : memref<26x128xi32, #tpu.memory_space<vmem>> -> memref<1x64xi32, #tpu.memory_space<vmem>>
    %dma_start3A_1045 = tpu.memref_squeeze %dma_start3A_1044 : memref<1x64xi32, #tpu.memory_space<vmem>> -> memref<64xi32, #tpu.memory_space<vmem>>
    %dma_start3A_1046 = arith.constant 0 : i32
    %dma_start3A_1047 = arith.constant 0 : i32
    %dma_start3A_1048 = tpu.memref_slice %arg6[%dma_start3A_1038, %dma_start3A_1046, %dma_start3A_1047] : memref<26x100000x32xf32, #tpu.memory_space<hbm>> -> memref<1x100000x32xf32, #tpu.memory_space<hbm>>
    %dma_start3A_1049 = tpu.memref_squeeze %dma_start3A_1048 : memref<1x100000x32xf32, #tpu.memory_space<hbm>> -> memref<100000x32xf32, #tpu.memory_space<hbm>>
    %dma_start3A_1050 = arith.constant 0 : i32
    %dma_start3A_1051 = arith.constant 0 : i32
    %dma_start3A_1052 = tpu.memref_slice %dma_start3A_1049[%dma_start3A_1050, %dma_start3A_1051] : memref<100000x32xf32, #tpu.memory_space<hbm>> -> memref<100000x32xf32, #tpu.memory_space<hbm>>
    tpu.enqueue_indirect_dma source(%dma_start3A_1052 : memref<100000x32xf32, #tpu.memory_space<hbm>>) target(%dma_start3A_1042 : memref<64x32xf32, #tpu.memory_space<vmem>>) offsets(%dma_start3A_1045 : memref<64xi32, #tpu.memory_space<vmem>>) semaphore(%arg17 : memref<!tpu.dma_semaphore, #tpu.memory_space<semaphore_mem>>)
    %dma_start3A_1053 = arith.constant 15 : i32
    %dma_start3A_1054 = arith.constant 15 : i32
    %dma_start3A_1055 = arith.constant 960 : i32
    %dma_start3A_1056 = arith.constant 0 : i32
    %dma_start3A_1057 = tpu.memref_slice %arg11[%dma_start3A_1055, %dma_start3A_1056] : memref<1664x32xf32, #tpu.memory_space<vmem>> -> memref<64x32xf32, #tpu.memory_space<vmem>>
    %dma_start3A_1058 = arith.constant 64 : i32
    %dma_start3A_1059 = tpu.memref_slice %arg9[%dma_start3A_1054, %dma_start3A_1058] : memref<26x128xi32, #tpu.memory_space<vmem>> -> memref<1x64xi32, #tpu.memory_space<vmem>>
    %dma_start3A_1060 = tpu.memref_squeeze %dma_start3A_1059 : memref<1x64xi32, #tpu.memory_space<vmem>> -> memref<64xi32, #tpu.memory_space<vmem>>
    %dma_start3A_1061 = arith.constant 0 : i32
    %dma_start3A_1062 = arith.constant 0 : i32
    %dma_start3A_1063 = tpu.memref_slice %arg6[%dma_start3A_1053, %dma_start3A_1061, %dma_start3A_1062] : memref<26x100000x32xf32, #tpu.memory_space<hbm>> -> memref<1x100000x32xf32, #tpu.memory_space<hbm>>
    %dma_start3A_1064 = tpu.memref_squeeze %dma_start3A_1063 : memref<1x100000x32xf32, #tpu.memory_space<hbm>> -> memref<100000x32xf32, #tpu.memory_space<hbm>>
    %dma_start3A_1065 = arith.constant 0 : i32
    %dma_start3A_1066 = arith.constant 0 : i32
    %dma_start3A_1067 = tpu.memref_slice %dma_start3A_1064[%dma_start3A_1065, %dma_start3A_1066] : memref<100000x32xf32, #tpu.memory_space<hbm>> -> memref<100000x32xf32, #tpu.memory_space<hbm>>
    tpu.enqueue_indirect_dma source(%dma_start3A_1067 : memref<100000x32xf32, #tpu.memory_space<hbm>>) target(%dma_start3A_1057 : memref<64x32xf32, #tpu.memory_space<vmem>>) offsets(%dma_start3A_1060 : memref<64xi32, #tpu.memory_space<vmem>>) semaphore(%arg17 : memref<!tpu.dma_semaphore, #tpu.memory_space<semaphore_mem>>)
    %dma_start3A_1068 = arith.constant 16 : i32
    %dma_start3A_1069 = arith.constant 16 : i32
    %dma_start3A_1070 = arith.constant 1024 : i32
    %dma_start3A_1071 = arith.constant 0 : i32
    %dma_start3A_1072 = tpu.memref_slice %arg11[%dma_start3A_1070, %dma_start3A_1071] : memref<1664x32xf32, #tpu.memory_space<vmem>> -> memref<64x32xf32, #tpu.memory_space<vmem>>
    %dma_start3A_1073 = arith.constant 64 : i32
    %dma_start3A_1074 = tpu.memref_slice %arg9[%dma_start3A_1069, %dma_start3A_1073] : memref<26x128xi32, #tpu.memory_space<vmem>> -> memref<1x64xi32, #tpu.memory_space<vmem>>
    %dma_start3A_1075 = tpu.memref_squeeze %dma_start3A_1074 : memref<1x64xi32, #tpu.memory_space<vmem>> -> memref<64xi32, #tpu.memory_space<vmem>>
    %dma_start3A_1076 = arith.constant 0 : i32
    %dma_start3A_1077 = arith.constant 0 : i32
    %dma_start3A_1078 = tpu.memref_slice %arg6[%dma_start3A_1068, %dma_start3A_1076, %dma_start3A_1077] : memref<26x100000x32xf32, #tpu.memory_space<hbm>> -> memref<1x100000x32xf32, #tpu.memory_space<hbm>>
    %dma_start3A_1079 = tpu.memref_squeeze %dma_start3A_1078 : memref<1x100000x32xf32, #tpu.memory_space<hbm>> -> memref<100000x32xf32, #tpu.memory_space<hbm>>
    %dma_start3A_1080 = arith.constant 0 : i32
    %dma_start3A_1081 = arith.constant 0 : i32
    %dma_start3A_1082 = tpu.memref_slice %dma_start3A_1079[%dma_start3A_1080, %dma_start3A_1081] : memref<100000x32xf32, #tpu.memory_space<hbm>> -> memref<100000x32xf32, #tpu.memory_space<hbm>>
    tpu.enqueue_indirect_dma source(%dma_start3A_1082 : memref<100000x32xf32, #tpu.memory_space<hbm>>) target(%dma_start3A_1072 : memref<64x32xf32, #tpu.memory_space<vmem>>) offsets(%dma_start3A_1075 : memref<64xi32, #tpu.memory_space<vmem>>) semaphore(%arg17 : memref<!tpu.dma_semaphore, #tpu.memory_space<semaphore_mem>>)
    %dma_start3A_1083 = arith.constant 17 : i32
    %dma_start3A_1084 = arith.constant 17 : i32
    %dma_start3A_1085 = arith.constant 1088 : i32
    %dma_start3A_1086 = arith.constant 0 : i32
    %dma_start3A_1087 = tpu.memref_slice %arg11[%dma_start3A_1085, %dma_start3A_1086] : memref<1664x32xf32, #tpu.memory_space<vmem>> -> memref<64x32xf32, #tpu.memory_space<vmem>>
    %dma_start3A_1088 = arith.constant 64 : i32
    %dma_start3A_1089 = tpu.memref_slice %arg9[%dma_start3A_1084, %dma_start3A_1088] : memref<26x128xi32, #tpu.memory_space<vmem>> -> memref<1x64xi32, #tpu.memory_space<vmem>>
    %dma_start3A_1090 = tpu.memref_squeeze %dma_start3A_1089 : memref<1x64xi32, #tpu.memory_space<vmem>> -> memref<64xi32, #tpu.memory_space<vmem>>
    %dma_start3A_1091 = arith.constant 0 : i32
    %dma_start3A_1092 = arith.constant 0 : i32
    %dma_start3A_1093 = tpu.memref_slice %arg6[%dma_start3A_1083, %dma_start3A_1091, %dma_start3A_1092] : memref<26x100000x32xf32, #tpu.memory_space<hbm>> -> memref<1x100000x32xf32, #tpu.memory_space<hbm>>
    %dma_start3A_1094 = tpu.memref_squeeze %dma_start3A_1093 : memref<1x100000x32xf32, #tpu.memory_space<hbm>> -> memref<100000x32xf32, #tpu.memory_space<hbm>>
    %dma_start3A_1095 = arith.constant 0 : i32
    %dma_start3A_1096 = arith.constant 0 : i32
    %dma_start3A_1097 = tpu.memref_slice %dma_start3A_1094[%dma_start3A_1095, %dma_start3A_1096] : memref<100000x32xf32, #tpu.memory_space<hbm>> -> memref<100000x32xf32, #tpu.memory_space<hbm>>
    tpu.enqueue_indirect_dma source(%dma_start3A_1097 : memref<100000x32xf32, #tpu.memory_space<hbm>>) target(%dma_start3A_1087 : memref<64x32xf32, #tpu.memory_space<vmem>>) offsets(%dma_start3A_1090 : memref<64xi32, #tpu.memory_space<vmem>>) semaphore(%arg17 : memref<!tpu.dma_semaphore, #tpu.memory_space<semaphore_mem>>)
    %dma_start3A_1098 = arith.constant 18 : i32
    %dma_start3A_1099 = arith.constant 18 : i32
    %dma_start3A_1100 = arith.constant 1152 : i32
    %dma_start3A_1101 = arith.constant 0 : i32
    %dma_start3A_1102 = tpu.memref_slice %arg11[%dma_start3A_1100, %dma_start3A_1101] : memref<1664x32xf32, #tpu.memory_space<vmem>> -> memref<64x32xf32, #tpu.memory_space<vmem>>
    %dma_start3A_1103 = arith.constant 64 : i32
    %dma_start3A_1104 = tpu.memref_slice %arg9[%dma_start3A_1099, %dma_start3A_1103] : memref<26x128xi32, #tpu.memory_space<vmem>> -> memref<1x64xi32, #tpu.memory_space<vmem>>
    %dma_start3A_1105 = tpu.memref_squeeze %dma_start3A_1104 : memref<1x64xi32, #tpu.memory_space<vmem>> -> memref<64xi32, #tpu.memory_space<vmem>>
    %dma_start3A_1106 = arith.constant 0 : i32
    %dma_start3A_1107 = arith.constant 0 : i32
    %dma_start3A_1108 = tpu.memref_slice %arg6[%dma_start3A_1098, %dma_start3A_1106, %dma_start3A_1107] : memref<26x100000x32xf32, #tpu.memory_space<hbm>> -> memref<1x100000x32xf32, #tpu.memory_space<hbm>>
    %dma_start3A_1109 = tpu.memref_squeeze %dma_start3A_1108 : memref<1x100000x32xf32, #tpu.memory_space<hbm>> -> memref<100000x32xf32, #tpu.memory_space<hbm>>
    %dma_start3A_1110 = arith.constant 0 : i32
    %dma_start3A_1111 = arith.constant 0 : i32
    %dma_start3A_1112 = tpu.memref_slice %dma_start3A_1109[%dma_start3A_1110, %dma_start3A_1111] : memref<100000x32xf32, #tpu.memory_space<hbm>> -> memref<100000x32xf32, #tpu.memory_space<hbm>>
    tpu.enqueue_indirect_dma source(%dma_start3A_1112 : memref<100000x32xf32, #tpu.memory_space<hbm>>) target(%dma_start3A_1102 : memref<64x32xf32, #tpu.memory_space<vmem>>) offsets(%dma_start3A_1105 : memref<64xi32, #tpu.memory_space<vmem>>) semaphore(%arg17 : memref<!tpu.dma_semaphore, #tpu.memory_space<semaphore_mem>>)
    %dma_start3A_1113 = arith.constant 19 : i32
    %dma_start3A_1114 = arith.constant 19 : i32
    %dma_start3A_1115 = arith.constant 1216 : i32
    %dma_start3A_1116 = arith.constant 0 : i32
    %dma_start3A_1117 = tpu.memref_slice %arg11[%dma_start3A_1115, %dma_start3A_1116] : memref<1664x32xf32, #tpu.memory_space<vmem>> -> memref<64x32xf32, #tpu.memory_space<vmem>>
    %dma_start3A_1118 = arith.constant 64 : i32
    %dma_start3A_1119 = tpu.memref_slice %arg9[%dma_start3A_1114, %dma_start3A_1118] : memref<26x128xi32, #tpu.memory_space<vmem>> -> memref<1x64xi32, #tpu.memory_space<vmem>>
    %dma_start3A_1120 = tpu.memref_squeeze %dma_start3A_1119 : memref<1x64xi32, #tpu.memory_space<vmem>> -> memref<64xi32, #tpu.memory_space<vmem>>
    %dma_start3A_1121 = arith.constant 0 : i32
    %dma_start3A_1122 = arith.constant 0 : i32
    %dma_start3A_1123 = tpu.memref_slice %arg6[%dma_start3A_1113, %dma_start3A_1121, %dma_start3A_1122] : memref<26x100000x32xf32, #tpu.memory_space<hbm>> -> memref<1x100000x32xf32, #tpu.memory_space<hbm>>
    %dma_start3A_1124 = tpu.memref_squeeze %dma_start3A_1123 : memref<1x100000x32xf32, #tpu.memory_space<hbm>> -> memref<100000x32xf32, #tpu.memory_space<hbm>>
    %dma_start3A_1125 = arith.constant 0 : i32
    %dma_start3A_1126 = arith.constant 0 : i32
    %dma_start3A_1127 = tpu.memref_slice %dma_start3A_1124[%dma_start3A_1125, %dma_start3A_1126] : memref<100000x32xf32, #tpu.memory_space<hbm>> -> memref<100000x32xf32, #tpu.memory_space<hbm>>
    tpu.enqueue_indirect_dma source(%dma_start3A_1127 : memref<100000x32xf32, #tpu.memory_space<hbm>>) target(%dma_start3A_1117 : memref<64x32xf32, #tpu.memory_space<vmem>>) offsets(%dma_start3A_1120 : memref<64xi32, #tpu.memory_space<vmem>>) semaphore(%arg17 : memref<!tpu.dma_semaphore, #tpu.memory_space<semaphore_mem>>)
    %dma_start3A_1128 = arith.constant 20 : i32
    %dma_start3A_1129 = arith.constant 20 : i32
    %dma_start3A_1130 = arith.constant 1280 : i32
    %dma_start3A_1131 = arith.constant 0 : i32
    %dma_start3A_1132 = tpu.memref_slice %arg11[%dma_start3A_1130, %dma_start3A_1131] : memref<1664x32xf32, #tpu.memory_space<vmem>> -> memref<64x32xf32, #tpu.memory_space<vmem>>
    %dma_start3A_1133 = arith.constant 64 : i32
    %dma_start3A_1134 = tpu.memref_slice %arg9[%dma_start3A_1129, %dma_start3A_1133] : memref<26x128xi32, #tpu.memory_space<vmem>> -> memref<1x64xi32, #tpu.memory_space<vmem>>
    %dma_start3A_1135 = tpu.memref_squeeze %dma_start3A_1134 : memref<1x64xi32, #tpu.memory_space<vmem>> -> memref<64xi32, #tpu.memory_space<vmem>>
    %dma_start3A_1136 = arith.constant 0 : i32
    %dma_start3A_1137 = arith.constant 0 : i32
    %dma_start3A_1138 = tpu.memref_slice %arg6[%dma_start3A_1128, %dma_start3A_1136, %dma_start3A_1137] : memref<26x100000x32xf32, #tpu.memory_space<hbm>> -> memref<1x100000x32xf32, #tpu.memory_space<hbm>>
    %dma_start3A_1139 = tpu.memref_squeeze %dma_start3A_1138 : memref<1x100000x32xf32, #tpu.memory_space<hbm>> -> memref<100000x32xf32, #tpu.memory_space<hbm>>
    %dma_start3A_1140 = arith.constant 0 : i32
    %dma_start3A_1141 = arith.constant 0 : i32
    %dma_start3A_1142 = tpu.memref_slice %dma_start3A_1139[%dma_start3A_1140, %dma_start3A_1141] : memref<100000x32xf32, #tpu.memory_space<hbm>> -> memref<100000x32xf32, #tpu.memory_space<hbm>>
    tpu.enqueue_indirect_dma source(%dma_start3A_1142 : memref<100000x32xf32, #tpu.memory_space<hbm>>) target(%dma_start3A_1132 : memref<64x32xf32, #tpu.memory_space<vmem>>) offsets(%dma_start3A_1135 : memref<64xi32, #tpu.memory_space<vmem>>) semaphore(%arg17 : memref<!tpu.dma_semaphore, #tpu.memory_space<semaphore_mem>>)
    %dma_start3A_1143 = arith.constant 21 : i32
    %dma_start3A_1144 = arith.constant 21 : i32
    %dma_start3A_1145 = arith.constant 1344 : i32
    %dma_start3A_1146 = arith.constant 0 : i32
    %dma_start3A_1147 = tpu.memref_slice %arg11[%dma_start3A_1145, %dma_start3A_1146] : memref<1664x32xf32, #tpu.memory_space<vmem>> -> memref<64x32xf32, #tpu.memory_space<vmem>>
    %dma_start3A_1148 = arith.constant 64 : i32
    %dma_start3A_1149 = tpu.memref_slice %arg9[%dma_start3A_1144, %dma_start3A_1148] : memref<26x128xi32, #tpu.memory_space<vmem>> -> memref<1x64xi32, #tpu.memory_space<vmem>>
    %dma_start3A_1150 = tpu.memref_squeeze %dma_start3A_1149 : memref<1x64xi32, #tpu.memory_space<vmem>> -> memref<64xi32, #tpu.memory_space<vmem>>
    %dma_start3A_1151 = arith.constant 0 : i32
    %dma_start3A_1152 = arith.constant 0 : i32
    %dma_start3A_1153 = tpu.memref_slice %arg6[%dma_start3A_1143, %dma_start3A_1151, %dma_start3A_1152] : memref<26x100000x32xf32, #tpu.memory_space<hbm>> -> memref<1x100000x32xf32, #tpu.memory_space<hbm>>
    %dma_start3A_1154 = tpu.memref_squeeze %dma_start3A_1153 : memref<1x100000x32xf32, #tpu.memory_space<hbm>> -> memref<100000x32xf32, #tpu.memory_space<hbm>>
    %dma_start3A_1155 = arith.constant 0 : i32
    %dma_start3A_1156 = arith.constant 0 : i32
    %dma_start3A_1157 = tpu.memref_slice %dma_start3A_1154[%dma_start3A_1155, %dma_start3A_1156] : memref<100000x32xf32, #tpu.memory_space<hbm>> -> memref<100000x32xf32, #tpu.memory_space<hbm>>
    tpu.enqueue_indirect_dma source(%dma_start3A_1157 : memref<100000x32xf32, #tpu.memory_space<hbm>>) target(%dma_start3A_1147 : memref<64x32xf32, #tpu.memory_space<vmem>>) offsets(%dma_start3A_1150 : memref<64xi32, #tpu.memory_space<vmem>>) semaphore(%arg17 : memref<!tpu.dma_semaphore, #tpu.memory_space<semaphore_mem>>)
    %dma_start3A_1158 = arith.constant 22 : i32
    %dma_start3A_1159 = arith.constant 22 : i32
    %dma_start3A_1160 = arith.constant 1408 : i32
    %dma_start3A_1161 = arith.constant 0 : i32
    %dma_start3A_1162 = tpu.memref_slice %arg11[%dma_start3A_1160, %dma_start3A_1161] : memref<1664x32xf32, #tpu.memory_space<vmem>> -> memref<64x32xf32, #tpu.memory_space<vmem>>
    %dma_start3A_1163 = arith.constant 64 : i32
    %dma_start3A_1164 = tpu.memref_slice %arg9[%dma_start3A_1159, %dma_start3A_1163] : memref<26x128xi32, #tpu.memory_space<vmem>> -> memref<1x64xi32, #tpu.memory_space<vmem>>
    %dma_start3A_1165 = tpu.memref_squeeze %dma_start3A_1164 : memref<1x64xi32, #tpu.memory_space<vmem>> -> memref<64xi32, #tpu.memory_space<vmem>>
    %dma_start3A_1166 = arith.constant 0 : i32
    %dma_start3A_1167 = arith.constant 0 : i32
    %dma_start3A_1168 = tpu.memref_slice %arg6[%dma_start3A_1158, %dma_start3A_1166, %dma_start3A_1167] : memref<26x100000x32xf32, #tpu.memory_space<hbm>> -> memref<1x100000x32xf32, #tpu.memory_space<hbm>>
    %dma_start3A_1169 = tpu.memref_squeeze %dma_start3A_1168 : memref<1x100000x32xf32, #tpu.memory_space<hbm>> -> memref<100000x32xf32, #tpu.memory_space<hbm>>
    %dma_start3A_1170 = arith.constant 0 : i32
    %dma_start3A_1171 = arith.constant 0 : i32
    %dma_start3A_1172 = tpu.memref_slice %dma_start3A_1169[%dma_start3A_1170, %dma_start3A_1171] : memref<100000x32xf32, #tpu.memory_space<hbm>> -> memref<100000x32xf32, #tpu.memory_space<hbm>>
    tpu.enqueue_indirect_dma source(%dma_start3A_1172 : memref<100000x32xf32, #tpu.memory_space<hbm>>) target(%dma_start3A_1162 : memref<64x32xf32, #tpu.memory_space<vmem>>) offsets(%dma_start3A_1165 : memref<64xi32, #tpu.memory_space<vmem>>) semaphore(%arg17 : memref<!tpu.dma_semaphore, #tpu.memory_space<semaphore_mem>>)
    %dma_start3A_1173 = arith.constant 23 : i32
    %dma_start3A_1174 = arith.constant 23 : i32
    %dma_start3A_1175 = arith.constant 1472 : i32
    %dma_start3A_1176 = arith.constant 0 : i32
    %dma_start3A_1177 = tpu.memref_slice %arg11[%dma_start3A_1175, %dma_start3A_1176] : memref<1664x32xf32, #tpu.memory_space<vmem>> -> memref<64x32xf32, #tpu.memory_space<vmem>>
    %dma_start3A_1178 = arith.constant 64 : i32
    %dma_start3A_1179 = tpu.memref_slice %arg9[%dma_start3A_1174, %dma_start3A_1178] : memref<26x128xi32, #tpu.memory_space<vmem>> -> memref<1x64xi32, #tpu.memory_space<vmem>>
    %dma_start3A_1180 = tpu.memref_squeeze %dma_start3A_1179 : memref<1x64xi32, #tpu.memory_space<vmem>> -> memref<64xi32, #tpu.memory_space<vmem>>
    %dma_start3A_1181 = arith.constant 0 : i32
    %dma_start3A_1182 = arith.constant 0 : i32
    %dma_start3A_1183 = tpu.memref_slice %arg6[%dma_start3A_1173, %dma_start3A_1181, %dma_start3A_1182] : memref<26x100000x32xf32, #tpu.memory_space<hbm>> -> memref<1x100000x32xf32, #tpu.memory_space<hbm>>
    %dma_start3A_1184 = tpu.memref_squeeze %dma_start3A_1183 : memref<1x100000x32xf32, #tpu.memory_space<hbm>> -> memref<100000x32xf32, #tpu.memory_space<hbm>>
    %dma_start3A_1185 = arith.constant 0 : i32
    %dma_start3A_1186 = arith.constant 0 : i32
    %dma_start3A_1187 = tpu.memref_slice %dma_start3A_1184[%dma_start3A_1185, %dma_start3A_1186] : memref<100000x32xf32, #tpu.memory_space<hbm>> -> memref<100000x32xf32, #tpu.memory_space<hbm>>
    tpu.enqueue_indirect_dma source(%dma_start3A_1187 : memref<100000x32xf32, #tpu.memory_space<hbm>>) target(%dma_start3A_1177 : memref<64x32xf32, #tpu.memory_space<vmem>>) offsets(%dma_start3A_1180 : memref<64xi32, #tpu.memory_space<vmem>>) semaphore(%arg17 : memref<!tpu.dma_semaphore, #tpu.memory_space<semaphore_mem>>)
    %dma_start3A_1188 = arith.constant 24 : i32
    %dma_start3A_1189 = arith.constant 24 : i32
    %dma_start3A_1190 = arith.constant 1536 : i32
    %dma_start3A_1191 = arith.constant 0 : i32
    %dma_start3A_1192 = tpu.memref_slice %arg11[%dma_start3A_1190, %dma_start3A_1191] : memref<1664x32xf32, #tpu.memory_space<vmem>> -> memref<64x32xf32, #tpu.memory_space<vmem>>
    %dma_start3A_1193 = arith.constant 64 : i32
    %dma_start3A_1194 = tpu.memref_slice %arg9[%dma_start3A_1189, %dma_start3A_1193] : memref<26x128xi32, #tpu.memory_space<vmem>> -> memref<1x64xi32, #tpu.memory_space<vmem>>
    %dma_start3A_1195 = tpu.memref_squeeze %dma_start3A_1194 : memref<1x64xi32, #tpu.memory_space<vmem>> -> memref<64xi32, #tpu.memory_space<vmem>>
    %dma_start3A_1196 = arith.constant 0 : i32
    %dma_start3A_1197 = arith.constant 0 : i32
    %dma_start3A_1198 = tpu.memref_slice %arg6[%dma_start3A_1188, %dma_start3A_1196, %dma_start3A_1197] : memref<26x100000x32xf32, #tpu.memory_space<hbm>> -> memref<1x100000x32xf32, #tpu.memory_space<hbm>>
    %dma_start3A_1199 = tpu.memref_squeeze %dma_start3A_1198 : memref<1x100000x32xf32, #tpu.memory_space<hbm>> -> memref<100000x32xf32, #tpu.memory_space<hbm>>
    %dma_start3A_1200 = arith.constant 0 : i32
    %dma_start3A_1201 = arith.constant 0 : i32
    %dma_start3A_1202 = tpu.memref_slice %dma_start3A_1199[%dma_start3A_1200, %dma_start3A_1201] : memref<100000x32xf32, #tpu.memory_space<hbm>> -> memref<100000x32xf32, #tpu.memory_space<hbm>>
    tpu.enqueue_indirect_dma source(%dma_start3A_1202 : memref<100000x32xf32, #tpu.memory_space<hbm>>) target(%dma_start3A_1192 : memref<64x32xf32, #tpu.memory_space<vmem>>) offsets(%dma_start3A_1195 : memref<64xi32, #tpu.memory_space<vmem>>) semaphore(%arg17 : memref<!tpu.dma_semaphore, #tpu.memory_space<semaphore_mem>>)
    %dma_start3A_1203 = arith.constant 25 : i32
    %dma_start3A_1204 = arith.constant 25 : i32
    %dma_start3A_1205 = arith.constant 1600 : i32
    %dma_start3A_1206 = arith.constant 0 : i32
    %dma_start3A_1207 = tpu.memref_slice %arg11[%dma_start3A_1205, %dma_start3A_1206] : memref<1664x32xf32, #tpu.memory_space<vmem>> -> memref<64x32xf32, #tpu.memory_space<vmem>>
    %dma_start3A_1208 = arith.constant 64 : i32
    %dma_start3A_1209 = tpu.memref_slice %arg9[%dma_start3A_1204, %dma_start3A_1208] : memref<26x128xi32, #tpu.memory_space<vmem>> -> memref<1x64xi32, #tpu.memory_space<vmem>>
    %dma_start3A_1210 = tpu.memref_squeeze %dma_start3A_1209 : memref<1x64xi32, #tpu.memory_space<vmem>> -> memref<64xi32, #tpu.memory_space<vmem>>
    %dma_start3A_1211 = arith.constant 0 : i32
    %dma_start3A_1212 = arith.constant 0 : i32
    %dma_start3A_1213 = tpu.memref_slice %arg6[%dma_start3A_1203, %dma_start3A_1211, %dma_start3A_1212] : memref<26x100000x32xf32, #tpu.memory_space<hbm>> -> memref<1x100000x32xf32, #tpu.memory_space<hbm>>
    %dma_start3A_1214 = tpu.memref_squeeze %dma_start3A_1213 : memref<1x100000x32xf32, #tpu.memory_space<hbm>> -> memref<100000x32xf32, #tpu.memory_space<hbm>>
    %dma_start3A_1215 = arith.constant 0 : i32
    %dma_start3A_1216 = arith.constant 0 : i32
    %dma_start3A_1217 = tpu.memref_slice %dma_start3A_1214[%dma_start3A_1215, %dma_start3A_1216] : memref<100000x32xf32, #tpu.memory_space<hbm>> -> memref<100000x32xf32, #tpu.memory_space<hbm>>
    tpu.enqueue_indirect_dma source(%dma_start3A_1217 : memref<100000x32xf32, #tpu.memory_space<hbm>>) target(%dma_start3A_1207 : memref<64x32xf32, #tpu.memory_space<vmem>>) offsets(%dma_start3A_1210 : memref<64xi32, #tpu.memory_space<vmem>>) semaphore(%arg17 : memref<!tpu.dma_semaphore, #tpu.memory_space<semaphore_mem>>)
    %dma_wait3A_1218 = arith.constant 0 : i32
    %dma_wait3A_1219 = arith.constant 0 : i32
    %dma_wait3A_1220 = arith.constant 0 : i32
    %dma_wait3A_1221 = arith.constant 0 : i32
    %dma_wait3A_1222 = tpu.memref_slice %arg11[%dma_wait3A_1220, %dma_wait3A_1221] : memref<1664x32xf32, #tpu.memory_space<vmem>> -> memref<64x32xf32, #tpu.memory_space<vmem>>
    %dma_wait3A_1223 = arith.constant 64 : i32
    %dma_wait3A_1224 = tpu.memref_slice %arg9[%dma_wait3A_1219, %dma_wait3A_1223] : memref<26x128xi32, #tpu.memory_space<vmem>> -> memref<1x64xi32, #tpu.memory_space<vmem>>
    %dma_wait3A_1225 = tpu.memref_squeeze %dma_wait3A_1224 : memref<1x64xi32, #tpu.memory_space<vmem>> -> memref<64xi32, #tpu.memory_space<vmem>>
    %dma_wait3A_1226 = arith.constant 0 : i32
    %dma_wait3A_1227 = arith.constant 0 : i32
    %dma_wait3A_1228 = tpu.memref_slice %arg6[%dma_wait3A_1218, %dma_wait3A_1226, %dma_wait3A_1227] : memref<26x100000x32xf32, #tpu.memory_space<hbm>> -> memref<1x100000x32xf32, #tpu.memory_space<hbm>>
    %dma_wait3A_1229 = tpu.memref_squeeze %dma_wait3A_1228 : memref<1x100000x32xf32, #tpu.memory_space<hbm>> -> memref<100000x32xf32, #tpu.memory_space<hbm>>
    %dma_wait3A_1230 = arith.constant 0 : i32
    %dma_wait3A_1231 = arith.constant 0 : i32
    %dma_wait3A_1232 = tpu.memref_slice %dma_wait3A_1229[%dma_wait3A_1230, %dma_wait3A_1231] : memref<100000x32xf32, #tpu.memory_space<hbm>> -> memref<100000x32xf32, #tpu.memory_space<hbm>>
    tpu.wait_indirect_dma semaphore(%arg17 : memref<!tpu.dma_semaphore, #tpu.memory_space<semaphore_mem>>) src(%dma_wait3A_1232 : memref<100000x32xf32, #tpu.memory_space<hbm>>) dst(%dma_wait3A_1222 : memref<64x32xf32, #tpu.memory_space<vmem>>)
    %dma_wait3A_1233 = arith.constant 1 : i32
    %dma_wait3A_1234 = arith.constant 1 : i32
    %dma_wait3A_1235 = arith.constant 64 : i32
    %dma_wait3A_1236 = arith.constant 0 : i32
    %dma_wait3A_1237 = tpu.memref_slice %arg11[%dma_wait3A_1235, %dma_wait3A_1236] : memref<1664x32xf32, #tpu.memory_space<vmem>> -> memref<64x32xf32, #tpu.memory_space<vmem>>
    %dma_wait3A_1238 = arith.constant 64 : i32
    %dma_wait3A_1239 = tpu.memref_slice %arg9[%dma_wait3A_1234, %dma_wait3A_1238] : memref<26x128xi32, #tpu.memory_space<vmem>> -> memref<1x64xi32, #tpu.memory_space<vmem>>
    %dma_wait3A_1240 = tpu.memref_squeeze %dma_wait3A_1239 : memref<1x64xi32, #tpu.memory_space<vmem>> -> memref<64xi32, #tpu.memory_space<vmem>>
    %dma_wait3A_1241 = arith.constant 0 : i32
    %dma_wait3A_1242 = arith.constant 0 : i32
    %dma_wait3A_1243 = tpu.memref_slice %arg6[%dma_wait3A_1233, %dma_wait3A_1241, %dma_wait3A_1242] : memref<26x100000x32xf32, #tpu.memory_space<hbm>> -> memref<1x100000x32xf32, #tpu.memory_space<hbm>>
    %dma_wait3A_1244 = tpu.memref_squeeze %dma_wait3A_1243 : memref<1x100000x32xf32, #tpu.memory_space<hbm>> -> memref<100000x32xf32, #tpu.memory_space<hbm>>
    %dma_wait3A_1245 = arith.constant 0 : i32
    %dma_wait3A_1246 = arith.constant 0 : i32
    %dma_wait3A_1247 = tpu.memref_slice %dma_wait3A_1244[%dma_wait3A_1245, %dma_wait3A_1246] : memref<100000x32xf32, #tpu.memory_space<hbm>> -> memref<100000x32xf32, #tpu.memory_space<hbm>>
    tpu.wait_indirect_dma semaphore(%arg17 : memref<!tpu.dma_semaphore, #tpu.memory_space<semaphore_mem>>) src(%dma_wait3A_1247 : memref<100000x32xf32, #tpu.memory_space<hbm>>) dst(%dma_wait3A_1237 : memref<64x32xf32, #tpu.memory_space<vmem>>)
    %dma_wait3A_1248 = arith.constant 2 : i32
    %dma_wait3A_1249 = arith.constant 2 : i32
    %dma_wait3A_1250 = arith.constant 128 : i32
    %dma_wait3A_1251 = arith.constant 0 : i32
    %dma_wait3A_1252 = tpu.memref_slice %arg11[%dma_wait3A_1250, %dma_wait3A_1251] : memref<1664x32xf32, #tpu.memory_space<vmem>> -> memref<64x32xf32, #tpu.memory_space<vmem>>
    %dma_wait3A_1253 = arith.constant 64 : i32
    %dma_wait3A_1254 = tpu.memref_slice %arg9[%dma_wait3A_1249, %dma_wait3A_1253] : memref<26x128xi32, #tpu.memory_space<vmem>> -> memref<1x64xi32, #tpu.memory_space<vmem>>
    %dma_wait3A_1255 = tpu.memref_squeeze %dma_wait3A_1254 : memref<1x64xi32, #tpu.memory_space<vmem>> -> memref<64xi32, #tpu.memory_space<vmem>>
    %dma_wait3A_1256 = arith.constant 0 : i32
    %dma_wait3A_1257 = arith.constant 0 : i32
    %dma_wait3A_1258 = tpu.memref_slice %arg6[%dma_wait3A_1248, %dma_wait3A_1256, %dma_wait3A_1257] : memref<26x100000x32xf32, #tpu.memory_space<hbm>> -> memref<1x100000x32xf32, #tpu.memory_space<hbm>>
    %dma_wait3A_1259 = tpu.memref_squeeze %dma_wait3A_1258 : memref<1x100000x32xf32, #tpu.memory_space<hbm>> -> memref<100000x32xf32, #tpu.memory_space<hbm>>
    %dma_wait3A_1260 = arith.constant 0 : i32
    %dma_wait3A_1261 = arith.constant 0 : i32
    %dma_wait3A_1262 = tpu.memref_slice %dma_wait3A_1259[%dma_wait3A_1260, %dma_wait3A_1261] : memref<100000x32xf32, #tpu.memory_space<hbm>> -> memref<100000x32xf32, #tpu.memory_space<hbm>>
    tpu.wait_indirect_dma semaphore(%arg17 : memref<!tpu.dma_semaphore, #tpu.memory_space<semaphore_mem>>) src(%dma_wait3A_1262 : memref<100000x32xf32, #tpu.memory_space<hbm>>) dst(%dma_wait3A_1252 : memref<64x32xf32, #tpu.memory_space<vmem>>)
    %dma_wait3A_1263 = arith.constant 3 : i32
    %dma_wait3A_1264 = arith.constant 3 : i32
    %dma_wait3A_1265 = arith.constant 192 : i32
    %dma_wait3A_1266 = arith.constant 0 : i32
    %dma_wait3A_1267 = tpu.memref_slice %arg11[%dma_wait3A_1265, %dma_wait3A_1266] : memref<1664x32xf32, #tpu.memory_space<vmem>> -> memref<64x32xf32, #tpu.memory_space<vmem>>
    %dma_wait3A_1268 = arith.constant 64 : i32
    %dma_wait3A_1269 = tpu.memref_slice %arg9[%dma_wait3A_1264, %dma_wait3A_1268] : memref<26x128xi32, #tpu.memory_space<vmem>> -> memref<1x64xi32, #tpu.memory_space<vmem>>
    %dma_wait3A_1270 = tpu.memref_squeeze %dma_wait3A_1269 : memref<1x64xi32, #tpu.memory_space<vmem>> -> memref<64xi32, #tpu.memory_space<vmem>>
    %dma_wait3A_1271 = arith.constant 0 : i32
    %dma_wait3A_1272 = arith.constant 0 : i32
    %dma_wait3A_1273 = tpu.memref_slice %arg6[%dma_wait3A_1263, %dma_wait3A_1271, %dma_wait3A_1272] : memref<26x100000x32xf32, #tpu.memory_space<hbm>> -> memref<1x100000x32xf32, #tpu.memory_space<hbm>>
    %dma_wait3A_1274 = tpu.memref_squeeze %dma_wait3A_1273 : memref<1x100000x32xf32, #tpu.memory_space<hbm>> -> memref<100000x32xf32, #tpu.memory_space<hbm>>
    %dma_wait3A_1275 = arith.constant 0 : i32
    %dma_wait3A_1276 = arith.constant 0 : i32
    %dma_wait3A_1277 = tpu.memref_slice %dma_wait3A_1274[%dma_wait3A_1275, %dma_wait3A_1276] : memref<100000x32xf32, #tpu.memory_space<hbm>> -> memref<100000x32xf32, #tpu.memory_space<hbm>>
    tpu.wait_indirect_dma semaphore(%arg17 : memref<!tpu.dma_semaphore, #tpu.memory_space<semaphore_mem>>) src(%dma_wait3A_1277 : memref<100000x32xf32, #tpu.memory_space<hbm>>) dst(%dma_wait3A_1267 : memref<64x32xf32, #tpu.memory_space<vmem>>)
    %dma_wait3A_1278 = arith.constant 4 : i32
    %dma_wait3A_1279 = arith.constant 4 : i32
    %dma_wait3A_1280 = arith.constant 256 : i32
    %dma_wait3A_1281 = arith.constant 0 : i32
    %dma_wait3A_1282 = tpu.memref_slice %arg11[%dma_wait3A_1280, %dma_wait3A_1281] : memref<1664x32xf32, #tpu.memory_space<vmem>> -> memref<64x32xf32, #tpu.memory_space<vmem>>
    %dma_wait3A_1283 = arith.constant 64 : i32
    %dma_wait3A_1284 = tpu.memref_slice %arg9[%dma_wait3A_1279, %dma_wait3A_1283] : memref<26x128xi32, #tpu.memory_space<vmem>> -> memref<1x64xi32, #tpu.memory_space<vmem>>
    %dma_wait3A_1285 = tpu.memref_squeeze %dma_wait3A_1284 : memref<1x64xi32, #tpu.memory_space<vmem>> -> memref<64xi32, #tpu.memory_space<vmem>>
    %dma_wait3A_1286 = arith.constant 0 : i32
    %dma_wait3A_1287 = arith.constant 0 : i32
    %dma_wait3A_1288 = tpu.memref_slice %arg6[%dma_wait3A_1278, %dma_wait3A_1286, %dma_wait3A_1287] : memref<26x100000x32xf32, #tpu.memory_space<hbm>> -> memref<1x100000x32xf32, #tpu.memory_space<hbm>>
    %dma_wait3A_1289 = tpu.memref_squeeze %dma_wait3A_1288 : memref<1x100000x32xf32, #tpu.memory_space<hbm>> -> memref<100000x32xf32, #tpu.memory_space<hbm>>
    %dma_wait3A_1290 = arith.constant 0 : i32
    %dma_wait3A_1291 = arith.constant 0 : i32
    %dma_wait3A_1292 = tpu.memref_slice %dma_wait3A_1289[%dma_wait3A_1290, %dma_wait3A_1291] : memref<100000x32xf32, #tpu.memory_space<hbm>> -> memref<100000x32xf32, #tpu.memory_space<hbm>>
    tpu.wait_indirect_dma semaphore(%arg17 : memref<!tpu.dma_semaphore, #tpu.memory_space<semaphore_mem>>) src(%dma_wait3A_1292 : memref<100000x32xf32, #tpu.memory_space<hbm>>) dst(%dma_wait3A_1282 : memref<64x32xf32, #tpu.memory_space<vmem>>)
    %dma_wait3A_1293 = arith.constant 5 : i32
    %dma_wait3A_1294 = arith.constant 5 : i32
    %dma_wait3A_1295 = arith.constant 320 : i32
    %dma_wait3A_1296 = arith.constant 0 : i32
    %dma_wait3A_1297 = tpu.memref_slice %arg11[%dma_wait3A_1295, %dma_wait3A_1296] : memref<1664x32xf32, #tpu.memory_space<vmem>> -> memref<64x32xf32, #tpu.memory_space<vmem>>
    %dma_wait3A_1298 = arith.constant 64 : i32
    %dma_wait3A_1299 = tpu.memref_slice %arg9[%dma_wait3A_1294, %dma_wait3A_1298] : memref<26x128xi32, #tpu.memory_space<vmem>> -> memref<1x64xi32, #tpu.memory_space<vmem>>
    %dma_wait3A_1300 = tpu.memref_squeeze %dma_wait3A_1299 : memref<1x64xi32, #tpu.memory_space<vmem>> -> memref<64xi32, #tpu.memory_space<vmem>>
    %dma_wait3A_1301 = arith.constant 0 : i32
    %dma_wait3A_1302 = arith.constant 0 : i32
    %dma_wait3A_1303 = tpu.memref_slice %arg6[%dma_wait3A_1293, %dma_wait3A_1301, %dma_wait3A_1302] : memref<26x100000x32xf32, #tpu.memory_space<hbm>> -> memref<1x100000x32xf32, #tpu.memory_space<hbm>>
    %dma_wait3A_1304 = tpu.memref_squeeze %dma_wait3A_1303 : memref<1x100000x32xf32, #tpu.memory_space<hbm>> -> memref<100000x32xf32, #tpu.memory_space<hbm>>
    %dma_wait3A_1305 = arith.constant 0 : i32
    %dma_wait3A_1306 = arith.constant 0 : i32
    %dma_wait3A_1307 = tpu.memref_slice %dma_wait3A_1304[%dma_wait3A_1305, %dma_wait3A_1306] : memref<100000x32xf32, #tpu.memory_space<hbm>> -> memref<100000x32xf32, #tpu.memory_space<hbm>>
    tpu.wait_indirect_dma semaphore(%arg17 : memref<!tpu.dma_semaphore, #tpu.memory_space<semaphore_mem>>) src(%dma_wait3A_1307 : memref<100000x32xf32, #tpu.memory_space<hbm>>) dst(%dma_wait3A_1297 : memref<64x32xf32, #tpu.memory_space<vmem>>)
    %dma_wait3A_1308 = arith.constant 6 : i32
    %dma_wait3A_1309 = arith.constant 6 : i32
    %dma_wait3A_1310 = arith.constant 384 : i32
    %dma_wait3A_1311 = arith.constant 0 : i32
    %dma_wait3A_1312 = tpu.memref_slice %arg11[%dma_wait3A_1310, %dma_wait3A_1311] : memref<1664x32xf32, #tpu.memory_space<vmem>> -> memref<64x32xf32, #tpu.memory_space<vmem>>
    %dma_wait3A_1313 = arith.constant 64 : i32
    %dma_wait3A_1314 = tpu.memref_slice %arg9[%dma_wait3A_1309, %dma_wait3A_1313] : memref<26x128xi32, #tpu.memory_space<vmem>> -> memref<1x64xi32, #tpu.memory_space<vmem>>
    %dma_wait3A_1315 = tpu.memref_squeeze %dma_wait3A_1314 : memref<1x64xi32, #tpu.memory_space<vmem>> -> memref<64xi32, #tpu.memory_space<vmem>>
    %dma_wait3A_1316 = arith.constant 0 : i32
    %dma_wait3A_1317 = arith.constant 0 : i32
    %dma_wait3A_1318 = tpu.memref_slice %arg6[%dma_wait3A_1308, %dma_wait3A_1316, %dma_wait3A_1317] : memref<26x100000x32xf32, #tpu.memory_space<hbm>> -> memref<1x100000x32xf32, #tpu.memory_space<hbm>>
    %dma_wait3A_1319 = tpu.memref_squeeze %dma_wait3A_1318 : memref<1x100000x32xf32, #tpu.memory_space<hbm>> -> memref<100000x32xf32, #tpu.memory_space<hbm>>
    %dma_wait3A_1320 = arith.constant 0 : i32
    %dma_wait3A_1321 = arith.constant 0 : i32
    %dma_wait3A_1322 = tpu.memref_slice %dma_wait3A_1319[%dma_wait3A_1320, %dma_wait3A_1321] : memref<100000x32xf32, #tpu.memory_space<hbm>> -> memref<100000x32xf32, #tpu.memory_space<hbm>>
    tpu.wait_indirect_dma semaphore(%arg17 : memref<!tpu.dma_semaphore, #tpu.memory_space<semaphore_mem>>) src(%dma_wait3A_1322 : memref<100000x32xf32, #tpu.memory_space<hbm>>) dst(%dma_wait3A_1312 : memref<64x32xf32, #tpu.memory_space<vmem>>)
    %dma_wait3A_1323 = arith.constant 7 : i32
    %dma_wait3A_1324 = arith.constant 7 : i32
    %dma_wait3A_1325 = arith.constant 448 : i32
    %dma_wait3A_1326 = arith.constant 0 : i32
    %dma_wait3A_1327 = tpu.memref_slice %arg11[%dma_wait3A_1325, %dma_wait3A_1326] : memref<1664x32xf32, #tpu.memory_space<vmem>> -> memref<64x32xf32, #tpu.memory_space<vmem>>
    %dma_wait3A_1328 = arith.constant 64 : i32
    %dma_wait3A_1329 = tpu.memref_slice %arg9[%dma_wait3A_1324, %dma_wait3A_1328] : memref<26x128xi32, #tpu.memory_space<vmem>> -> memref<1x64xi32, #tpu.memory_space<vmem>>
    %dma_wait3A_1330 = tpu.memref_squeeze %dma_wait3A_1329 : memref<1x64xi32, #tpu.memory_space<vmem>> -> memref<64xi32, #tpu.memory_space<vmem>>
    %dma_wait3A_1331 = arith.constant 0 : i32
    %dma_wait3A_1332 = arith.constant 0 : i32
    %dma_wait3A_1333 = tpu.memref_slice %arg6[%dma_wait3A_1323, %dma_wait3A_1331, %dma_wait3A_1332] : memref<26x100000x32xf32, #tpu.memory_space<hbm>> -> memref<1x100000x32xf32, #tpu.memory_space<hbm>>
    %dma_wait3A_1334 = tpu.memref_squeeze %dma_wait3A_1333 : memref<1x100000x32xf32, #tpu.memory_space<hbm>> -> memref<100000x32xf32, #tpu.memory_space<hbm>>
    %dma_wait3A_1335 = arith.constant 0 : i32
    %dma_wait3A_1336 = arith.constant 0 : i32
    %dma_wait3A_1337 = tpu.memref_slice %dma_wait3A_1334[%dma_wait3A_1335, %dma_wait3A_1336] : memref<100000x32xf32, #tpu.memory_space<hbm>> -> memref<100000x32xf32, #tpu.memory_space<hbm>>
    tpu.wait_indirect_dma semaphore(%arg17 : memref<!tpu.dma_semaphore, #tpu.memory_space<semaphore_mem>>) src(%dma_wait3A_1337 : memref<100000x32xf32, #tpu.memory_space<hbm>>) dst(%dma_wait3A_1327 : memref<64x32xf32, #tpu.memory_space<vmem>>)
    %dma_wait3A_1338 = arith.constant 8 : i32
    %dma_wait3A_1339 = arith.constant 8 : i32
    %dma_wait3A_1340 = arith.constant 512 : i32
    %dma_wait3A_1341 = arith.constant 0 : i32
    %dma_wait3A_1342 = tpu.memref_slice %arg11[%dma_wait3A_1340, %dma_wait3A_1341] : memref<1664x32xf32, #tpu.memory_space<vmem>> -> memref<64x32xf32, #tpu.memory_space<vmem>>
    %dma_wait3A_1343 = arith.constant 64 : i32
    %dma_wait3A_1344 = tpu.memref_slice %arg9[%dma_wait3A_1339, %dma_wait3A_1343] : memref<26x128xi32, #tpu.memory_space<vmem>> -> memref<1x64xi32, #tpu.memory_space<vmem>>
    %dma_wait3A_1345 = tpu.memref_squeeze %dma_wait3A_1344 : memref<1x64xi32, #tpu.memory_space<vmem>> -> memref<64xi32, #tpu.memory_space<vmem>>
    %dma_wait3A_1346 = arith.constant 0 : i32
    %dma_wait3A_1347 = arith.constant 0 : i32
    %dma_wait3A_1348 = tpu.memref_slice %arg6[%dma_wait3A_1338, %dma_wait3A_1346, %dma_wait3A_1347] : memref<26x100000x32xf32, #tpu.memory_space<hbm>> -> memref<1x100000x32xf32, #tpu.memory_space<hbm>>
    %dma_wait3A_1349 = tpu.memref_squeeze %dma_wait3A_1348 : memref<1x100000x32xf32, #tpu.memory_space<hbm>> -> memref<100000x32xf32, #tpu.memory_space<hbm>>
    %dma_wait3A_1350 = arith.constant 0 : i32
    %dma_wait3A_1351 = arith.constant 0 : i32
    %dma_wait3A_1352 = tpu.memref_slice %dma_wait3A_1349[%dma_wait3A_1350, %dma_wait3A_1351] : memref<100000x32xf32, #tpu.memory_space<hbm>> -> memref<100000x32xf32, #tpu.memory_space<hbm>>
    tpu.wait_indirect_dma semaphore(%arg17 : memref<!tpu.dma_semaphore, #tpu.memory_space<semaphore_mem>>) src(%dma_wait3A_1352 : memref<100000x32xf32, #tpu.memory_space<hbm>>) dst(%dma_wait3A_1342 : memref<64x32xf32, #tpu.memory_space<vmem>>)
    %dma_wait3A_1353 = arith.constant 9 : i32
    %dma_wait3A_1354 = arith.constant 9 : i32
    %dma_wait3A_1355 = arith.constant 576 : i32
    %dma_wait3A_1356 = arith.constant 0 : i32
    %dma_wait3A_1357 = tpu.memref_slice %arg11[%dma_wait3A_1355, %dma_wait3A_1356] : memref<1664x32xf32, #tpu.memory_space<vmem>> -> memref<64x32xf32, #tpu.memory_space<vmem>>
    %dma_wait3A_1358 = arith.constant 64 : i32
    %dma_wait3A_1359 = tpu.memref_slice %arg9[%dma_wait3A_1354, %dma_wait3A_1358] : memref<26x128xi32, #tpu.memory_space<vmem>> -> memref<1x64xi32, #tpu.memory_space<vmem>>
    %dma_wait3A_1360 = tpu.memref_squeeze %dma_wait3A_1359 : memref<1x64xi32, #tpu.memory_space<vmem>> -> memref<64xi32, #tpu.memory_space<vmem>>
    %dma_wait3A_1361 = arith.constant 0 : i32
    %dma_wait3A_1362 = arith.constant 0 : i32
    %dma_wait3A_1363 = tpu.memref_slice %arg6[%dma_wait3A_1353, %dma_wait3A_1361, %dma_wait3A_1362] : memref<26x100000x32xf32, #tpu.memory_space<hbm>> -> memref<1x100000x32xf32, #tpu.memory_space<hbm>>
    %dma_wait3A_1364 = tpu.memref_squeeze %dma_wait3A_1363 : memref<1x100000x32xf32, #tpu.memory_space<hbm>> -> memref<100000x32xf32, #tpu.memory_space<hbm>>
    %dma_wait3A_1365 = arith.constant 0 : i32
    %dma_wait3A_1366 = arith.constant 0 : i32
    %dma_wait3A_1367 = tpu.memref_slice %dma_wait3A_1364[%dma_wait3A_1365, %dma_wait3A_1366] : memref<100000x32xf32, #tpu.memory_space<hbm>> -> memref<100000x32xf32, #tpu.memory_space<hbm>>
    tpu.wait_indirect_dma semaphore(%arg17 : memref<!tpu.dma_semaphore, #tpu.memory_space<semaphore_mem>>) src(%dma_wait3A_1367 : memref<100000x32xf32, #tpu.memory_space<hbm>>) dst(%dma_wait3A_1357 : memref<64x32xf32, #tpu.memory_space<vmem>>)
    %dma_wait3A_1368 = arith.constant 10 : i32
    %dma_wait3A_1369 = arith.constant 10 : i32
    %dma_wait3A_1370 = arith.constant 640 : i32
    %dma_wait3A_1371 = arith.constant 0 : i32
    %dma_wait3A_1372 = tpu.memref_slice %arg11[%dma_wait3A_1370, %dma_wait3A_1371] : memref<1664x32xf32, #tpu.memory_space<vmem>> -> memref<64x32xf32, #tpu.memory_space<vmem>>
    %dma_wait3A_1373 = arith.constant 64 : i32
    %dma_wait3A_1374 = tpu.memref_slice %arg9[%dma_wait3A_1369, %dma_wait3A_1373] : memref<26x128xi32, #tpu.memory_space<vmem>> -> memref<1x64xi32, #tpu.memory_space<vmem>>
    %dma_wait3A_1375 = tpu.memref_squeeze %dma_wait3A_1374 : memref<1x64xi32, #tpu.memory_space<vmem>> -> memref<64xi32, #tpu.memory_space<vmem>>
    %dma_wait3A_1376 = arith.constant 0 : i32
    %dma_wait3A_1377 = arith.constant 0 : i32
    %dma_wait3A_1378 = tpu.memref_slice %arg6[%dma_wait3A_1368, %dma_wait3A_1376, %dma_wait3A_1377] : memref<26x100000x32xf32, #tpu.memory_space<hbm>> -> memref<1x100000x32xf32, #tpu.memory_space<hbm>>
    %dma_wait3A_1379 = tpu.memref_squeeze %dma_wait3A_1378 : memref<1x100000x32xf32, #tpu.memory_space<hbm>> -> memref<100000x32xf32, #tpu.memory_space<hbm>>
    %dma_wait3A_1380 = arith.constant 0 : i32
    %dma_wait3A_1381 = arith.constant 0 : i32
    %dma_wait3A_1382 = tpu.memref_slice %dma_wait3A_1379[%dma_wait3A_1380, %dma_wait3A_1381] : memref<100000x32xf32, #tpu.memory_space<hbm>> -> memref<100000x32xf32, #tpu.memory_space<hbm>>
    tpu.wait_indirect_dma semaphore(%arg17 : memref<!tpu.dma_semaphore, #tpu.memory_space<semaphore_mem>>) src(%dma_wait3A_1382 : memref<100000x32xf32, #tpu.memory_space<hbm>>) dst(%dma_wait3A_1372 : memref<64x32xf32, #tpu.memory_space<vmem>>)
    %dma_wait3A_1383 = arith.constant 11 : i32
    %dma_wait3A_1384 = arith.constant 11 : i32
    %dma_wait3A_1385 = arith.constant 704 : i32
    %dma_wait3A_1386 = arith.constant 0 : i32
    %dma_wait3A_1387 = tpu.memref_slice %arg11[%dma_wait3A_1385, %dma_wait3A_1386] : memref<1664x32xf32, #tpu.memory_space<vmem>> -> memref<64x32xf32, #tpu.memory_space<vmem>>
    %dma_wait3A_1388 = arith.constant 64 : i32
    %dma_wait3A_1389 = tpu.memref_slice %arg9[%dma_wait3A_1384, %dma_wait3A_1388] : memref<26x128xi32, #tpu.memory_space<vmem>> -> memref<1x64xi32, #tpu.memory_space<vmem>>
    %dma_wait3A_1390 = tpu.memref_squeeze %dma_wait3A_1389 : memref<1x64xi32, #tpu.memory_space<vmem>> -> memref<64xi32, #tpu.memory_space<vmem>>
    %dma_wait3A_1391 = arith.constant 0 : i32
    %dma_wait3A_1392 = arith.constant 0 : i32
    %dma_wait3A_1393 = tpu.memref_slice %arg6[%dma_wait3A_1383, %dma_wait3A_1391, %dma_wait3A_1392] : memref<26x100000x32xf32, #tpu.memory_space<hbm>> -> memref<1x100000x32xf32, #tpu.memory_space<hbm>>
    %dma_wait3A_1394 = tpu.memref_squeeze %dma_wait3A_1393 : memref<1x100000x32xf32, #tpu.memory_space<hbm>> -> memref<100000x32xf32, #tpu.memory_space<hbm>>
    %dma_wait3A_1395 = arith.constant 0 : i32
    %dma_wait3A_1396 = arith.constant 0 : i32
    %dma_wait3A_1397 = tpu.memref_slice %dma_wait3A_1394[%dma_wait3A_1395, %dma_wait3A_1396] : memref<100000x32xf32, #tpu.memory_space<hbm>> -> memref<100000x32xf32, #tpu.memory_space<hbm>>
    tpu.wait_indirect_dma semaphore(%arg17 : memref<!tpu.dma_semaphore, #tpu.memory_space<semaphore_mem>>) src(%dma_wait3A_1397 : memref<100000x32xf32, #tpu.memory_space<hbm>>) dst(%dma_wait3A_1387 : memref<64x32xf32, #tpu.memory_space<vmem>>)
    %dma_wait3A_1398 = arith.constant 12 : i32
    %dma_wait3A_1399 = arith.constant 12 : i32
    %dma_wait3A_1400 = arith.constant 768 : i32
    %dma_wait3A_1401 = arith.constant 0 : i32
    %dma_wait3A_1402 = tpu.memref_slice %arg11[%dma_wait3A_1400, %dma_wait3A_1401] : memref<1664x32xf32, #tpu.memory_space<vmem>> -> memref<64x32xf32, #tpu.memory_space<vmem>>
    %dma_wait3A_1403 = arith.constant 64 : i32
    %dma_wait3A_1404 = tpu.memref_slice %arg9[%dma_wait3A_1399, %dma_wait3A_1403] : memref<26x128xi32, #tpu.memory_space<vmem>> -> memref<1x64xi32, #tpu.memory_space<vmem>>
    %dma_wait3A_1405 = tpu.memref_squeeze %dma_wait3A_1404 : memref<1x64xi32, #tpu.memory_space<vmem>> -> memref<64xi32, #tpu.memory_space<vmem>>
    %dma_wait3A_1406 = arith.constant 0 : i32
    %dma_wait3A_1407 = arith.constant 0 : i32
    %dma_wait3A_1408 = tpu.memref_slice %arg6[%dma_wait3A_1398, %dma_wait3A_1406, %dma_wait3A_1407] : memref<26x100000x32xf32, #tpu.memory_space<hbm>> -> memref<1x100000x32xf32, #tpu.memory_space<hbm>>
    %dma_wait3A_1409 = tpu.memref_squeeze %dma_wait3A_1408 : memref<1x100000x32xf32, #tpu.memory_space<hbm>> -> memref<100000x32xf32, #tpu.memory_space<hbm>>
    %dma_wait3A_1410 = arith.constant 0 : i32
    %dma_wait3A_1411 = arith.constant 0 : i32
    %dma_wait3A_1412 = tpu.memref_slice %dma_wait3A_1409[%dma_wait3A_1410, %dma_wait3A_1411] : memref<100000x32xf32, #tpu.memory_space<hbm>> -> memref<100000x32xf32, #tpu.memory_space<hbm>>
    tpu.wait_indirect_dma semaphore(%arg17 : memref<!tpu.dma_semaphore, #tpu.memory_space<semaphore_mem>>) src(%dma_wait3A_1412 : memref<100000x32xf32, #tpu.memory_space<hbm>>) dst(%dma_wait3A_1402 : memref<64x32xf32, #tpu.memory_space<vmem>>)
    %dma_wait3A_1413 = arith.constant 13 : i32
    %dma_wait3A_1414 = arith.constant 13 : i32
    %dma_wait3A_1415 = arith.constant 832 : i32
    %dma_wait3A_1416 = arith.constant 0 : i32
    %dma_wait3A_1417 = tpu.memref_slice %arg11[%dma_wait3A_1415, %dma_wait3A_1416] : memref<1664x32xf32, #tpu.memory_space<vmem>> -> memref<64x32xf32, #tpu.memory_space<vmem>>
    %dma_wait3A_1418 = arith.constant 64 : i32
    %dma_wait3A_1419 = tpu.memref_slice %arg9[%dma_wait3A_1414, %dma_wait3A_1418] : memref<26x128xi32, #tpu.memory_space<vmem>> -> memref<1x64xi32, #tpu.memory_space<vmem>>
    %dma_wait3A_1420 = tpu.memref_squeeze %dma_wait3A_1419 : memref<1x64xi32, #tpu.memory_space<vmem>> -> memref<64xi32, #tpu.memory_space<vmem>>
    %dma_wait3A_1421 = arith.constant 0 : i32
    %dma_wait3A_1422 = arith.constant 0 : i32
    %dma_wait3A_1423 = tpu.memref_slice %arg6[%dma_wait3A_1413, %dma_wait3A_1421, %dma_wait3A_1422] : memref<26x100000x32xf32, #tpu.memory_space<hbm>> -> memref<1x100000x32xf32, #tpu.memory_space<hbm>>
    %dma_wait3A_1424 = tpu.memref_squeeze %dma_wait3A_1423 : memref<1x100000x32xf32, #tpu.memory_space<hbm>> -> memref<100000x32xf32, #tpu.memory_space<hbm>>
    %dma_wait3A_1425 = arith.constant 0 : i32
    %dma_wait3A_1426 = arith.constant 0 : i32
    %dma_wait3A_1427 = tpu.memref_slice %dma_wait3A_1424[%dma_wait3A_1425, %dma_wait3A_1426] : memref<100000x32xf32, #tpu.memory_space<hbm>> -> memref<100000x32xf32, #tpu.memory_space<hbm>>
    tpu.wait_indirect_dma semaphore(%arg17 : memref<!tpu.dma_semaphore, #tpu.memory_space<semaphore_mem>>) src(%dma_wait3A_1427 : memref<100000x32xf32, #tpu.memory_space<hbm>>) dst(%dma_wait3A_1417 : memref<64x32xf32, #tpu.memory_space<vmem>>)
    %dma_wait3A_1428 = arith.constant 14 : i32
    %dma_wait3A_1429 = arith.constant 14 : i32
    %dma_wait3A_1430 = arith.constant 896 : i32
    %dma_wait3A_1431 = arith.constant 0 : i32
    %dma_wait3A_1432 = tpu.memref_slice %arg11[%dma_wait3A_1430, %dma_wait3A_1431] : memref<1664x32xf32, #tpu.memory_space<vmem>> -> memref<64x32xf32, #tpu.memory_space<vmem>>
    %dma_wait3A_1433 = arith.constant 64 : i32
    %dma_wait3A_1434 = tpu.memref_slice %arg9[%dma_wait3A_1429, %dma_wait3A_1433] : memref<26x128xi32, #tpu.memory_space<vmem>> -> memref<1x64xi32, #tpu.memory_space<vmem>>
    %dma_wait3A_1435 = tpu.memref_squeeze %dma_wait3A_1434 : memref<1x64xi32, #tpu.memory_space<vmem>> -> memref<64xi32, #tpu.memory_space<vmem>>
    %dma_wait3A_1436 = arith.constant 0 : i32
    %dma_wait3A_1437 = arith.constant 0 : i32
    %dma_wait3A_1438 = tpu.memref_slice %arg6[%dma_wait3A_1428, %dma_wait3A_1436, %dma_wait3A_1437] : memref<26x100000x32xf32, #tpu.memory_space<hbm>> -> memref<1x100000x32xf32, #tpu.memory_space<hbm>>
    %dma_wait3A_1439 = tpu.memref_squeeze %dma_wait3A_1438 : memref<1x100000x32xf32, #tpu.memory_space<hbm>> -> memref<100000x32xf32, #tpu.memory_space<hbm>>
    %dma_wait3A_1440 = arith.constant 0 : i32
    %dma_wait3A_1441 = arith.constant 0 : i32
    %dma_wait3A_1442 = tpu.memref_slice %dma_wait3A_1439[%dma_wait3A_1440, %dma_wait3A_1441] : memref<100000x32xf32, #tpu.memory_space<hbm>> -> memref<100000x32xf32, #tpu.memory_space<hbm>>
    tpu.wait_indirect_dma semaphore(%arg17 : memref<!tpu.dma_semaphore, #tpu.memory_space<semaphore_mem>>) src(%dma_wait3A_1442 : memref<100000x32xf32, #tpu.memory_space<hbm>>) dst(%dma_wait3A_1432 : memref<64x32xf32, #tpu.memory_space<vmem>>)
    %dma_wait3A_1443 = arith.constant 15 : i32
    %dma_wait3A_1444 = arith.constant 15 : i32
    %dma_wait3A_1445 = arith.constant 960 : i32
    %dma_wait3A_1446 = arith.constant 0 : i32
    %dma_wait3A_1447 = tpu.memref_slice %arg11[%dma_wait3A_1445, %dma_wait3A_1446] : memref<1664x32xf32, #tpu.memory_space<vmem>> -> memref<64x32xf32, #tpu.memory_space<vmem>>
    %dma_wait3A_1448 = arith.constant 64 : i32
    %dma_wait3A_1449 = tpu.memref_slice %arg9[%dma_wait3A_1444, %dma_wait3A_1448] : memref<26x128xi32, #tpu.memory_space<vmem>> -> memref<1x64xi32, #tpu.memory_space<vmem>>
    %dma_wait3A_1450 = tpu.memref_squeeze %dma_wait3A_1449 : memref<1x64xi32, #tpu.memory_space<vmem>> -> memref<64xi32, #tpu.memory_space<vmem>>
    %dma_wait3A_1451 = arith.constant 0 : i32
    %dma_wait3A_1452 = arith.constant 0 : i32
    %dma_wait3A_1453 = tpu.memref_slice %arg6[%dma_wait3A_1443, %dma_wait3A_1451, %dma_wait3A_1452] : memref<26x100000x32xf32, #tpu.memory_space<hbm>> -> memref<1x100000x32xf32, #tpu.memory_space<hbm>>
    %dma_wait3A_1454 = tpu.memref_squeeze %dma_wait3A_1453 : memref<1x100000x32xf32, #tpu.memory_space<hbm>> -> memref<100000x32xf32, #tpu.memory_space<hbm>>
    %dma_wait3A_1455 = arith.constant 0 : i32
    %dma_wait3A_1456 = arith.constant 0 : i32
    %dma_wait3A_1457 = tpu.memref_slice %dma_wait3A_1454[%dma_wait3A_1455, %dma_wait3A_1456] : memref<100000x32xf32, #tpu.memory_space<hbm>> -> memref<100000x32xf32, #tpu.memory_space<hbm>>
    tpu.wait_indirect_dma semaphore(%arg17 : memref<!tpu.dma_semaphore, #tpu.memory_space<semaphore_mem>>) src(%dma_wait3A_1457 : memref<100000x32xf32, #tpu.memory_space<hbm>>) dst(%dma_wait3A_1447 : memref<64x32xf32, #tpu.memory_space<vmem>>)
    %dma_wait3A_1458 = arith.constant 16 : i32
    %dma_wait3A_1459 = arith.constant 16 : i32
    %dma_wait3A_1460 = arith.constant 1024 : i32
    %dma_wait3A_1461 = arith.constant 0 : i32
    %dma_wait3A_1462 = tpu.memref_slice %arg11[%dma_wait3A_1460, %dma_wait3A_1461] : memref<1664x32xf32, #tpu.memory_space<vmem>> -> memref<64x32xf32, #tpu.memory_space<vmem>>
    %dma_wait3A_1463 = arith.constant 64 : i32
    %dma_wait3A_1464 = tpu.memref_slice %arg9[%dma_wait3A_1459, %dma_wait3A_1463] : memref<26x128xi32, #tpu.memory_space<vmem>> -> memref<1x64xi32, #tpu.memory_space<vmem>>
    %dma_wait3A_1465 = tpu.memref_squeeze %dma_wait3A_1464 : memref<1x64xi32, #tpu.memory_space<vmem>> -> memref<64xi32, #tpu.memory_space<vmem>>
    %dma_wait3A_1466 = arith.constant 0 : i32
    %dma_wait3A_1467 = arith.constant 0 : i32
    %dma_wait3A_1468 = tpu.memref_slice %arg6[%dma_wait3A_1458, %dma_wait3A_1466, %dma_wait3A_1467] : memref<26x100000x32xf32, #tpu.memory_space<hbm>> -> memref<1x100000x32xf32, #tpu.memory_space<hbm>>
    %dma_wait3A_1469 = tpu.memref_squeeze %dma_wait3A_1468 : memref<1x100000x32xf32, #tpu.memory_space<hbm>> -> memref<100000x32xf32, #tpu.memory_space<hbm>>
    %dma_wait3A_1470 = arith.constant 0 : i32
    %dma_wait3A_1471 = arith.constant 0 : i32
    %dma_wait3A_1472 = tpu.memref_slice %dma_wait3A_1469[%dma_wait3A_1470, %dma_wait3A_1471] : memref<100000x32xf32, #tpu.memory_space<hbm>> -> memref<100000x32xf32, #tpu.memory_space<hbm>>
    tpu.wait_indirect_dma semaphore(%arg17 : memref<!tpu.dma_semaphore, #tpu.memory_space<semaphore_mem>>) src(%dma_wait3A_1472 : memref<100000x32xf32, #tpu.memory_space<hbm>>) dst(%dma_wait3A_1462 : memref<64x32xf32, #tpu.memory_space<vmem>>)
    %dma_wait3A_1473 = arith.constant 17 : i32
    %dma_wait3A_1474 = arith.constant 17 : i32
    %dma_wait3A_1475 = arith.constant 1088 : i32
    %dma_wait3A_1476 = arith.constant 0 : i32
    %dma_wait3A_1477 = tpu.memref_slice %arg11[%dma_wait3A_1475, %dma_wait3A_1476] : memref<1664x32xf32, #tpu.memory_space<vmem>> -> memref<64x32xf32, #tpu.memory_space<vmem>>
    %dma_wait3A_1478 = arith.constant 64 : i32
    %dma_wait3A_1479 = tpu.memref_slice %arg9[%dma_wait3A_1474, %dma_wait3A_1478] : memref<26x128xi32, #tpu.memory_space<vmem>> -> memref<1x64xi32, #tpu.memory_space<vmem>>
    %dma_wait3A_1480 = tpu.memref_squeeze %dma_wait3A_1479 : memref<1x64xi32, #tpu.memory_space<vmem>> -> memref<64xi32, #tpu.memory_space<vmem>>
    %dma_wait3A_1481 = arith.constant 0 : i32
    %dma_wait3A_1482 = arith.constant 0 : i32
    %dma_wait3A_1483 = tpu.memref_slice %arg6[%dma_wait3A_1473, %dma_wait3A_1481, %dma_wait3A_1482] : memref<26x100000x32xf32, #tpu.memory_space<hbm>> -> memref<1x100000x32xf32, #tpu.memory_space<hbm>>
    %dma_wait3A_1484 = tpu.memref_squeeze %dma_wait3A_1483 : memref<1x100000x32xf32, #tpu.memory_space<hbm>> -> memref<100000x32xf32, #tpu.memory_space<hbm>>
    %dma_wait3A_1485 = arith.constant 0 : i32
    %dma_wait3A_1486 = arith.constant 0 : i32
    %dma_wait3A_1487 = tpu.memref_slice %dma_wait3A_1484[%dma_wait3A_1485, %dma_wait3A_1486] : memref<100000x32xf32, #tpu.memory_space<hbm>> -> memref<100000x32xf32, #tpu.memory_space<hbm>>
    tpu.wait_indirect_dma semaphore(%arg17 : memref<!tpu.dma_semaphore, #tpu.memory_space<semaphore_mem>>) src(%dma_wait3A_1487 : memref<100000x32xf32, #tpu.memory_space<hbm>>) dst(%dma_wait3A_1477 : memref<64x32xf32, #tpu.memory_space<vmem>>)
    %dma_wait3A_1488 = arith.constant 18 : i32
    %dma_wait3A_1489 = arith.constant 18 : i32
    %dma_wait3A_1490 = arith.constant 1152 : i32
    %dma_wait3A_1491 = arith.constant 0 : i32
    %dma_wait3A_1492 = tpu.memref_slice %arg11[%dma_wait3A_1490, %dma_wait3A_1491] : memref<1664x32xf32, #tpu.memory_space<vmem>> -> memref<64x32xf32, #tpu.memory_space<vmem>>
    %dma_wait3A_1493 = arith.constant 64 : i32
    %dma_wait3A_1494 = tpu.memref_slice %arg9[%dma_wait3A_1489, %dma_wait3A_1493] : memref<26x128xi32, #tpu.memory_space<vmem>> -> memref<1x64xi32, #tpu.memory_space<vmem>>
    %dma_wait3A_1495 = tpu.memref_squeeze %dma_wait3A_1494 : memref<1x64xi32, #tpu.memory_space<vmem>> -> memref<64xi32, #tpu.memory_space<vmem>>
    %dma_wait3A_1496 = arith.constant 0 : i32
    %dma_wait3A_1497 = arith.constant 0 : i32
    %dma_wait3A_1498 = tpu.memref_slice %arg6[%dma_wait3A_1488, %dma_wait3A_1496, %dma_wait3A_1497] : memref<26x100000x32xf32, #tpu.memory_space<hbm>> -> memref<1x100000x32xf32, #tpu.memory_space<hbm>>
    %dma_wait3A_1499 = tpu.memref_squeeze %dma_wait3A_1498 : memref<1x100000x32xf32, #tpu.memory_space<hbm>> -> memref<100000x32xf32, #tpu.memory_space<hbm>>
    %dma_wait3A_1500 = arith.constant 0 : i32
    %dma_wait3A_1501 = arith.constant 0 : i32
    %dma_wait3A_1502 = tpu.memref_slice %dma_wait3A_1499[%dma_wait3A_1500, %dma_wait3A_1501] : memref<100000x32xf32, #tpu.memory_space<hbm>> -> memref<100000x32xf32, #tpu.memory_space<hbm>>
    tpu.wait_indirect_dma semaphore(%arg17 : memref<!tpu.dma_semaphore, #tpu.memory_space<semaphore_mem>>) src(%dma_wait3A_1502 : memref<100000x32xf32, #tpu.memory_space<hbm>>) dst(%dma_wait3A_1492 : memref<64x32xf32, #tpu.memory_space<vmem>>)
    %dma_wait3A_1503 = arith.constant 19 : i32
    %dma_wait3A_1504 = arith.constant 19 : i32
    %dma_wait3A_1505 = arith.constant 1216 : i32
    %dma_wait3A_1506 = arith.constant 0 : i32
    %dma_wait3A_1507 = tpu.memref_slice %arg11[%dma_wait3A_1505, %dma_wait3A_1506] : memref<1664x32xf32, #tpu.memory_space<vmem>> -> memref<64x32xf32, #tpu.memory_space<vmem>>
    %dma_wait3A_1508 = arith.constant 64 : i32
    %dma_wait3A_1509 = tpu.memref_slice %arg9[%dma_wait3A_1504, %dma_wait3A_1508] : memref<26x128xi32, #tpu.memory_space<vmem>> -> memref<1x64xi32, #tpu.memory_space<vmem>>
    %dma_wait3A_1510 = tpu.memref_squeeze %dma_wait3A_1509 : memref<1x64xi32, #tpu.memory_space<vmem>> -> memref<64xi32, #tpu.memory_space<vmem>>
    %dma_wait3A_1511 = arith.constant 0 : i32
    %dma_wait3A_1512 = arith.constant 0 : i32
    %dma_wait3A_1513 = tpu.memref_slice %arg6[%dma_wait3A_1503, %dma_wait3A_1511, %dma_wait3A_1512] : memref<26x100000x32xf32, #tpu.memory_space<hbm>> -> memref<1x100000x32xf32, #tpu.memory_space<hbm>>
    %dma_wait3A_1514 = tpu.memref_squeeze %dma_wait3A_1513 : memref<1x100000x32xf32, #tpu.memory_space<hbm>> -> memref<100000x32xf32, #tpu.memory_space<hbm>>
    %dma_wait3A_1515 = arith.constant 0 : i32
    %dma_wait3A_1516 = arith.constant 0 : i32
    %dma_wait3A_1517 = tpu.memref_slice %dma_wait3A_1514[%dma_wait3A_1515, %dma_wait3A_1516] : memref<100000x32xf32, #tpu.memory_space<hbm>> -> memref<100000x32xf32, #tpu.memory_space<hbm>>
    tpu.wait_indirect_dma semaphore(%arg17 : memref<!tpu.dma_semaphore, #tpu.memory_space<semaphore_mem>>) src(%dma_wait3A_1517 : memref<100000x32xf32, #tpu.memory_space<hbm>>) dst(%dma_wait3A_1507 : memref<64x32xf32, #tpu.memory_space<vmem>>)
    %dma_wait3A_1518 = arith.constant 20 : i32
    %dma_wait3A_1519 = arith.constant 20 : i32
    %dma_wait3A_1520 = arith.constant 1280 : i32
    %dma_wait3A_1521 = arith.constant 0 : i32
    %dma_wait3A_1522 = tpu.memref_slice %arg11[%dma_wait3A_1520, %dma_wait3A_1521] : memref<1664x32xf32, #tpu.memory_space<vmem>> -> memref<64x32xf32, #tpu.memory_space<vmem>>
    %dma_wait3A_1523 = arith.constant 64 : i32
    %dma_wait3A_1524 = tpu.memref_slice %arg9[%dma_wait3A_1519, %dma_wait3A_1523] : memref<26x128xi32, #tpu.memory_space<vmem>> -> memref<1x64xi32, #tpu.memory_space<vmem>>
    %dma_wait3A_1525 = tpu.memref_squeeze %dma_wait3A_1524 : memref<1x64xi32, #tpu.memory_space<vmem>> -> memref<64xi32, #tpu.memory_space<vmem>>
    %dma_wait3A_1526 = arith.constant 0 : i32
    %dma_wait3A_1527 = arith.constant 0 : i32
    %dma_wait3A_1528 = tpu.memref_slice %arg6[%dma_wait3A_1518, %dma_wait3A_1526, %dma_wait3A_1527] : memref<26x100000x32xf32, #tpu.memory_space<hbm>> -> memref<1x100000x32xf32, #tpu.memory_space<hbm>>
    %dma_wait3A_1529 = tpu.memref_squeeze %dma_wait3A_1528 : memref<1x100000x32xf32, #tpu.memory_space<hbm>> -> memref<100000x32xf32, #tpu.memory_space<hbm>>
    %dma_wait3A_1530 = arith.constant 0 : i32
    %dma_wait3A_1531 = arith.constant 0 : i32
    %dma_wait3A_1532 = tpu.memref_slice %dma_wait3A_1529[%dma_wait3A_1530, %dma_wait3A_1531] : memref<100000x32xf32, #tpu.memory_space<hbm>> -> memref<100000x32xf32, #tpu.memory_space<hbm>>
    tpu.wait_indirect_dma semaphore(%arg17 : memref<!tpu.dma_semaphore, #tpu.memory_space<semaphore_mem>>) src(%dma_wait3A_1532 : memref<100000x32xf32, #tpu.memory_space<hbm>>) dst(%dma_wait3A_1522 : memref<64x32xf32, #tpu.memory_space<vmem>>)
    %dma_wait3A_1533 = arith.constant 21 : i32
    %dma_wait3A_1534 = arith.constant 21 : i32
    %dma_wait3A_1535 = arith.constant 1344 : i32
    %dma_wait3A_1536 = arith.constant 0 : i32
    %dma_wait3A_1537 = tpu.memref_slice %arg11[%dma_wait3A_1535, %dma_wait3A_1536] : memref<1664x32xf32, #tpu.memory_space<vmem>> -> memref<64x32xf32, #tpu.memory_space<vmem>>
    %dma_wait3A_1538 = arith.constant 64 : i32
    %dma_wait3A_1539 = tpu.memref_slice %arg9[%dma_wait3A_1534, %dma_wait3A_1538] : memref<26x128xi32, #tpu.memory_space<vmem>> -> memref<1x64xi32, #tpu.memory_space<vmem>>
    %dma_wait3A_1540 = tpu.memref_squeeze %dma_wait3A_1539 : memref<1x64xi32, #tpu.memory_space<vmem>> -> memref<64xi32, #tpu.memory_space<vmem>>
    %dma_wait3A_1541 = arith.constant 0 : i32
    %dma_wait3A_1542 = arith.constant 0 : i32
    %dma_wait3A_1543 = tpu.memref_slice %arg6[%dma_wait3A_1533, %dma_wait3A_1541, %dma_wait3A_1542] : memref<26x100000x32xf32, #tpu.memory_space<hbm>> -> memref<1x100000x32xf32, #tpu.memory_space<hbm>>
    %dma_wait3A_1544 = tpu.memref_squeeze %dma_wait3A_1543 : memref<1x100000x32xf32, #tpu.memory_space<hbm>> -> memref<100000x32xf32, #tpu.memory_space<hbm>>
    %dma_wait3A_1545 = arith.constant 0 : i32
    %dma_wait3A_1546 = arith.constant 0 : i32
    %dma_wait3A_1547 = tpu.memref_slice %dma_wait3A_1544[%dma_wait3A_1545, %dma_wait3A_1546] : memref<100000x32xf32, #tpu.memory_space<hbm>> -> memref<100000x32xf32, #tpu.memory_space<hbm>>
    tpu.wait_indirect_dma semaphore(%arg17 : memref<!tpu.dma_semaphore, #tpu.memory_space<semaphore_mem>>) src(%dma_wait3A_1547 : memref<100000x32xf32, #tpu.memory_space<hbm>>) dst(%dma_wait3A_1537 : memref<64x32xf32, #tpu.memory_space<vmem>>)
    %dma_wait3A_1548 = arith.constant 22 : i32
    %dma_wait3A_1549 = arith.constant 22 : i32
    %dma_wait3A_1550 = arith.constant 1408 : i32
    %dma_wait3A_1551 = arith.constant 0 : i32
    %dma_wait3A_1552 = tpu.memref_slice %arg11[%dma_wait3A_1550, %dma_wait3A_1551] : memref<1664x32xf32, #tpu.memory_space<vmem>> -> memref<64x32xf32, #tpu.memory_space<vmem>>
    %dma_wait3A_1553 = arith.constant 64 : i32
    %dma_wait3A_1554 = tpu.memref_slice %arg9[%dma_wait3A_1549, %dma_wait3A_1553] : memref<26x128xi32, #tpu.memory_space<vmem>> -> memref<1x64xi32, #tpu.memory_space<vmem>>
    %dma_wait3A_1555 = tpu.memref_squeeze %dma_wait3A_1554 : memref<1x64xi32, #tpu.memory_space<vmem>> -> memref<64xi32, #tpu.memory_space<vmem>>
    %dma_wait3A_1556 = arith.constant 0 : i32
    %dma_wait3A_1557 = arith.constant 0 : i32
    %dma_wait3A_1558 = tpu.memref_slice %arg6[%dma_wait3A_1548, %dma_wait3A_1556, %dma_wait3A_1557] : memref<26x100000x32xf32, #tpu.memory_space<hbm>> -> memref<1x100000x32xf32, #tpu.memory_space<hbm>>
    %dma_wait3A_1559 = tpu.memref_squeeze %dma_wait3A_1558 : memref<1x100000x32xf32, #tpu.memory_space<hbm>> -> memref<100000x32xf32, #tpu.memory_space<hbm>>
    %dma_wait3A_1560 = arith.constant 0 : i32
    %dma_wait3A_1561 = arith.constant 0 : i32
    %dma_wait3A_1562 = tpu.memref_slice %dma_wait3A_1559[%dma_wait3A_1560, %dma_wait3A_1561] : memref<100000x32xf32, #tpu.memory_space<hbm>> -> memref<100000x32xf32, #tpu.memory_space<hbm>>
    tpu.wait_indirect_dma semaphore(%arg17 : memref<!tpu.dma_semaphore, #tpu.memory_space<semaphore_mem>>) src(%dma_wait3A_1562 : memref<100000x32xf32, #tpu.memory_space<hbm>>) dst(%dma_wait3A_1552 : memref<64x32xf32, #tpu.memory_space<vmem>>)
    %dma_wait3A_1563 = arith.constant 23 : i32
    %dma_wait3A_1564 = arith.constant 23 : i32
    %dma_wait3A_1565 = arith.constant 1472 : i32
    %dma_wait3A_1566 = arith.constant 0 : i32
    %dma_wait3A_1567 = tpu.memref_slice %arg11[%dma_wait3A_1565, %dma_wait3A_1566] : memref<1664x32xf32, #tpu.memory_space<vmem>> -> memref<64x32xf32, #tpu.memory_space<vmem>>
    %dma_wait3A_1568 = arith.constant 64 : i32
    %dma_wait3A_1569 = tpu.memref_slice %arg9[%dma_wait3A_1564, %dma_wait3A_1568] : memref<26x128xi32, #tpu.memory_space<vmem>> -> memref<1x64xi32, #tpu.memory_space<vmem>>
    %dma_wait3A_1570 = tpu.memref_squeeze %dma_wait3A_1569 : memref<1x64xi32, #tpu.memory_space<vmem>> -> memref<64xi32, #tpu.memory_space<vmem>>
    %dma_wait3A_1571 = arith.constant 0 : i32
    %dma_wait3A_1572 = arith.constant 0 : i32
    %dma_wait3A_1573 = tpu.memref_slice %arg6[%dma_wait3A_1563, %dma_wait3A_1571, %dma_wait3A_1572] : memref<26x100000x32xf32, #tpu.memory_space<hbm>> -> memref<1x100000x32xf32, #tpu.memory_space<hbm>>
    %dma_wait3A_1574 = tpu.memref_squeeze %dma_wait3A_1573 : memref<1x100000x32xf32, #tpu.memory_space<hbm>> -> memref<100000x32xf32, #tpu.memory_space<hbm>>
    %dma_wait3A_1575 = arith.constant 0 : i32
    %dma_wait3A_1576 = arith.constant 0 : i32
    %dma_wait3A_1577 = tpu.memref_slice %dma_wait3A_1574[%dma_wait3A_1575, %dma_wait3A_1576] : memref<100000x32xf32, #tpu.memory_space<hbm>> -> memref<100000x32xf32, #tpu.memory_space<hbm>>
    tpu.wait_indirect_dma semaphore(%arg17 : memref<!tpu.dma_semaphore, #tpu.memory_space<semaphore_mem>>) src(%dma_wait3A_1577 : memref<100000x32xf32, #tpu.memory_space<hbm>>) dst(%dma_wait3A_1567 : memref<64x32xf32, #tpu.memory_space<vmem>>)
    %dma_wait3A_1578 = arith.constant 24 : i32
    %dma_wait3A_1579 = arith.constant 24 : i32
    %dma_wait3A_1580 = arith.constant 1536 : i32
    %dma_wait3A_1581 = arith.constant 0 : i32
    %dma_wait3A_1582 = tpu.memref_slice %arg11[%dma_wait3A_1580, %dma_wait3A_1581] : memref<1664x32xf32, #tpu.memory_space<vmem>> -> memref<64x32xf32, #tpu.memory_space<vmem>>
    %dma_wait3A_1583 = arith.constant 64 : i32
    %dma_wait3A_1584 = tpu.memref_slice %arg9[%dma_wait3A_1579, %dma_wait3A_1583] : memref<26x128xi32, #tpu.memory_space<vmem>> -> memref<1x64xi32, #tpu.memory_space<vmem>>
    %dma_wait3A_1585 = tpu.memref_squeeze %dma_wait3A_1584 : memref<1x64xi32, #tpu.memory_space<vmem>> -> memref<64xi32, #tpu.memory_space<vmem>>
    %dma_wait3A_1586 = arith.constant 0 : i32
    %dma_wait3A_1587 = arith.constant 0 : i32
    %dma_wait3A_1588 = tpu.memref_slice %arg6[%dma_wait3A_1578, %dma_wait3A_1586, %dma_wait3A_1587] : memref<26x100000x32xf32, #tpu.memory_space<hbm>> -> memref<1x100000x32xf32, #tpu.memory_space<hbm>>
    %dma_wait3A_1589 = tpu.memref_squeeze %dma_wait3A_1588 : memref<1x100000x32xf32, #tpu.memory_space<hbm>> -> memref<100000x32xf32, #tpu.memory_space<hbm>>
    %dma_wait3A_1590 = arith.constant 0 : i32
    %dma_wait3A_1591 = arith.constant 0 : i32
    %dma_wait3A_1592 = tpu.memref_slice %dma_wait3A_1589[%dma_wait3A_1590, %dma_wait3A_1591] : memref<100000x32xf32, #tpu.memory_space<hbm>> -> memref<100000x32xf32, #tpu.memory_space<hbm>>
    tpu.wait_indirect_dma semaphore(%arg17 : memref<!tpu.dma_semaphore, #tpu.memory_space<semaphore_mem>>) src(%dma_wait3A_1592 : memref<100000x32xf32, #tpu.memory_space<hbm>>) dst(%dma_wait3A_1582 : memref<64x32xf32, #tpu.memory_space<vmem>>)
    %dma_wait3A_1593 = arith.constant 25 : i32
    %dma_wait3A_1594 = arith.constant 25 : i32
    %dma_wait3A_1595 = arith.constant 1600 : i32
    %dma_wait3A_1596 = arith.constant 0 : i32
    %dma_wait3A_1597 = tpu.memref_slice %arg11[%dma_wait3A_1595, %dma_wait3A_1596] : memref<1664x32xf32, #tpu.memory_space<vmem>> -> memref<64x32xf32, #tpu.memory_space<vmem>>
    %dma_wait3A_1598 = arith.constant 64 : i32
    %dma_wait3A_1599 = tpu.memref_slice %arg9[%dma_wait3A_1594, %dma_wait3A_1598] : memref<26x128xi32, #tpu.memory_space<vmem>> -> memref<1x64xi32, #tpu.memory_space<vmem>>
    %dma_wait3A_1600 = tpu.memref_squeeze %dma_wait3A_1599 : memref<1x64xi32, #tpu.memory_space<vmem>> -> memref<64xi32, #tpu.memory_space<vmem>>
    %dma_wait3A_1601 = arith.constant 0 : i32
    %dma_wait3A_1602 = arith.constant 0 : i32
    %dma_wait3A_1603 = tpu.memref_slice %arg6[%dma_wait3A_1593, %dma_wait3A_1601, %dma_wait3A_1602] : memref<26x100000x32xf32, #tpu.memory_space<hbm>> -> memref<1x100000x32xf32, #tpu.memory_space<hbm>>
    %dma_wait3A_1604 = tpu.memref_squeeze %dma_wait3A_1603 : memref<1x100000x32xf32, #tpu.memory_space<hbm>> -> memref<100000x32xf32, #tpu.memory_space<hbm>>
    %dma_wait3A_1605 = arith.constant 0 : i32
    %dma_wait3A_1606 = arith.constant 0 : i32
    %dma_wait3A_1607 = tpu.memref_slice %dma_wait3A_1604[%dma_wait3A_1605, %dma_wait3A_1606] : memref<100000x32xf32, #tpu.memory_space<hbm>> -> memref<100000x32xf32, #tpu.memory_space<hbm>>
    tpu.wait_indirect_dma semaphore(%arg17 : memref<!tpu.dma_semaphore, #tpu.memory_space<semaphore_mem>>) src(%dma_wait3A_1607 : memref<100000x32xf32, #tpu.memory_space<hbm>>) dst(%dma_wait3A_1597 : memref<64x32xf32, #tpu.memory_space<vmem>>)
    %scan3A_1608 = arith.constant 0 : i32
    %scan3A_1609 = arith.constant 0 : i32
    %scan3A_1610 = arith.constant 64 : i32
    %scan3A_1611 = arith.addi %scan3A_1609, %scan3A_1610 : i32
    %scan3A_1612 = arith.constant 1 : i32
    scf.for %scan3A_2256 = %scan3A_1609 to %scan3A_1611 step %scan3A_1612  : i32 {
      %add3A_2257 = arith.constant 64 : i32
      %add3A_2258 = arith.addi %add3A_2257, %scan3A_2256 : i32
      %get3A_2259 = arith.index_cast %scan3A_2256 : i32 to index
      %get3A_2260 = arith.constant 0 : index
      %get3A_2261 = tpu.vector_load %arg11[%get3A_2259, %get3A_2260] {strides = array<i32>} : memref<1664x32xf32, #tpu.memory_space<vmem>>, vector<16xf32>,
      %get3A_2262 = arith.index_cast %scan3A_2256 : i32 to index
      %get3A_2263 = arith.constant 16 : index
      %get3A_2264 = tpu.vector_load %arg11[%get3A_2262, %get3A_2263] {strides = array<i32>} : memref<1664x32xf32, #tpu.memory_space<vmem>>, vector<16xf32>,
      %mul3A_2265 = arith.mulf %get3A_2261, %get3A_2261 : vector<16xf32>
      %mul3A_2266 = arith.mulf %get3A_2264, %get3A_2264 : vector<16xf32>
      %add3A_2267 = arith.constant 64 : i32
      %add3A_2268 = arith.addi %add3A_2267, %scan3A_2256 : i32
      %get3A_2269 = arith.index_cast %add3A_2268 : i32 to index
      %get3A_2270 = arith.constant 0 : index
      %get3A_2271 = tpu.vector_load %arg11[%get3A_2269, %get3A_2270] {strides = array<i32>} : memref<1664x32xf32, #tpu.memory_space<vmem>>, vector<16xf32>,
      %add3A_2272 = arith.constant 64 : i32
      %add3A_2273 = arith.addi %add3A_2272, %scan3A_2256 : i32
      %get3A_2274 = arith.index_cast %add3A_2273 : i32 to index
      %get3A_2275 = arith.constant 16 : index
      %get3A_2276 = tpu.vector_load %arg11[%get3A_2274, %get3A_2275] {strides = array<i32>} : memref<1664x32xf32, #tpu.memory_space<vmem>>, vector<16xf32>,
      %add3A_2277 = arith.addf %get3A_2261, %get3A_2271 : vector<16xf32>
      %add3A_2278 = arith.addf %get3A_2264, %get3A_2276 : vector<16xf32>
      %mul3A_2279 = arith.mulf %get3A_2271, %get3A_2271 : vector<16xf32>
      %add3A_2280 = arith.addf %mul3A_2265, %mul3A_2279 : vector<16xf32>
      %mul3A_2281 = arith.mulf %get3A_2276, %get3A_2276 : vector<16xf32>
      %add3A_2282 = arith.addf %mul3A_2266, %mul3A_2281 : vector<16xf32>
      %add3A_2283 = arith.constant 128 : i32
      %add3A_2284 = arith.addi %add3A_2283, %scan3A_2256 : i32
      %get3A_2285 = arith.index_cast %add3A_2284 : i32 to index
      %get3A_2286 = arith.constant 0 : index
      %get3A_2287 = tpu.vector_load %arg11[%get3A_2285, %get3A_2286] {strides = array<i32>} : memref<1664x32xf32, #tpu.memory_space<vmem>>, vector<16xf32>,
      %add3A_2288 = arith.constant 128 : i32
      %add3A_2289 = arith.addi %add3A_2288, %scan3A_2256 : i32
      %get3A_2290 = arith.index_cast %add3A_2289 : i32 to index
      %get3A_2291 = arith.constant 16 : index
      %get3A_2292 = tpu.vector_load %arg11[%get3A_2290, %get3A_2291] {strides = array<i32>} : memref<1664x32xf32, #tpu.memory_space<vmem>>, vector<16xf32>,
      %add3A_2293 = arith.addf %add3A_2277, %get3A_2287 : vector<16xf32>
      %add3A_2294 = arith.addf %add3A_2278, %get3A_2292 : vector<16xf32>
      %mul3A_2295 = arith.mulf %get3A_2287, %get3A_2287 : vector<16xf32>
      %add3A_2296 = arith.addf %add3A_2280, %mul3A_2295 : vector<16xf32>
      %mul3A_2297 = arith.mulf %get3A_2292, %get3A_2292 : vector<16xf32>
      %add3A_2298 = arith.addf %add3A_2282, %mul3A_2297 : vector<16xf32>
      %add3A_2299 = arith.constant 192 : i32
      %add3A_2300 = arith.addi %add3A_2299, %scan3A_2256 : i32
      %get3A_2301 = arith.index_cast %add3A_2300 : i32 to index
      %get3A_2302 = arith.constant 0 : index
      %get3A_2303 = tpu.vector_load %arg11[%get3A_2301, %get3A_2302] {strides = array<i32>} : memref<1664x32xf32, #tpu.memory_space<vmem>>, vector<16xf32>,
      %add3A_2304 = arith.constant 192 : i32
      %add3A_2305 = arith.addi %add3A_2304, %scan3A_2256 : i32
      %get3A_2306 = arith.index_cast %add3A_2305 : i32 to index
      %get3A_2307 = arith.constant 16 : index
      %get3A_2308 = tpu.vector_load %arg11[%get3A_2306, %get3A_2307] {strides = array<i32>} : memref<1664x32xf32, #tpu.memory_space<vmem>>, vector<16xf32>,
      %add3A_2309 = arith.addf %add3A_2293, %get3A_2303 : vector<16xf32>
      %add3A_2310 = arith.addf %add3A_2294, %get3A_2308 : vector<16xf32>
      %mul3A_2311 = arith.mulf %get3A_2303, %get3A_2303 : vector<16xf32>
      %add3A_2312 = arith.addf %add3A_2296, %mul3A_2311 : vector<16xf32>
      %mul3A_2313 = arith.mulf %get3A_2308, %get3A_2308 : vector<16xf32>
      %add3A_2314 = arith.addf %add3A_2298, %mul3A_2313 : vector<16xf32>
      %add3A_2315 = arith.constant 256 : i32
      %add3A_2316 = arith.addi %add3A_2315, %scan3A_2256 : i32
      %get3A_2317 = arith.index_cast %add3A_2316 : i32 to index
      %get3A_2318 = arith.constant 0 : index
      %get3A_2319 = tpu.vector_load %arg11[%get3A_2317, %get3A_2318] {strides = array<i32>} : memref<1664x32xf32, #tpu.memory_space<vmem>>, vector<16xf32>,
      %add3A_2320 = arith.constant 256 : i32
      %add3A_2321 = arith.addi %add3A_2320, %scan3A_2256 : i32
      %get3A_2322 = arith.index_cast %add3A_2321 : i32 to index
      %get3A_2323 = arith.constant 16 : index
      %get3A_2324 = tpu.vector_load %arg11[%get3A_2322, %get3A_2323] {strides = array<i32>} : memref<1664x32xf32, #tpu.memory_space<vmem>>, vector<16xf32>,
      %add3A_2325 = arith.addf %add3A_2309, %get3A_2319 : vector<16xf32>
      %add3A_2326 = arith.addf %add3A_2310, %get3A_2324 : vector<16xf32>
      %mul3A_2327 = arith.mulf %get3A_2319, %get3A_2319 : vector<16xf32>
      %add3A_2328 = arith.addf %add3A_2312, %mul3A_2327 : vector<16xf32>
      %mul3A_2329 = arith.mulf %get3A_2324, %get3A_2324 : vector<16xf32>
      %add3A_2330 = arith.addf %add3A_2314, %mul3A_2329 : vector<16xf32>
      %add3A_2331 = arith.constant 320 : i32
      %add3A_2332 = arith.addi %add3A_2331, %scan3A_2256 : i32
      %get3A_2333 = arith.index_cast %add3A_2332 : i32 to index
      %get3A_2334 = arith.constant 0 : index
      %get3A_2335 = tpu.vector_load %arg11[%get3A_2333, %get3A_2334] {strides = array<i32>} : memref<1664x32xf32, #tpu.memory_space<vmem>>, vector<16xf32>,
      %add3A_2336 = arith.constant 320 : i32
      %add3A_2337 = arith.addi %add3A_2336, %scan3A_2256 : i32
      %get3A_2338 = arith.index_cast %add3A_2337 : i32 to index
      %get3A_2339 = arith.constant 16 : index
      %get3A_2340 = tpu.vector_load %arg11[%get3A_2338, %get3A_2339] {strides = array<i32>} : memref<1664x32xf32, #tpu.memory_space<vmem>>, vector<16xf32>,
      %add3A_2341 = arith.addf %add3A_2325, %get3A_2335 : vector<16xf32>
      %add3A_2342 = arith.addf %add3A_2326, %get3A_2340 : vector<16xf32>
      %mul3A_2343 = arith.mulf %get3A_2335, %get3A_2335 : vector<16xf32>
      %add3A_2344 = arith.addf %add3A_2328, %mul3A_2343 : vector<16xf32>
      %mul3A_2345 = arith.mulf %get3A_2340, %get3A_2340 : vector<16xf32>
      %add3A_2346 = arith.addf %add3A_2330, %mul3A_2345 : vector<16xf32>
      %add3A_2347 = arith.constant 384 : i32
      %add3A_2348 = arith.addi %add3A_2347, %scan3A_2256 : i32
      %get3A_2349 = arith.index_cast %add3A_2348 : i32 to index
      %get3A_2350 = arith.constant 0 : index
      %get3A_2351 = tpu.vector_load %arg11[%get3A_2349, %get3A_2350] {strides = array<i32>} : memref<1664x32xf32, #tpu.memory_space<vmem>>, vector<16xf32>,
      %add3A_2352 = arith.constant 384 : i32
      %add3A_2353 = arith.addi %add3A_2352, %scan3A_2256 : i32
      %get3A_2354 = arith.index_cast %add3A_2353 : i32 to index
      %get3A_2355 = arith.constant 16 : index
      %get3A_2356 = tpu.vector_load %arg11[%get3A_2354, %get3A_2355] {strides = array<i32>} : memref<1664x32xf32, #tpu.memory_space<vmem>>, vector<16xf32>,
      %add3A_2357 = arith.addf %add3A_2341, %get3A_2351 : vector<16xf32>
      %add3A_2358 = arith.addf %add3A_2342, %get3A_2356 : vector<16xf32>
      %mul3A_2359 = arith.mulf %get3A_2351, %get3A_2351 : vector<16xf32>
      %add3A_2360 = arith.addf %add3A_2344, %mul3A_2359 : vector<16xf32>
      %mul3A_2361 = arith.mulf %get3A_2356, %get3A_2356 : vector<16xf32>
      %add3A_2362 = arith.addf %add3A_2346, %mul3A_2361 : vector<16xf32>
      %add3A_2363 = arith.constant 448 : i32
      %add3A_2364 = arith.addi %add3A_2363, %scan3A_2256 : i32
      %get3A_2365 = arith.index_cast %add3A_2364 : i32 to index
      %get3A_2366 = arith.constant 0 : index
      %get3A_2367 = tpu.vector_load %arg11[%get3A_2365, %get3A_2366] {strides = array<i32>} : memref<1664x32xf32, #tpu.memory_space<vmem>>, vector<16xf32>,
      %add3A_2368 = arith.constant 448 : i32
      %add3A_2369 = arith.addi %add3A_2368, %scan3A_2256 : i32
      %get3A_2370 = arith.index_cast %add3A_2369 : i32 to index
      %get3A_2371 = arith.constant 16 : index
      %get3A_2372 = tpu.vector_load %arg11[%get3A_2370, %get3A_2371] {strides = array<i32>} : memref<1664x32xf32, #tpu.memory_space<vmem>>, vector<16xf32>,
      %add3A_2373 = arith.addf %add3A_2357, %get3A_2367 : vector<16xf32>
      %add3A_2374 = arith.addf %add3A_2358, %get3A_2372 : vector<16xf32>
      %mul3A_2375 = arith.mulf %get3A_2367, %get3A_2367 : vector<16xf32>
      %add3A_2376 = arith.addf %add3A_2360, %mul3A_2375 : vector<16xf32>
      %mul3A_2377 = arith.mulf %get3A_2372, %get3A_2372 : vector<16xf32>
      %add3A_2378 = arith.addf %add3A_2362, %mul3A_2377 : vector<16xf32>
      %add3A_2379 = arith.constant 512 : i32
      %add3A_2380 = arith.addi %add3A_2379, %scan3A_2256 : i32
      %get3A_2381 = arith.index_cast %add3A_2380 : i32 to index
      %get3A_2382 = arith.constant 0 : index
      %get3A_2383 = tpu.vector_load %arg11[%get3A_2381, %get3A_2382] {strides = array<i32>} : memref<1664x32xf32, #tpu.memory_space<vmem>>, vector<16xf32>,
      %add3A_2384 = arith.constant 512 : i32
      %add3A_2385 = arith.addi %add3A_2384, %scan3A_2256 : i32
      %get3A_2386 = arith.index_cast %add3A_2385 : i32 to index
      %get3A_2387 = arith.constant 16 : index
      %get3A_2388 = tpu.vector_load %arg11[%get3A_2386, %get3A_2387] {strides = array<i32>} : memref<1664x32xf32, #tpu.memory_space<vmem>>, vector<16xf32>,
      %add3A_2389 = arith.addf %add3A_2373, %get3A_2383 : vector<16xf32>
      %add3A_2390 = arith.addf %add3A_2374, %get3A_2388 : vector<16xf32>
      %mul3A_2391 = arith.mulf %get3A_2383, %get3A_2383 : vector<16xf32>
      %add3A_2392 = arith.addf %add3A_2376, %mul3A_2391 : vector<16xf32>
      %mul3A_2393 = arith.mulf %get3A_2388, %get3A_2388 : vector<16xf32>
      %add3A_2394 = arith.addf %add3A_2378, %mul3A_2393 : vector<16xf32>
      %add3A_2395 = arith.constant 576 : i32
      %add3A_2396 = arith.addi %add3A_2395, %scan3A_2256 : i32
      %get3A_2397 = arith.index_cast %add3A_2396 : i32 to index
      %get3A_2398 = arith.constant 0 : index
      %get3A_2399 = tpu.vector_load %arg11[%get3A_2397, %get3A_2398] {strides = array<i32>} : memref<1664x32xf32, #tpu.memory_space<vmem>>, vector<16xf32>,
      %add3A_2400 = arith.constant 576 : i32
      %add3A_2401 = arith.addi %add3A_2400, %scan3A_2256 : i32
      %get3A_2402 = arith.index_cast %add3A_2401 : i32 to index
      %get3A_2403 = arith.constant 16 : index
      %get3A_2404 = tpu.vector_load %arg11[%get3A_2402, %get3A_2403] {strides = array<i32>} : memref<1664x32xf32, #tpu.memory_space<vmem>>, vector<16xf32>,
      %add3A_2405 = arith.addf %add3A_2389, %get3A_2399 : vector<16xf32>
      %add3A_2406 = arith.addf %add3A_2390, %get3A_2404 : vector<16xf32>
      %mul3A_2407 = arith.mulf %get3A_2399, %get3A_2399 : vector<16xf32>
      %add3A_2408 = arith.addf %add3A_2392, %mul3A_2407 : vector<16xf32>
      %mul3A_2409 = arith.mulf %get3A_2404, %get3A_2404 : vector<16xf32>
      %add3A_2410 = arith.addf %add3A_2394, %mul3A_2409 : vector<16xf32>
      %add3A_2411 = arith.constant 640 : i32
      %add3A_2412 = arith.addi %add3A_2411, %scan3A_2256 : i32
      %get3A_2413 = arith.index_cast %add3A_2412 : i32 to index
      %get3A_2414 = arith.constant 0 : index
      %get3A_2415 = tpu.vector_load %arg11[%get3A_2413, %get3A_2414] {strides = array<i32>} : memref<1664x32xf32, #tpu.memory_space<vmem>>, vector<16xf32>,
      %add3A_2416 = arith.constant 640 : i32
      %add3A_2417 = arith.addi %add3A_2416, %scan3A_2256 : i32
      %get3A_2418 = arith.index_cast %add3A_2417 : i32 to index
      %get3A_2419 = arith.constant 16 : index
      %get3A_2420 = tpu.vector_load %arg11[%get3A_2418, %get3A_2419] {strides = array<i32>} : memref<1664x32xf32, #tpu.memory_space<vmem>>, vector<16xf32>,
      %add3A_2421 = arith.addf %add3A_2405, %get3A_2415 : vector<16xf32>
      %add3A_2422 = arith.addf %add3A_2406, %get3A_2420 : vector<16xf32>
      %mul3A_2423 = arith.mulf %get3A_2415, %get3A_2415 : vector<16xf32>
      %add3A_2424 = arith.addf %add3A_2408, %mul3A_2423 : vector<16xf32>
      %mul3A_2425 = arith.mulf %get3A_2420, %get3A_2420 : vector<16xf32>
      %add3A_2426 = arith.addf %add3A_2410, %mul3A_2425 : vector<16xf32>
      %add3A_2427 = arith.constant 704 : i32
      %add3A_2428 = arith.addi %add3A_2427, %scan3A_2256 : i32
      %get3A_2429 = arith.index_cast %add3A_2428 : i32 to index
      %get3A_2430 = arith.constant 0 : index
      %get3A_2431 = tpu.vector_load %arg11[%get3A_2429, %get3A_2430] {strides = array<i32>} : memref<1664x32xf32, #tpu.memory_space<vmem>>, vector<16xf32>,
      %add3A_2432 = arith.constant 704 : i32
      %add3A_2433 = arith.addi %add3A_2432, %scan3A_2256 : i32
      %get3A_2434 = arith.index_cast %add3A_2433 : i32 to index
      %get3A_2435 = arith.constant 16 : index
      %get3A_2436 = tpu.vector_load %arg11[%get3A_2434, %get3A_2435] {strides = array<i32>} : memref<1664x32xf32, #tpu.memory_space<vmem>>, vector<16xf32>,
      %add3A_2437 = arith.addf %add3A_2421, %get3A_2431 : vector<16xf32>
      %add3A_2438 = arith.addf %add3A_2422, %get3A_2436 : vector<16xf32>
      %mul3A_2439 = arith.mulf %get3A_2431, %get3A_2431 : vector<16xf32>
      %add3A_2440 = arith.addf %add3A_2424, %mul3A_2439 : vector<16xf32>
      %mul3A_2441 = arith.mulf %get3A_2436, %get3A_2436 : vector<16xf32>
      %add3A_2442 = arith.addf %add3A_2426, %mul3A_2441 : vector<16xf32>
      %add3A_2443 = arith.constant 768 : i32
      %add3A_2444 = arith.addi %add3A_2443, %scan3A_2256 : i32
      %get3A_2445 = arith.index_cast %add3A_2444 : i32 to index
      %get3A_2446 = arith.constant 0 : index
      %get3A_2447 = tpu.vector_load %arg11[%get3A_2445, %get3A_2446] {strides = array<i32>} : memref<1664x32xf32, #tpu.memory_space<vmem>>, vector<16xf32>,
      %add3A_2448 = arith.constant 768 : i32
      %add3A_2449 = arith.addi %add3A_2448, %scan3A_2256 : i32
      %get3A_2450 = arith.index_cast %add3A_2449 : i32 to index
      %get3A_2451 = arith.constant 16 : index
      %get3A_2452 = tpu.vector_load %arg11[%get3A_2450, %get3A_2451] {strides = array<i32>} : memref<1664x32xf32, #tpu.memory_space<vmem>>, vector<16xf32>,
      %add3A_2453 = arith.addf %add3A_2437, %get3A_2447 : vector<16xf32>
      %add3A_2454 = arith.addf %add3A_2438, %get3A_2452 : vector<16xf32>
      %mul3A_2455 = arith.mulf %get3A_2447, %get3A_2447 : vector<16xf32>
      %add3A_2456 = arith.addf %add3A_2440, %mul3A_2455 : vector<16xf32>
      %mul3A_2457 = arith.mulf %get3A_2452, %get3A_2452 : vector<16xf32>
      %add3A_2458 = arith.addf %add3A_2442, %mul3A_2457 : vector<16xf32>
      %add3A_2459 = arith.constant 832 : i32
      %add3A_2460 = arith.addi %add3A_2459, %scan3A_2256 : i32
      %get3A_2461 = arith.index_cast %add3A_2460 : i32 to index
      %get3A_2462 = arith.constant 0 : index
      %get3A_2463 = tpu.vector_load %arg11[%get3A_2461, %get3A_2462] {strides = array<i32>} : memref<1664x32xf32, #tpu.memory_space<vmem>>, vector<16xf32>,
      %add3A_2464 = arith.constant 832 : i32
      %add3A_2465 = arith.addi %add3A_2464, %scan3A_2256 : i32
      %get3A_2466 = arith.index_cast %add3A_2465 : i32 to index
      %get3A_2467 = arith.constant 16 : index
      %get3A_2468 = tpu.vector_load %arg11[%get3A_2466, %get3A_2467] {strides = array<i32>} : memref<1664x32xf32, #tpu.memory_space<vmem>>, vector<16xf32>,
      %add3A_2469 = arith.addf %add3A_2453, %get3A_2463 : vector<16xf32>
      %add3A_2470 = arith.addf %add3A_2454, %get3A_2468 : vector<16xf32>
      %mul3A_2471 = arith.mulf %get3A_2463, %get3A_2463 : vector<16xf32>
      %add3A_2472 = arith.addf %add3A_2456, %mul3A_2471 : vector<16xf32>
      %mul3A_2473 = arith.mulf %get3A_2468, %get3A_2468 : vector<16xf32>
      %add3A_2474 = arith.addf %add3A_2458, %mul3A_2473 : vector<16xf32>
      %add3A_2475 = arith.constant 896 : i32
      %add3A_2476 = arith.addi %add3A_2475, %scan3A_2256 : i32
      %get3A_2477 = arith.index_cast %add3A_2476 : i32 to index
      %get3A_2478 = arith.constant 0 : index
      %get3A_2479 = tpu.vector_load %arg11[%get3A_2477, %get3A_2478] {strides = array<i32>} : memref<1664x32xf32, #tpu.memory_space<vmem>>, vector<16xf32>,
      %add3A_2480 = arith.constant 896 : i32
      %add3A_2481 = arith.addi %add3A_2480, %scan3A_2256 : i32
      %get3A_2482 = arith.index_cast %add3A_2481 : i32 to index
      %get3A_2483 = arith.constant 16 : index
      %get3A_2484 = tpu.vector_load %arg11[%get3A_2482, %get3A_2483] {strides = array<i32>} : memref<1664x32xf32, #tpu.memory_space<vmem>>, vector<16xf32>,
      %add3A_2485 = arith.addf %add3A_2469, %get3A_2479 : vector<16xf32>
      %add3A_2486 = arith.addf %add3A_2470, %get3A_2484 : vector<16xf32>
      %mul3A_2487 = arith.mulf %get3A_2479, %get3A_2479 : vector<16xf32>
      %add3A_2488 = arith.addf %add3A_2472, %mul3A_2487 : vector<16xf32>
      %mul3A_2489 = arith.mulf %get3A_2484, %get3A_2484 : vector<16xf32>
      %add3A_2490 = arith.addf %add3A_2474, %mul3A_2489 : vector<16xf32>
      %add3A_2491 = arith.constant 960 : i32
      %add3A_2492 = arith.addi %add3A_2491, %scan3A_2256 : i32
      %get3A_2493 = arith.index_cast %add3A_2492 : i32 to index
      %get3A_2494 = arith.constant 0 : index
      %get3A_2495 = tpu.vector_load %arg11[%get3A_2493, %get3A_2494] {strides = array<i32>} : memref<1664x32xf32, #tpu.memory_space<vmem>>, vector<16xf32>,
      %add3A_2496 = arith.constant 960 : i32
      %add3A_2497 = arith.addi %add3A_2496, %scan3A_2256 : i32
      %get3A_2498 = arith.index_cast %add3A_2497 : i32 to index
      %get3A_2499 = arith.constant 16 : index
      %get3A_2500 = tpu.vector_load %arg11[%get3A_2498, %get3A_2499] {strides = array<i32>} : memref<1664x32xf32, #tpu.memory_space<vmem>>, vector<16xf32>,
      %add3A_2501 = arith.addf %add3A_2485, %get3A_2495 : vector<16xf32>
      %add3A_2502 = arith.addf %add3A_2486, %get3A_2500 : vector<16xf32>
      %mul3A_2503 = arith.mulf %get3A_2495, %get3A_2495 : vector<16xf32>
      %add3A_2504 = arith.addf %add3A_2488, %mul3A_2503 : vector<16xf32>
      %mul3A_2505 = arith.mulf %get3A_2500, %get3A_2500 : vector<16xf32>
      %add3A_2506 = arith.addf %add3A_2490, %mul3A_2505 : vector<16xf32>
      %add3A_2507 = arith.constant 1024 : i32
      %add3A_2508 = arith.addi %add3A_2507, %scan3A_2256 : i32
      %get3A_2509 = arith.index_cast %add3A_2508 : i32 to index
      %get3A_2510 = arith.constant 0 : index
      %get3A_2511 = tpu.vector_load %arg11[%get3A_2509, %get3A_2510] {strides = array<i32>} : memref<1664x32xf32, #tpu.memory_space<vmem>>, vector<16xf32>,
      %add3A_2512 = arith.constant 1024 : i32
      %add3A_2513 = arith.addi %add3A_2512, %scan3A_2256 : i32
      %get3A_2514 = arith.index_cast %add3A_2513 : i32 to index
      %get3A_2515 = arith.constant 16 : index
      %get3A_2516 = tpu.vector_load %arg11[%get3A_2514, %get3A_2515] {strides = array<i32>} : memref<1664x32xf32, #tpu.memory_space<vmem>>, vector<16xf32>,
      %add3A_2517 = arith.addf %add3A_2501, %get3A_2511 : vector<16xf32>
      %add3A_2518 = arith.addf %add3A_2502, %get3A_2516 : vector<16xf32>
      %mul3A_2519 = arith.mulf %get3A_2511, %get3A_2511 : vector<16xf32>
      %add3A_2520 = arith.addf %add3A_2504, %mul3A_2519 : vector<16xf32>
      %mul3A_2521 = arith.mulf %get3A_2516, %get3A_2516 : vector<16xf32>
      %add3A_2522 = arith.addf %add3A_2506, %mul3A_2521 : vector<16xf32>
      %add3A_2523 = arith.constant 1088 : i32
      %add3A_2524 = arith.addi %add3A_2523, %scan3A_2256 : i32
      %get3A_2525 = arith.index_cast %add3A_2524 : i32 to index
      %get3A_2526 = arith.constant 0 : index
      %get3A_2527 = tpu.vector_load %arg11[%get3A_2525, %get3A_2526] {strides = array<i32>} : memref<1664x32xf32, #tpu.memory_space<vmem>>, vector<16xf32>,
      %add3A_2528 = arith.constant 1088 : i32
      %add3A_2529 = arith.addi %add3A_2528, %scan3A_2256 : i32
      %get3A_2530 = arith.index_cast %add3A_2529 : i32 to index
      %get3A_2531 = arith.constant 16 : index
      %get3A_2532 = tpu.vector_load %arg11[%get3A_2530, %get3A_2531] {strides = array<i32>} : memref<1664x32xf32, #tpu.memory_space<vmem>>, vector<16xf32>,
      %add3A_2533 = arith.addf %add3A_2517, %get3A_2527 : vector<16xf32>
      %add3A_2534 = arith.addf %add3A_2518, %get3A_2532 : vector<16xf32>
      %mul3A_2535 = arith.mulf %get3A_2527, %get3A_2527 : vector<16xf32>
      %add3A_2536 = arith.addf %add3A_2520, %mul3A_2535 : vector<16xf32>
      %mul3A_2537 = arith.mulf %get3A_2532, %get3A_2532 : vector<16xf32>
      %add3A_2538 = arith.addf %add3A_2522, %mul3A_2537 : vector<16xf32>
      %add3A_2539 = arith.constant 1152 : i32
      %add3A_2540 = arith.addi %add3A_2539, %scan3A_2256 : i32
      %get3A_2541 = arith.index_cast %add3A_2540 : i32 to index
      %get3A_2542 = arith.constant 0 : index
      %get3A_2543 = tpu.vector_load %arg11[%get3A_2541, %get3A_2542] {strides = array<i32>} : memref<1664x32xf32, #tpu.memory_space<vmem>>, vector<16xf32>,
      %add3A_2544 = arith.constant 1152 : i32
      %add3A_2545 = arith.addi %add3A_2544, %scan3A_2256 : i32
      %get3A_2546 = arith.index_cast %add3A_2545 : i32 to index
      %get3A_2547 = arith.constant 16 : index
      %get3A_2548 = tpu.vector_load %arg11[%get3A_2546, %get3A_2547] {strides = array<i32>} : memref<1664x32xf32, #tpu.memory_space<vmem>>, vector<16xf32>,
      %add3A_2549 = arith.addf %add3A_2533, %get3A_2543 : vector<16xf32>
      %add3A_2550 = arith.addf %add3A_2534, %get3A_2548 : vector<16xf32>
      %mul3A_2551 = arith.mulf %get3A_2543, %get3A_2543 : vector<16xf32>
      %add3A_2552 = arith.addf %add3A_2536, %mul3A_2551 : vector<16xf32>
      %mul3A_2553 = arith.mulf %get3A_2548, %get3A_2548 : vector<16xf32>
      %add3A_2554 = arith.addf %add3A_2538, %mul3A_2553 : vector<16xf32>
      %add3A_2555 = arith.constant 1216 : i32
      %add3A_2556 = arith.addi %add3A_2555, %scan3A_2256 : i32
      %get3A_2557 = arith.index_cast %add3A_2556 : i32 to index
      %get3A_2558 = arith.constant 0 : index
      %get3A_2559 = tpu.vector_load %arg11[%get3A_2557, %get3A_2558] {strides = array<i32>} : memref<1664x32xf32, #tpu.memory_space<vmem>>, vector<16xf32>,
      %add3A_2560 = arith.constant 1216 : i32
      %add3A_2561 = arith.addi %add3A_2560, %scan3A_2256 : i32
      %get3A_2562 = arith.index_cast %add3A_2561 : i32 to index
      %get3A_2563 = arith.constant 16 : index
      %get3A_2564 = tpu.vector_load %arg11[%get3A_2562, %get3A_2563] {strides = array<i32>} : memref<1664x32xf32, #tpu.memory_space<vmem>>, vector<16xf32>,
      %add3A_2565 = arith.addf %add3A_2549, %get3A_2559 : vector<16xf32>
      %add3A_2566 = arith.addf %add3A_2550, %get3A_2564 : vector<16xf32>
      %mul3A_2567 = arith.mulf %get3A_2559, %get3A_2559 : vector<16xf32>
      %add3A_2568 = arith.addf %add3A_2552, %mul3A_2567 : vector<16xf32>
      %mul3A_2569 = arith.mulf %get3A_2564, %get3A_2564 : vector<16xf32>
      %add3A_2570 = arith.addf %add3A_2554, %mul3A_2569 : vector<16xf32>
      %add3A_2571 = arith.constant 1280 : i32
      %add3A_2572 = arith.addi %add3A_2571, %scan3A_2256 : i32
      %get3A_2573 = arith.index_cast %add3A_2572 : i32 to index
      %get3A_2574 = arith.constant 0 : index
      %get3A_2575 = tpu.vector_load %arg11[%get3A_2573, %get3A_2574] {strides = array<i32>} : memref<1664x32xf32, #tpu.memory_space<vmem>>, vector<16xf32>,
      %add3A_2576 = arith.constant 1280 : i32
      %add3A_2577 = arith.addi %add3A_2576, %scan3A_2256 : i32
      %get3A_2578 = arith.index_cast %add3A_2577 : i32 to index
      %get3A_2579 = arith.constant 16 : index
      %get3A_2580 = tpu.vector_load %arg11[%get3A_2578, %get3A_2579] {strides = array<i32>} : memref<1664x32xf32, #tpu.memory_space<vmem>>, vector<16xf32>,
      %add3A_2581 = arith.addf %add3A_2565, %get3A_2575 : vector<16xf32>
      %add3A_2582 = arith.addf %add3A_2566, %get3A_2580 : vector<16xf32>
      %mul3A_2583 = arith.mulf %get3A_2575, %get3A_2575 : vector<16xf32>
      %add3A_2584 = arith.addf %add3A_2568, %mul3A_2583 : vector<16xf32>
      %mul3A_2585 = arith.mulf %get3A_2580, %get3A_2580 : vector<16xf32>
      %add3A_2586 = arith.addf %add3A_2570, %mul3A_2585 : vector<16xf32>
      %add3A_2587 = arith.constant 1344 : i32
      %add3A_2588 = arith.addi %add3A_2587, %scan3A_2256 : i32
      %get3A_2589 = arith.index_cast %add3A_2588 : i32 to index
      %get3A_2590 = arith.constant 0 : index
      %get3A_2591 = tpu.vector_load %arg11[%get3A_2589, %get3A_2590] {strides = array<i32>} : memref<1664x32xf32, #tpu.memory_space<vmem>>, vector<16xf32>,
      %add3A_2592 = arith.constant 1344 : i32
      %add3A_2593 = arith.addi %add3A_2592, %scan3A_2256 : i32
      %get3A_2594 = arith.index_cast %add3A_2593 : i32 to index
      %get3A_2595 = arith.constant 16 : index
      %get3A_2596 = tpu.vector_load %arg11[%get3A_2594, %get3A_2595] {strides = array<i32>} : memref<1664x32xf32, #tpu.memory_space<vmem>>, vector<16xf32>,
      %add3A_2597 = arith.addf %add3A_2581, %get3A_2591 : vector<16xf32>
      %add3A_2598 = arith.addf %add3A_2582, %get3A_2596 : vector<16xf32>
      %mul3A_2599 = arith.mulf %get3A_2591, %get3A_2591 : vector<16xf32>
      %add3A_2600 = arith.addf %add3A_2584, %mul3A_2599 : vector<16xf32>
      %mul3A_2601 = arith.mulf %get3A_2596, %get3A_2596 : vector<16xf32>
      %add3A_2602 = arith.addf %add3A_2586, %mul3A_2601 : vector<16xf32>
      %add3A_2603 = arith.constant 1408 : i32
      %add3A_2604 = arith.addi %add3A_2603, %scan3A_2256 : i32
      %get3A_2605 = arith.index_cast %add3A_2604 : i32 to index
      %get3A_2606 = arith.constant 0 : index
      %get3A_2607 = tpu.vector_load %arg11[%get3A_2605, %get3A_2606] {strides = array<i32>} : memref<1664x32xf32, #tpu.memory_space<vmem>>, vector<16xf32>,
      %add3A_2608 = arith.constant 1408 : i32
      %add3A_2609 = arith.addi %add3A_2608, %scan3A_2256 : i32
      %get3A_2610 = arith.index_cast %add3A_2609 : i32 to index
      %get3A_2611 = arith.constant 16 : index
      %get3A_2612 = tpu.vector_load %arg11[%get3A_2610, %get3A_2611] {strides = array<i32>} : memref<1664x32xf32, #tpu.memory_space<vmem>>, vector<16xf32>,
      %add3A_2613 = arith.addf %add3A_2597, %get3A_2607 : vector<16xf32>
      %add3A_2614 = arith.addf %add3A_2598, %get3A_2612 : vector<16xf32>
      %mul3A_2615 = arith.mulf %get3A_2607, %get3A_2607 : vector<16xf32>
      %add3A_2616 = arith.addf %add3A_2600, %mul3A_2615 : vector<16xf32>
      %mul3A_2617 = arith.mulf %get3A_2612, %get3A_2612 : vector<16xf32>
      %add3A_2618 = arith.addf %add3A_2602, %mul3A_2617 : vector<16xf32>
      %add3A_2619 = arith.constant 1472 : i32
      %add3A_2620 = arith.addi %add3A_2619, %scan3A_2256 : i32
      %get3A_2621 = arith.index_cast %add3A_2620 : i32 to index
      %get3A_2622 = arith.constant 0 : index
      %get3A_2623 = tpu.vector_load %arg11[%get3A_2621, %get3A_2622] {strides = array<i32>} : memref<1664x32xf32, #tpu.memory_space<vmem>>, vector<16xf32>,
      %add3A_2624 = arith.constant 1472 : i32
      %add3A_2625 = arith.addi %add3A_2624, %scan3A_2256 : i32
      %get3A_2626 = arith.index_cast %add3A_2625 : i32 to index
      %get3A_2627 = arith.constant 16 : index
      %get3A_2628 = tpu.vector_load %arg11[%get3A_2626, %get3A_2627] {strides = array<i32>} : memref<1664x32xf32, #tpu.memory_space<vmem>>, vector<16xf32>,
      %add3A_2629 = arith.addf %add3A_2613, %get3A_2623 : vector<16xf32>
      %add3A_2630 = arith.addf %add3A_2614, %get3A_2628 : vector<16xf32>
      %mul3A_2631 = arith.mulf %get3A_2623, %get3A_2623 : vector<16xf32>
      %add3A_2632 = arith.addf %add3A_2616, %mul3A_2631 : vector<16xf32>
      %mul3A_2633 = arith.mulf %get3A_2628, %get3A_2628 : vector<16xf32>
      %add3A_2634 = arith.addf %add3A_2618, %mul3A_2633 : vector<16xf32>
      %add3A_2635 = arith.constant 1536 : i32
      %add3A_2636 = arith.addi %add3A_2635, %scan3A_2256 : i32
      %get3A_2637 = arith.index_cast %add3A_2636 : i32 to index
      %get3A_2638 = arith.constant 0 : index
      %get3A_2639 = tpu.vector_load %arg11[%get3A_2637, %get3A_2638] {strides = array<i32>} : memref<1664x32xf32, #tpu.memory_space<vmem>>, vector<16xf32>,
      %add3A_2640 = arith.constant 1536 : i32
      %add3A_2641 = arith.addi %add3A_2640, %scan3A_2256 : i32
      %get3A_2642 = arith.index_cast %add3A_2641 : i32 to index
      %get3A_2643 = arith.constant 16 : index
      %get3A_2644 = tpu.vector_load %arg11[%get3A_2642, %get3A_2643] {strides = array<i32>} : memref<1664x32xf32, #tpu.memory_space<vmem>>, vector<16xf32>,
      %add3A_2645 = arith.addf %add3A_2629, %get3A_2639 : vector<16xf32>
      %add3A_2646 = arith.addf %add3A_2630, %get3A_2644 : vector<16xf32>
      %mul3A_2647 = arith.mulf %get3A_2639, %get3A_2639 : vector<16xf32>
      %add3A_2648 = arith.addf %add3A_2632, %mul3A_2647 : vector<16xf32>
      %mul3A_2649 = arith.mulf %get3A_2644, %get3A_2644 : vector<16xf32>
      %add3A_2650 = arith.addf %add3A_2634, %mul3A_2649 : vector<16xf32>
      %add3A_2651 = arith.constant 1600 : i32
      %add3A_2652 = arith.addi %add3A_2651, %scan3A_2256 : i32
      %get3A_2653 = arith.index_cast %add3A_2652 : i32 to index
      %get3A_2654 = arith.constant 0 : index
      %get3A_2655 = tpu.vector_load %arg11[%get3A_2653, %get3A_2654] {strides = array<i32>} : memref<1664x32xf32, #tpu.memory_space<vmem>>, vector<16xf32>,
      %add3A_2656 = arith.constant 1600 : i32
      %add3A_2657 = arith.addi %add3A_2656, %scan3A_2256 : i32
      %get3A_2658 = arith.index_cast %add3A_2657 : i32 to index
      %get3A_2659 = arith.constant 16 : index
      %get3A_2660 = tpu.vector_load %arg11[%get3A_2658, %get3A_2659] {strides = array<i32>} : memref<1664x32xf32, #tpu.memory_space<vmem>>, vector<16xf32>,
      %add3A_2661 = arith.addf %add3A_2645, %get3A_2655 : vector<16xf32>
      %add3A_2662 = arith.addf %add3A_2646, %get3A_2660 : vector<16xf32>
      %mul3A_2663 = arith.mulf %get3A_2655, %get3A_2655 : vector<16xf32>
      %add3A_2664 = arith.addf %add3A_2648, %mul3A_2663 : vector<16xf32>
      %mul3A_2665 = arith.mulf %get3A_2660, %get3A_2660 : vector<16xf32>
      %add3A_2666 = arith.addf %add3A_2650, %mul3A_2665 : vector<16xf32>
      %mul3A_2667 = arith.mulf %add3A_2661, %add3A_2661 : vector<16xf32>
      %mul3A_2668 = arith.mulf %add3A_2662, %add3A_2662 : vector<16xf32>
      %add3A_2669 = arith.addf %mul3A_2667, %mul3A_2668 : vector<16xf32>
      %sub3A = arith.subf %add3A_2669, %add3A_2664 : vector<16xf32>
      %sub3A_2670 = arith.subf %sub3A, %add3A_2666 : vector<16xf32>
      %mul3A_2671 = arith.constant 5.000000e-01 : f32
      %mul3A_2672 = vector.broadcast %mul3A_2671 : f32 to vector<16xf32>
      %mul3A_2673 = arith.mulf %mul3A_2672, %sub3A_2670 : vector<16xf32>
      %mul3A_2674 = arith.constant 26 : i32
      %mul3A_2675 = arith.muli %add3A_2258, %mul3A_2674 : i32
      %add3A_2676 = vector.broadcast %mul3A_2675 : i32 to vector<16xi32>
      %add3A_2677 = arith.addi %add3A_2676, %iota3A : vector<16xi32>
      %gather3A_2678 = tpu.vector_load_idx %arg12[%add3A_2677] : memref<3328xf32, #tpu.memory_space<vmem>>[vector<16xi32>], vector<16xf32>,
      %add3A_2679 = vector.broadcast %mul3A_2675 : i32 to vector<16xi32>
      %add3A_2680 = arith.addi %add3A_2679, %min3A_417 : vector<16xi32>
      %gather3A_2681 = tpu.vector_load_idx %arg12[%add3A_2680] : memref<3328xf32, #tpu.memory_space<vmem>>[vector<16xi32>], vector<16xf32>,
      %mul3A_2682 = arith.mulf %gather3A_2681, %get3A_410 : vector<16xf32>
      %get3A_2683 = arith.index_cast %add3A_2258 : i32 to index
      %get3A_2684 = arith.constant 0 : index
      %get3A_2685 = tpu.vector_load %arg13[%get3A_2683, %get3A_2684] {strides = array<i32>} : memref<128x16xf32, #tpu.memory_space<vmem>>, vector<16xf32>,
      %add3A_2686 = arith.addf %mul3A_2673, %gather3A_2678 : vector<16xf32>
      %add3A_2687 = arith.addf %add3A_2686, %mul3A_2682 : vector<16xf32>
      %mul3A_2688 = arith.mulf %get3A_2685, %get3A_408 : vector<16xf32>
      %add3A_2689 = arith.addf %add3A_2687, %mul3A_2688 : vector<16xf32>
      %add3A_2690 = arith.addf %add3A_2689, %get3A_412 : vector<16xf32>
      %swap3A_2691 = arith.index_cast %add3A_2258 : i32 to index
      %swap3A_2692 = arith.constant 0 : index
      %swap3A_2693 = tpu.vector_load %arg15[%swap3A_2691, %swap3A_2692] {strides = array<i32>} : memref<128x16xf32, #tpu.memory_space<vmem>>, vector<16xf32>,
      tpu.vector_store %arg15[%swap3A_2691, %swap3A_2692], %add3A_2690 {strides = array<i32>} : memref<128x16xf32, #tpu.memory_space<vmem>>, vector<16xf32>,
    }
    %scan3A_1613 = arith.constant 64 : i32
    %broadcast_in_dim3A = arith.constant 0.000000e+00 : f32
    %broadcast_in_dim3A_1614 = vector.broadcast %broadcast_in_dim3A : f32 to vector<16xf32>
    %add3A_1615 = arith.constant 0 : i32
    %add3A_1616 = vector.broadcast %add3A_1615 : i32 to vector<16xi32>
    %add3A_1617 = arith.addi %add3A_1616, %iota3A : vector<16xi32>
    %broadcast_in_dim3A_1618 = arith.constant 0 : i32
    %broadcast_in_dim3A_1619 = vector.broadcast %broadcast_in_dim3A_1618 : i32 to vector<16xi32>
    %gather3A = tpu.vector_load_idx %arg15[%add3A_1617, %broadcast_in_dim3A_1619] : memref<128x16xf32, #tpu.memory_space<vmem>>[vector<16xi32>, vector<16xi32>], vector<16xf32>,
    %add3A_1620 = arith.addf %broadcast_in_dim3A_1614, %gather3A : vector<16xf32>
    %broadcast_in_dim3A_1621 = arith.constant 1 : i32
    %broadcast_in_dim3A_1622 = vector.broadcast %broadcast_in_dim3A_1621 : i32 to vector<16xi32>
    %gather3A_1623 = tpu.vector_load_idx %arg15[%add3A_1617, %broadcast_in_dim3A_1622] : memref<128x16xf32, #tpu.memory_space<vmem>>[vector<16xi32>, vector<16xi32>], vector<16xf32>,
    %add3A_1624 = arith.addf %add3A_1620, %gather3A_1623 : vector<16xf32>
    %broadcast_in_dim3A_1625 = arith.constant 2 : i32
    %broadcast_in_dim3A_1626 = vector.broadcast %broadcast_in_dim3A_1625 : i32 to vector<16xi32>
    %gather3A_1627 = tpu.vector_load_idx %arg15[%add3A_1617, %broadcast_in_dim3A_1626] : memref<128x16xf32, #tpu.memory_space<vmem>>[vector<16xi32>, vector<16xi32>], vector<16xf32>,
    %add3A_1628 = arith.addf %add3A_1624, %gather3A_1627 : vector<16xf32>
    %broadcast_in_dim3A_1629 = arith.constant 3 : i32
    %broadcast_in_dim3A_1630 = vector.broadcast %broadcast_in_dim3A_1629 : i32 to vector<16xi32>
    %gather3A_1631 = tpu.vector_load_idx %arg15[%add3A_1617, %broadcast_in_dim3A_1630] : memref<128x16xf32, #tpu.memory_space<vmem>>[vector<16xi32>, vector<16xi32>], vector<16xf32>,
    %add3A_1632 = arith.addf %add3A_1628, %gather3A_1631 : vector<16xf32>
    %broadcast_in_dim3A_1633 = arith.constant 4 : i32
    %broadcast_in_dim3A_1634 = vector.broadcast %broadcast_in_dim3A_1633 : i32 to vector<16xi32>
    %gather3A_1635 = tpu.vector_load_idx %arg15[%add3A_1617, %broadcast_in_dim3A_1634] : memref<128x16xf32, #tpu.memory_space<vmem>>[vector<16xi32>, vector<16xi32>], vector<16xf32>,
    %add3A_1636 = arith.addf %add3A_1632, %gather3A_1635 : vector<16xf32>
    %broadcast_in_dim3A_1637 = arith.constant 5 : i32
    %broadcast_in_dim3A_1638 = vector.broadcast %broadcast_in_dim3A_1637 : i32 to vector<16xi32>
    %gather3A_1639 = tpu.vector_load_idx %arg15[%add3A_1617, %broadcast_in_dim3A_1638] : memref<128x16xf32, #tpu.memory_space<vmem>>[vector<16xi32>, vector<16xi32>], vector<16xf32>,
    %add3A_1640 = arith.addf %add3A_1636, %gather3A_1639 : vector<16xf32>
    %broadcast_in_dim3A_1641 = arith.constant 6 : i32
    %broadcast_in_dim3A_1642 = vector.broadcast %broadcast_in_dim3A_1641 : i32 to vector<16xi32>
    %gather3A_1643 = tpu.vector_load_idx %arg15[%add3A_1617, %broadcast_in_dim3A_1642] : memref<128x16xf32, #tpu.memory_space<vmem>>[vector<16xi32>, vector<16xi32>], vector<16xf32>,
    %add3A_1644 = arith.addf %add3A_1640, %gather3A_1643 : vector<16xf32>
    %broadcast_in_dim3A_1645 = arith.constant 7 : i32
    %broadcast_in_dim3A_1646 = vector.broadcast %broadcast_in_dim3A_1645 : i32 to vector<16xi32>
    %gather3A_1647 = tpu.vector_load_idx %arg15[%add3A_1617, %broadcast_in_dim3A_1646] : memref<128x16xf32, #tpu.memory_space<vmem>>[vector<16xi32>, vector<16xi32>], vector<16xf32>,
    %add3A_1648 = arith.addf %add3A_1644, %gather3A_1647 : vector<16xf32>
    %broadcast_in_dim3A_1649 = arith.constant 8 : i32
    %broadcast_in_dim3A_1650 = vector.broadcast %broadcast_in_dim3A_1649 : i32 to vector<16xi32>
    %gather3A_1651 = tpu.vector_load_idx %arg15[%add3A_1617, %broadcast_in_dim3A_1650] : memref<128x16xf32, #tpu.memory_space<vmem>>[vector<16xi32>, vector<16xi32>], vector<16xf32>,
    %add3A_1652 = arith.addf %add3A_1648, %gather3A_1651 : vector<16xf32>
    %broadcast_in_dim3A_1653 = arith.constant 9 : i32
    %broadcast_in_dim3A_1654 = vector.broadcast %broadcast_in_dim3A_1653 : i32 to vector<16xi32>
    %gather3A_1655 = tpu.vector_load_idx %arg15[%add3A_1617, %broadcast_in_dim3A_1654] : memref<128x16xf32, #tpu.memory_space<vmem>>[vector<16xi32>, vector<16xi32>], vector<16xf32>,
    %add3A_1656 = arith.addf %add3A_1652, %gather3A_1655 : vector<16xf32>
    %broadcast_in_dim3A_1657 = arith.constant 10 : i32
    %broadcast_in_dim3A_1658 = vector.broadcast %broadcast_in_dim3A_1657 : i32 to vector<16xi32>
    %gather3A_1659 = tpu.vector_load_idx %arg15[%add3A_1617, %broadcast_in_dim3A_1658] : memref<128x16xf32, #tpu.memory_space<vmem>>[vector<16xi32>, vector<16xi32>], vector<16xf32>,
    %add3A_1660 = arith.addf %add3A_1656, %gather3A_1659 : vector<16xf32>
    %broadcast_in_dim3A_1661 = arith.constant 11 : i32
    %broadcast_in_dim3A_1662 = vector.broadcast %broadcast_in_dim3A_1661 : i32 to vector<16xi32>
    %gather3A_1663 = tpu.vector_load_idx %arg15[%add3A_1617, %broadcast_in_dim3A_1662] : memref<128x16xf32, #tpu.memory_space<vmem>>[vector<16xi32>, vector<16xi32>], vector<16xf32>,
    %add3A_1664 = arith.addf %add3A_1660, %gather3A_1663 : vector<16xf32>
    %broadcast_in_dim3A_1665 = arith.constant 12 : i32
    %broadcast_in_dim3A_1666 = vector.broadcast %broadcast_in_dim3A_1665 : i32 to vector<16xi32>
    %gather3A_1667 = tpu.vector_load_idx %arg15[%add3A_1617, %broadcast_in_dim3A_1666] : memref<128x16xf32, #tpu.memory_space<vmem>>[vector<16xi32>, vector<16xi32>], vector<16xf32>,
    %add3A_1668 = arith.addf %add3A_1664, %gather3A_1667 : vector<16xf32>
    %broadcast_in_dim3A_1669 = arith.constant 13 : i32
    %broadcast_in_dim3A_1670 = vector.broadcast %broadcast_in_dim3A_1669 : i32 to vector<16xi32>
    %gather3A_1671 = tpu.vector_load_idx %arg15[%add3A_1617, %broadcast_in_dim3A_1670] : memref<128x16xf32, #tpu.memory_space<vmem>>[vector<16xi32>, vector<16xi32>], vector<16xf32>,
    %add3A_1672 = arith.addf %add3A_1668, %gather3A_1671 : vector<16xf32>
    %broadcast_in_dim3A_1673 = arith.constant 14 : i32
    %broadcast_in_dim3A_1674 = vector.broadcast %broadcast_in_dim3A_1673 : i32 to vector<16xi32>
    %gather3A_1675 = tpu.vector_load_idx %arg15[%add3A_1617, %broadcast_in_dim3A_1674] : memref<128x16xf32, #tpu.memory_space<vmem>>[vector<16xi32>, vector<16xi32>], vector<16xf32>,
    %add3A_1676 = arith.addf %add3A_1672, %gather3A_1675 : vector<16xf32>
    %broadcast_in_dim3A_1677 = arith.constant 15 : i32
    %broadcast_in_dim3A_1678 = vector.broadcast %broadcast_in_dim3A_1677 : i32 to vector<16xi32>
    %gather3A_1679 = tpu.vector_load_idx %arg15[%add3A_1617, %broadcast_in_dim3A_1678] : memref<128x16xf32, #tpu.memory_space<vmem>>[vector<16xi32>, vector<16xi32>], vector<16xf32>,
    %add3A_1680 = arith.addf %add3A_1676, %gather3A_1679 : vector<16xf32>
    %neg3A = arith.constant 0.000000e+00 : f32
    %neg3A_1681 = vector.broadcast %neg3A : f32 to vector<16xf32>
    %neg3A_1682 = arith.subf %neg3A_1681, %add3A_1680 : vector<16xf32>
    %exp3A = math.exp %neg3A_1682 : vector<16xf32>
    %add3A_1683 = arith.constant 1.000000e+00 : f32
    %add3A_1684 = vector.broadcast %add3A_1683 : f32 to vector<16xf32>
    %add3A_1685 = arith.addf %add3A_1684, %exp3A : vector<16xf32>
    %div3A = arith.constant 1.000000e+00 : f32
    %div3A_1686 = vector.broadcast %div3A : f32 to vector<16xf32>
    %div3A_1687 = arith.divf %div3A_1686, %add3A_1685 : vector<16xf32>
    %swap3A = arith.constant 0 : index
    %swap3A_1688 = tpu.vector_load %arg16[%swap3A] {strides = array<i32>} : memref<128xf32, #tpu.memory_space<vmem>>, vector<16xf32>,
    tpu.vector_store %arg16[%swap3A], %div3A_1687 {strides = array<i32>} : memref<128xf32, #tpu.memory_space<vmem>>, vector<16xf32>,
    %broadcast_in_dim3A_1689 = arith.constant 0.000000e+00 : f32
    %broadcast_in_dim3A_1690 = vector.broadcast %broadcast_in_dim3A_1689 : f32 to vector<16xf32>
    %add3A_1691 = arith.constant 16 : i32
    %add3A_1692 = vector.broadcast %add3A_1691 : i32 to vector<16xi32>
    %add3A_1693 = arith.addi %add3A_1692, %iota3A : vector<16xi32>
    %broadcast_in_dim3A_1694 = arith.constant 0 : i32
    %broadcast_in_dim3A_1695 = vector.broadcast %broadcast_in_dim3A_1694 : i32 to vector<16xi32>
    %gather3A_1696 = tpu.vector_load_idx %arg15[%add3A_1693, %broadcast_in_dim3A_1695] : memref<128x16xf32, #tpu.memory_space<vmem>>[vector<16xi32>, vector<16xi32>], vector<16xf32>,
    %add3A_1697 = arith.addf %broadcast_in_dim3A_1690, %gather3A_1696 : vector<16xf32>
    %broadcast_in_dim3A_1698 = arith.constant 1 : i32
    %broadcast_in_dim3A_1699 = vector.broadcast %broadcast_in_dim3A_1698 : i32 to vector<16xi32>
    %gather3A_1700 = tpu.vector_load_idx %arg15[%add3A_1693, %broadcast_in_dim3A_1699] : memref<128x16xf32, #tpu.memory_space<vmem>>[vector<16xi32>, vector<16xi32>], vector<16xf32>,
    %add3A_1701 = arith.addf %add3A_1697, %gather3A_1700 : vector<16xf32>
    %broadcast_in_dim3A_1702 = arith.constant 2 : i32
    %broadcast_in_dim3A_1703 = vector.broadcast %broadcast_in_dim3A_1702 : i32 to vector<16xi32>
    %gather3A_1704 = tpu.vector_load_idx %arg15[%add3A_1693, %broadcast_in_dim3A_1703] : memref<128x16xf32, #tpu.memory_space<vmem>>[vector<16xi32>, vector<16xi32>], vector<16xf32>,
    %add3A_1705 = arith.addf %add3A_1701, %gather3A_1704 : vector<16xf32>
    %broadcast_in_dim3A_1706 = arith.constant 3 : i32
    %broadcast_in_dim3A_1707 = vector.broadcast %broadcast_in_dim3A_1706 : i32 to vector<16xi32>
    %gather3A_1708 = tpu.vector_load_idx %arg15[%add3A_1693, %broadcast_in_dim3A_1707] : memref<128x16xf32, #tpu.memory_space<vmem>>[vector<16xi32>, vector<16xi32>], vector<16xf32>,
    %add3A_1709 = arith.addf %add3A_1705, %gather3A_1708 : vector<16xf32>
    %broadcast_in_dim3A_1710 = arith.constant 4 : i32
    %broadcast_in_dim3A_1711 = vector.broadcast %broadcast_in_dim3A_1710 : i32 to vector<16xi32>
    %gather3A_1712 = tpu.vector_load_idx %arg15[%add3A_1693, %broadcast_in_dim3A_1711] : memref<128x16xf32, #tpu.memory_space<vmem>>[vector<16xi32>, vector<16xi32>], vector<16xf32>,
    %add3A_1713 = arith.addf %add3A_1709, %gather3A_1712 : vector<16xf32>
    %broadcast_in_dim3A_1714 = arith.constant 5 : i32
    %broadcast_in_dim3A_1715 = vector.broadcast %broadcast_in_dim3A_1714 : i32 to vector<16xi32>
    %gather3A_1716 = tpu.vector_load_idx %arg15[%add3A_1693, %broadcast_in_dim3A_1715] : memref<128x16xf32, #tpu.memory_space<vmem>>[vector<16xi32>, vector<16xi32>], vector<16xf32>,
    %add3A_1717 = arith.addf %add3A_1713, %gather3A_1716 : vector<16xf32>
    %broadcast_in_dim3A_1718 = arith.constant 6 : i32
    %broadcast_in_dim3A_1719 = vector.broadcast %broadcast_in_dim3A_1718 : i32 to vector<16xi32>
    %gather3A_1720 = tpu.vector_load_idx %arg15[%add3A_1693, %broadcast_in_dim3A_1719] : memref<128x16xf32, #tpu.memory_space<vmem>>[vector<16xi32>, vector<16xi32>], vector<16xf32>,
    %add3A_1721 = arith.addf %add3A_1717, %gather3A_1720 : vector<16xf32>
    %broadcast_in_dim3A_1722 = arith.constant 7 : i32
    %broadcast_in_dim3A_1723 = vector.broadcast %broadcast_in_dim3A_1722 : i32 to vector<16xi32>
    %gather3A_1724 = tpu.vector_load_idx %arg15[%add3A_1693, %broadcast_in_dim3A_1723] : memref<128x16xf32, #tpu.memory_space<vmem>>[vector<16xi32>, vector<16xi32>], vector<16xf32>,
    %add3A_1725 = arith.addf %add3A_1721, %gather3A_1724 : vector<16xf32>
    %broadcast_in_dim3A_1726 = arith.constant 8 : i32
    %broadcast_in_dim3A_1727 = vector.broadcast %broadcast_in_dim3A_1726 : i32 to vector<16xi32>
    %gather3A_1728 = tpu.vector_load_idx %arg15[%add3A_1693, %broadcast_in_dim3A_1727] : memref<128x16xf32, #tpu.memory_space<vmem>>[vector<16xi32>, vector<16xi32>], vector<16xf32>,
    %add3A_1729 = arith.addf %add3A_1725, %gather3A_1728 : vector<16xf32>
    %broadcast_in_dim3A_1730 = arith.constant 9 : i32
    %broadcast_in_dim3A_1731 = vector.broadcast %broadcast_in_dim3A_1730 : i32 to vector<16xi32>
    %gather3A_1732 = tpu.vector_load_idx %arg15[%add3A_1693, %broadcast_in_dim3A_1731] : memref<128x16xf32, #tpu.memory_space<vmem>>[vector<16xi32>, vector<16xi32>], vector<16xf32>,
    %add3A_1733 = arith.addf %add3A_1729, %gather3A_1732 : vector<16xf32>
    %broadcast_in_dim3A_1734 = arith.constant 10 : i32
    %broadcast_in_dim3A_1735 = vector.broadcast %broadcast_in_dim3A_1734 : i32 to vector<16xi32>
    %gather3A_1736 = tpu.vector_load_idx %arg15[%add3A_1693, %broadcast_in_dim3A_1735] : memref<128x16xf32, #tpu.memory_space<vmem>>[vector<16xi32>, vector<16xi32>], vector<16xf32>,
    %add3A_1737 = arith.addf %add3A_1733, %gather3A_1736 : vector<16xf32>
    %broadcast_in_dim3A_1738 = arith.constant 11 : i32
    %broadcast_in_dim3A_1739 = vector.broadcast %broadcast_in_dim3A_1738 : i32 to vector<16xi32>
    %gather3A_1740 = tpu.vector_load_idx %arg15[%add3A_1693, %broadcast_in_dim3A_1739] : memref<128x16xf32, #tpu.memory_space<vmem>>[vector<16xi32>, vector<16xi32>], vector<16xf32>,
    %add3A_1741 = arith.addf %add3A_1737, %gather3A_1740 : vector<16xf32>
    %broadcast_in_dim3A_1742 = arith.constant 12 : i32
    %broadcast_in_dim3A_1743 = vector.broadcast %broadcast_in_dim3A_1742 : i32 to vector<16xi32>
    %gather3A_1744 = tpu.vector_load_idx %arg15[%add3A_1693, %broadcast_in_dim3A_1743] : memref<128x16xf32, #tpu.memory_space<vmem>>[vector<16xi32>, vector<16xi32>], vector<16xf32>,
    %add3A_1745 = arith.addf %add3A_1741, %gather3A_1744 : vector<16xf32>
    %broadcast_in_dim3A_1746 = arith.constant 13 : i32
    %broadcast_in_dim3A_1747 = vector.broadcast %broadcast_in_dim3A_1746 : i32 to vector<16xi32>
    %gather3A_1748 = tpu.vector_load_idx %arg15[%add3A_1693, %broadcast_in_dim3A_1747] : memref<128x16xf32, #tpu.memory_space<vmem>>[vector<16xi32>, vector<16xi32>], vector<16xf32>,
    %add3A_1749 = arith.addf %add3A_1745, %gather3A_1748 : vector<16xf32>
    %broadcast_in_dim3A_1750 = arith.constant 14 : i32
    %broadcast_in_dim3A_1751 = vector.broadcast %broadcast_in_dim3A_1750 : i32 to vector<16xi32>
    %gather3A_1752 = tpu.vector_load_idx %arg15[%add3A_1693, %broadcast_in_dim3A_1751] : memref<128x16xf32, #tpu.memory_space<vmem>>[vector<16xi32>, vector<16xi32>], vector<16xf32>,
    %add3A_1753 = arith.addf %add3A_1749, %gather3A_1752 : vector<16xf32>
    %broadcast_in_dim3A_1754 = arith.constant 15 : i32
    %broadcast_in_dim3A_1755 = vector.broadcast %broadcast_in_dim3A_1754 : i32 to vector<16xi32>
    %gather3A_1756 = tpu.vector_load_idx %arg15[%add3A_1693, %broadcast_in_dim3A_1755] : memref<128x16xf32, #tpu.memory_space<vmem>>[vector<16xi32>, vector<16xi32>], vector<16xf32>,
    %add3A_1757 = arith.addf %add3A_1753, %gather3A_1756 : vector<16xf32>
    %neg3A_1758 = arith.constant 0.000000e+00 : f32
    %neg3A_1759 = vector.broadcast %neg3A_1758 : f32 to vector<16xf32>
    %neg3A_1760 = arith.subf %neg3A_1759, %add3A_1757 : vector<16xf32>
    %exp3A_1761 = math.exp %neg3A_1760 : vector<16xf32>
    %add3A_1762 = arith.constant 1.000000e+00 : f32
    %add3A_1763 = vector.broadcast %add3A_1762 : f32 to vector<16xf32>
    %add3A_1764 = arith.addf %add3A_1763, %exp3A_1761 : vector<16xf32>
    %div3A_1765 = arith.constant 1.000000e+00 : f32
    %div3A_1766 = vector.broadcast %div3A_1765 : f32 to vector<16xf32>
    %div3A_1767 = arith.divf %div3A_1766, %add3A_1764 : vector<16xf32>
    %swap3A_1768 = arith.constant 16 : index
    %swap3A_1769 = tpu.vector_load %arg16[%swap3A_1768] {strides = array<i32>} : memref<128xf32, #tpu.memory_space<vmem>>, vector<16xf32>,
    tpu.vector_store %arg16[%swap3A_1768], %div3A_1767 {strides = array<i32>} : memref<128xf32, #tpu.memory_space<vmem>>, vector<16xf32>,
    %broadcast_in_dim3A_1770 = arith.constant 0.000000e+00 : f32
    %broadcast_in_dim3A_1771 = vector.broadcast %broadcast_in_dim3A_1770 : f32 to vector<16xf32>
    %add3A_1772 = arith.constant 32 : i32
    %add3A_1773 = vector.broadcast %add3A_1772 : i32 to vector<16xi32>
    %add3A_1774 = arith.addi %add3A_1773, %iota3A : vector<16xi32>
    %broadcast_in_dim3A_1775 = arith.constant 0 : i32
    %broadcast_in_dim3A_1776 = vector.broadcast %broadcast_in_dim3A_1775 : i32 to vector<16xi32>
    %gather3A_1777 = tpu.vector_load_idx %arg15[%add3A_1774, %broadcast_in_dim3A_1776] : memref<128x16xf32, #tpu.memory_space<vmem>>[vector<16xi32>, vector<16xi32>], vector<16xf32>,
    %add3A_1778 = arith.addf %broadcast_in_dim3A_1771, %gather3A_1777 : vector<16xf32>
    %broadcast_in_dim3A_1779 = arith.constant 1 : i32
    %broadcast_in_dim3A_1780 = vector.broadcast %broadcast_in_dim3A_1779 : i32 to vector<16xi32>
    %gather3A_1781 = tpu.vector_load_idx %arg15[%add3A_1774, %broadcast_in_dim3A_1780] : memref<128x16xf32, #tpu.memory_space<vmem>>[vector<16xi32>, vector<16xi32>], vector<16xf32>,
    %add3A_1782 = arith.addf %add3A_1778, %gather3A_1781 : vector<16xf32>
    %broadcast_in_dim3A_1783 = arith.constant 2 : i32
    %broadcast_in_dim3A_1784 = vector.broadcast %broadcast_in_dim3A_1783 : i32 to vector<16xi32>
    %gather3A_1785 = tpu.vector_load_idx %arg15[%add3A_1774, %broadcast_in_dim3A_1784] : memref<128x16xf32, #tpu.memory_space<vmem>>[vector<16xi32>, vector<16xi32>], vector<16xf32>,
    %add3A_1786 = arith.addf %add3A_1782, %gather3A_1785 : vector<16xf32>
    %broadcast_in_dim3A_1787 = arith.constant 3 : i32
    %broadcast_in_dim3A_1788 = vector.broadcast %broadcast_in_dim3A_1787 : i32 to vector<16xi32>
    %gather3A_1789 = tpu.vector_load_idx %arg15[%add3A_1774, %broadcast_in_dim3A_1788] : memref<128x16xf32, #tpu.memory_space<vmem>>[vector<16xi32>, vector<16xi32>], vector<16xf32>,
    %add3A_1790 = arith.addf %add3A_1786, %gather3A_1789 : vector<16xf32>
    %broadcast_in_dim3A_1791 = arith.constant 4 : i32
    %broadcast_in_dim3A_1792 = vector.broadcast %broadcast_in_dim3A_1791 : i32 to vector<16xi32>
    %gather3A_1793 = tpu.vector_load_idx %arg15[%add3A_1774, %broadcast_in_dim3A_1792] : memref<128x16xf32, #tpu.memory_space<vmem>>[vector<16xi32>, vector<16xi32>], vector<16xf32>,
    %add3A_1794 = arith.addf %add3A_1790, %gather3A_1793 : vector<16xf32>
    %broadcast_in_dim3A_1795 = arith.constant 5 : i32
    %broadcast_in_dim3A_1796 = vector.broadcast %broadcast_in_dim3A_1795 : i32 to vector<16xi32>
    %gather3A_1797 = tpu.vector_load_idx %arg15[%add3A_1774, %broadcast_in_dim3A_1796] : memref<128x16xf32, #tpu.memory_space<vmem>>[vector<16xi32>, vector<16xi32>], vector<16xf32>,
    %add3A_1798 = arith.addf %add3A_1794, %gather3A_1797 : vector<16xf32>
    %broadcast_in_dim3A_1799 = arith.constant 6 : i32
    %broadcast_in_dim3A_1800 = vector.broadcast %broadcast_in_dim3A_1799 : i32 to vector<16xi32>
    %gather3A_1801 = tpu.vector_load_idx %arg15[%add3A_1774, %broadcast_in_dim3A_1800] : memref<128x16xf32, #tpu.memory_space<vmem>>[vector<16xi32>, vector<16xi32>], vector<16xf32>,
    %add3A_1802 = arith.addf %add3A_1798, %gather3A_1801 : vector<16xf32>
    %broadcast_in_dim3A_1803 = arith.constant 7 : i32
    %broadcast_in_dim3A_1804 = vector.broadcast %broadcast_in_dim3A_1803 : i32 to vector<16xi32>
    %gather3A_1805 = tpu.vector_load_idx %arg15[%add3A_1774, %broadcast_in_dim3A_1804] : memref<128x16xf32, #tpu.memory_space<vmem>>[vector<16xi32>, vector<16xi32>], vector<16xf32>,
    %add3A_1806 = arith.addf %add3A_1802, %gather3A_1805 : vector<16xf32>
    %broadcast_in_dim3A_1807 = arith.constant 8 : i32
    %broadcast_in_dim3A_1808 = vector.broadcast %broadcast_in_dim3A_1807 : i32 to vector<16xi32>
    %gather3A_1809 = tpu.vector_load_idx %arg15[%add3A_1774, %broadcast_in_dim3A_1808] : memref<128x16xf32, #tpu.memory_space<vmem>>[vector<16xi32>, vector<16xi32>], vector<16xf32>,
    %add3A_1810 = arith.addf %add3A_1806, %gather3A_1809 : vector<16xf32>
    %broadcast_in_dim3A_1811 = arith.constant 9 : i32
    %broadcast_in_dim3A_1812 = vector.broadcast %broadcast_in_dim3A_1811 : i32 to vector<16xi32>
    %gather3A_1813 = tpu.vector_load_idx %arg15[%add3A_1774, %broadcast_in_dim3A_1812] : memref<128x16xf32, #tpu.memory_space<vmem>>[vector<16xi32>, vector<16xi32>], vector<16xf32>,
    %add3A_1814 = arith.addf %add3A_1810, %gather3A_1813 : vector<16xf32>
    %broadcast_in_dim3A_1815 = arith.constant 10 : i32
    %broadcast_in_dim3A_1816 = vector.broadcast %broadcast_in_dim3A_1815 : i32 to vector<16xi32>
    %gather3A_1817 = tpu.vector_load_idx %arg15[%add3A_1774, %broadcast_in_dim3A_1816] : memref<128x16xf32, #tpu.memory_space<vmem>>[vector<16xi32>, vector<16xi32>], vector<16xf32>,
    %add3A_1818 = arith.addf %add3A_1814, %gather3A_1817 : vector<16xf32>
    %broadcast_in_dim3A_1819 = arith.constant 11 : i32
    %broadcast_in_dim3A_1820 = vector.broadcast %broadcast_in_dim3A_1819 : i32 to vector<16xi32>
    %gather3A_1821 = tpu.vector_load_idx %arg15[%add3A_1774, %broadcast_in_dim3A_1820] : memref<128x16xf32, #tpu.memory_space<vmem>>[vector<16xi32>, vector<16xi32>], vector<16xf32>,
    %add3A_1822 = arith.addf %add3A_1818, %gather3A_1821 : vector<16xf32>
    %broadcast_in_dim3A_1823 = arith.constant 12 : i32
    %broadcast_in_dim3A_1824 = vector.broadcast %broadcast_in_dim3A_1823 : i32 to vector<16xi32>
    %gather3A_1825 = tpu.vector_load_idx %arg15[%add3A_1774, %broadcast_in_dim3A_1824] : memref<128x16xf32, #tpu.memory_space<vmem>>[vector<16xi32>, vector<16xi32>], vector<16xf32>,
    %add3A_1826 = arith.addf %add3A_1822, %gather3A_1825 : vector<16xf32>
    %broadcast_in_dim3A_1827 = arith.constant 13 : i32
    %broadcast_in_dim3A_1828 = vector.broadcast %broadcast_in_dim3A_1827 : i32 to vector<16xi32>
    %gather3A_1829 = tpu.vector_load_idx %arg15[%add3A_1774, %broadcast_in_dim3A_1828] : memref<128x16xf32, #tpu.memory_space<vmem>>[vector<16xi32>, vector<16xi32>], vector<16xf32>,
    %add3A_1830 = arith.addf %add3A_1826, %gather3A_1829 : vector<16xf32>
    %broadcast_in_dim3A_1831 = arith.constant 14 : i32
    %broadcast_in_dim3A_1832 = vector.broadcast %broadcast_in_dim3A_1831 : i32 to vector<16xi32>
    %gather3A_1833 = tpu.vector_load_idx %arg15[%add3A_1774, %broadcast_in_dim3A_1832] : memref<128x16xf32, #tpu.memory_space<vmem>>[vector<16xi32>, vector<16xi32>], vector<16xf32>,
    %add3A_1834 = arith.addf %add3A_1830, %gather3A_1833 : vector<16xf32>
    %broadcast_in_dim3A_1835 = arith.constant 15 : i32
    %broadcast_in_dim3A_1836 = vector.broadcast %broadcast_in_dim3A_1835 : i32 to vector<16xi32>
    %gather3A_1837 = tpu.vector_load_idx %arg15[%add3A_1774, %broadcast_in_dim3A_1836] : memref<128x16xf32, #tpu.memory_space<vmem>>[vector<16xi32>, vector<16xi32>], vector<16xf32>,
    %add3A_1838 = arith.addf %add3A_1834, %gather3A_1837 : vector<16xf32>
    %neg3A_1839 = arith.constant 0.000000e+00 : f32
    %neg3A_1840 = vector.broadcast %neg3A_1839 : f32 to vector<16xf32>
    %neg3A_1841 = arith.subf %neg3A_1840, %add3A_1838 : vector<16xf32>
    %exp3A_1842 = math.exp %neg3A_1841 : vector<16xf32>
    %add3A_1843 = arith.constant 1.000000e+00 : f32
    %add3A_1844 = vector.broadcast %add3A_1843 : f32 to vector<16xf32>
    %add3A_1845 = arith.addf %add3A_1844, %exp3A_1842 : vector<16xf32>
    %div3A_1846 = arith.constant 1.000000e+00 : f32
    %div3A_1847 = vector.broadcast %div3A_1846 : f32 to vector<16xf32>
    %div3A_1848 = arith.divf %div3A_1847, %add3A_1845 : vector<16xf32>
    %swap3A_1849 = arith.constant 32 : index
    %swap3A_1850 = tpu.vector_load %arg16[%swap3A_1849] {strides = array<i32>} : memref<128xf32, #tpu.memory_space<vmem>>, vector<16xf32>,
    tpu.vector_store %arg16[%swap3A_1849], %div3A_1848 {strides = array<i32>} : memref<128xf32, #tpu.memory_space<vmem>>, vector<16xf32>,
    %broadcast_in_dim3A_1851 = arith.constant 0.000000e+00 : f32
    %broadcast_in_dim3A_1852 = vector.broadcast %broadcast_in_dim3A_1851 : f32 to vector<16xf32>
    %add3A_1853 = arith.constant 48 : i32
    %add3A_1854 = vector.broadcast %add3A_1853 : i32 to vector<16xi32>
    %add3A_1855 = arith.addi %add3A_1854, %iota3A : vector<16xi32>
    %broadcast_in_dim3A_1856 = arith.constant 0 : i32
    %broadcast_in_dim3A_1857 = vector.broadcast %broadcast_in_dim3A_1856 : i32 to vector<16xi32>
    %gather3A_1858 = tpu.vector_load_idx %arg15[%add3A_1855, %broadcast_in_dim3A_1857] : memref<128x16xf32, #tpu.memory_space<vmem>>[vector<16xi32>, vector<16xi32>], vector<16xf32>,
    %add3A_1859 = arith.addf %broadcast_in_dim3A_1852, %gather3A_1858 : vector<16xf32>
    %broadcast_in_dim3A_1860 = arith.constant 1 : i32
    %broadcast_in_dim3A_1861 = vector.broadcast %broadcast_in_dim3A_1860 : i32 to vector<16xi32>
    %gather3A_1862 = tpu.vector_load_idx %arg15[%add3A_1855, %broadcast_in_dim3A_1861] : memref<128x16xf32, #tpu.memory_space<vmem>>[vector<16xi32>, vector<16xi32>], vector<16xf32>,
    %add3A_1863 = arith.addf %add3A_1859, %gather3A_1862 : vector<16xf32>
    %broadcast_in_dim3A_1864 = arith.constant 2 : i32
    %broadcast_in_dim3A_1865 = vector.broadcast %broadcast_in_dim3A_1864 : i32 to vector<16xi32>
    %gather3A_1866 = tpu.vector_load_idx %arg15[%add3A_1855, %broadcast_in_dim3A_1865] : memref<128x16xf32, #tpu.memory_space<vmem>>[vector<16xi32>, vector<16xi32>], vector<16xf32>,
    %add3A_1867 = arith.addf %add3A_1863, %gather3A_1866 : vector<16xf32>
    %broadcast_in_dim3A_1868 = arith.constant 3 : i32
    %broadcast_in_dim3A_1869 = vector.broadcast %broadcast_in_dim3A_1868 : i32 to vector<16xi32>
    %gather3A_1870 = tpu.vector_load_idx %arg15[%add3A_1855, %broadcast_in_dim3A_1869] : memref<128x16xf32, #tpu.memory_space<vmem>>[vector<16xi32>, vector<16xi32>], vector<16xf32>,
    %add3A_1871 = arith.addf %add3A_1867, %gather3A_1870 : vector<16xf32>
    %broadcast_in_dim3A_1872 = arith.constant 4 : i32
    %broadcast_in_dim3A_1873 = vector.broadcast %broadcast_in_dim3A_1872 : i32 to vector<16xi32>
    %gather3A_1874 = tpu.vector_load_idx %arg15[%add3A_1855, %broadcast_in_dim3A_1873] : memref<128x16xf32, #tpu.memory_space<vmem>>[vector<16xi32>, vector<16xi32>], vector<16xf32>,
    %add3A_1875 = arith.addf %add3A_1871, %gather3A_1874 : vector<16xf32>
    %broadcast_in_dim3A_1876 = arith.constant 5 : i32
    %broadcast_in_dim3A_1877 = vector.broadcast %broadcast_in_dim3A_1876 : i32 to vector<16xi32>
    %gather3A_1878 = tpu.vector_load_idx %arg15[%add3A_1855, %broadcast_in_dim3A_1877] : memref<128x16xf32, #tpu.memory_space<vmem>>[vector<16xi32>, vector<16xi32>], vector<16xf32>,
    %add3A_1879 = arith.addf %add3A_1875, %gather3A_1878 : vector<16xf32>
    %broadcast_in_dim3A_1880 = arith.constant 6 : i32
    %broadcast_in_dim3A_1881 = vector.broadcast %broadcast_in_dim3A_1880 : i32 to vector<16xi32>
    %gather3A_1882 = tpu.vector_load_idx %arg15[%add3A_1855, %broadcast_in_dim3A_1881] : memref<128x16xf32, #tpu.memory_space<vmem>>[vector<16xi32>, vector<16xi32>], vector<16xf32>,
    %add3A_1883 = arith.addf %add3A_1879, %gather3A_1882 : vector<16xf32>
    %broadcast_in_dim3A_1884 = arith.constant 7 : i32
    %broadcast_in_dim3A_1885 = vector.broadcast %broadcast_in_dim3A_1884 : i32 to vector<16xi32>
    %gather3A_1886 = tpu.vector_load_idx %arg15[%add3A_1855, %broadcast_in_dim3A_1885] : memref<128x16xf32, #tpu.memory_space<vmem>>[vector<16xi32>, vector<16xi32>], vector<16xf32>,
    %add3A_1887 = arith.addf %add3A_1883, %gather3A_1886 : vector<16xf32>
    %broadcast_in_dim3A_1888 = arith.constant 8 : i32
    %broadcast_in_dim3A_1889 = vector.broadcast %broadcast_in_dim3A_1888 : i32 to vector<16xi32>
    %gather3A_1890 = tpu.vector_load_idx %arg15[%add3A_1855, %broadcast_in_dim3A_1889] : memref<128x16xf32, #tpu.memory_space<vmem>>[vector<16xi32>, vector<16xi32>], vector<16xf32>,
    %add3A_1891 = arith.addf %add3A_1887, %gather3A_1890 : vector<16xf32>
    %broadcast_in_dim3A_1892 = arith.constant 9 : i32
    %broadcast_in_dim3A_1893 = vector.broadcast %broadcast_in_dim3A_1892 : i32 to vector<16xi32>
    %gather3A_1894 = tpu.vector_load_idx %arg15[%add3A_1855, %broadcast_in_dim3A_1893] : memref<128x16xf32, #tpu.memory_space<vmem>>[vector<16xi32>, vector<16xi32>], vector<16xf32>,
    %add3A_1895 = arith.addf %add3A_1891, %gather3A_1894 : vector<16xf32>
    %broadcast_in_dim3A_1896 = arith.constant 10 : i32
    %broadcast_in_dim3A_1897 = vector.broadcast %broadcast_in_dim3A_1896 : i32 to vector<16xi32>
    %gather3A_1898 = tpu.vector_load_idx %arg15[%add3A_1855, %broadcast_in_dim3A_1897] : memref<128x16xf32, #tpu.memory_space<vmem>>[vector<16xi32>, vector<16xi32>], vector<16xf32>,
    %add3A_1899 = arith.addf %add3A_1895, %gather3A_1898 : vector<16xf32>
    %broadcast_in_dim3A_1900 = arith.constant 11 : i32
    %broadcast_in_dim3A_1901 = vector.broadcast %broadcast_in_dim3A_1900 : i32 to vector<16xi32>
    %gather3A_1902 = tpu.vector_load_idx %arg15[%add3A_1855, %broadcast_in_dim3A_1901] : memref<128x16xf32, #tpu.memory_space<vmem>>[vector<16xi32>, vector<16xi32>], vector<16xf32>,
    %add3A_1903 = arith.addf %add3A_1899, %gather3A_1902 : vector<16xf32>
    %broadcast_in_dim3A_1904 = arith.constant 12 : i32
    %broadcast_in_dim3A_1905 = vector.broadcast %broadcast_in_dim3A_1904 : i32 to vector<16xi32>
    %gather3A_1906 = tpu.vector_load_idx %arg15[%add3A_1855, %broadcast_in_dim3A_1905] : memref<128x16xf32, #tpu.memory_space<vmem>>[vector<16xi32>, vector<16xi32>], vector<16xf32>,
    %add3A_1907 = arith.addf %add3A_1903, %gather3A_1906 : vector<16xf32>
    %broadcast_in_dim3A_1908 = arith.constant 13 : i32
    %broadcast_in_dim3A_1909 = vector.broadcast %broadcast_in_dim3A_1908 : i32 to vector<16xi32>
    %gather3A_1910 = tpu.vector_load_idx %arg15[%add3A_1855, %broadcast_in_dim3A_1909] : memref<128x16xf32, #tpu.memory_space<vmem>>[vector<16xi32>, vector<16xi32>], vector<16xf32>,
    %add3A_1911 = arith.addf %add3A_1907, %gather3A_1910 : vector<16xf32>
    %broadcast_in_dim3A_1912 = arith.constant 14 : i32
    %broadcast_in_dim3A_1913 = vector.broadcast %broadcast_in_dim3A_1912 : i32 to vector<16xi32>
    %gather3A_1914 = tpu.vector_load_idx %arg15[%add3A_1855, %broadcast_in_dim3A_1913] : memref<128x16xf32, #tpu.memory_space<vmem>>[vector<16xi32>, vector<16xi32>], vector<16xf32>,
    %add3A_1915 = arith.addf %add3A_1911, %gather3A_1914 : vector<16xf32>
    %broadcast_in_dim3A_1916 = arith.constant 15 : i32
    %broadcast_in_dim3A_1917 = vector.broadcast %broadcast_in_dim3A_1916 : i32 to vector<16xi32>
    %gather3A_1918 = tpu.vector_load_idx %arg15[%add3A_1855, %broadcast_in_dim3A_1917] : memref<128x16xf32, #tpu.memory_space<vmem>>[vector<16xi32>, vector<16xi32>], vector<16xf32>,
    %add3A_1919 = arith.addf %add3A_1915, %gather3A_1918 : vector<16xf32>
    %neg3A_1920 = arith.constant 0.000000e+00 : f32
    %neg3A_1921 = vector.broadcast %neg3A_1920 : f32 to vector<16xf32>
    %neg3A_1922 = arith.subf %neg3A_1921, %add3A_1919 : vector<16xf32>
    %exp3A_1923 = math.exp %neg3A_1922 : vector<16xf32>
    %add3A_1924 = arith.constant 1.000000e+00 : f32
    %add3A_1925 = vector.broadcast %add3A_1924 : f32 to vector<16xf32>
    %add3A_1926 = arith.addf %add3A_1925, %exp3A_1923 : vector<16xf32>
    %div3A_1927 = arith.constant 1.000000e+00 : f32
    %div3A_1928 = vector.broadcast %div3A_1927 : f32 to vector<16xf32>
    %div3A_1929 = arith.divf %div3A_1928, %add3A_1926 : vector<16xf32>
    %swap3A_1930 = arith.constant 48 : index
    %swap3A_1931 = tpu.vector_load %arg16[%swap3A_1930] {strides = array<i32>} : memref<128xf32, #tpu.memory_space<vmem>>, vector<16xf32>,
    tpu.vector_store %arg16[%swap3A_1930], %div3A_1929 {strides = array<i32>} : memref<128xf32, #tpu.memory_space<vmem>>, vector<16xf32>,
    %broadcast_in_dim3A_1932 = arith.constant 0.000000e+00 : f32
    %broadcast_in_dim3A_1933 = vector.broadcast %broadcast_in_dim3A_1932 : f32 to vector<16xf32>
    %add3A_1934 = arith.constant 64 : i32
    %add3A_1935 = vector.broadcast %add3A_1934 : i32 to vector<16xi32>
    %add3A_1936 = arith.addi %add3A_1935, %iota3A : vector<16xi32>
    %broadcast_in_dim3A_1937 = arith.constant 0 : i32
    %broadcast_in_dim3A_1938 = vector.broadcast %broadcast_in_dim3A_1937 : i32 to vector<16xi32>
    %gather3A_1939 = tpu.vector_load_idx %arg15[%add3A_1936, %broadcast_in_dim3A_1938] : memref<128x16xf32, #tpu.memory_space<vmem>>[vector<16xi32>, vector<16xi32>], vector<16xf32>,
    %add3A_1940 = arith.addf %broadcast_in_dim3A_1933, %gather3A_1939 : vector<16xf32>
    %broadcast_in_dim3A_1941 = arith.constant 1 : i32
    %broadcast_in_dim3A_1942 = vector.broadcast %broadcast_in_dim3A_1941 : i32 to vector<16xi32>
    %gather3A_1943 = tpu.vector_load_idx %arg15[%add3A_1936, %broadcast_in_dim3A_1942] : memref<128x16xf32, #tpu.memory_space<vmem>>[vector<16xi32>, vector<16xi32>], vector<16xf32>,
    %add3A_1944 = arith.addf %add3A_1940, %gather3A_1943 : vector<16xf32>
    %broadcast_in_dim3A_1945 = arith.constant 2 : i32
    %broadcast_in_dim3A_1946 = vector.broadcast %broadcast_in_dim3A_1945 : i32 to vector<16xi32>
    %gather3A_1947 = tpu.vector_load_idx %arg15[%add3A_1936, %broadcast_in_dim3A_1946] : memref<128x16xf32, #tpu.memory_space<vmem>>[vector<16xi32>, vector<16xi32>], vector<16xf32>,
    %add3A_1948 = arith.addf %add3A_1944, %gather3A_1947 : vector<16xf32>
    %broadcast_in_dim3A_1949 = arith.constant 3 : i32
    %broadcast_in_dim3A_1950 = vector.broadcast %broadcast_in_dim3A_1949 : i32 to vector<16xi32>
    %gather3A_1951 = tpu.vector_load_idx %arg15[%add3A_1936, %broadcast_in_dim3A_1950] : memref<128x16xf32, #tpu.memory_space<vmem>>[vector<16xi32>, vector<16xi32>], vector<16xf32>,
    %add3A_1952 = arith.addf %add3A_1948, %gather3A_1951 : vector<16xf32>
    %broadcast_in_dim3A_1953 = arith.constant 4 : i32
    %broadcast_in_dim3A_1954 = vector.broadcast %broadcast_in_dim3A_1953 : i32 to vector<16xi32>
    %gather3A_1955 = tpu.vector_load_idx %arg15[%add3A_1936, %broadcast_in_dim3A_1954] : memref<128x16xf32, #tpu.memory_space<vmem>>[vector<16xi32>, vector<16xi32>], vector<16xf32>,
    %add3A_1956 = arith.addf %add3A_1952, %gather3A_1955 : vector<16xf32>
    %broadcast_in_dim3A_1957 = arith.constant 5 : i32
    %broadcast_in_dim3A_1958 = vector.broadcast %broadcast_in_dim3A_1957 : i32 to vector<16xi32>
    %gather3A_1959 = tpu.vector_load_idx %arg15[%add3A_1936, %broadcast_in_dim3A_1958] : memref<128x16xf32, #tpu.memory_space<vmem>>[vector<16xi32>, vector<16xi32>], vector<16xf32>,
    %add3A_1960 = arith.addf %add3A_1956, %gather3A_1959 : vector<16xf32>
    %broadcast_in_dim3A_1961 = arith.constant 6 : i32
    %broadcast_in_dim3A_1962 = vector.broadcast %broadcast_in_dim3A_1961 : i32 to vector<16xi32>
    %gather3A_1963 = tpu.vector_load_idx %arg15[%add3A_1936, %broadcast_in_dim3A_1962] : memref<128x16xf32, #tpu.memory_space<vmem>>[vector<16xi32>, vector<16xi32>], vector<16xf32>,
    %add3A_1964 = arith.addf %add3A_1960, %gather3A_1963 : vector<16xf32>
    %broadcast_in_dim3A_1965 = arith.constant 7 : i32
    %broadcast_in_dim3A_1966 = vector.broadcast %broadcast_in_dim3A_1965 : i32 to vector<16xi32>
    %gather3A_1967 = tpu.vector_load_idx %arg15[%add3A_1936, %broadcast_in_dim3A_1966] : memref<128x16xf32, #tpu.memory_space<vmem>>[vector<16xi32>, vector<16xi32>], vector<16xf32>,
    %add3A_1968 = arith.addf %add3A_1964, %gather3A_1967 : vector<16xf32>
    %broadcast_in_dim3A_1969 = arith.constant 8 : i32
    %broadcast_in_dim3A_1970 = vector.broadcast %broadcast_in_dim3A_1969 : i32 to vector<16xi32>
    %gather3A_1971 = tpu.vector_load_idx %arg15[%add3A_1936, %broadcast_in_dim3A_1970] : memref<128x16xf32, #tpu.memory_space<vmem>>[vector<16xi32>, vector<16xi32>], vector<16xf32>,
    %add3A_1972 = arith.addf %add3A_1968, %gather3A_1971 : vector<16xf32>
    %broadcast_in_dim3A_1973 = arith.constant 9 : i32
    %broadcast_in_dim3A_1974 = vector.broadcast %broadcast_in_dim3A_1973 : i32 to vector<16xi32>
    %gather3A_1975 = tpu.vector_load_idx %arg15[%add3A_1936, %broadcast_in_dim3A_1974] : memref<128x16xf32, #tpu.memory_space<vmem>>[vector<16xi32>, vector<16xi32>], vector<16xf32>,
    %add3A_1976 = arith.addf %add3A_1972, %gather3A_1975 : vector<16xf32>
    %broadcast_in_dim3A_1977 = arith.constant 10 : i32
    %broadcast_in_dim3A_1978 = vector.broadcast %broadcast_in_dim3A_1977 : i32 to vector<16xi32>
    %gather3A_1979 = tpu.vector_load_idx %arg15[%add3A_1936, %broadcast_in_dim3A_1978] : memref<128x16xf32, #tpu.memory_space<vmem>>[vector<16xi32>, vector<16xi32>], vector<16xf32>,
    %add3A_1980 = arith.addf %add3A_1976, %gather3A_1979 : vector<16xf32>
    %broadcast_in_dim3A_1981 = arith.constant 11 : i32
    %broadcast_in_dim3A_1982 = vector.broadcast %broadcast_in_dim3A_1981 : i32 to vector<16xi32>
    %gather3A_1983 = tpu.vector_load_idx %arg15[%add3A_1936, %broadcast_in_dim3A_1982] : memref<128x16xf32, #tpu.memory_space<vmem>>[vector<16xi32>, vector<16xi32>], vector<16xf32>,
    %add3A_1984 = arith.addf %add3A_1980, %gather3A_1983 : vector<16xf32>
    %broadcast_in_dim3A_1985 = arith.constant 12 : i32
    %broadcast_in_dim3A_1986 = vector.broadcast %broadcast_in_dim3A_1985 : i32 to vector<16xi32>
    %gather3A_1987 = tpu.vector_load_idx %arg15[%add3A_1936, %broadcast_in_dim3A_1986] : memref<128x16xf32, #tpu.memory_space<vmem>>[vector<16xi32>, vector<16xi32>], vector<16xf32>,
    %add3A_1988 = arith.addf %add3A_1984, %gather3A_1987 : vector<16xf32>
    %broadcast_in_dim3A_1989 = arith.constant 13 : i32
    %broadcast_in_dim3A_1990 = vector.broadcast %broadcast_in_dim3A_1989 : i32 to vector<16xi32>
    %gather3A_1991 = tpu.vector_load_idx %arg15[%add3A_1936, %broadcast_in_dim3A_1990] : memref<128x16xf32, #tpu.memory_space<vmem>>[vector<16xi32>, vector<16xi32>], vector<16xf32>,
    %add3A_1992 = arith.addf %add3A_1988, %gather3A_1991 : vector<16xf32>
    %broadcast_in_dim3A_1993 = arith.constant 14 : i32
    %broadcast_in_dim3A_1994 = vector.broadcast %broadcast_in_dim3A_1993 : i32 to vector<16xi32>
    %gather3A_1995 = tpu.vector_load_idx %arg15[%add3A_1936, %broadcast_in_dim3A_1994] : memref<128x16xf32, #tpu.memory_space<vmem>>[vector<16xi32>, vector<16xi32>], vector<16xf32>,
    %add3A_1996 = arith.addf %add3A_1992, %gather3A_1995 : vector<16xf32>
    %broadcast_in_dim3A_1997 = arith.constant 15 : i32
    %broadcast_in_dim3A_1998 = vector.broadcast %broadcast_in_dim3A_1997 : i32 to vector<16xi32>
    %gather3A_1999 = tpu.vector_load_idx %arg15[%add3A_1936, %broadcast_in_dim3A_1998] : memref<128x16xf32, #tpu.memory_space<vmem>>[vector<16xi32>, vector<16xi32>], vector<16xf32>,
    %add3A_2000 = arith.addf %add3A_1996, %gather3A_1999 : vector<16xf32>
    %neg3A_2001 = arith.constant 0.000000e+00 : f32
    %neg3A_2002 = vector.broadcast %neg3A_2001 : f32 to vector<16xf32>
    %neg3A_2003 = arith.subf %neg3A_2002, %add3A_2000 : vector<16xf32>
    %exp3A_2004 = math.exp %neg3A_2003 : vector<16xf32>
    %add3A_2005 = arith.constant 1.000000e+00 : f32
    %add3A_2006 = vector.broadcast %add3A_2005 : f32 to vector<16xf32>
    %add3A_2007 = arith.addf %add3A_2006, %exp3A_2004 : vector<16xf32>
    %div3A_2008 = arith.constant 1.000000e+00 : f32
    %div3A_2009 = vector.broadcast %div3A_2008 : f32 to vector<16xf32>
    %div3A_2010 = arith.divf %div3A_2009, %add3A_2007 : vector<16xf32>
    %swap3A_2011 = arith.constant 64 : index
    %swap3A_2012 = tpu.vector_load %arg16[%swap3A_2011] {strides = array<i32>} : memref<128xf32, #tpu.memory_space<vmem>>, vector<16xf32>,
    tpu.vector_store %arg16[%swap3A_2011], %div3A_2010 {strides = array<i32>} : memref<128xf32, #tpu.memory_space<vmem>>, vector<16xf32>,
    %broadcast_in_dim3A_2013 = arith.constant 0.000000e+00 : f32
    %broadcast_in_dim3A_2014 = vector.broadcast %broadcast_in_dim3A_2013 : f32 to vector<16xf32>
    %add3A_2015 = arith.constant 80 : i32
    %add3A_2016 = vector.broadcast %add3A_2015 : i32 to vector<16xi32>
    %add3A_2017 = arith.addi %add3A_2016, %iota3A : vector<16xi32>
    %broadcast_in_dim3A_2018 = arith.constant 0 : i32
    %broadcast_in_dim3A_2019 = vector.broadcast %broadcast_in_dim3A_2018 : i32 to vector<16xi32>
    %gather3A_2020 = tpu.vector_load_idx %arg15[%add3A_2017, %broadcast_in_dim3A_2019] : memref<128x16xf32, #tpu.memory_space<vmem>>[vector<16xi32>, vector<16xi32>], vector<16xf32>,
    %add3A_2021 = arith.addf %broadcast_in_dim3A_2014, %gather3A_2020 : vector<16xf32>
    %broadcast_in_dim3A_2022 = arith.constant 1 : i32
    %broadcast_in_dim3A_2023 = vector.broadcast %broadcast_in_dim3A_2022 : i32 to vector<16xi32>
    %gather3A_2024 = tpu.vector_load_idx %arg15[%add3A_2017, %broadcast_in_dim3A_2023] : memref<128x16xf32, #tpu.memory_space<vmem>>[vector<16xi32>, vector<16xi32>], vector<16xf32>,
    %add3A_2025 = arith.addf %add3A_2021, %gather3A_2024 : vector<16xf32>
    %broadcast_in_dim3A_2026 = arith.constant 2 : i32
    %broadcast_in_dim3A_2027 = vector.broadcast %broadcast_in_dim3A_2026 : i32 to vector<16xi32>
    %gather3A_2028 = tpu.vector_load_idx %arg15[%add3A_2017, %broadcast_in_dim3A_2027] : memref<128x16xf32, #tpu.memory_space<vmem>>[vector<16xi32>, vector<16xi32>], vector<16xf32>,
    %add3A_2029 = arith.addf %add3A_2025, %gather3A_2028 : vector<16xf32>
    %broadcast_in_dim3A_2030 = arith.constant 3 : i32
    %broadcast_in_dim3A_2031 = vector.broadcast %broadcast_in_dim3A_2030 : i32 to vector<16xi32>
    %gather3A_2032 = tpu.vector_load_idx %arg15[%add3A_2017, %broadcast_in_dim3A_2031] : memref<128x16xf32, #tpu.memory_space<vmem>>[vector<16xi32>, vector<16xi32>], vector<16xf32>,
    %add3A_2033 = arith.addf %add3A_2029, %gather3A_2032 : vector<16xf32>
    %broadcast_in_dim3A_2034 = arith.constant 4 : i32
    %broadcast_in_dim3A_2035 = vector.broadcast %broadcast_in_dim3A_2034 : i32 to vector<16xi32>
    %gather3A_2036 = tpu.vector_load_idx %arg15[%add3A_2017, %broadcast_in_dim3A_2035] : memref<128x16xf32, #tpu.memory_space<vmem>>[vector<16xi32>, vector<16xi32>], vector<16xf32>,
    %add3A_2037 = arith.addf %add3A_2033, %gather3A_2036 : vector<16xf32>
    %broadcast_in_dim3A_2038 = arith.constant 5 : i32
    %broadcast_in_dim3A_2039 = vector.broadcast %broadcast_in_dim3A_2038 : i32 to vector<16xi32>
    %gather3A_2040 = tpu.vector_load_idx %arg15[%add3A_2017, %broadcast_in_dim3A_2039] : memref<128x16xf32, #tpu.memory_space<vmem>>[vector<16xi32>, vector<16xi32>], vector<16xf32>,
    %add3A_2041 = arith.addf %add3A_2037, %gather3A_2040 : vector<16xf32>
    %broadcast_in_dim3A_2042 = arith.constant 6 : i32
    %broadcast_in_dim3A_2043 = vector.broadcast %broadcast_in_dim3A_2042 : i32 to vector<16xi32>
    %gather3A_2044 = tpu.vector_load_idx %arg15[%add3A_2017, %broadcast_in_dim3A_2043] : memref<128x16xf32, #tpu.memory_space<vmem>>[vector<16xi32>, vector<16xi32>], vector<16xf32>,
    %add3A_2045 = arith.addf %add3A_2041, %gather3A_2044 : vector<16xf32>
    %broadcast_in_dim3A_2046 = arith.constant 7 : i32
    %broadcast_in_dim3A_2047 = vector.broadcast %broadcast_in_dim3A_2046 : i32 to vector<16xi32>
    %gather3A_2048 = tpu.vector_load_idx %arg15[%add3A_2017, %broadcast_in_dim3A_2047] : memref<128x16xf32, #tpu.memory_space<vmem>>[vector<16xi32>, vector<16xi32>], vector<16xf32>,
    %add3A_2049 = arith.addf %add3A_2045, %gather3A_2048 : vector<16xf32>
    %broadcast_in_dim3A_2050 = arith.constant 8 : i32
    %broadcast_in_dim3A_2051 = vector.broadcast %broadcast_in_dim3A_2050 : i32 to vector<16xi32>
    %gather3A_2052 = tpu.vector_load_idx %arg15[%add3A_2017, %broadcast_in_dim3A_2051] : memref<128x16xf32, #tpu.memory_space<vmem>>[vector<16xi32>, vector<16xi32>], vector<16xf32>,
    %add3A_2053 = arith.addf %add3A_2049, %gather3A_2052 : vector<16xf32>
    %broadcast_in_dim3A_2054 = arith.constant 9 : i32
    %broadcast_in_dim3A_2055 = vector.broadcast %broadcast_in_dim3A_2054 : i32 to vector<16xi32>
    %gather3A_2056 = tpu.vector_load_idx %arg15[%add3A_2017, %broadcast_in_dim3A_2055] : memref<128x16xf32, #tpu.memory_space<vmem>>[vector<16xi32>, vector<16xi32>], vector<16xf32>,
    %add3A_2057 = arith.addf %add3A_2053, %gather3A_2056 : vector<16xf32>
    %broadcast_in_dim3A_2058 = arith.constant 10 : i32
    %broadcast_in_dim3A_2059 = vector.broadcast %broadcast_in_dim3A_2058 : i32 to vector<16xi32>
    %gather3A_2060 = tpu.vector_load_idx %arg15[%add3A_2017, %broadcast_in_dim3A_2059] : memref<128x16xf32, #tpu.memory_space<vmem>>[vector<16xi32>, vector<16xi32>], vector<16xf32>,
    %add3A_2061 = arith.addf %add3A_2057, %gather3A_2060 : vector<16xf32>
    %broadcast_in_dim3A_2062 = arith.constant 11 : i32
    %broadcast_in_dim3A_2063 = vector.broadcast %broadcast_in_dim3A_2062 : i32 to vector<16xi32>
    %gather3A_2064 = tpu.vector_load_idx %arg15[%add3A_2017, %broadcast_in_dim3A_2063] : memref<128x16xf32, #tpu.memory_space<vmem>>[vector<16xi32>, vector<16xi32>], vector<16xf32>,
    %add3A_2065 = arith.addf %add3A_2061, %gather3A_2064 : vector<16xf32>
    %broadcast_in_dim3A_2066 = arith.constant 12 : i32
    %broadcast_in_dim3A_2067 = vector.broadcast %broadcast_in_dim3A_2066 : i32 to vector<16xi32>
    %gather3A_2068 = tpu.vector_load_idx %arg15[%add3A_2017, %broadcast_in_dim3A_2067] : memref<128x16xf32, #tpu.memory_space<vmem>>[vector<16xi32>, vector<16xi32>], vector<16xf32>,
    %add3A_2069 = arith.addf %add3A_2065, %gather3A_2068 : vector<16xf32>
    %broadcast_in_dim3A_2070 = arith.constant 13 : i32
    %broadcast_in_dim3A_2071 = vector.broadcast %broadcast_in_dim3A_2070 : i32 to vector<16xi32>
    %gather3A_2072 = tpu.vector_load_idx %arg15[%add3A_2017, %broadcast_in_dim3A_2071] : memref<128x16xf32, #tpu.memory_space<vmem>>[vector<16xi32>, vector<16xi32>], vector<16xf32>,
    %add3A_2073 = arith.addf %add3A_2069, %gather3A_2072 : vector<16xf32>
    %broadcast_in_dim3A_2074 = arith.constant 14 : i32
    %broadcast_in_dim3A_2075 = vector.broadcast %broadcast_in_dim3A_2074 : i32 to vector<16xi32>
    %gather3A_2076 = tpu.vector_load_idx %arg15[%add3A_2017, %broadcast_in_dim3A_2075] : memref<128x16xf32, #tpu.memory_space<vmem>>[vector<16xi32>, vector<16xi32>], vector<16xf32>,
    %add3A_2077 = arith.addf %add3A_2073, %gather3A_2076 : vector<16xf32>
    %broadcast_in_dim3A_2078 = arith.constant 15 : i32
    %broadcast_in_dim3A_2079 = vector.broadcast %broadcast_in_dim3A_2078 : i32 to vector<16xi32>
    %gather3A_2080 = tpu.vector_load_idx %arg15[%add3A_2017, %broadcast_in_dim3A_2079] : memref<128x16xf32, #tpu.memory_space<vmem>>[vector<16xi32>, vector<16xi32>], vector<16xf32>,
    %add3A_2081 = arith.addf %add3A_2077, %gather3A_2080 : vector<16xf32>
    %neg3A_2082 = arith.constant 0.000000e+00 : f32
    %neg3A_2083 = vector.broadcast %neg3A_2082 : f32 to vector<16xf32>
    %neg3A_2084 = arith.subf %neg3A_2083, %add3A_2081 : vector<16xf32>
    %exp3A_2085 = math.exp %neg3A_2084 : vector<16xf32>
    %add3A_2086 = arith.constant 1.000000e+00 : f32
    %add3A_2087 = vector.broadcast %add3A_2086 : f32 to vector<16xf32>
    %add3A_2088 = arith.addf %add3A_2087, %exp3A_2085 : vector<16xf32>
    %div3A_2089 = arith.constant 1.000000e+00 : f32
    %div3A_2090 = vector.broadcast %div3A_2089 : f32 to vector<16xf32>
    %div3A_2091 = arith.divf %div3A_2090, %add3A_2088 : vector<16xf32>
    %swap3A_2092 = arith.constant 80 : index
    %swap3A_2093 = tpu.vector_load %arg16[%swap3A_2092] {strides = array<i32>} : memref<128xf32, #tpu.memory_space<vmem>>, vector<16xf32>,
    tpu.vector_store %arg16[%swap3A_2092], %div3A_2091 {strides = array<i32>} : memref<128xf32, #tpu.memory_space<vmem>>, vector<16xf32>,
    %broadcast_in_dim3A_2094 = arith.constant 0.000000e+00 : f32
    %broadcast_in_dim3A_2095 = vector.broadcast %broadcast_in_dim3A_2094 : f32 to vector<16xf32>
    %add3A_2096 = arith.constant 96 : i32
    %add3A_2097 = vector.broadcast %add3A_2096 : i32 to vector<16xi32>
    %add3A_2098 = arith.addi %add3A_2097, %iota3A : vector<16xi32>
    %broadcast_in_dim3A_2099 = arith.constant 0 : i32
    %broadcast_in_dim3A_2100 = vector.broadcast %broadcast_in_dim3A_2099 : i32 to vector<16xi32>
    %gather3A_2101 = tpu.vector_load_idx %arg15[%add3A_2098, %broadcast_in_dim3A_2100] : memref<128x16xf32, #tpu.memory_space<vmem>>[vector<16xi32>, vector<16xi32>], vector<16xf32>,
    %add3A_2102 = arith.addf %broadcast_in_dim3A_2095, %gather3A_2101 : vector<16xf32>
    %broadcast_in_dim3A_2103 = arith.constant 1 : i32
    %broadcast_in_dim3A_2104 = vector.broadcast %broadcast_in_dim3A_2103 : i32 to vector<16xi32>
    %gather3A_2105 = tpu.vector_load_idx %arg15[%add3A_2098, %broadcast_in_dim3A_2104] : memref<128x16xf32, #tpu.memory_space<vmem>>[vector<16xi32>, vector<16xi32>], vector<16xf32>,
    %add3A_2106 = arith.addf %add3A_2102, %gather3A_2105 : vector<16xf32>
    %broadcast_in_dim3A_2107 = arith.constant 2 : i32
    %broadcast_in_dim3A_2108 = vector.broadcast %broadcast_in_dim3A_2107 : i32 to vector<16xi32>
    %gather3A_2109 = tpu.vector_load_idx %arg15[%add3A_2098, %broadcast_in_dim3A_2108] : memref<128x16xf32, #tpu.memory_space<vmem>>[vector<16xi32>, vector<16xi32>], vector<16xf32>,
    %add3A_2110 = arith.addf %add3A_2106, %gather3A_2109 : vector<16xf32>
    %broadcast_in_dim3A_2111 = arith.constant 3 : i32
    %broadcast_in_dim3A_2112 = vector.broadcast %broadcast_in_dim3A_2111 : i32 to vector<16xi32>
    %gather3A_2113 = tpu.vector_load_idx %arg15[%add3A_2098, %broadcast_in_dim3A_2112] : memref<128x16xf32, #tpu.memory_space<vmem>>[vector<16xi32>, vector<16xi32>], vector<16xf32>,
    %add3A_2114 = arith.addf %add3A_2110, %gather3A_2113 : vector<16xf32>
    %broadcast_in_dim3A_2115 = arith.constant 4 : i32
    %broadcast_in_dim3A_2116 = vector.broadcast %broadcast_in_dim3A_2115 : i32 to vector<16xi32>
    %gather3A_2117 = tpu.vector_load_idx %arg15[%add3A_2098, %broadcast_in_dim3A_2116] : memref<128x16xf32, #tpu.memory_space<vmem>>[vector<16xi32>, vector<16xi32>], vector<16xf32>,
    %add3A_2118 = arith.addf %add3A_2114, %gather3A_2117 : vector<16xf32>
    %broadcast_in_dim3A_2119 = arith.constant 5 : i32
    %broadcast_in_dim3A_2120 = vector.broadcast %broadcast_in_dim3A_2119 : i32 to vector<16xi32>
    %gather3A_2121 = tpu.vector_load_idx %arg15[%add3A_2098, %broadcast_in_dim3A_2120] : memref<128x16xf32, #tpu.memory_space<vmem>>[vector<16xi32>, vector<16xi32>], vector<16xf32>,
    %add3A_2122 = arith.addf %add3A_2118, %gather3A_2121 : vector<16xf32>
    %broadcast_in_dim3A_2123 = arith.constant 6 : i32
    %broadcast_in_dim3A_2124 = vector.broadcast %broadcast_in_dim3A_2123 : i32 to vector<16xi32>
    %gather3A_2125 = tpu.vector_load_idx %arg15[%add3A_2098, %broadcast_in_dim3A_2124] : memref<128x16xf32, #tpu.memory_space<vmem>>[vector<16xi32>, vector<16xi32>], vector<16xf32>,
    %add3A_2126 = arith.addf %add3A_2122, %gather3A_2125 : vector<16xf32>
    %broadcast_in_dim3A_2127 = arith.constant 7 : i32
    %broadcast_in_dim3A_2128 = vector.broadcast %broadcast_in_dim3A_2127 : i32 to vector<16xi32>
    %gather3A_2129 = tpu.vector_load_idx %arg15[%add3A_2098, %broadcast_in_dim3A_2128] : memref<128x16xf32, #tpu.memory_space<vmem>>[vector<16xi32>, vector<16xi32>], vector<16xf32>,
    %add3A_2130 = arith.addf %add3A_2126, %gather3A_2129 : vector<16xf32>
    %broadcast_in_dim3A_2131 = arith.constant 8 : i32
    %broadcast_in_dim3A_2132 = vector.broadcast %broadcast_in_dim3A_2131 : i32 to vector<16xi32>
    %gather3A_2133 = tpu.vector_load_idx %arg15[%add3A_2098, %broadcast_in_dim3A_2132] : memref<128x16xf32, #tpu.memory_space<vmem>>[vector<16xi32>, vector<16xi32>], vector<16xf32>,
    %add3A_2134 = arith.addf %add3A_2130, %gather3A_2133 : vector<16xf32>
    %broadcast_in_dim3A_2135 = arith.constant 9 : i32
    %broadcast_in_dim3A_2136 = vector.broadcast %broadcast_in_dim3A_2135 : i32 to vector<16xi32>
    %gather3A_2137 = tpu.vector_load_idx %arg15[%add3A_2098, %broadcast_in_dim3A_2136] : memref<128x16xf32, #tpu.memory_space<vmem>>[vector<16xi32>, vector<16xi32>], vector<16xf32>,
    %add3A_2138 = arith.addf %add3A_2134, %gather3A_2137 : vector<16xf32>
    %broadcast_in_dim3A_2139 = arith.constant 10 : i32
    %broadcast_in_dim3A_2140 = vector.broadcast %broadcast_in_dim3A_2139 : i32 to vector<16xi32>
    %gather3A_2141 = tpu.vector_load_idx %arg15[%add3A_2098, %broadcast_in_dim3A_2140] : memref<128x16xf32, #tpu.memory_space<vmem>>[vector<16xi32>, vector<16xi32>], vector<16xf32>,
    %add3A_2142 = arith.addf %add3A_2138, %gather3A_2141 : vector<16xf32>
    %broadcast_in_dim3A_2143 = arith.constant 11 : i32
    %broadcast_in_dim3A_2144 = vector.broadcast %broadcast_in_dim3A_2143 : i32 to vector<16xi32>
    %gather3A_2145 = tpu.vector_load_idx %arg15[%add3A_2098, %broadcast_in_dim3A_2144] : memref<128x16xf32, #tpu.memory_space<vmem>>[vector<16xi32>, vector<16xi32>], vector<16xf32>,
    %add3A_2146 = arith.addf %add3A_2142, %gather3A_2145 : vector<16xf32>
    %broadcast_in_dim3A_2147 = arith.constant 12 : i32
    %broadcast_in_dim3A_2148 = vector.broadcast %broadcast_in_dim3A_2147 : i32 to vector<16xi32>
    %gather3A_2149 = tpu.vector_load_idx %arg15[%add3A_2098, %broadcast_in_dim3A_2148] : memref<128x16xf32, #tpu.memory_space<vmem>>[vector<16xi32>, vector<16xi32>], vector<16xf32>,
    %add3A_2150 = arith.addf %add3A_2146, %gather3A_2149 : vector<16xf32>
    %broadcast_in_dim3A_2151 = arith.constant 13 : i32
    %broadcast_in_dim3A_2152 = vector.broadcast %broadcast_in_dim3A_2151 : i32 to vector<16xi32>
    %gather3A_2153 = tpu.vector_load_idx %arg15[%add3A_2098, %broadcast_in_dim3A_2152] : memref<128x16xf32, #tpu.memory_space<vmem>>[vector<16xi32>, vector<16xi32>], vector<16xf32>,
    %add3A_2154 = arith.addf %add3A_2150, %gather3A_2153 : vector<16xf32>
    %broadcast_in_dim3A_2155 = arith.constant 14 : i32
    %broadcast_in_dim3A_2156 = vector.broadcast %broadcast_in_dim3A_2155 : i32 to vector<16xi32>
    %gather3A_2157 = tpu.vector_load_idx %arg15[%add3A_2098, %broadcast_in_dim3A_2156] : memref<128x16xf32, #tpu.memory_space<vmem>>[vector<16xi32>, vector<16xi32>], vector<16xf32>,
    %add3A_2158 = arith.addf %add3A_2154, %gather3A_2157 : vector<16xf32>
    %broadcast_in_dim3A_2159 = arith.constant 15 : i32
    %broadcast_in_dim3A_2160 = vector.broadcast %broadcast_in_dim3A_2159 : i32 to vector<16xi32>
    %gather3A_2161 = tpu.vector_load_idx %arg15[%add3A_2098, %broadcast_in_dim3A_2160] : memref<128x16xf32, #tpu.memory_space<vmem>>[vector<16xi32>, vector<16xi32>], vector<16xf32>,
    %add3A_2162 = arith.addf %add3A_2158, %gather3A_2161 : vector<16xf32>
    %neg3A_2163 = arith.constant 0.000000e+00 : f32
    %neg3A_2164 = vector.broadcast %neg3A_2163 : f32 to vector<16xf32>
    %neg3A_2165 = arith.subf %neg3A_2164, %add3A_2162 : vector<16xf32>
    %exp3A_2166 = math.exp %neg3A_2165 : vector<16xf32>
    %add3A_2167 = arith.constant 1.000000e+00 : f32
    %add3A_2168 = vector.broadcast %add3A_2167 : f32 to vector<16xf32>
    %add3A_2169 = arith.addf %add3A_2168, %exp3A_2166 : vector<16xf32>
    %div3A_2170 = arith.constant 1.000000e+00 : f32
    %div3A_2171 = vector.broadcast %div3A_2170 : f32 to vector<16xf32>
    %div3A_2172 = arith.divf %div3A_2171, %add3A_2169 : vector<16xf32>
    %swap3A_2173 = arith.constant 96 : index
    %swap3A_2174 = tpu.vector_load %arg16[%swap3A_2173] {strides = array<i32>} : memref<128xf32, #tpu.memory_space<vmem>>, vector<16xf32>,
    tpu.vector_store %arg16[%swap3A_2173], %div3A_2172 {strides = array<i32>} : memref<128xf32, #tpu.memory_space<vmem>>, vector<16xf32>,
    %broadcast_in_dim3A_2175 = arith.constant 0.000000e+00 : f32
    %broadcast_in_dim3A_2176 = vector.broadcast %broadcast_in_dim3A_2175 : f32 to vector<16xf32>
    %add3A_2177 = arith.constant 112 : i32
    %add3A_2178 = vector.broadcast %add3A_2177 : i32 to vector<16xi32>
    %add3A_2179 = arith.addi %add3A_2178, %iota3A : vector<16xi32>
    %broadcast_in_dim3A_2180 = arith.constant 0 : i32
    %broadcast_in_dim3A_2181 = vector.broadcast %broadcast_in_dim3A_2180 : i32 to vector<16xi32>
    %gather3A_2182 = tpu.vector_load_idx %arg15[%add3A_2179, %broadcast_in_dim3A_2181] : memref<128x16xf32, #tpu.memory_space<vmem>>[vector<16xi32>, vector<16xi32>], vector<16xf32>,
    %add3A_2183 = arith.addf %broadcast_in_dim3A_2176, %gather3A_2182 : vector<16xf32>
    %broadcast_in_dim3A_2184 = arith.constant 1 : i32
    %broadcast_in_dim3A_2185 = vector.broadcast %broadcast_in_dim3A_2184 : i32 to vector<16xi32>
    %gather3A_2186 = tpu.vector_load_idx %arg15[%add3A_2179, %broadcast_in_dim3A_2185] : memref<128x16xf32, #tpu.memory_space<vmem>>[vector<16xi32>, vector<16xi32>], vector<16xf32>,
    %add3A_2187 = arith.addf %add3A_2183, %gather3A_2186 : vector<16xf32>
    %broadcast_in_dim3A_2188 = arith.constant 2 : i32
    %broadcast_in_dim3A_2189 = vector.broadcast %broadcast_in_dim3A_2188 : i32 to vector<16xi32>
    %gather3A_2190 = tpu.vector_load_idx %arg15[%add3A_2179, %broadcast_in_dim3A_2189] : memref<128x16xf32, #tpu.memory_space<vmem>>[vector<16xi32>, vector<16xi32>], vector<16xf32>,
    %add3A_2191 = arith.addf %add3A_2187, %gather3A_2190 : vector<16xf32>
    %broadcast_in_dim3A_2192 = arith.constant 3 : i32
    %broadcast_in_dim3A_2193 = vector.broadcast %broadcast_in_dim3A_2192 : i32 to vector<16xi32>
    %gather3A_2194 = tpu.vector_load_idx %arg15[%add3A_2179, %broadcast_in_dim3A_2193] : memref<128x16xf32, #tpu.memory_space<vmem>>[vector<16xi32>, vector<16xi32>], vector<16xf32>,
    %add3A_2195 = arith.addf %add3A_2191, %gather3A_2194 : vector<16xf32>
    %broadcast_in_dim3A_2196 = arith.constant 4 : i32
    %broadcast_in_dim3A_2197 = vector.broadcast %broadcast_in_dim3A_2196 : i32 to vector<16xi32>
    %gather3A_2198 = tpu.vector_load_idx %arg15[%add3A_2179, %broadcast_in_dim3A_2197] : memref<128x16xf32, #tpu.memory_space<vmem>>[vector<16xi32>, vector<16xi32>], vector<16xf32>,
    %add3A_2199 = arith.addf %add3A_2195, %gather3A_2198 : vector<16xf32>
    %broadcast_in_dim3A_2200 = arith.constant 5 : i32
    %broadcast_in_dim3A_2201 = vector.broadcast %broadcast_in_dim3A_2200 : i32 to vector<16xi32>
    %gather3A_2202 = tpu.vector_load_idx %arg15[%add3A_2179, %broadcast_in_dim3A_2201] : memref<128x16xf32, #tpu.memory_space<vmem>>[vector<16xi32>, vector<16xi32>], vector<16xf32>,
    %add3A_2203 = arith.addf %add3A_2199, %gather3A_2202 : vector<16xf32>
    %broadcast_in_dim3A_2204 = arith.constant 6 : i32
    %broadcast_in_dim3A_2205 = vector.broadcast %broadcast_in_dim3A_2204 : i32 to vector<16xi32>
    %gather3A_2206 = tpu.vector_load_idx %arg15[%add3A_2179, %broadcast_in_dim3A_2205] : memref<128x16xf32, #tpu.memory_space<vmem>>[vector<16xi32>, vector<16xi32>], vector<16xf32>,
    %add3A_2207 = arith.addf %add3A_2203, %gather3A_2206 : vector<16xf32>
    %broadcast_in_dim3A_2208 = arith.constant 7 : i32
    %broadcast_in_dim3A_2209 = vector.broadcast %broadcast_in_dim3A_2208 : i32 to vector<16xi32>
    %gather3A_2210 = tpu.vector_load_idx %arg15[%add3A_2179, %broadcast_in_dim3A_2209] : memref<128x16xf32, #tpu.memory_space<vmem>>[vector<16xi32>, vector<16xi32>], vector<16xf32>,
    %add3A_2211 = arith.addf %add3A_2207, %gather3A_2210 : vector<16xf32>
    %broadcast_in_dim3A_2212 = arith.constant 8 : i32
    %broadcast_in_dim3A_2213 = vector.broadcast %broadcast_in_dim3A_2212 : i32 to vector<16xi32>
    %gather3A_2214 = tpu.vector_load_idx %arg15[%add3A_2179, %broadcast_in_dim3A_2213] : memref<128x16xf32, #tpu.memory_space<vmem>>[vector<16xi32>, vector<16xi32>], vector<16xf32>,
    %add3A_2215 = arith.addf %add3A_2211, %gather3A_2214 : vector<16xf32>
    %broadcast_in_dim3A_2216 = arith.constant 9 : i32
    %broadcast_in_dim3A_2217 = vector.broadcast %broadcast_in_dim3A_2216 : i32 to vector<16xi32>
    %gather3A_2218 = tpu.vector_load_idx %arg15[%add3A_2179, %broadcast_in_dim3A_2217] : memref<128x16xf32, #tpu.memory_space<vmem>>[vector<16xi32>, vector<16xi32>], vector<16xf32>,
    %add3A_2219 = arith.addf %add3A_2215, %gather3A_2218 : vector<16xf32>
    %broadcast_in_dim3A_2220 = arith.constant 10 : i32
    %broadcast_in_dim3A_2221 = vector.broadcast %broadcast_in_dim3A_2220 : i32 to vector<16xi32>
    %gather3A_2222 = tpu.vector_load_idx %arg15[%add3A_2179, %broadcast_in_dim3A_2221] : memref<128x16xf32, #tpu.memory_space<vmem>>[vector<16xi32>, vector<16xi32>], vector<16xf32>,
    %add3A_2223 = arith.addf %add3A_2219, %gather3A_2222 : vector<16xf32>
    %broadcast_in_dim3A_2224 = arith.constant 11 : i32
    %broadcast_in_dim3A_2225 = vector.broadcast %broadcast_in_dim3A_2224 : i32 to vector<16xi32>
    %gather3A_2226 = tpu.vector_load_idx %arg15[%add3A_2179, %broadcast_in_dim3A_2225] : memref<128x16xf32, #tpu.memory_space<vmem>>[vector<16xi32>, vector<16xi32>], vector<16xf32>,
    %add3A_2227 = arith.addf %add3A_2223, %gather3A_2226 : vector<16xf32>
    %broadcast_in_dim3A_2228 = arith.constant 12 : i32
    %broadcast_in_dim3A_2229 = vector.broadcast %broadcast_in_dim3A_2228 : i32 to vector<16xi32>
    %gather3A_2230 = tpu.vector_load_idx %arg15[%add3A_2179, %broadcast_in_dim3A_2229] : memref<128x16xf32, #tpu.memory_space<vmem>>[vector<16xi32>, vector<16xi32>], vector<16xf32>,
    %add3A_2231 = arith.addf %add3A_2227, %gather3A_2230 : vector<16xf32>
    %broadcast_in_dim3A_2232 = arith.constant 13 : i32
    %broadcast_in_dim3A_2233 = vector.broadcast %broadcast_in_dim3A_2232 : i32 to vector<16xi32>
    %gather3A_2234 = tpu.vector_load_idx %arg15[%add3A_2179, %broadcast_in_dim3A_2233] : memref<128x16xf32, #tpu.memory_space<vmem>>[vector<16xi32>, vector<16xi32>], vector<16xf32>,
    %add3A_2235 = arith.addf %add3A_2231, %gather3A_2234 : vector<16xf32>
    %broadcast_in_dim3A_2236 = arith.constant 14 : i32
    %broadcast_in_dim3A_2237 = vector.broadcast %broadcast_in_dim3A_2236 : i32 to vector<16xi32>
    %gather3A_2238 = tpu.vector_load_idx %arg15[%add3A_2179, %broadcast_in_dim3A_2237] : memref<128x16xf32, #tpu.memory_space<vmem>>[vector<16xi32>, vector<16xi32>], vector<16xf32>,
    %add3A_2239 = arith.addf %add3A_2235, %gather3A_2238 : vector<16xf32>
    %broadcast_in_dim3A_2240 = arith.constant 15 : i32
    %broadcast_in_dim3A_2241 = vector.broadcast %broadcast_in_dim3A_2240 : i32 to vector<16xi32>
    %gather3A_2242 = tpu.vector_load_idx %arg15[%add3A_2179, %broadcast_in_dim3A_2241] : memref<128x16xf32, #tpu.memory_space<vmem>>[vector<16xi32>, vector<16xi32>], vector<16xf32>,
    %add3A_2243 = arith.addf %add3A_2239, %gather3A_2242 : vector<16xf32>
    %neg3A_2244 = arith.constant 0.000000e+00 : f32
    %neg3A_2245 = vector.broadcast %neg3A_2244 : f32 to vector<16xf32>
    %neg3A_2246 = arith.subf %neg3A_2245, %add3A_2243 : vector<16xf32>
    %exp3A_2247 = math.exp %neg3A_2246 : vector<16xf32>
    %add3A_2248 = arith.constant 1.000000e+00 : f32
    %add3A_2249 = vector.broadcast %add3A_2248 : f32 to vector<16xf32>
    %add3A_2250 = arith.addf %add3A_2249, %exp3A_2247 : vector<16xf32>
    %div3A_2251 = arith.constant 1.000000e+00 : f32
    %div3A_2252 = vector.broadcast %div3A_2251 : f32 to vector<16xf32>
    %div3A_2253 = arith.divf %div3A_2252, %add3A_2250 : vector<16xf32>
    %swap3A_2254 = arith.constant 112 : index
    %swap3A_2255 = tpu.vector_load %arg16[%swap3A_2254] {strides = array<i32>} : memref<128xf32, #tpu.memory_space<vmem>>, vector<16xf32>,
    tpu.vector_store %arg16[%swap3A_2254], %div3A_2253 {strides = array<i32>} : memref<128xf32, #tpu.memory_space<vmem>>, vector<16xf32>,
    "tpu.region"() ({
      %run_scoped3A = tpu.sem_alloc : memref<!tpu.dma_semaphore, #tpu.memory_space<semaphore_mem>>
      %dma_start3A_2256 = tpu.memref_slice %arg8[%mul3A_2] : memref<4096xf32, #tpu.memory_space<hbm>> -> memref<128xf32, #tpu.memory_space<hbm>>
      %dma_start3A_2257 = tpu.memref_slice %arg8[%mul3A_2] : memref<4096xf32, #tpu.memory_space<hbm>> -> memref<128xf32, #tpu.memory_space<hbm>>
      tpu.enqueue_dma source(%arg16 : memref<128xf32, #tpu.memory_space<vmem>>) target(%dma_start3A_2257 : memref<128xf32, #tpu.memory_space<hbm>>) target_semaphore(%run_scoped3A : memref<!tpu.dma_semaphore, #tpu.memory_space<semaphore_mem>>)
      %dma_wait3A_2258 = tpu.memref_slice %arg8[%mul3A_2] : memref<4096xf32, #tpu.memory_space<hbm>> -> memref<128xf32, #tpu.memory_space<hbm>>
      %dma_wait3A_2259 = tpu.memref_slice %arg8[%mul3A_2] : memref<4096xf32, #tpu.memory_space<hbm>> -> memref<128xf32, #tpu.memory_space<hbm>>
      tpu.wait_dma2 semaphore(%run_scoped3A : memref<!tpu.dma_semaphore, #tpu.memory_space<semaphore_mem>>) src(%arg16 : memref<128xf32, #tpu.memory_space<vmem>>) dst(%dma_wait3A_2259 : memref<128xf32, #tpu.memory_space<hbm>>)
      tpu.yield
    }) : () -> ()
    return
  }
}

</mosaic_0001>

<sc_bundles>
// kernel: kernel.3.cloned.1.call-start
scs
__scs_entry_jumppad:
0x0: {  	(pc) =	sbr.rel $0x88, $3  }
0x1: {  	(tag) =	ssettag $0x0;
	lr =	simm.s32 $0x1  }
0x2: {  	[smem:$0x3F9B] =	sst lr;
	_ =	strace $0xD0000000  }
0x3: {  	_ = 	snop  }
0x4: {  	_ = 	snop  }
0x5: {  	_ = 	snop  }
0x6: {  	_ = 	snop  }
0x7: {  	_ = 	snop  }
__scs_overlays_trampoline_lowered:
0x8: {  	[smem:$0x3FAA] =	sst s0  }
0x9: {  	[smem:$0x3FAB] =	sst s1  }
0xa: {  	[smem:$0x3FAC] =	sst s2  }
0xb: {  	[smem:$0x3FAD] =	sst s3  }
0xc: {  	[smem:$0x3FAE] =	sst s4  }
0xd: {  	[smem:$0x3FAF] =	sst s5  }
0xe: {  	[smem:$0x3FB0] =	sst s6  }
0xf: {  	[smem:$0x3FB1] =	sst s7  }
0x10: {  	[smem:$0x3FB2] =	sst s8  }
0x11: {  	[smem:$0x3FB3] =	sst s9;
	s0 =	simm.s32 @!p0 $0x0  }
0x12: {  	s1 =	sld [smem:$0x3F99];
	s0 =	simm.s32 @p0 $0x1  }
0x13: {  	[smem:$0x3FB4] =	sst s0;
	s0 =	simm.s32 @!p1 $0x0  }
0x14: {  	s2 =	sld [smem:$0x3F98];
	s0 =	simm.s32 @p1 $0x1  }
0x15: {  	[smem:$0x3FB5] =	sst s0;
	s0 =	simm.s32 @!p2 $0x0  }
0x16: {  	s3 =	sld [smem:$0x3FDB];
	s0 =	simm.s32 @p2 $0x1  }
0x17: {  	s4 =	simm.s32 $0x1BF5;
	[smem:$0x3FB7] =	sst s0  }
0x18: {  	s0 =	sld [smem:$0x3F9A];
	_ =	swait.ge [sflag:s4], $0x0  }
0x19: {  	s7 =	sld [smem:$0x3F9B]  }
0x1a: {  	s8 =	sadd.s32 $0xFFFFE003, lr  }
0x1b: {  	s9 =	sadd.s32 $0xFFFFFEF7, lr;
	s5 =	simm.s32 $0xFFFFFFFF;
	p2 =	slt.u32 s8, $0xFFFFF086  }
0x1c: {  	p1 =	slt.u32 s9, $0xF7A;
	s5 =	simm.s32 @!p2 $0x0  }
0x1d: {  	s5 =	simm.s32 @p1 $0x1;
	p0 =	seq.s32 s7, s2  }
0x1e: {  	s7 =	smul.u32 @!p0 $0xF7A, s2;
	p2 =	seq.s32 @!p0 s5, $0x0  }
0x1f: {  	s9 =	smul.u32 $0xF7A, s1;
	s8 =	simm.s32 @!p0 $0x1BF5;
	p2 =	por !p2, p0  }
0x20: {  	[sflag:s8] =	ssyncset.s32 @!p0 $0xFFFFF086;
	s6 =	sadd.s32 @!p0 s3, s7;
	s7 =	simm.s32 @!p0 $0x108  }
0x21: {  	s3 =	sadd.s32 s3, s9;
	s6 =	sadd.s32 @!p0 $0x88, s6;
	s7 =	simm.s32 @p2 $0x1082  }
0x22: {  	[simem:s7], [sflag:s8] =	dma.local @!p0 [hbm:s6], $0xF7A  }
0x23: {  	s9 =	sor.u32 $0xD0000000, s2;
	s6 =	simm.s32 $0x108;
	_ =	swait.ge @!p0 [sflag:s8], $0x0  }
0x24: {  	s3 =	sadd.s32 $0x88, s3;
	s6 =	simm.s32 @!p1 $0x1082;
	[sflag:s4] =	ssyncset.s32 $0xFFFFF086  }
0x25: {  	[simem:s6], [sflag:s4] =	dma.local [hbm:s3], $0xF7A  }
0x26: {  	[smem:$0x3F9B] =	sst s1;
	(tag) =	ssettag s2;
	_ =	strace s9  }
0x27: {  	s1 =	sld [smem:$0x3FAB]  }
0x28: {  	s2 =	sld [smem:$0x3FAC]  }
0x29: {  	s4 =	sld [smem:$0x3FAE]  }
0x2a: {  	p0 =	seq.s32 s5, $0x0;
	s5 =	sld [smem:$0x3FAF]  }
0x2b: {  	s6 =	sld [smem:$0x3FB0]  }
0x2c: {  	s7 =	sld [smem:$0x3FB1]  }
0x2d: {  	s3 =	simm.s32 $0x108;
	s8 =	sld [smem:$0x3FB2]  }
0x2e: {  	s3 =	simm.s32 @!p0 $0x1082;
	s9 =	sld [smem:$0x3FB3]  }
0x2f: {  	lr =	sadd.s32 s0, s3;
	s0 =	sld [smem:$0x3FAA]  }
0x30: {  	s3 =	sld [smem:$0x3FAD]  }
0x31: {  	[smem:$0x3FB6] =	sst s10  }
0x32: {  	s10 =	sld [smem:$0x3FB4];
	_ =	sdelay $0x3  }
0x33: {  	p0 =	seq.s32 s10, $0x1;
	s10 =	sld [smem:$0x3FB6];
	_ =	sdelay $0x3  }
0x34: {  	[smem:$0x3FB6] =	sst s10  }
0x35: {  	s10 =	sld [smem:$0x3FB5];
	_ =	sdelay $0x3  }
0x36: {  	p1 =	seq.s32 s10, $0x1;
	s10 =	sld [smem:$0x3FB6];
	_ =	sdelay $0x3  }
0x37: {  	[smem:$0x3FB6] =	sst s10  }
0x38: {  	s10 =	sld [smem:$0x3FB7]  }
0x39: {  	_ = 	snop;
	(pc) =	sbr.ind lr, $3  }
0x3a: {  	_ = 	snop  }
0x3b: {  	_ = 	snop  }
0x3c: {  	p2 =	seq.s32 s10, $0x1;
	s10 =	sld [smem:$0x3FB6]  }
0x3d: {  	_ =	shalt  }
0x3e: {  	_ =	shalt  }
0x3f: {  	_ =	shalt  }
0x40: {  	_ =	shalt  }
0x41: {  	_ =	shalt  }
0x42: {  	_ =	shalt  }
0x43: {  	_ =	shalt  }
0x44: {  	_ =	shalt  }
0x45: {  	_ =	shalt  }
0x46: {  	_ =	shalt  }
0x47: {  	_ =	shalt  }
0x48: {  	_ =	shalt  }
0x49: {  	_ =	shalt  }
0x4a: {  	_ =	shalt  }
0x4b: {  	_ =	shalt  }
0x4c: {  	_ =	shalt  }
0x4d: {  	_ =	shalt  }
0x4e: {  	_ =	shalt  }
0x4f: {  	_ =	shalt  }
0x50: {  	_ =	shalt  }
0x51: {  	_ =	shalt  }
0x52: {  	_ =	shalt  }
0x53: {  	_ =	shalt  }
0x54: {  	_ =	shalt  }
0x55: {  	_ =	shalt  }
0x56: {  	_ =	shalt  }
0x57: {  	_ =	shalt  }
0x58: {  	_ =	shalt  }
0x59: {  	_ =	shalt  }
0x5a: {  	_ =	shalt  }
0x5b: {  	_ =	shalt  }
0x5c: {  	_ =	shalt  }
0x5d: {  	_ =	shalt  }
0x5e: {  	_ =	shalt  }
0x5f: {  	_ =	shalt  }
0x60: {  	_ =	shalt  }
0x61: {  	_ =	shalt  }
0x62: {  	_ =	shalt  }
0x63: {  	_ =	shalt  }
0x64: {  	_ =	shalt  }
0x65: {  	_ =	shalt  }
0x66: {  	_ =	shalt  }
0x67: {  	_ =	shalt  }
0x68: {  	_ =	shalt  }
0x69: {  	_ =	shalt  }
0x6a: {  	_ =	shalt  }
0x6b: {  	_ =	shalt  }
0x6c: {  	_ =	shalt  }
0x6d: {  	_ =	shalt  }
0x6e: {  	_ =	shalt  }
0x6f: {  	_ =	shalt  }
0x70: {  	_ =	shalt  }
0x71: {  	_ =	shalt  }
0x72: {  	_ =	shalt  }
0x73: {  	_ =	shalt  }
0x74: {  	_ =	shalt  }
0x75: {  	_ =	shalt  }
0x76: {  	_ =	shalt  }
0x77: {  	_ =	shalt  }
0x78: {  	_ =	shalt  }
0x79: {  	_ =	shalt  }
0x7a: {  	_ =	shalt  }
0x7b: {  	_ =	shalt  }
0x7c: {  	_ =	shalt  }
0x7d: {  	_ =	shalt  }
0x7e: {  	_ =	shalt  }
0x7f: {  	_ =	shalt  }
0x80: {  	_ =	shalt  }
0x81: {  	_ =	shalt  }
0x82: {  	_ =	shalt  }
0x83: {  	_ =	shalt  }
0x84: {  	_ =	shalt  }
0x85: {  	_ =	shalt  }
0x86: {  	_ =	shalt  }
0x87: {  	_ =	shalt  }
.Lfunc_end0:
.L_simem_size_0:
called_computation_lowered:
.L_overlay_start_0:
0x88: {  	s2 =	sld [smem:$0x3FD9]  }
0x89: {  	s3 =	sld [smem:$0x3FFE];
	_ =	sdelay $0x1  }
0x8a: {  	s1 =	srdreg.scid  }
0x8b: {  	s0 =	sand.u32 $0x1, s1  }
0x8c: {  	s17 =	sshll.u32 s0, $0xA;
	s2 =	sadd.s32 s3, s2  }
0x8d: {  	s2 =	sadd.s32 s2, s17  }
0x8e: {  	[smem:$0x3FC2] =	sst s2  }
0x8f: {  	_ = 	snop  }
0x90: {  	s2 =	sld [smem:$0x3FD0];
	(tm) =	ssettm $0x1  }
0x91: {  	s18 =	sld [smem:$0x3FFB];
	_ =	sdelay $0x3  }
0x92: {  	_ =	strace s18  }
0x93: {  	s3 =	sld [smem:$0x3FFC];
	_ =	sdelay $0x3  }
0x94: {  	_ =	strace s3  }
0x95: {  	s3 =	sld [smem:$0x3FFD];
	_ =	sdelay $0x3  }
0x96: {  	_ =	strace s3  }
0x97: {  	_ =	strace $0x8FFFFFFF  }
0x98: {  	s19 =	sld [smem:$0x3FDB];
	_ =	sdelay $0x1  }
0x99: {  	s4 =	simm.s32 $_scs_section_size  }
0x9a: {  	s5 =	simm.s32 $_size__tile_overlayer_lowered;
	s6 =	simm.s32 $_tile_overlayer_lowered  }
0x9b: {  	s22 =	simm.s32 $0x1BFF;
	s21 =	sshll.u32 s6, $0x1;
	s3 =	sadd.s32 s4, s19  }
0x9c: {  	s7 =	simm.s32 $0x0;
	s20 =	sshll.u32 s5, $0x1;
	s5 =	sadd.s32 s21, s3  }
0x9d: {  	[timem:s7], [sflag:s22] =	dma.local [hbm:s5], s20  }
0x9e: {  	_ =	swait.ge [sflag:s22], s20  }
0x9f: {  	s4 =	ssub.s32 $0x0, s20;
	[sflag:s22] =	ssyncset.done $0x0  }
0xa0: {  	[sflag:s22] =	ssyncadd.s32 s4;
	_ =	sdelay $0x1  }
0xa1: {  	s23 =	simm.s32 $0x1B8B  }
0xa2: {  	_ =	swait.ge [sflag:s23], $0x1  }
0xa3: {  	[sflag:s23] =	ssyncset.done $0x0  }
0xa4: {  	s25 =	simm.s32 $0x1B8E;
	s24 =	sld [smem:$0x3FFE];
	[sflag:s23] =	ssyncadd.s32 $0xFFFFFFFF  }
0xa5: {  	s26 =	simm.s32 $execute0_lowered;
	[smem:$0x3FD2] =	sst s25  }
0xa6: {  	s5 =	sshll.u32 s26, $0x1;
	_ =	strace $0x80000046;
	[dreg:$0x1] =	wrdreg $0xFFFFFFFF  }
0xa7: {  	s28 =	simm.s32 $_size_execute0_lowered;
	s3 =	sadd.s32 s3, s5;
	[dreg:$0x0] =	wrdreg $0x0  }
0xa8: {  	s5 =	sshll.u32 s28, $0x1;
	[dreg:$0x2] =	wrdreg s3  }
0xa9: {  	[dreg:$0x3] =	wrdreg s5  }
0xaa: {  	[dreg:$0x4] =	wrdreg $0xC0  }
0xab: {  	_ =	task [dreg:s7], $0x5FFFF  }
0xac: {  	[dreg:$0x1] =	wrdreg $0xFFFFFFFF  }
0xad: {  	[dreg:$0x0] =	wrdreg $0x60  }
0xae: {  	[dreg:$0x2] =	wrdreg s24  }
0xaf: {  	[dreg:$0x3] =	wrdreg s2  }
0xb0: {  	[dreg:$0x4] =	wrdreg $0x9  }
0xb1: {  	_ =	task.clear_ibuf [dreg:s7], $0x5FFFF;
	_ =	strace $0x90000046  }
0xb2: {  	s29 =	simm.s32 $0x9;
	_ =	strace $0x80000048  }
0xb3: {  	_ =	swait.ge [sflag:s29], $0x1  }
0xb4: {  	[sflag:s29] =	ssyncadd.s32 $0xFFFFFFFF  }
0xb5: {  	_ =	strace $0x90000048  }
0xb6: {  	_ =	sfence  }
0xb7: {  	s30 =	sld [smem:$0x0];
	_ =	sdelay $0x2  }
0xb8: {  	s31 =	sshll.u32 s1, $0xD;
	s1 =	sshrl.u32 s1, $0x2  }
0xb9: {  	s3 =	sand.u32 $0x4000, s31;
	s1 =	sadd.s32 s1, s30  }
0xba: {  	s0 =	sor.u32 s3, s0;
	s1 =	sshll.u32 s1, $0x11  }
0xbb: {  	s0 =	sor.u32 s1, s0  }
0xbc: {  	s0 =	sadd.s32 $0x8F2B, s0  }
0xbd: {  	[sflag:s0] =	ssyncadd.remote.s32 $0x1  }
0xbe: {  	_ =	sfence.sel $0xFFFF  }
0xbf: {  	[dreg:$0x0] =	wrdreg $0xFFFFFFFF;
	(pc) =	sbr.abs _section_cstart, $3  }
0xc0: {  	[dreg:$0x1] =	wrdreg $0xFFFFFFFF  }
0xc1: {  	_ =	task.clear_ibuf [dreg:s7], $0x2FFFF;
	_ =	strace $0x9FFFFFFF  }
0xc2: {  	(tm) =	ssettm $0x7FFFFFFF  }
0xc3: {  	_ =	shalt  }
tec
execute0_lowered:
.L_overlay_start_1:
0x0: {  	(tag) =	ssettag $0x1  }
0x1: {  	s1 =	rddreg [dreg:$0x0];
	s0 =	srdreg.scid  }
0x2: {  	s2 =	stileid.u32;
	s3 =	rddreg [dreg:$0x1]  }
0x3: {  	s0 =	sand.u32 $0x1, s0;
	s6 =	sadd.s32 $0xE00, s1;
	s23 =	sadd.s32 $0x27AD200, s1  }
0x4: {  	s4 =	sshll.u32 s2, $0x1;
	s26 =	sadd.s32 $0x280EC80, s1;
	s7 =	sadd.s32 $0x28D2180, s1  }
0x5: {  	s2 =	simm.s32 $0x0;
	s8 =	sadd.s32 $0x2933C00, s1;
	s9 =	sadd.s32 $0x2995680, s1  }
0x6: {  	s24 =	sadd.s32 $0xC00, s1;
	s10 =	sadd.s32 $0x29F7100, s1;
	[smem:$0x7FF] =	sst s2  }
0x7: {  	s12 =	sadd.s32 $0x2A58B80, s1;
	_ =	strace $0x80000047;
	[dreg:$0x3] =	wrdreg s6  }
0x8: {  	s15 =	sadd.s32 $0x2ABA600, s1;
	s16 =	sadd.s32 $0x2B1C080, s1;
	[dreg:$0x4] =	wrdreg s23  }
0x9: {  	s17 =	sadd.s32 $0x2B7DB00, s1;
	s19 =	sadd.s32 $0x2BDF580, s1;
	[dreg:$0x5] =	wrdreg s24  }
0xa: {  	s20 =	sadd.s32 $0x2C41000, s1;
	s21 =	sadd.s32 $0x2CA2A80, s1;
	[dreg:$0x8] =	wrdreg s26  }
0xb: {  	s22 =	sadd.s32 $0x2D04500, s1;
	s28 =	sadd.s32 $0x2EEC980, s1;
	[dreg:$0xa] =	wrdreg s7  }
0xc: {  	s29 =	sadd.s32 $0x2F4E400, s1;
	s30 =	sadd.s32 $0x2FAFE80, s1;
	[dreg:$0xb] =	wrdreg s8  }
0xd: {  	s31 =	sadd.s32 $0x3011900, s1;
	s4 =	sor.u32 s0, s4;
	[dreg:$0xc] =	wrdreg s9  }
0xe: {  	s0 =	ssub.s32 $0x2, s0;
	s5 =	smul.u32 $0x1A0, s4;
	[dreg:$0xd] =	wrdreg s10  }
0xf: {  	s6 =	sadd.s32 $0x2870700, s1;
	s11 =	sshll.u32 s4, $0x8;
	[dreg:$0xe] =	wrdreg s12  }
0x10: {  	s23 =	sadd.s32 $0x2D65F80, s1;
	s24 =	sadd.s32 $0x2DC7A00, s1;
	s13 =	sshrl.u32 s0, $0x1  }
0x11: {  	s26 =	sadd.s32 $0x2E8AF00, s1;
	s14 =	sshll.u32 s4, $0x4;
	s4 =	simm.s32 $0x2  }
0x12: {  	s8 =	simm.s32 $0xFF30;
	s9 =	simm.s32 $0x0;
	[dreg:$0x9] =	wrdreg s6  }
0x13: {  	s7 =	ssub.s32 s0, s13;
	s0 =	sadd.s32 s3, s14;
	s6 =	sadd.s32 $0x3136880, s1  }
0x14: {  	v0 =	vimm.s32 $0x13121110;
	s3 =	simm.s32 $0x1;
	s5 =	sadd.s32 s5, s1;
	[dreg:$0x10] =	wrdreg s0  }
0x15: {  	v1 =	vimm.s32 $0x17161514;
	v0 =	vunpack.c.0.s8.s32 v0;
	s0 =	sadd.s32 $0x3073380, s1;
	s18 =	smax.u32 s7, $0x1;
	s7 =	simm.s32 $0xEA00  }
0x16: {  	vm0 =	vcmask $0xF00;
	v1 =	vunpack.c.0.s8.s32 v1;
	s25 =	sadd.s32 $0x55800, s5;
	s5 =	sadd.s32 $0x52400, s5;
	[dreg:$0x11] =	wrdreg s18  }
0x17: {  	vm14 =	vcmask $0x1F10;
	v0 =	vnsel vm0, $0x19, v0;
	s18 =	simm.s32 $0x3;
	[dreg:$0x7] =	wrdreg s5;
	s5 =	sadd.s32 s11, s1  }
0x18: {  	vm15 =	vcmask $0x2320;
	v1 =	vsel vm14, v1, v0;
	[dreg:$0x6] =	wrdreg s25;
	s25 =	sadd.s32 $0x2E29480, s1;
	s5 =	sadd.s32 $0x50400, s5  }
0x19: {  	v0 =	vlaneseq.u32;
	v1 =	vsel vm15, $0x18, v1;
	[dreg:$0xf] =	wrdreg s5;
	s5 =	sadd.s32 $0x30D4E00, s1;
	s1 =	simm.s32 $0x40  }
.LBB2_1:
0x1a: {  	s10 =	rddreg [dreg:$0x6]  }
0x1b: {  	[tilespmem:s2], [sflag:$0x3] =	stream.linear.gather [hbm4b:s10+s2], $0xD00, $0x38;
	[tilespmem:$0x107B0] =	vst v63  }
0x1c: {  	_ =	swait.ge [sflag:s18], $0xD00  }
0x1d: {  	[sflag:s18] =	ssyncset.done $0x0  }
0x1e: {  	s12 =	simm.s32 $0xD00;
	s13 =	rddreg [dreg:$0x7];
	[sflag:s18] =	ssyncadd.s32 $0xFFFFF300  }
0x1f: {  	[tilespmem:s12], [sflag:$0x3] =	stream.linear.gather [hbm4b:s13+s2], $0xD00, $0x38;
	[tilespmem:$0x107B0] =	vst v63  }
0x20: {  	_ =	swait.ge [sflag:s18], $0xD00  }
0x21: {  	[sflag:s18] =	ssyncset.done $0x0  }
0x22: {  	s10 =	simm.s32 $0xF700;
	s11 =	rddreg [dreg:$0xf];
	[sflag:s18] =	ssyncadd.s32 $0xFFFFF300  }
0x23: {  	[tilespmem:s10], [sflag:$0x3] =	stream.linear.gather [hbm4b:s11+s2], $0x800, $0x38;
	[tilespmem:$0x107B0] =	vst v63  }
0x24: {  	_ =	swait.ge [sflag:s18], $0x800  }
0x25: {  	[sflag:s18] =	ssyncset.done $0x0  }
0x26: {  	s13 =	simm.s32 $0xFF00;
	s14 =	rddreg [dreg:$0x5];
	[sflag:s18] =	ssyncadd.s32 $0xFFFFF800  }
0x27: {  	[tilespmem:s13], [sflag:$0x3] =	stream.linear.gather [hbm4b:s14+s2], $0x30, $0x38;
	[tilespmem:$0x107B0] =	vst v63  }
0x28: {  	_ =	swait.ge [sflag:s18], $0x30  }
0x29: {  	[sflag:s18] =	ssyncset.done $0x0  }
0x2a: {  	s13 =	simm.s32 $0x680;
	s11 =	rddreg [dreg:$0x3];
	[sflag:s18] =	ssyncadd.s32 $0xFFFFFFD0  }
0x2b: {  	[tilespmem:s7], [sflag:$0x2] =	stream.indirect.gather [hbm4b:s11+s13], $0x1, s12, s13, $0xb8;
	[tilespmem:$0x107B0] =	vst v63  }
0x2c: {  	s14 =	simm.s32 $0xF080;
	s12 =	simm.s32 $0x1380  }
0x2d: {  	[tilespmem:s14], [sflag:$0x2] =	stream.indirect.gather [hbm4b:s11+s13], $0x1, s12, s13, $0xb8;
	[tilespmem:$0x107B0] =	vst v63  }
0x2e: {  	s12 =	rddreg [dreg:$0x4];
	s14 =	simm.s32 $0x1A00  }
0x2f: {  	[tilespmem:s14], [sflag:$0x1] =	stream.indirect.gather [hbm4b:s12+s1], $0x20, s2, s1, $0xb8;
	[tilespmem:$0x107B0] =	vst v63  }
0x30: {  	s11 =	rddreg [dreg:$0x8];
	s12 =	simm.s32 $0x80;
	s14 =	simm.s32 $0x2200  }
0x31: {  	[tilespmem:s14], [sflag:$0x1] =	stream.indirect.gather [hbm4b:s11+s1], $0x20, s12, s1, $0xb8;
	[tilespmem:$0x107B0] =	vst v63  }
0x32: {  	s11 =	rddreg [dreg:$0x9];
	s12 =	simm.s32 $0x100;
	s14 =	simm.s32 $0x2A00  }
0x33: {  	[tilespmem:s14], [sflag:$0x1] =	stream.indirect.gather [hbm4b:s11+s1], $0x20, s12, s1, $0xb8;
	[tilespmem:$0x107B0] =	vst v63  }
0x34: {  	s11 =	rddreg [dreg:$0xa];
	s12 =	simm.s32 $0x180;
	s14 =	simm.s32 $0x3200  }
0x35: {  	[tilespmem:s14], [sflag:$0x1] =	stream.indirect.gather [hbm4b:s11+s1], $0x20, s12, s1, $0xb8;
	[tilespmem:$0x107B0] =	vst v63  }
0x36: {  	s11 =	rddreg [dreg:$0xb];
	s12 =	simm.s32 $0x200;
	s14 =	simm.s32 $0x3A00  }
0x37: {  	[tilespmem:s14], [sflag:$0x1] =	stream.indirect.gather [hbm4b:s11+s1], $0x20, s12, s1, $0xb8;
	[tilespmem:$0x107B0] =	vst v63  }
0x38: {  	s11 =	rddreg [dreg:$0xc];
	s12 =	simm.s32 $0x280;
	s14 =	simm.s32 $0x4200  }
0x39: {  	[tilespmem:s14], [sflag:$0x1] =	stream.indirect.gather [hbm4b:s11+s1], $0x20, s12, s1, $0xb8;
	[tilespmem:$0x107B0] =	vst v63  }
0x3a: {  	s11 =	rddreg [dreg:$0xd];
	s12 =	simm.s32 $0x300;
	s14 =	simm.s32 $0x4A00  }
0x3b: {  	[tilespmem:s14], [sflag:$0x1] =	stream.indirect.gather [hbm4b:s11+s1], $0x20, s12, s1, $0xb8;
	[tilespmem:$0x107B0] =	vst v63  }
0x3c: {  	s11 =	rddreg [dreg:$0xe];
	s12 =	simm.s32 $0x380;
	s14 =	simm.s32 $0x5200  }
0x3d: {  	[tilespmem:s14], [sflag:$0x1] =	stream.indirect.gather [hbm4b:s11+s1], $0x20, s12, s1, $0xb8;
	[tilespmem:$0x107B0] =	vst v63  }
0x3e: {  	s12 =	simm.s32 $0x400;
	s14 =	simm.s32 $0x5A00  }
0x3f: {  	[tilespmem:s14], [sflag:$0x1] =	stream.indirect.gather [hbm4b:s15+s1], $0x20, s12, s1, $0xb8;
	[tilespmem:$0x107B0] =	vst v63  }
0x40: {  	s12 =	simm.s32 $0x480;
	s14 =	simm.s32 $0x6200  }
0x41: {  	[tilespmem:s14], [sflag:$0x1] =	stream.indirect.gather [hbm4b:s16+s1], $0x20, s12, s1, $0xb8;
	[tilespmem:$0x107B0] =	vst v63  }
0x42: {  	s12 =	simm.s32 $0x500;
	s14 =	simm.s32 $0x6A00  }
0x43: {  	[tilespmem:s14], [sflag:$0x1] =	stream.indirect.gather [hbm4b:s17+s1], $0x20, s12, s1, $0xb8;
	[tilespmem:$0x107B0] =	vst v63  }
0x44: {  	s12 =	simm.s32 $0x580;
	s14 =	simm.s32 $0x7200  }
0x45: {  	[tilespmem:s14], [sflag:$0x1] =	stream.indirect.gather [hbm4b:s19+s1], $0x20, s12, s1, $0xb8;
	[tilespmem:$0x107B0] =	vst v63  }
0x46: {  	s12 =	simm.s32 $0x600;
	s14 =	simm.s32 $0x7A00  }
0x47: {  	[tilespmem:s14], [sflag:$0x1] =	stream.indirect.gather [hbm4b:s20+s1], $0x20, s12, s1, $0xb8;
	[tilespmem:$0x107B0] =	vst v63  }
0x48: {  	s12 =	simm.s32 $0x8200  }
0x49: {  	[tilespmem:s12], [sflag:$0x1] =	stream.indirect.gather [hbm4b:s21+s1], $0x20, s13, s1, $0xb8;
	[tilespmem:$0x107B0] =	vst v63  }
0x4a: {  	s14 =	simm.s32 $0x8A00;
	s13 =	simm.s32 $0x700  }
0x4b: {  	[tilespmem:s14], [sflag:$0x1] =	stream.indirect.gather [hbm4b:s22+s1], $0x20, s13, s1, $0xb8;
	[tilespmem:$0x107B0] =	vst v63  }
0x4c: {  	s13 =	simm.s32 $0x780;
	s14 =	simm.s32 $0x9200  }
0x4d: {  	[tilespmem:s14], [sflag:$0x1] =	stream.indirect.gather [hbm4b:s23+s1], $0x20, s13, s1, $0xb8;
	[tilespmem:$0x107B0] =	vst v63  }
0x4e: {  	s13 =	simm.s32 $0x800;
	s14 =	simm.s32 $0x9A00  }
0x4f: {  	[tilespmem:s14], [sflag:$0x1] =	stream.indirect.gather [hbm4b:s24+s1], $0x20, s13, s1, $0xb8;
	[tilespmem:$0x107B0] =	vst v63  }
0x50: {  	s13 =	simm.s32 $0x880;
	s14 =	simm.s32 $0xA200  }
0x51: {  	[tilespmem:s14], [sflag:$0x1] =	stream.indirect.gather [hbm4b:s25+s1], $0x20, s13, s1, $0xb8;
	[tilespmem:$0x107B0] =	vst v63  }
0x52: {  	s13 =	simm.s32 $0x900;
	s14 =	simm.s32 $0xAA00  }
0x53: {  	[tilespmem:s14], [sflag:$0x1] =	stream.indirect.gather [hbm4b:s26+s1], $0x20, s13, s1, $0xb8;
	[tilespmem:$0x107B0] =	vst v63  }
0x54: {  	s13 =	simm.s32 $0x980;
	s14 =	simm.s32 $0xB200  }
0x55: {  	[tilespmem:s14], [sflag:$0x1] =	stream.indirect.gather [hbm4b:s28+s1], $0x20, s13, s1, $0xb8;
	[tilespmem:$0x107B0] =	vst v63  }
0x56: {  	s13 =	simm.s32 $0xA00;
	s14 =	simm.s32 $0xBA00  }
0x57: {  	[tilespmem:s14], [sflag:$0x1] =	stream.indirect.gather [hbm4b:s29+s1], $0x20, s13, s1, $0xb8;
	[tilespmem:$0x107B0] =	vst v63  }
0x58: {  	s13 =	simm.s32 $0xA80;
	s14 =	simm.s32 $0xC200  }
0x59: {  	[tilespmem:s14], [sflag:$0x1] =	stream.indirect.gather [hbm4b:s30+s1], $0x20, s13, s1, $0xb8;
	[tilespmem:$0x107B0] =	vst v63  }
0x5a: {  	s13 =	simm.s32 $0xB00;
	s14 =	simm.s32 $0xCA00  }
0x5b: {  	[tilespmem:s14], [sflag:$0x1] =	stream.indirect.gather [hbm4b:s31+s1], $0x20, s13, s1, $0xb8;
	[tilespmem:$0x107B0] =	vst v63  }
0x5c: {  	s13 =	simm.s32 $0xB80;
	s14 =	simm.s32 $0xD200  }
0x5d: {  	[tilespmem:s14], [sflag:$0x1] =	stream.indirect.gather [hbm4b:s0+s1], $0x20, s13, s1, $0xb8;
	[tilespmem:$0x107B0] =	vst v63  }
0x5e: {  	s13 =	simm.s32 $0xC00;
	s14 =	simm.s32 $0xDA00  }
0x5f: {  	[tilespmem:s14], [sflag:$0x1] =	stream.indirect.gather [hbm4b:s5+s1], $0x20, s13, s1, $0xb8;
	[tilespmem:$0x107B0] =	vst v63  }
0x60: {  	s12 =	simm.s32 $0xC80;
	s13 =	simm.s32 $0xE200  }
0x61: {  	[tilespmem:s13], [sflag:$0x1] =	stream.indirect.gather [hbm4b:s6+s1], $0x20, s12, s1, $0xb8;
	[tilespmem:$0x107B0] =	vst v63  }
0x62: {  	v3 =	vld [tilespmem:$0xFF00]  }
0x63: {  	v4 =	vld [tilespmem:$0xFF10]  }
0x64: {  	v2 =	vld [tilespmem:$0xFF20];
	_ =	swait.ge [sflag:s3], $0x800  }
0x65: {  	[sflag:s3] =	ssyncset.done $0x0  }
0x66: {  	[sflag:s3] =	ssyncadd.s32 $0xFFFFF800  }
0x67: {  	_ =	swait.ge [sflag:s3], $0x800  }
0x68: {  	[sflag:s3] =	ssyncset.done $0x0  }
0x69: {  	[sflag:s3] =	ssyncadd.s32 $0xFFFFF800  }
0x6a: {  	_ =	swait.ge [sflag:s3], $0x800  }
0x6b: {  	[sflag:s3] =	ssyncset.done $0x0  }
0x6c: {  	[sflag:s3] =	ssyncadd.s32 $0xFFFFF800  }
0x6d: {  	_ =	swait.ge [sflag:s3], $0x800  }
0x6e: {  	[sflag:s3] =	ssyncset.done $0x0  }
0x6f: {  	[sflag:s3] =	ssyncadd.s32 $0xFFFFF800  }
0x70: {  	_ =	swait.ge [sflag:s3], $0x800  }
0x71: {  	[sflag:s3] =	ssyncset.done $0x0  }
0x72: {  	[sflag:s3] =	ssyncadd.s32 $0xFFFFF800  }
0x73: {  	_ =	swait.ge [sflag:s3], $0x800  }
0x74: {  	[sflag:s3] =	ssyncset.done $0x0  }
0x75: {  	[sflag:s3] =	ssyncadd.s32 $0xFFFFF800  }
0x76: {  	_ =	swait.ge [sflag:s3], $0x800  }
0x77: {  	[sflag:s3] =	ssyncset.done $0x0  }
0x78: {  	[sflag:s3] =	ssyncadd.s32 $0xFFFFF800  }
0x79: {  	_ =	swait.ge [sflag:s3], $0x800  }
0x7a: {  	[sflag:s3] =	ssyncset.done $0x0  }
0x7b: {  	[sflag:s3] =	ssyncadd.s32 $0xFFFFF800  }
0x7c: {  	_ =	swait.ge [sflag:s3], $0x800  }
0x7d: {  	[sflag:s3] =	ssyncset.done $0x0  }
0x7e: {  	[sflag:s3] =	ssyncadd.s32 $0xFFFFF800  }
0x7f: {  	_ =	swait.ge [sflag:s3], $0x800  }
0x80: {  	[sflag:s3] =	ssyncset.done $0x0  }
0x81: {  	[sflag:s3] =	ssyncadd.s32 $0xFFFFF800  }
0x82: {  	_ =	swait.ge [sflag:s3], $0x800  }
0x83: {  	[sflag:s3] =	ssyncset.done $0x0  }
0x84: {  	[sflag:s3] =	ssyncadd.s32 $0xFFFFF800  }
0x85: {  	_ =	swait.ge [sflag:s3], $0x800  }
0x86: {  	[sflag:s3] =	ssyncset.done $0x0  }
0x87: {  	[sflag:s3] =	ssyncadd.s32 $0xFFFFF800  }
0x88: {  	_ =	swait.ge [sflag:s3], $0x800  }
0x89: {  	[sflag:s3] =	ssyncset.done $0x0  }
0x8a: {  	[sflag:s3] =	ssyncadd.s32 $0xFFFFF800  }
0x8b: {  	_ =	swait.ge [sflag:s3], $0x800  }
0x8c: {  	[sflag:s3] =	ssyncset.done $0x0  }
0x8d: {  	[sflag:s3] =	ssyncadd.s32 $0xFFFFF800  }
0x8e: {  	_ =	swait.ge [sflag:s3], $0x800  }
0x8f: {  	[sflag:s3] =	ssyncset.done $0x0  }
0x90: {  	[sflag:s3] =	ssyncadd.s32 $0xFFFFF800  }
0x91: {  	_ =	swait.ge [sflag:s3], $0x800  }
0x92: {  	[sflag:s3] =	ssyncset.done $0x0  }
0x93: {  	[sflag:s3] =	ssyncadd.s32 $0xFFFFF800  }
0x94: {  	_ =	swait.ge [sflag:s3], $0x800  }
0x95: {  	[sflag:s3] =	ssyncset.done $0x0  }
0x96: {  	[sflag:s3] =	ssyncadd.s32 $0xFFFFF800  }
0x97: {  	_ =	swait.ge [sflag:s3], $0x800  }
0x98: {  	[sflag:s3] =	ssyncset.done $0x0  }
0x99: {  	[sflag:s3] =	ssyncadd.s32 $0xFFFFF800  }
0x9a: {  	_ =	swait.ge [sflag:s3], $0x800  }
0x9b: {  	[sflag:s3] =	ssyncset.done $0x0  }
0x9c: {  	[sflag:s3] =	ssyncadd.s32 $0xFFFFF800  }
0x9d: {  	_ =	swait.ge [sflag:s3], $0x800  }
0x9e: {  	[sflag:s3] =	ssyncset.done $0x0  }
0x9f: {  	[sflag:s3] =	ssyncadd.s32 $0xFFFFF800  }
0xa0: {  	_ =	swait.ge [sflag:s3], $0x800  }
0xa1: {  	[sflag:s3] =	ssyncset.done $0x0  }
0xa2: {  	[sflag:s3] =	ssyncadd.s32 $0xFFFFF800  }
0xa3: {  	_ =	swait.ge [sflag:s3], $0x800  }
0xa4: {  	[sflag:s3] =	ssyncset.done $0x0  }
0xa5: {  	[sflag:s3] =	ssyncadd.s32 $0xFFFFF800  }
0xa6: {  	_ =	swait.ge [sflag:s3], $0x800  }
0xa7: {  	[sflag:s3] =	ssyncset.done $0x0  }
0xa8: {  	[sflag:s3] =	ssyncadd.s32 $0xFFFFF800  }
0xa9: {  	_ =	swait.ge [sflag:s3], $0x800  }
0xaa: {  	[sflag:s3] =	ssyncset.done $0x0  }
0xab: {  	[sflag:s3] =	ssyncadd.s32 $0xFFFFF800  }
0xac: {  	_ =	swait.ge [sflag:s3], $0x800  }
0xad: {  	[sflag:s3] =	ssyncset.done $0x0  }
0xae: {  	[sflag:s3] =	ssyncadd.s32 $0xFFFFF800  }
0xaf: {  	_ =	swait.ge [sflag:s3], $0x800  }
0xb0: {  	[sflag:s3] =	ssyncset.done $0x0  }
0xb1: {  	[sflag:s3] =	ssyncadd.s32 $0xFFFFF800  }
0xb2: {  	_ =	swait.ge [sflag:s4], $0x680  }
0xb3: {  	[sflag:s4] =	ssyncset.done $0x0  }
0xb4: {  	[sflag:s4] =	ssyncadd.s32 $0xFFFFF980  }
0xb5: {  	_ =	swait.ge [sflag:s4], $0x680  }
0xb6: {  	[sflag:s4] =	ssyncset.done $0x0  }
0xb7: {  	s14 =	simm.s32 $0x0;
	[sflag:s4] =	ssyncadd.s32 $0xFFFFF980  }
0xb8: {  	v7 =	vld [tilespmem:s14+$0x1A10]  }
0xb9: {  	v8 =	vld [tilespmem:s14+$0x2210]  }
0xba: {  	v9 =	vld [tilespmem:s14+$0x1A00]  }
0xbb: {  	v10 =	vld [tilespmem:s14+$0x2200]  }
0xbc: {  	v11 =	vld [tilespmem:s14+$0x2A10]  }
0xbd: {  	v12 =	vld [tilespmem:s14+$0x2A00]  }
0xbe: {  	v13 =	vld [tilespmem:s14+$0x3210]  }
0xbf: {  	v14 =	vld [tilespmem:s14+$0x3200];
	v5 =	vadd.f32 v8, v7  }
0xc0: {  	v16 =	vld [tilespmem:s14+$0x3A10];
	v15 =	vadd.f32 v10, v9;
	v9 =	vmul.f32 v9, v9;
	v10 =	vmul.f32 v10, v10  }
0xc1: {  	v18 =	vld [tilespmem:s14+$0x3A00];
	v7 =	vmul.f32 v7, v7;
	v8 =	vmul.f32 v8, v8;
	v17 =	vadd.f32 v11, v5  }
0xc2: {  	v19 =	vld [tilespmem:s14+$0x4210];
	v15 =	vadd.f32 v12, v15;
	v9 =	vadd.f32 v10, v9;
	v10 =	vmul.f32 v12, v12  }
0xc3: {  	v20 =	vld [tilespmem:s14+$0x4200];
	v7 =	vadd.f32 v8, v7;
	v8 =	vmul.f32 v11, v11;
	v17 =	vadd.f32 v13, v17  }
0xc4: {  	v63 =	vld [tilespmem:s14+$0x4A10];
	v62 =	vadd.f32 v14, v15;
	v9 =	vadd.f32 v10, v9;
	v10 =	vmul.f32 v14, v14  }
0xc5: {  	v24 =	vld [tilespmem:s14+$0x4A00];
	v7 =	vadd.f32 v8, v7;
	v8 =	vmul.f32 v13, v13;
	v11 =	vadd.f32 v16, v17  }
0xc6: {  	v25 =	vld [tilespmem:s14+$0x5210];
	v12 =	vadd.f32 v18, v62;
	v9 =	vadd.f32 v10, v9;
	v10 =	vmul.f32 v18, v18  }
0xc7: {  	v26 =	vld [tilespmem:s14+$0x5200];
	v7 =	vadd.f32 v8, v7;
	v8 =	vmul.f32 v16, v16;
	v11 =	vadd.f32 v19, v11  }
0xc8: {  	v27 =	vld [tilespmem:s14+$0x5A10];
	v12 =	vadd.f32 v20, v12;
	v9 =	vadd.f32 v10, v9;
	v10 =	vmul.f32 v20, v20  }
0xc9: {  	v28 =	vld [tilespmem:s14+$0x5A00];
	v7 =	vadd.f32 v8, v7;
	v8 =	vmul.f32 v19, v19;
	v11 =	vadd.f32 v63, v11  }
0xca: {  	v29 =	vld [tilespmem:s14+$0x6210];
	v12 =	vadd.f32 v24, v12;
	v9 =	vadd.f32 v10, v9;
	v10 =	vmul.f32 v24, v24  }
0xcb: {  	v30 =	vld [tilespmem:s14+$0x6200];
	v7 =	vadd.f32 v8, v7;
	v8 =	vmul.f32 v63, v63;
	v11 =	vadd.f32 v25, v11  }
0xcc: {  	v31 =	vld [tilespmem:s14+$0x6A10];
	v12 =	vadd.f32 v26, v12;
	v9 =	vadd.f32 v10, v9;
	v10 =	vmul.f32 v26, v26  }
0xcd: {  	v32 =	vld [tilespmem:s14+$0x6A00];
	v7 =	vadd.f32 v8, v7;
	v8 =	vmul.f32 v25, v25;
	v11 =	vadd.f32 v27, v11  }
0xce: {  	v33 =	vld [tilespmem:s14+$0x7210];
	v12 =	vadd.f32 v28, v12;
	v9 =	vadd.f32 v10, v9;
	v10 =	vmul.f32 v28, v28  }
0xcf: {  	v34 =	vld [tilespmem:s14+$0x7200];
	v7 =	vadd.f32 v8, v7;
	v8 =	vmul.f32 v27, v27;
	v11 =	vadd.f32 v29, v11  }
0xd0: {  	v35 =	vld [tilespmem:s14+$0x7A10];
	v12 =	vadd.f32 v30, v12;
	v9 =	vadd.f32 v10, v9;
	v10 =	vmul.f32 v30, v30  }
0xd1: {  	v36 =	vld [tilespmem:s14+$0x7A00];
	v7 =	vadd.f32 v8, v7;
	v8 =	vmul.f32 v29, v29;
	v11 =	vadd.f32 v31, v11  }
0xd2: {  	v37 =	vld [tilespmem:s14+$0x8210];
	v12 =	vadd.f32 v32, v12;
	v9 =	vadd.f32 v10, v9;
	v10 =	vmul.f32 v32, v32  }
0xd3: {  	v38 =	vld [tilespmem:s14+$0x8200];
	v7 =	vadd.f32 v8, v7;
	v8 =	vmul.f32 v31, v31;
	v11 =	vadd.f32 v33, v11  }
0xd4: {  	v39 =	vld [tilespmem:s14+$0x8A10];
	v12 =	vadd.f32 v34, v12;
	v9 =	vadd.f32 v10, v9;
	v10 =	vmul.f32 v34, v34  }
0xd5: {  	v40 =	vld [tilespmem:s14+$0x8A00];
	v7 =	vadd.f32 v8, v7;
	v8 =	vmul.f32 v33, v33;
	v11 =	vadd.f32 v35, v11  }
0xd6: {  	v41 =	vld [tilespmem:s14+$0x9210];
	v12 =	vadd.f32 v36, v12;
	v9 =	vadd.f32 v10, v9;
	v10 =	vmul.f32 v36, v36  }
0xd7: {  	v42 =	vld [tilespmem:s14+$0x9200];
	v7 =	vadd.f32 v8, v7;
	v8 =	vmul.f32 v35, v35;
	v11 =	vadd.f32 v37, v11  }
0xd8: {  	v43 =	vld [tilespmem:s14+$0x9A10];
	v12 =	vadd.f32 v38, v12;
	v9 =	vadd.f32 v10, v9;
	v10 =	vmul.f32 v38, v38  }
0xd9: {  	v44 =	vld [tilespmem:s14+$0x9A00];
	v7 =	vadd.f32 v8, v7;
	v8 =	vmul.f32 v37, v37;
	v11 =	vadd.f32 v39, v11  }
0xda: {  	v45 =	vld [tilespmem:s14+$0xA210];
	v12 =	vadd.f32 v40, v12;
	v9 =	vadd.f32 v10, v9;
	v10 =	vmul.f32 v40, v40  }
0xdb: {  	v46 =	vld [tilespmem:s14+$0xA200];
	v7 =	vadd.f32 v8, v7;
	v8 =	vmul.f32 v39, v39;
	v11 =	vadd.f32 v41, v11  }
0xdc: {  	v47 =	vld [tilespmem:s14+$0xAA10];
	v12 =	vadd.f32 v42, v12;
	v9 =	vadd.f32 v10, v9;
	v10 =	vmul.f32 v42, v42  }
0xdd: {  	v48 =	vld [tilespmem:s14+$0xAA00];
	v7 =	vadd.f32 v8, v7;
	v8 =	vmul.f32 v41, v41;
	v11 =	vadd.f32 v43, v11  }
0xde: {  	v49 =	vld [tilespmem:s14+$0xB210];
	v12 =	vadd.f32 v44, v12;
	v9 =	vadd.f32 v10, v9;
	v10 =	vmul.f32 v44, v44  }
0xdf: {  	v50 =	vld [tilespmem:s14+$0xB200];
	v7 =	vadd.f32 v8, v7;
	v8 =	vmul.f32 v43, v43;
	v11 =	vadd.f32 v45, v11  }
0xe0: {  	v51 =	vld [tilespmem:s14+$0xBA10];
	v12 =	vadd.f32 v46, v12;
	v9 =	vadd.f32 v10, v9;
	v10 =	vmul.f32 v46, v46  }
0xe1: {  	v52 =	vld [tilespmem:s14+$0xBA00];
	v7 =	vadd.f32 v8, v7;
	v8 =	vmul.f32 v45, v45;
	v11 =	vadd.f32 v47, v11  }
0xe2: {  	v53 =	vld [tilespmem:s14+$0xC210];
	v12 =	vadd.f32 v48, v12;
	v9 =	vadd.f32 v10, v9;
	v10 =	vmul.f32 v48, v48  }
0xe3: {  	v54 =	vld [tilespmem:s14+$0xC200];
	v7 =	vadd.f32 v8, v7;
	v8 =	vmul.f32 v47, v47;
	v11 =	vadd.f32 v49, v11  }
0xe4: {  	v55 =	vld [tilespmem:s14+$0xCA10];
	v12 =	vadd.f32 v50, v12;
	v9 =	vadd.f32 v10, v9;
	v10 =	vmul.f32 v50, v50  }
0xe5: {  	v56 =	vld [tilespmem:s14+$0xCA00];
	v7 =	vadd.f32 v8, v7;
	v8 =	vmul.f32 v49, v49;
	v11 =	vadd.f32 v51, v11  }
0xe6: {  	v57 =	vld [tilespmem:s14+$0xD210];
	v12 =	vadd.f32 v52, v12;
	v9 =	vadd.f32 v10, v9;
	v10 =	vmul.f32 v52, v52  }
0xe7: {  	v58 =	vld [tilespmem:s14+$0xD200];
	v7 =	vadd.f32 v8, v7;
	v8 =	vmul.f32 v51, v51;
	v11 =	vadd.f32 v53, v11  }
0xe8: {  	v59 =	vld [tilespmem:s14+$0xDA10];
	v12 =	vadd.f32 v54, v12;
	v9 =	vadd.f32 v10, v9  }
0xe9: {  	v60 =	vld [tilespmem:s14+$0xDA00];
	v10 =	vmul.f32 v54, v54;
	v7 =	vadd.f32 v8, v7;
	v8 =	vmul.f32 v53, v53  }
0xea: {  	v61 =	vld [tilespmem:s14+$0xE210];
	v11 =	vadd.f32 v55, v11;
	v12 =	vadd.f32 v56, v12  }
0xeb: {  	v62 =	vld [tilespmem:s14+$0xE200];
	v9 =	vadd.f32 v10, v9;
	v10 =	vmul.f32 v56, v56;
	v7 =	vadd.f32 v8, v7  }
0xec: {  	v6 =	vadd.s32 s2, v1;
	v11 =	vadd.f32 v57, v11;
	v12 =	vadd.f32 v58, v12  }
0xed: {  	v8 =	vmul.f32 v55, v55;
	v9 =	vadd.f32 v10, v9;
	v10 =	vmul.f32 v58, v58  }
0xee: {  	v5 =	vadd.s32 s2, v0;
	v11 =	vadd.f32 v59, v11;
	v12 =	vadd.f32 v60, v12  }
0xef: {  	v7 =	vadd.f32 v8, v7;
	v8 =	vmul.f32 v57, v57;
	v9 =	vadd.f32 v10, v9  }
0xf0: {  	v10 =	vmul.f32 v60, v60;
	v11 =	vadd.f32 v61, v11;
	v12 =	vadd.f32 v62, v12  }
0xf1: {  	v63 =	vmul.f32 v62, v62;
	v7 =	vadd.f32 v8, v7;
	v8 =	vmul.f32 v59, v59  }
0xf2: {  	v9 =	vadd.f32 v10, v9;
	v10 =	vmul.f32 v12, v12;
	v11 =	vmul.f32 v11, v11  }
0xf3: {  	v7 =	vadd.f32 v8, v7  }
0xf4: {  	v8 =	vadd.f32 v63, v9;
	v9 =	vmul.f32 v61, v61;
	v10 =	vadd.f32 v11, v10;
	_ =	sdelay $0x1  }
0xf5: {  	v6 =	vld.idx.msk [tilespmem:v6+s7+$0x0], $0xffff;
	v7 =	vadd.f32 v9, v7;
	v8 =	vsub.f32 v10, v8  }
0xf6: {  	v5 =	vld.idx.msk [tilespmem:v5+s7+$0x0], $0xffff  }
0xf7: {  	v7 =	vsub.f32 v8, v7  }
0xf8: {  	v8 =	vld [tilespmem:s10+$0x0]  }
0xf9: {  	v7 =	vmul.f32 $5.000000000e-01, v7;
	_ =	sdelay $0x1  }
0xfa: {  	v6 =	vmul.f32 v6, v4;
	v5 =	vadd.f32 v7, v5;
	_ =	sdelay $0x1  }
0xfb: {  	v5 =	vadd.f32 v5, v6;
	v6 =	vmul.f32 v8, v3;
	_ =	sdelay $0x1  }
0xfc: {  	v5 =	vadd.f32 v5, v6;
	_ =	sdelay $0x1  }
0xfd: {  	v5 =	vadd.f32 v5, v2;
	_ =	sdelay $0x1  }
0xfe: {  	s12 =	simm.s32 $0x20;
	[tilespmem:s8+$0x0] =	vst v5  }
0xff: {  	v7 =	vld [tilespmem:s12+$0x1A10]  }
0x100: {  	v8 =	vld [tilespmem:s12+$0x2210]  }
0x101: {  	s11 =	simm.s32 $0xFF30;
	s13 =	simm.s32 $0x0;
	s14 =	simm.s32 $0x100;
	v9 =	vld [tilespmem:s12+$0x1A00]  }
.LBB2_2:
0x102: {  	p0 =	sne.s32 s14, $0x1F80;
	v10 =	vld [tilespmem:s12+$0x2200]  }
0x103: {  	v11 =	vld [tilespmem:s12+$0x2A10]  }
0x104: {  	v12 =	vld [tilespmem:s12+$0x2A00]  }
0x105: {  	v13 =	vld [tilespmem:s12+$0x3210]  }
0x106: {  	v5 =	vadd.f32 v8, v7;
	v14 =	vld [tilespmem:s12+$0x3200]  }
0x107: {  	s13 =	sadd.s32 $0x1A, s13;
	v15 =	vadd.f32 v10, v9;
	v16 =	vld [tilespmem:s12+$0x3A10]  }
0x108: {  	v6 =	vadd.s32 s13, v1;
	v17 =	vadd.f32 v11, v5;
	v18 =	vld [tilespmem:s12+$0x3A00];
	v5 =	vadd.s32 s13, v0  }
0x109: {  	v9 =	vmul.f32 v9, v9;
	v10 =	vmul.f32 v10, v10;
	v15 =	vadd.f32 v12, v15;
	v19 =	vld [tilespmem:s12+$0x4210]  }
0x10a: {  	v7 =	vmul.f32 v7, v7;
	v8 =	vmul.f32 v8, v8;
	v17 =	vadd.f32 v13, v17;
	v20 =	vld [tilespmem:s12+$0x4200]  }
0x10b: {  	v9 =	vadd.f32 v10, v9;
	v10 =	vmul.f32 v12, v12;
	v12 =	vadd.f32 v14, v15;
	v15 =	vld [tilespmem:s12+$0x4A10]  }
0x10c: {  	v7 =	vadd.f32 v8, v7;
	v8 =	vmul.f32 v11, v11;
	v11 =	vadd.f32 v16, v17;
	v17 =	vld [tilespmem:s12+$0x4A00]  }
0x10d: {  	v9 =	vadd.f32 v10, v9;
	v10 =	vmul.f32 v14, v14;
	v12 =	vadd.f32 v18, v12;
	v14 =	vld [tilespmem:s12+$0x5210]  }
0x10e: {  	v7 =	vadd.f32 v8, v7;
	v8 =	vmul.f32 v13, v13;
	v11 =	vadd.f32 v19, v11;
	v13 =	vld [tilespmem:s12+$0x5200]  }
0x10f: {  	v9 =	vadd.f32 v10, v9;
	v10 =	vmul.f32 v18, v18;
	v12 =	vadd.f32 v20, v12;
	v18 =	vld [tilespmem:s12+$0x5A10]  }
0x110: {  	v7 =	vadd.f32 v8, v7;
	v8 =	vmul.f32 v16, v16;
	v11 =	vadd.f32 v15, v11;
	v16 =	vld [tilespmem:s12+$0x5A00]  }
0x111: {  	v9 =	vadd.f32 v10, v9;
	v10 =	vmul.f32 v20, v20;
	v12 =	vadd.f32 v17, v12;
	v20 =	vld [tilespmem:s12+$0x6210]  }
0x112: {  	v7 =	vadd.f32 v8, v7;
	v8 =	vmul.f32 v19, v19;
	v11 =	vadd.f32 v14, v11;
	v19 =	vld [tilespmem:s12+$0x6200]  }
0x113: {  	v9 =	vadd.f32 v10, v9;
	v10 =	vmul.f32 v17, v17;
	v12 =	vadd.f32 v13, v12;
	v17 =	vld [tilespmem:s12+$0x6A10]  }
0x114: {  	v7 =	vadd.f32 v8, v7;
	v8 =	vmul.f32 v15, v15;
	v11 =	vadd.f32 v18, v11;
	v15 =	vld [tilespmem:s12+$0x6A00]  }
0x115: {  	v9 =	vadd.f32 v10, v9;
	v10 =	vmul.f32 v13, v13;
	v12 =	vadd.f32 v16, v12;
	v13 =	vld [tilespmem:s12+$0x7210]  }
0x116: {  	v7 =	vadd.f32 v8, v7;
	v8 =	vmul.f32 v14, v14;
	v11 =	vadd.f32 v20, v11;
	v14 =	vld [tilespmem:s12+$0x7200]  }
0x117: {  	v9 =	vadd.f32 v10, v9;
	v10 =	vmul.f32 v16, v16;
	v12 =	vadd.f32 v19, v12;
	v16 =	vld [tilespmem:s12+$0x7A10]  }
0x118: {  	v7 =	vadd.f32 v8, v7;
	v8 =	vmul.f32 v18, v18;
	v11 =	vadd.f32 v17, v11;
	v18 =	vld [tilespmem:s12+$0x7A00]  }
0x119: {  	v9 =	vadd.f32 v10, v9;
	v10 =	vmul.f32 v19, v19;
	v12 =	vadd.f32 v15, v12;
	v19 =	vld [tilespmem:s12+$0x8210]  }
0x11a: {  	v7 =	vadd.f32 v8, v7;
	v8 =	vmul.f32 v20, v20;
	v11 =	vadd.f32 v13, v11;
	v20 =	vld [tilespmem:s12+$0x8200]  }
0x11b: {  	v9 =	vadd.f32 v10, v9;
	v10 =	vmul.f32 v15, v15;
	v12 =	vadd.f32 v14, v12;
	v15 =	vld [tilespmem:s12+$0x8A10]  }
0x11c: {  	v7 =	vadd.f32 v8, v7;
	v8 =	vmul.f32 v17, v17;
	v11 =	vadd.f32 v16, v11;
	v17 =	vld [tilespmem:s12+$0x8A00]  }
0x11d: {  	v9 =	vadd.f32 v10, v9;
	v10 =	vmul.f32 v14, v14;
	v12 =	vadd.f32 v18, v12;
	v14 =	vld [tilespmem:s12+$0x9210]  }
0x11e: {  	v7 =	vadd.f32 v8, v7;
	v8 =	vmul.f32 v13, v13;
	v11 =	vadd.f32 v19, v11;
	v13 =	vld [tilespmem:s12+$0x9200]  }
0x11f: {  	v9 =	vadd.f32 v10, v9;
	v10 =	vmul.f32 v18, v18;
	v12 =	vadd.f32 v20, v12;
	v18 =	vld [tilespmem:s12+$0x9A10]  }
0x120: {  	v7 =	vadd.f32 v8, v7;
	v8 =	vmul.f32 v16, v16;
	v11 =	vadd.f32 v15, v11;
	v16 =	vld [tilespmem:s12+$0x9A00]  }
0x121: {  	v9 =	vadd.f32 v10, v9;
	v10 =	vmul.f32 v20, v20;
	v12 =	vadd.f32 v17, v12;
	v20 =	vld [tilespmem:s12+$0xA210]  }
0x122: {  	v7 =	vadd.f32 v8, v7;
	v8 =	vmul.f32 v19, v19;
	v11 =	vadd.f32 v14, v11;
	v19 =	vld [tilespmem:s12+$0xA200]  }
0x123: {  	v9 =	vadd.f32 v10, v9;
	v10 =	vmul.f32 v17, v17;
	v12 =	vadd.f32 v13, v12;
	v17 =	vld [tilespmem:s12+$0xAA10]  }
0x124: {  	v7 =	vadd.f32 v8, v7;
	v8 =	vmul.f32 v15, v15;
	v11 =	vadd.f32 v18, v11;
	v15 =	vld [tilespmem:s12+$0xAA00]  }
0x125: {  	v9 =	vadd.f32 v10, v9;
	v10 =	vmul.f32 v13, v13;
	v12 =	vadd.f32 v16, v12;
	v13 =	vld [tilespmem:s12+$0xB210]  }
0x126: {  	v7 =	vadd.f32 v8, v7;
	v8 =	vmul.f32 v14, v14;
	v11 =	vadd.f32 v20, v11;
	v14 =	vld [tilespmem:s12+$0xB200]  }
0x127: {  	v9 =	vadd.f32 v10, v9;
	v10 =	vmul.f32 v16, v16;
	v12 =	vadd.f32 v19, v12;
	v16 =	vld [tilespmem:s12+$0xBA10]  }
0x128: {  	v7 =	vadd.f32 v8, v7;
	v8 =	vmul.f32 v18, v18;
	v11 =	vadd.f32 v17, v11;
	v18 =	vld [tilespmem:s12+$0xBA00]  }
0x129: {  	v9 =	vadd.f32 v10, v9;
	v10 =	vmul.f32 v19, v19;
	v12 =	vadd.f32 v15, v12;
	v19 =	vld [tilespmem:s12+$0xC210]  }
0x12a: {  	v7 =	vadd.f32 v8, v7;
	v8 =	vmul.f32 v20, v20;
	v11 =	vadd.f32 v13, v11;
	v20 =	vld [tilespmem:s12+$0xC200]  }
0x12b: {  	v9 =	vadd.f32 v10, v9;
	v10 =	vmul.f32 v15, v15;
	v12 =	vadd.f32 v14, v12;
	v15 =	vld [tilespmem:s12+$0xCA10]  }
0x12c: {  	v7 =	vadd.f32 v8, v7;
	v8 =	vmul.f32 v17, v17;
	v11 =	vadd.f32 v16, v11;
	v17 =	vld [tilespmem:s12+$0xCA00]  }
0x12d: {  	v9 =	vadd.f32 v10, v9;
	v10 =	vmul.f32 v14, v14;
	v12 =	vadd.f32 v18, v12;
	v14 =	vld [tilespmem:s12+$0xD210]  }
0x12e: {  	v7 =	vadd.f32 v8, v7;
	v8 =	vmul.f32 v13, v13;
	v11 =	vadd.f32 v19, v11;
	v13 =	vld [tilespmem:s12+$0xD200]  }
0x12f: {  	v9 =	vadd.f32 v10, v9;
	v10 =	vmul.f32 v18, v18;
	v12 =	vadd.f32 v20, v12;
	v18 =	vld [tilespmem:s12+$0xDA10]  }
0x130: {  	v7 =	vadd.f32 v8, v7;
	v8 =	vmul.f32 v16, v16;
	v11 =	vadd.f32 v15, v11;
	v16 =	vld [tilespmem:s12+$0xDA00]  }
0x131: {  	v9 =	vadd.f32 v10, v9;
	v10 =	vmul.f32 v20, v20;
	v12 =	vadd.f32 v17, v12;
	v20 =	vld [tilespmem:s12+$0xE210]  }
0x132: {  	v7 =	vadd.f32 v8, v7;
	v8 =	vmul.f32 v19, v19;
	v11 =	vadd.f32 v14, v11;
	v19 =	vld [tilespmem:s12+$0xE200]  }
0x133: {  	v9 =	vadd.f32 v10, v9;
	v10 =	vmul.f32 v17, v17;
	v12 =	vadd.f32 v13, v12  }
0x134: {  	v7 =	vadd.f32 v8, v7;
	v8 =	vmul.f32 v15, v15;
	v11 =	vadd.f32 v18, v11  }
0x135: {  	v9 =	vadd.f32 v10, v9;
	v10 =	vmul.f32 v13, v13;
	v12 =	vadd.f32 v16, v12  }
0x136: {  	v7 =	vadd.f32 v8, v7;
	v8 =	vmul.f32 v14, v14;
	v11 =	vadd.f32 v20, v11  }
0x137: {  	v9 =	vadd.f32 v10, v9;
	v10 =	vmul.f32 v16, v16;
	v12 =	vadd.f32 v19, v12  }
0x138: {  	v7 =	vadd.f32 v8, v7;
	v8 =	vmul.f32 v18, v18;
	v13 =	vmul.f32 v19, v19  }
0x139: {  	v9 =	vadd.f32 v10, v9;
	v11 =	vmul.f32 v11, v11;
	v10 =	vmul.f32 v12, v12  }
0x13a: {  	v7 =	vadd.f32 v8, v7  }
0x13b: {  	v8 =	vadd.f32 v13, v9;
	v9 =	vmul.f32 v20, v20;
	v10 =	vadd.f32 v11, v10  }
0x13c: {  	v6 =	vld.idx.msk [tilespmem:v6+s7+$0x0], $0xffff  }
0x13d: {  	v7 =	vadd.f32 v9, v7;
	v8 =	vsub.f32 v10, v8;
	v5 =	vld.idx.msk [tilespmem:v5+s7+$0x0], $0xffff;
	_ =	sdelay $0x1  }
0x13e: {  	s10 =	sadd.s32 $0x10, s10;
	v7 =	vsub.f32 v8, v7  }
0x13f: {  	v8 =	vld [tilespmem:s10+$0x0]  }
0x140: {  	v7 =	vmul.f32 $5.000000000e-01, v7;
	_ =	sdelay $0x1  }
0x141: {  	v6 =	vmul.f32 v6, v4;
	v5 =	vadd.f32 v7, v5;
	_ =	sdelay $0x1  }
0x142: {  	v5 =	vadd.f32 v5, v6;
	v6 =	vmul.f32 v8, v3;
	_ =	sdelay $0x1  }
0x143: {  	v5 =	vadd.f32 v5, v6;
	_ =	sdelay $0x1  }
0x144: {  	v5 =	vadd.f32 v5, v2  }
.Ltmp0:
0x145: {  	s11 =	sadd.s32 $0x10, s11;
	(pc) =	sbr.rel @p0 .LBB2_2-.Ltmp0, $4  }
0x146: {  	s12 =	sshra.s32 s14, $0x2;
	[tilespmem:s11+$0x0] =	vst v5  }
0x147: {  	v7 =	vld [tilespmem:s12+$0x1A10]  }
0x148: {  	v8 =	vld [tilespmem:s12+$0x2210]  }
0x149: {  	s14 =	sadd.s32 $0x80, s14;
	v9 =	vld [tilespmem:s12+$0x1A00]  }
0x14a: {  	v10 =	vld [tilespmem:s12+$0x2200]  }
0x14b: {  	v11 =	vld [tilespmem:s12+$0x2A10]  }
0x14c: {  	v12 =	vld [tilespmem:s12+$0x2A00]  }
0x14d: {  	v13 =	vld [tilespmem:s12+$0x3210]  }
0x14e: {  	v14 =	vld [tilespmem:s12+$0x3200];
	v5 =	vadd.f32 v8, v7  }
0x14f: {  	v16 =	vld [tilespmem:s12+$0x3A10];
	s13 =	sadd.s32 $0x1A, s13;
	v15 =	vadd.f32 v10, v9  }
0x150: {  	v18 =	vld [tilespmem:s12+$0x3A00];
	v6 =	vadd.s32 s13, v1;
	v7 =	vmul.f32 v7, v7;
	v17 =	vadd.f32 v11, v5  }
0x151: {  	v19 =	vld [tilespmem:s12+$0x4210];
	v9 =	vmul.f32 v9, v9;
	v10 =	vmul.f32 v10, v10;
	v15 =	vadd.f32 v12, v15  }
0x152: {  	v20 =	vld [tilespmem:s12+$0x4200];
	v8 =	vmul.f32 v8, v8;
	v5 =	vadd.s32 s13, v0;
	v17 =	vadd.f32 v13, v17  }
0x153: {  	v52 =	vld [tilespmem:s12+$0x4A10];
	v9 =	vadd.f32 v10, v9;
	v10 =	vmul.f32 v12, v12;
	v51 =	vadd.f32 v14, v15  }
0x154: {  	v53 =	vld [tilespmem:s12+$0x4A00];
	v7 =	vadd.f32 v8, v7;
	v8 =	vmul.f32 v11, v11;
	v11 =	vadd.f32 v16, v17  }
0x155: {  	v54 =	vld [tilespmem:s12+$0x5210];
	v9 =	vadd.f32 v10, v9;
	v10 =	vmul.f32 v14, v14;
	v12 =	vadd.f32 v18, v51  }
0x156: {  	v55 =	vld [tilespmem:s12+$0x5200];
	v7 =	vadd.f32 v8, v7;
	v8 =	vmul.f32 v13, v13;
	v11 =	vadd.f32 v19, v11  }
0x157: {  	v56 =	vld [tilespmem:s12+$0x5A10];
	v9 =	vadd.f32 v10, v9;
	v10 =	vmul.f32 v18, v18;
	v12 =	vadd.f32 v20, v12  }
0x158: {  	v57 =	vld [tilespmem:s12+$0x5A00];
	v7 =	vadd.f32 v8, v7;
	v8 =	vmul.f32 v16, v16;
	v11 =	vadd.f32 v52, v11  }
0x159: {  	v58 =	vld [tilespmem:s12+$0x6210];
	v9 =	vadd.f32 v10, v9;
	v10 =	vmul.f32 v20, v20;
	v12 =	vadd.f32 v53, v12  }
0x15a: {  	v59 =	vld [tilespmem:s12+$0x6200];
	v7 =	vadd.f32 v8, v7;
	v8 =	vmul.f32 v19, v19;
	v11 =	vadd.f32 v54, v11  }
0x15b: {  	v60 =	vld [tilespmem:s12+$0x6A10];
	v9 =	vadd.f32 v10, v9;
	v10 =	vmul.f32 v53, v53;
	v12 =	vadd.f32 v55, v12  }
0x15c: {  	v61 =	vld [tilespmem:s12+$0x6A00];
	v7 =	vadd.f32 v8, v7;
	v8 =	vmul.f32 v52, v52;
	v11 =	vadd.f32 v56, v11  }
0x15d: {  	v62 =	vld [tilespmem:s12+$0x7210];
	v9 =	vadd.f32 v10, v9;
	v10 =	vmul.f32 v55, v55;
	v12 =	vadd.f32 v57, v12  }
0x15e: {  	v63 =	vld [tilespmem:s12+$0x7200];
	v7 =	vadd.f32 v8, v7;
	v8 =	vmul.f32 v54, v54;
	v11 =	vadd.f32 v58, v11  }
0x15f: {  	v24 =	vld [tilespmem:s12+$0x7A10];
	v9 =	vadd.f32 v10, v9;
	v10 =	vmul.f32 v57, v57;
	v12 =	vadd.f32 v59, v12  }
0x160: {  	v25 =	vld [tilespmem:s12+$0x7A00];
	v7 =	vadd.f32 v8, v7;
	v8 =	vmul.f32 v56, v56;
	v11 =	vadd.f32 v60, v11  }
0x161: {  	v26 =	vld [tilespmem:s12+$0x8210];
	v9 =	vadd.f32 v10, v9;
	v10 =	vmul.f32 v59, v59;
	v12 =	vadd.f32 v61, v12  }
0x162: {  	v27 =	vld [tilespmem:s12+$0x8200];
	v7 =	vadd.f32 v8, v7;
	v8 =	vmul.f32 v58, v58;
	v11 =	vadd.f32 v62, v11  }
0x163: {  	v28 =	vld [tilespmem:s12+$0x8A10];
	v9 =	vadd.f32 v10, v9;
	v10 =	vmul.f32 v61, v61;
	v12 =	vadd.f32 v63, v12  }
0x164: {  	v29 =	vld [tilespmem:s12+$0x8A00];
	v7 =	vadd.f32 v8, v7;
	v8 =	vmul.f32 v60, v60;
	v11 =	vadd.f32 v24, v11  }
0x165: {  	v30 =	vld [tilespmem:s12+$0x9210];
	v9 =	vadd.f32 v10, v9;
	v10 =	vmul.f32 v63, v63;
	v12 =	vadd.f32 v25, v12  }
0x166: {  	v31 =	vld [tilespmem:s12+$0x9200];
	v7 =	vadd.f32 v8, v7;
	v8 =	vmul.f32 v62, v62;
	v11 =	vadd.f32 v26, v11  }
0x167: {  	v32 =	vld [tilespmem:s12+$0x9A10];
	v9 =	vadd.f32 v10, v9;
	v10 =	vmul.f32 v25, v25;
	v12 =	vadd.f32 v27, v12  }
0x168: {  	v33 =	vld [tilespmem:s12+$0x9A00];
	v7 =	vadd.f32 v8, v7;
	v8 =	vmul.f32 v24, v24;
	v11 =	vadd.f32 v28, v11  }
0x169: {  	v34 =	vld [tilespmem:s12+$0xA210];
	v9 =	vadd.f32 v10, v9;
	v10 =	vmul.f32 v27, v27;
	v12 =	vadd.f32 v29, v12  }
0x16a: {  	v35 =	vld [tilespmem:s12+$0xA200];
	v7 =	vadd.f32 v8, v7;
	v8 =	vmul.f32 v26, v26;
	v11 =	vadd.f32 v30, v11  }
0x16b: {  	v36 =	vld [tilespmem:s12+$0xAA10];
	v9 =	vadd.f32 v10, v9;
	v10 =	vmul.f32 v29, v29;
	v12 =	vadd.f32 v31, v12  }
0x16c: {  	v37 =	vld [tilespmem:s12+$0xAA00];
	v7 =	vadd.f32 v8, v7;
	v8 =	vmul.f32 v28, v28;
	v11 =	vadd.f32 v32, v11  }
0x16d: {  	v38 =	vld [tilespmem:s12+$0xB210];
	v9 =	vadd.f32 v10, v9;
	v10 =	vmul.f32 v31, v31;
	v12 =	vadd.f32 v33, v12  }
0x16e: {  	v39 =	vld [tilespmem:s12+$0xB200];
	v7 =	vadd.f32 v8, v7;
	v8 =	vmul.f32 v30, v30;
	v11 =	vadd.f32 v34, v11  }
0x16f: {  	v40 =	vld [tilespmem:s12+$0xBA10];
	v9 =	vadd.f32 v10, v9;
	v10 =	vmul.f32 v33, v33;
	v12 =	vadd.f32 v35, v12  }
0x170: {  	v41 =	vld [tilespmem:s12+$0xBA00];
	v7 =	vadd.f32 v8, v7;
	v8 =	vmul.f32 v32, v32;
	v11 =	vadd.f32 v36, v11  }
0x171: {  	v42 =	vld [tilespmem:s12+$0xC210];
	v9 =	vadd.f32 v10, v9;
	v10 =	vmul.f32 v35, v35;
	v12 =	vadd.f32 v37, v12  }
0x172: {  	v43 =	vld [tilespmem:s12+$0xC200];
	v7 =	vadd.f32 v8, v7;
	v8 =	vmul.f32 v34, v34;
	v11 =	vadd.f32 v38, v11  }
0x173: {  	v44 =	vld [tilespmem:s12+$0xCA10];
	v9 =	vadd.f32 v10, v9;
	v10 =	vmul.f32 v37, v37;
	v12 =	vadd.f32 v39, v12  }
0x174: {  	v45 =	vld [tilespmem:s12+$0xCA00];
	v7 =	vadd.f32 v8, v7;
	v8 =	vmul.f32 v36, v36;
	v11 =	vadd.f32 v40, v11  }
0x175: {  	v46 =	vld [tilespmem:s12+$0xD210];
	v9 =	vadd.f32 v10, v9;
	v10 =	vmul.f32 v39, v39;
	v12 =	vadd.f32 v41, v12  }
0x176: {  	v47 =	vld [tilespmem:s12+$0xD200];
	v7 =	vadd.f32 v8, v7;
	v8 =	vmul.f32 v38, v38;
	v11 =	vadd.f32 v42, v11  }
0x177: {  	v48 =	vld [tilespmem:s12+$0xDA10];
	v9 =	vadd.f32 v10, v9;
	v10 =	vmul.f32 v41, v41;
	v12 =	vadd.f32 v43, v12  }
0x178: {  	v49 =	vld [tilespmem:s12+$0xDA00];
	v7 =	vadd.f32 v8, v7;
	v8 =	vmul.f32 v40, v40;
	v11 =	vadd.f32 v44, v11  }
0x179: {  	v50 =	vld [tilespmem:s12+$0xE210];
	v9 =	vadd.f32 v10, v9;
	v10 =	vmul.f32 v43, v43;
	v12 =	vadd.f32 v45, v12  }
0x17a: {  	v51 =	vld [tilespmem:s12+$0xE200];
	v7 =	vadd.f32 v8, v7;
	v8 =	vmul.f32 v42, v42;
	v11 =	vadd.f32 v46, v11  }
0x17b: {  	v9 =	vadd.f32 v10, v9;
	v10 =	vmul.f32 v45, v45;
	v12 =	vadd.f32 v47, v12  }
0x17c: {  	v7 =	vadd.f32 v8, v7;
	v8 =	vmul.f32 v44, v44;
	v11 =	vadd.f32 v48, v11  }
0x17d: {  	v9 =	vadd.f32 v10, v9;
	v10 =	vmul.f32 v47, v47;
	v12 =	vadd.f32 v49, v12  }
0x17e: {  	v7 =	vadd.f32 v8, v7;
	v8 =	vmul.f32 v46, v46;
	v11 =	vadd.f32 v50, v11  }
0x17f: {  	v9 =	vadd.f32 v10, v9;
	v10 =	vmul.f32 v49, v49;
	v12 =	vadd.f32 v51, v12  }
0x180: {  	v52 =	vmul.f32 v51, v51;
	v7 =	vadd.f32 v8, v7;
	v8 =	vmul.f32 v48, v48  }
0x181: {  	v9 =	vadd.f32 v10, v9;
	v11 =	vmul.f32 v11, v11;
	v10 =	vmul.f32 v12, v12  }
0x182: {  	v7 =	vadd.f32 v8, v7  }
0x183: {  	v8 =	vadd.f32 v52, v9;
	v9 =	vmul.f32 v50, v50;
	v10 =	vadd.f32 v11, v10;
	_ =	sdelay $0x1  }
0x184: {  	v6 =	vld.idx.msk [tilespmem:v6+s7+$0x0], $0xffff;
	v7 =	vadd.f32 v9, v7;
	v8 =	vsub.f32 v10, v8  }
0x185: {  	v5 =	vld.idx.msk [tilespmem:v5+s7+$0x0], $0xffff  }
0x186: {  	s10 =	sadd.s32 $0x10, s10;
	v7 =	vsub.f32 v8, v7  }
0x187: {  	v8 =	vld [tilespmem:s10+$0x0]  }
0x188: {  	v7 =	vmul.f32 $5.000000000e-01, v7;
	_ =	sdelay $0x1  }
0x189: {  	v6 =	vmul.f32 v6, v4;
	v5 =	vadd.f32 v7, v5;
	_ =	sdelay $0x1  }
0x18a: {  	v5 =	vadd.f32 v5, v6;
	v6 =	vmul.f32 v8, v3;
	_ =	sdelay $0x1  }
0x18b: {  	v5 =	vadd.f32 v5, v6;
	_ =	sdelay $0x1  }
0x18c: {  	v5 =	vadd.f32 v5, v2  }
0x18d: {  	s12 =	sadd.s32 $0x10, s11  }
0x18e: {  	s14 =	simm.s32 $0x1A00;
	s13 =	rddreg [dreg:$0x4];
	[tilespmem:s12+$0x0] =	vst v5  }
0x18f: {  	[tilespmem:s14], [sflag:$0x1] =	stream.indirect.gather [hbm4b:s13+s1], $0x20, s1, s1, $0xb8;
	[tilespmem:$0x107B0] =	vst v63  }
0x190: {  	s12 =	rddreg [dreg:$0x8];
	s13 =	simm.s32 $0x2200;
	s14 =	simm.s32 $0xC0  }
0x191: {  	[tilespmem:s13], [sflag:$0x1] =	stream.indirect.gather [hbm4b:s12+s1], $0x20, s14, s1, $0xb8;
	[tilespmem:$0x107B0] =	vst v63  }
0x192: {  	s12 =	rddreg [dreg:$0x9];
	s13 =	simm.s32 $0x2A00;
	s14 =	simm.s32 $0x140  }
0x193: {  	[tilespmem:s13], [sflag:$0x1] =	stream.indirect.gather [hbm4b:s12+s1], $0x20, s14, s1, $0xb8;
	[tilespmem:$0x107B0] =	vst v63  }
0x194: {  	s12 =	rddreg [dreg:$0xa];
	s13 =	simm.s32 $0x3200;
	s14 =	simm.s32 $0x1C0  }
0x195: {  	[tilespmem:s13], [sflag:$0x1] =	stream.indirect.gather [hbm4b:s12+s1], $0x20, s14, s1, $0xb8;
	[tilespmem:$0x107B0] =	vst v63  }
0x196: {  	s12 =	rddreg [dreg:$0xb];
	s13 =	simm.s32 $0x3A00;
	s14 =	simm.s32 $0x240  }
0x197: {  	[tilespmem:s13], [sflag:$0x1] =	stream.indirect.gather [hbm4b:s12+s1], $0x20, s14, s1, $0xb8;
	[tilespmem:$0x107B0] =	vst v63  }
0x198: {  	s12 =	rddreg [dreg:$0xc];
	s13 =	simm.s32 $0x4200;
	s14 =	simm.s32 $0x2C0  }
0x199: {  	[tilespmem:s13], [sflag:$0x1] =	stream.indirect.gather [hbm4b:s12+s1], $0x20, s14, s1, $0xb8;
	[tilespmem:$0x107B0] =	vst v63  }
0x19a: {  	s12 =	rddreg [dreg:$0xd];
	s13 =	simm.s32 $0x4A00;
	s14 =	simm.s32 $0x340  }
0x19b: {  	[tilespmem:s13], [sflag:$0x1] =	stream.indirect.gather [hbm4b:s12+s1], $0x20, s14, s1, $0xb8;
	[tilespmem:$0x107B0] =	vst v63  }
0x19c: {  	s12 =	rddreg [dreg:$0xe];
	s13 =	simm.s32 $0x5200;
	s14 =	simm.s32 $0x3C0  }
0x19d: {  	[tilespmem:s13], [sflag:$0x1] =	stream.indirect.gather [hbm4b:s12+s1], $0x20, s14, s1, $0xb8;
	[tilespmem:$0x107B0] =	vst v63  }
0x19e: {  	s13 =	simm.s32 $0x5A00;
	s14 =	simm.s32 $0x440  }
0x19f: {  	[tilespmem:s13], [sflag:$0x1] =	stream.indirect.gather [hbm4b:s15+s1], $0x20, s14, s1, $0xb8;
	[tilespmem:$0x107B0] =	vst v63  }
0x1a0: {  	s11 =	simm.s32 $0x6200;
	s12 =	simm.s32 $0x4C0  }
0x1a1: {  	[tilespmem:s11], [sflag:$0x1] =	stream.indirect.gather [hbm4b:s16+s1], $0x20, s12, s1, $0xb8;
	[tilespmem:$0x107B0] =	vst v63  }
0x1a2: {  	s13 =	simm.s32 $0x6A00;
	s14 =	simm.s32 $0x540  }
0x1a3: {  	[tilespmem:s13], [sflag:$0x1] =	stream.indirect.gather [hbm4b:s17+s1], $0x20, s14, s1, $0xb8;
	[tilespmem:$0x107B0] =	vst v63  }
0x1a4: {  	s11 =	simm.s32 $0x7200;
	s12 =	simm.s32 $0x5C0  }
0x1a5: {  	[tilespmem:s11], [sflag:$0x1] =	stream.indirect.gather [hbm4b:s19+s1], $0x20, s12, s1, $0xb8;
	[tilespmem:$0x107B0] =	vst v63  }
0x1a6: {  	s13 =	simm.s32 $0x7A00;
	s14 =	simm.s32 $0x640  }
0x1a7: {  	[tilespmem:s13], [sflag:$0x1] =	stream.indirect.gather [hbm4b:s20+s1], $0x20, s14, s1, $0xb8;
	[tilespmem:$0x107B0] =	vst v63  }
0x1a8: {  	s11 =	simm.s32 $0x8200;
	s12 =	simm.s32 $0x6C0  }
0x1a9: {  	[tilespmem:s11], [sflag:$0x1] =	stream.indirect.gather [hbm4b:s21+s1], $0x20, s12, s1, $0xb8;
	[tilespmem:$0x107B0] =	vst v63  }
0x1aa: {  	s13 =	simm.s32 $0x8A00;
	s14 =	simm.s32 $0x740  }
0x1ab: {  	[tilespmem:s13], [sflag:$0x1] =	stream.indirect.gather [hbm4b:s22+s1], $0x20, s14, s1, $0xb8;
	[tilespmem:$0x107B0] =	vst v63  }
0x1ac: {  	s11 =	simm.s32 $0x9200;
	s12 =	simm.s32 $0x7C0  }
0x1ad: {  	[tilespmem:s11], [sflag:$0x1] =	stream.indirect.gather [hbm4b:s23+s1], $0x20, s12, s1, $0xb8;
	[tilespmem:$0x107B0] =	vst v63  }
0x1ae: {  	s13 =	simm.s32 $0x9A00;
	s14 =	simm.s32 $0x840  }
0x1af: {  	[tilespmem:s13], [sflag:$0x1] =	stream.indirect.gather [hbm4b:s24+s1], $0x20, s14, s1, $0xb8;
	[tilespmem:$0x107B0] =	vst v63  }
0x1b0: {  	s11 =	simm.s32 $0xA200;
	s12 =	simm.s32 $0x8C0  }
0x1b1: {  	[tilespmem:s11], [sflag:$0x1] =	stream.indirect.gather [hbm4b:s25+s1], $0x20, s12, s1, $0xb8;
	[tilespmem:$0x107B0] =	vst v63  }
0x1b2: {  	s13 =	simm.s32 $0xAA00;
	s14 =	simm.s32 $0x940  }
0x1b3: {  	[tilespmem:s13], [sflag:$0x1] =	stream.indirect.gather [hbm4b:s26+s1], $0x20, s14, s1, $0xb8;
	[tilespmem:$0x107B0] =	vst v63  }
0x1b4: {  	s11 =	simm.s32 $0xB200;
	s12 =	simm.s32 $0x9C0  }
0x1b5: {  	[tilespmem:s11], [sflag:$0x1] =	stream.indirect.gather [hbm4b:s28+s1], $0x20, s12, s1, $0xb8;
	[tilespmem:$0x107B0] =	vst v63  }
0x1b6: {  	s13 =	simm.s32 $0xBA00;
	s14 =	simm.s32 $0xA40  }
0x1b7: {  	[tilespmem:s13], [sflag:$0x1] =	stream.indirect.gather [hbm4b:s29+s1], $0x20, s14, s1, $0xb8;
	[tilespmem:$0x107B0] =	vst v63  }
0x1b8: {  	s11 =	simm.s32 $0xC200;
	s12 =	simm.s32 $0xAC0  }
0x1b9: {  	[tilespmem:s11], [sflag:$0x1] =	stream.indirect.gather [hbm4b:s30+s1], $0x20, s12, s1, $0xb8;
	[tilespmem:$0x107B0] =	vst v63  }
0x1ba: {  	s13 =	simm.s32 $0xCA00;
	s14 =	simm.s32 $0xB40  }
0x1bb: {  	[tilespmem:s13], [sflag:$0x1] =	stream.indirect.gather [hbm4b:s31+s1], $0x20, s14, s1, $0xb8;
	[tilespmem:$0x107B0] =	vst v63  }
0x1bc: {  	s11 =	simm.s32 $0xD200;
	s12 =	simm.s32 $0xBC0  }
0x1bd: {  	[tilespmem:s11], [sflag:$0x1] =	stream.indirect.gather [hbm4b:s0+s1], $0x20, s12, s1, $0xb8;
	[tilespmem:$0x107B0] =	vst v63  }
0x1be: {  	s13 =	simm.s32 $0xDA00;
	s14 =	simm.s32 $0xC40  }
0x1bf: {  	[tilespmem:s13], [sflag:$0x1] =	stream.indirect.gather [hbm4b:s5+s1], $0x20, s14, s1, $0xb8;
	[tilespmem:$0x107B0] =	vst v63  }
0x1c0: {  	s12 =	simm.s32 $0xE200;
	s13 =	simm.s32 $0xCC0  }
0x1c1: {  	[tilespmem:s12], [sflag:$0x1] =	stream.indirect.gather [hbm4b:s6+s1], $0x20, s13, s1, $0xb8;
	[tilespmem:$0x107B0] =	vst v63  }
0x1c2: {  	_ =	swait.ge [sflag:s3], $0x800  }
0x1c3: {  	[sflag:s3] =	ssyncset.done $0x0  }
0x1c4: {  	[sflag:s3] =	ssyncadd.s32 $0xFFFFF800  }
0x1c5: {  	_ =	swait.ge [sflag:s3], $0x800  }
0x1c6: {  	[sflag:s3] =	ssyncset.done $0x0  }
0x1c7: {  	[sflag:s3] =	ssyncadd.s32 $0xFFFFF800  }
0x1c8: {  	_ =	swait.ge [sflag:s3], $0x800  }
0x1c9: {  	[sflag:s3] =	ssyncset.done $0x0  }
0x1ca: {  	[sflag:s3] =	ssyncadd.s32 $0xFFFFF800  }
0x1cb: {  	_ =	swait.ge [sflag:s3], $0x800  }
0x1cc: {  	[sflag:s3] =	ssyncset.done $0x0  }
0x1cd: {  	[sflag:s3] =	ssyncadd.s32 $0xFFFFF800  }
0x1ce: {  	_ =	swait.ge [sflag:s3], $0x800  }
0x1cf: {  	[sflag:s3] =	ssyncset.done $0x0  }
0x1d0: {  	[sflag:s3] =	ssyncadd.s32 $0xFFFFF800  }
0x1d1: {  	_ =	swait.ge [sflag:s3], $0x800  }
0x1d2: {  	[sflag:s3] =	ssyncset.done $0x0  }
0x1d3: {  	[sflag:s3] =	ssyncadd.s32 $0xFFFFF800  }
0x1d4: {  	_ =	swait.ge [sflag:s3], $0x800  }
0x1d5: {  	[sflag:s3] =	ssyncset.done $0x0  }
0x1d6: {  	[sflag:s3] =	ssyncadd.s32 $0xFFFFF800  }
0x1d7: {  	_ =	swait.ge [sflag:s3], $0x800  }
0x1d8: {  	[sflag:s3] =	ssyncset.done $0x0  }
0x1d9: {  	[sflag:s3] =	ssyncadd.s32 $0xFFFFF800  }
0x1da: {  	_ =	swait.ge [sflag:s3], $0x800  }
0x1db: {  	[sflag:s3] =	ssyncset.done $0x0  }
0x1dc: {  	[sflag:s3] =	ssyncadd.s32 $0xFFFFF800  }
0x1dd: {  	_ =	swait.ge [sflag:s3], $0x800  }
0x1de: {  	[sflag:s3] =	ssyncset.done $0x0  }
0x1df: {  	[sflag:s3] =	ssyncadd.s32 $0xFFFFF800  }
0x1e0: {  	_ =	swait.ge [sflag:s3], $0x800  }
0x1e1: {  	[sflag:s3] =	ssyncset.done $0x0  }
0x1e2: {  	[sflag:s3] =	ssyncadd.s32 $0xFFFFF800  }
0x1e3: {  	_ =	swait.ge [sflag:s3], $0x800  }
0x1e4: {  	[sflag:s3] =	ssyncset.done $0x0  }
0x1e5: {  	[sflag:s3] =	ssyncadd.s32 $0xFFFFF800  }
0x1e6: {  	_ =	swait.ge [sflag:s3], $0x800  }
0x1e7: {  	[sflag:s3] =	ssyncset.done $0x0  }
0x1e8: {  	[sflag:s3] =	ssyncadd.s32 $0xFFFFF800  }
0x1e9: {  	_ =	swait.ge [sflag:s3], $0x800  }
0x1ea: {  	[sflag:s3] =	ssyncset.done $0x0  }
0x1eb: {  	[sflag:s3] =	ssyncadd.s32 $0xFFFFF800  }
0x1ec: {  	_ =	swait.ge [sflag:s3], $0x800  }
0x1ed: {  	[sflag:s3] =	ssyncset.done $0x0  }
0x1ee: {  	[sflag:s3] =	ssyncadd.s32 $0xFFFFF800  }
0x1ef: {  	_ =	swait.ge [sflag:s3], $0x800  }
0x1f0: {  	[sflag:s3] =	ssyncset.done $0x0  }
0x1f1: {  	[sflag:s3] =	ssyncadd.s32 $0xFFFFF800  }
0x1f2: {  	_ =	swait.ge [sflag:s3], $0x800  }
0x1f3: {  	[sflag:s3] =	ssyncset.done $0x0  }
0x1f4: {  	[sflag:s3] =	ssyncadd.s32 $0xFFFFF800  }
0x1f5: {  	_ =	swait.ge [sflag:s3], $0x800  }
0x1f6: {  	[sflag:s3] =	ssyncset.done $0x0  }
0x1f7: {  	[sflag:s3] =	ssyncadd.s32 $0xFFFFF800  }
0x1f8: {  	_ =	swait.ge [sflag:s3], $0x800  }
0x1f9: {  	[sflag:s3] =	ssyncset.done $0x0  }
0x1fa: {  	[sflag:s3] =	ssyncadd.s32 $0xFFFFF800  }
0x1fb: {  	_ =	swait.ge [sflag:s3], $0x800  }
0x1fc: {  	[sflag:s3] =	ssyncset.done $0x0  }
0x1fd: {  	[sflag:s3] =	ssyncadd.s32 $0xFFFFF800  }
0x1fe: {  	_ =	swait.ge [sflag:s3], $0x800  }
0x1ff: {  	[sflag:s3] =	ssyncset.done $0x0  }
0x200: {  	[sflag:s3] =	ssyncadd.s32 $0xFFFFF800  }
0x201: {  	_ =	swait.ge [sflag:s3], $0x800  }
0x202: {  	[sflag:s3] =	ssyncset.done $0x0  }
0x203: {  	[sflag:s3] =	ssyncadd.s32 $0xFFFFF800  }
0x204: {  	_ =	swait.ge [sflag:s3], $0x800  }
0x205: {  	[sflag:s3] =	ssyncset.done $0x0  }
0x206: {  	[sflag:s3] =	ssyncadd.s32 $0xFFFFF800  }
0x207: {  	_ =	swait.ge [sflag:s3], $0x800  }
0x208: {  	[sflag:s3] =	ssyncset.done $0x0  }
0x209: {  	[sflag:s3] =	ssyncadd.s32 $0xFFFFF800  }
0x20a: {  	_ =	swait.ge [sflag:s3], $0x800  }
0x20b: {  	[sflag:s3] =	ssyncset.done $0x0  }
0x20c: {  	[sflag:s3] =	ssyncadd.s32 $0xFFFFF800  }
0x20d: {  	_ =	swait.ge [sflag:s3], $0x800  }
0x20e: {  	[sflag:s3] =	ssyncset.done $0x0  }
0x20f: {  	s14 =	simm.s32 $0x0;
	[sflag:s3] =	ssyncadd.s32 $0xFFFFF800  }
0x210: {  	v7 =	vld [tilespmem:s14+$0x1A10]  }
0x211: {  	v8 =	vld [tilespmem:s14+$0x2210]  }
0x212: {  	v9 =	vld [tilespmem:s14+$0x1A00]  }
0x213: {  	v10 =	vld [tilespmem:s14+$0x2200]  }
0x214: {  	v11 =	vld [tilespmem:s14+$0x2A10]  }
0x215: {  	v53 =	vld [tilespmem:s14+$0x2A00]  }
0x216: {  	v54 =	vld [tilespmem:s14+$0x3210]  }
0x217: {  	v55 =	vld [tilespmem:s14+$0x3200];
	v5 =	vadd.f32 v8, v7  }
0x218: {  	v57 =	vld [tilespmem:s14+$0x3A10];
	v56 =	vadd.f32 v10, v9;
	v9 =	vmul.f32 v9, v9;
	v10 =	vmul.f32 v10, v10  }
0x219: {  	v59 =	vld [tilespmem:s14+$0x3A00];
	v7 =	vmul.f32 v7, v7;
	v8 =	vmul.f32 v8, v8;
	v58 =	vadd.f32 v11, v5  }
0x21a: {  	v60 =	vld [tilespmem:s14+$0x4210];
	v15 =	vadd.f32 v53, v56;
	v9 =	vadd.f32 v10, v9;
	v10 =	vmul.f32 v53, v53  }
0x21b: {  	v61 =	vld [tilespmem:s14+$0x4200];
	v7 =	vadd.f32 v8, v7;
	v8 =	vmul.f32 v11, v11;
	v17 =	vadd.f32 v54, v58  }
0x21c: {  	v63 =	vld [tilespmem:s14+$0x4A10];
	v62 =	vadd.f32 v55, v15;
	v9 =	vadd.f32 v10, v9;
	v10 =	vmul.f32 v55, v55  }
0x21d: {  	v24 =	vld [tilespmem:s14+$0x4A00];
	v7 =	vadd.f32 v8, v7;
	v8 =	vmul.f32 v54, v54;
	v11 =	vadd.f32 v57, v17  }
0x21e: {  	v25 =	vld [tilespmem:s14+$0x5210];
	v12 =	vadd.f32 v59, v62;
	v9 =	vadd.f32 v10, v9;
	v10 =	vmul.f32 v59, v59  }
0x21f: {  	v26 =	vld [tilespmem:s14+$0x5200];
	v7 =	vadd.f32 v8, v7;
	v8 =	vmul.f32 v57, v57;
	v11 =	vadd.f32 v60, v11  }
0x220: {  	v27 =	vld [tilespmem:s14+$0x5A10];
	v12 =	vadd.f32 v61, v12;
	v9 =	vadd.f32 v10, v9;
	v10 =	vmul.f32 v61, v61  }
0x221: {  	v28 =	vld [tilespmem:s14+$0x5A00];
	v7 =	vadd.f32 v8, v7;
	v8 =	vmul.f32 v60, v60;
	v11 =	vadd.f32 v63, v11  }
0x222: {  	v29 =	vld [tilespmem:s14+$0x6210];
	v12 =	vadd.f32 v24, v12;
	v9 =	vadd.f32 v10, v9;
	v10 =	vmul.f32 v24, v24  }
0x223: {  	v30 =	vld [tilespmem:s14+$0x6200];
	v7 =	vadd.f32 v8, v7;
	v8 =	vmul.f32 v63, v63;
	v11 =	vadd.f32 v25, v11  }
0x224: {  	v31 =	vld [tilespmem:s14+$0x6A10];
	v12 =	vadd.f32 v26, v12;
	v9 =	vadd.f32 v10, v9;
	v10 =	vmul.f32 v26, v26  }
0x225: {  	v32 =	vld [tilespmem:s14+$0x6A00];
	v7 =	vadd.f32 v8, v7;
	v8 =	vmul.f32 v25, v25;
	v11 =	vadd.f32 v27, v11  }
0x226: {  	v33 =	vld [tilespmem:s14+$0x7210];
	v12 =	vadd.f32 v28, v12;
	v9 =	vadd.f32 v10, v9;
	v10 =	vmul.f32 v28, v28  }
0x227: {  	v34 =	vld [tilespmem:s14+$0x7200];
	v7 =	vadd.f32 v8, v7;
	v8 =	vmul.f32 v27, v27;
	v11 =	vadd.f32 v29, v11  }
0x228: {  	v35 =	vld [tilespmem:s14+$0x7A10];
	v12 =	vadd.f32 v30, v12;
	v9 =	vadd.f32 v10, v9;
	v10 =	vmul.f32 v30, v30  }
0x229: {  	v36 =	vld [tilespmem:s14+$0x7A00];
	v7 =	vadd.f32 v8, v7;
	v8 =	vmul.f32 v29, v29;
	v11 =	vadd.f32 v31, v11  }
0x22a: {  	v37 =	vld [tilespmem:s14+$0x8210];
	v12 =	vadd.f32 v32, v12;
	v9 =	vadd.f32 v10, v9;
	v10 =	vmul.f32 v32, v32  }
0x22b: {  	v38 =	vld [tilespmem:s14+$0x8200];
	v7 =	vadd.f32 v8, v7;
	v8 =	vmul.f32 v31, v31;
	v11 =	vadd.f32 v33, v11  }
0x22c: {  	v39 =	vld [tilespmem:s14+$0x8A10];
	v12 =	vadd.f32 v34, v12;
	v9 =	vadd.f32 v10, v9;
	v10 =	vmul.f32 v34, v34  }
0x22d: {  	v40 =	vld [tilespmem:s14+$0x8A00];
	v7 =	vadd.f32 v8, v7;
	v8 =	vmul.f32 v33, v33;
	v11 =	vadd.f32 v35, v11  }
0x22e: {  	v41 =	vld [tilespmem:s14+$0x9210];
	v12 =	vadd.f32 v36, v12;
	v9 =	vadd.f32 v10, v9;
	v10 =	vmul.f32 v36, v36  }
0x22f: {  	v42 =	vld [tilespmem:s14+$0x9200];
	v7 =	vadd.f32 v8, v7;
	v8 =	vmul.f32 v35, v35;
	v11 =	vadd.f32 v37, v11  }
0x230: {  	v43 =	vld [tilespmem:s14+$0x9A10];
	v12 =	vadd.f32 v38, v12;
	v9 =	vadd.f32 v10, v9;
	v10 =	vmul.f32 v38, v38  }
0x231: {  	v44 =	vld [tilespmem:s14+$0x9A00];
	v7 =	vadd.f32 v8, v7;
	v8 =	vmul.f32 v37, v37;
	v11 =	vadd.f32 v39, v11  }
0x232: {  	v45 =	vld [tilespmem:s14+$0xA210];
	v12 =	vadd.f32 v40, v12;
	v9 =	vadd.f32 v10, v9;
	v10 =	vmul.f32 v40, v40  }
0x233: {  	v46 =	vld [tilespmem:s14+$0xA200];
	v7 =	vadd.f32 v8, v7;
	v8 =	vmul.f32 v39, v39;
	v11 =	vadd.f32 v41, v11  }
0x234: {  	v47 =	vld [tilespmem:s14+$0xAA10];
	v12 =	vadd.f32 v42, v12;
	v9 =	vadd.f32 v10, v9;
	v10 =	vmul.f32 v42, v42  }
0x235: {  	v48 =	vld [tilespmem:s14+$0xAA00];
	v7 =	vadd.f32 v8, v7;
	v8 =	vmul.f32 v41, v41;
	v11 =	vadd.f32 v43, v11  }
0x236: {  	v49 =	vld [tilespmem:s14+$0xB210];
	v12 =	vadd.f32 v44, v12;
	v9 =	vadd.f32 v10, v9;
	v10 =	vmul.f32 v44, v44  }
0x237: {  	v50 =	vld [tilespmem:s14+$0xB200];
	v7 =	vadd.f32 v8, v7;
	v8 =	vmul.f32 v43, v43;
	v11 =	vadd.f32 v45, v11  }
0x238: {  	v51 =	vld [tilespmem:s14+$0xBA10];
	v12 =	vadd.f32 v46, v12;
	v9 =	vadd.f32 v10, v9;
	v10 =	vmul.f32 v46, v46  }
0x239: {  	v52 =	vld [tilespmem:s14+$0xBA00];
	v7 =	vadd.f32 v8, v7;
	v8 =	vmul.f32 v45, v45;
	v11 =	vadd.f32 v47, v11  }
0x23a: {  	v53 =	vld [tilespmem:s14+$0xC210];
	v12 =	vadd.f32 v48, v12;
	v9 =	vadd.f32 v10, v9;
	v10 =	vmul.f32 v48, v48  }
0x23b: {  	v54 =	vld [tilespmem:s14+$0xC200];
	v7 =	vadd.f32 v8, v7;
	v8 =	vmul.f32 v47, v47;
	v11 =	vadd.f32 v49, v11  }
0x23c: {  	v56 =	vld [tilespmem:s14+$0xCA00];
	v12 =	vadd.f32 v50, v12;
	v9 =	vadd.f32 v10, v9;
	v10 =	vmul.f32 v50, v50  }
0x23d: {  	v55 =	vld [tilespmem:s14+$0xCA10];
	v7 =	vadd.f32 v8, v7;
	v8 =	vmul.f32 v49, v49;
	v11 =	vadd.f32 v51, v11  }
0x23e: {  	v58 =	vld [tilespmem:s14+$0xD200];
	v12 =	vadd.f32 v52, v12;
	v9 =	vadd.f32 v10, v9;
	v10 =	vmul.f32 v52, v52  }
0x23f: {  	v57 =	vld [tilespmem:s14+$0xD210];
	v7 =	vadd.f32 v8, v7;
	v8 =	vmul.f32 v51, v51;
	v11 =	vadd.f32 v53, v11  }
0x240: {  	v59 =	vld [tilespmem:s14+$0xDA10];
	v12 =	vadd.f32 v54, v12;
	v9 =	vadd.f32 v10, v9  }
0x241: {  	v60 =	vld [tilespmem:s14+$0xDA00];
	v10 =	vmul.f32 v54, v54;
	v7 =	vadd.f32 v8, v7;
	v8 =	vmul.f32 v53, v53  }
0x242: {  	v62 =	vld [tilespmem:s14+$0xE200];
	v11 =	vadd.f32 v55, v11;
	v12 =	vadd.f32 v56, v12  }
0x243: {  	s10 =	simm.s32 $0x680;
	v61 =	vld [tilespmem:s14+$0xE210];
	v9 =	vadd.f32 v10, v9;
	v10 =	vmul.f32 v56, v56;
	v7 =	vadd.f32 v8, v7  }
0x244: {  	v6 =	vadd.s32 s10, v1;
	v11 =	vadd.f32 v57, v11;
	v12 =	vadd.f32 v58, v12  }
0x245: {  	v8 =	vmul.f32 v55, v55;
	v9 =	vadd.f32 v10, v9;
	v10 =	vmul.f32 v58, v58  }
0x246: {  	v5 =	vadd.s32 s10, v0;
	v11 =	vadd.f32 v59, v11;
	v12 =	vadd.f32 v60, v12  }
0x247: {  	v7 =	vadd.f32 v8, v7;
	v8 =	vmul.f32 v57, v57;
	v9 =	vadd.f32 v10, v9  }
0x248: {  	v10 =	vmul.f32 v60, v60;
	v11 =	vadd.f32 v61, v11;
	v12 =	vadd.f32 v62, v12  }
0x249: {  	v63 =	vmul.f32 v62, v62;
	v7 =	vadd.f32 v8, v7;
	v8 =	vmul.f32 v59, v59  }
0x24a: {  	v9 =	vadd.f32 v10, v9;
	v10 =	vmul.f32 v12, v12;
	v11 =	vmul.f32 v11, v11  }
0x24b: {  	v7 =	vadd.f32 v8, v7  }
0x24c: {  	v8 =	vadd.f32 v63, v9;
	v9 =	vmul.f32 v61, v61;
	v10 =	vadd.f32 v11, v10;
	_ =	sdelay $0x1  }
0x24d: {  	v6 =	vld.idx.msk [tilespmem:v6+s7+$0x0], $0xffff;
	v7 =	vadd.f32 v9, v7;
	v8 =	vsub.f32 v10, v8  }
0x24e: {  	v5 =	vld.idx.msk [tilespmem:v5+s7+$0x0], $0xffff  }
0x24f: {  	s12 =	simm.s32 $0xFB00;
	v7 =	vsub.f32 v8, v7  }
0x250: {  	v8 =	vld [tilespmem:s12+$0x0]  }
0x251: {  	v7 =	vmul.f32 $5.000000000e-01, v7;
	_ =	sdelay $0x1  }
0x252: {  	v6 =	vmul.f32 v6, v4;
	v5 =	vadd.f32 v7, v5;
	_ =	sdelay $0x1  }
0x253: {  	v5 =	vadd.f32 v5, v6;
	v6 =	vmul.f32 v8, v3;
	_ =	sdelay $0x1  }
0x254: {  	v5 =	vadd.f32 v5, v6;
	_ =	sdelay $0x1  }
0x255: {  	v5 =	vadd.f32 v5, v2  }
0x256: {  	s11 =	simm.s32 $0x10330  }
0x257: {  	s13 =	simm.s32 $0x20;
	[tilespmem:s11+$0x0] =	vst v5  }
0x258: {  	v7 =	vld [tilespmem:s13+$0x1A10]  }
0x259: {  	v8 =	vld [tilespmem:s13+$0x2210]  }
0x25a: {  	s14 =	simm.s32 $0x100;
	v9 =	vld [tilespmem:s13+$0x1A00]  }
.LBB2_4:
0x25b: {  	p0 =	sne.s32 s14, $0x1F80;
	v10 =	vld [tilespmem:s13+$0x2200]  }
0x25c: {  	v11 =	vld [tilespmem:s13+$0x2A10]  }
0x25d: {  	v12 =	vld [tilespmem:s13+$0x2A00]  }
0x25e: {  	v13 =	vld [tilespmem:s13+$0x3210]  }
0x25f: {  	v5 =	vadd.f32 v8, v7;
	v14 =	vld [tilespmem:s13+$0x3200]  }
0x260: {  	s10 =	sadd.s32 $0x1A, s10;
	v15 =	vadd.f32 v10, v9;
	v16 =	vld [tilespmem:s13+$0x3A10]  }
0x261: {  	v6 =	vadd.s32 s10, v1;
	v17 =	vadd.f32 v11, v5;
	v18 =	vld [tilespmem:s13+$0x3A00];
	v5 =	vadd.s32 s10, v0  }
0x262: {  	v9 =	vmul.f32 v9, v9;
	v10 =	vmul.f32 v10, v10;
	v15 =	vadd.f32 v12, v15;
	v19 =	vld [tilespmem:s13+$0x4210]  }
0x263: {  	v7 =	vmul.f32 v7, v7;
	v8 =	vmul.f32 v8, v8;
	v17 =	vadd.f32 v13, v17;
	v20 =	vld [tilespmem:s13+$0x4200]  }
0x264: {  	v9 =	vadd.f32 v10, v9;
	v10 =	vmul.f32 v12, v12;
	v12 =	vadd.f32 v14, v15;
	v15 =	vld [tilespmem:s13+$0x4A10]  }
0x265: {  	v7 =	vadd.f32 v8, v7;
	v8 =	vmul.f32 v11, v11;
	v11 =	vadd.f32 v16, v17;
	v17 =	vld [tilespmem:s13+$0x4A00]  }
0x266: {  	v9 =	vadd.f32 v10, v9;
	v10 =	vmul.f32 v14, v14;
	v12 =	vadd.f32 v18, v12;
	v14 =	vld [tilespmem:s13+$0x5210]  }
0x267: {  	v7 =	vadd.f32 v8, v7;
	v8 =	vmul.f32 v13, v13;
	v11 =	vadd.f32 v19, v11;
	v13 =	vld [tilespmem:s13+$0x5200]  }
0x268: {  	v9 =	vadd.f32 v10, v9;
	v10 =	vmul.f32 v18, v18;
	v12 =	vadd.f32 v20, v12;
	v18 =	vld [tilespmem:s13+$0x5A10]  }
0x269: {  	v7 =	vadd.f32 v8, v7;
	v8 =	vmul.f32 v16, v16;
	v11 =	vadd.f32 v15, v11;
	v16 =	vld [tilespmem:s13+$0x5A00]  }
0x26a: {  	v9 =	vadd.f32 v10, v9;
	v10 =	vmul.f32 v20, v20;
	v12 =	vadd.f32 v17, v12;
	v20 =	vld [tilespmem:s13+$0x6210]  }
0x26b: {  	v7 =	vadd.f32 v8, v7;
	v8 =	vmul.f32 v19, v19;
	v11 =	vadd.f32 v14, v11;
	v19 =	vld [tilespmem:s13+$0x6200]  }
0x26c: {  	v9 =	vadd.f32 v10, v9;
	v10 =	vmul.f32 v17, v17;
	v12 =	vadd.f32 v13, v12;
	v17 =	vld [tilespmem:s13+$0x6A10]  }
0x26d: {  	v7 =	vadd.f32 v8, v7;
	v8 =	vmul.f32 v15, v15;
	v11 =	vadd.f32 v18, v11;
	v15 =	vld [tilespmem:s13+$0x6A00]  }
0x26e: {  	v9 =	vadd.f32 v10, v9;
	v10 =	vmul.f32 v13, v13;
	v12 =	vadd.f32 v16, v12;
	v13 =	vld [tilespmem:s13+$0x7210]  }
0x26f: {  	v7 =	vadd.f32 v8, v7;
	v8 =	vmul.f32 v14, v14;
	v11 =	vadd.f32 v20, v11;
	v14 =	vld [tilespmem:s13+$0x7200]  }
0x270: {  	v9 =	vadd.f32 v10, v9;
	v10 =	vmul.f32 v16, v16;
	v12 =	vadd.f32 v19, v12;
	v16 =	vld [tilespmem:s13+$0x7A10]  }
0x271: {  	v7 =	vadd.f32 v8, v7;
	v8 =	vmul.f32 v18, v18;
	v11 =	vadd.f32 v17, v11;
	v18 =	vld [tilespmem:s13+$0x7A00]  }
0x272: {  	v9 =	vadd.f32 v10, v9;
	v10 =	vmul.f32 v19, v19;
	v12 =	vadd.f32 v15, v12;
	v19 =	vld [tilespmem:s13+$0x8210]  }
0x273: {  	v7 =	vadd.f32 v8, v7;
	v8 =	vmul.f32 v20, v20;
	v11 =	vadd.f32 v13, v11;
	v20 =	vld [tilespmem:s13+$0x8200]  }
0x274: {  	v9 =	vadd.f32 v10, v9;
	v10 =	vmul.f32 v15, v15;
	v12 =	vadd.f32 v14, v12;
	v15 =	vld [tilespmem:s13+$0x8A10]  }
0x275: {  	v7 =	vadd.f32 v8, v7;
	v8 =	vmul.f32 v17, v17;
	v11 =	vadd.f32 v16, v11;
	v17 =	vld [tilespmem:s13+$0x8A00]  }
0x276: {  	v9 =	vadd.f32 v10, v9;
	v10 =	vmul.f32 v14, v14;
	v12 =	vadd.f32 v18, v12;
	v14 =	vld [tilespmem:s13+$0x9210]  }
0x277: {  	v7 =	vadd.f32 v8, v7;
	v8 =	vmul.f32 v13, v13;
	v11 =	vadd.f32 v19, v11;
	v13 =	vld [tilespmem:s13+$0x9200]  }
0x278: {  	v9 =	vadd.f32 v10, v9;
	v10 =	vmul.f32 v18, v18;
	v12 =	vadd.f32 v20, v12;
	v18 =	vld [tilespmem:s13+$0x9A10]  }
0x279: {  	v7 =	vadd.f32 v8, v7;
	v8 =	vmul.f32 v16, v16;
	v11 =	vadd.f32 v15, v11;
	v16 =	vld [tilespmem:s13+$0x9A00]  }
0x27a: {  	v9 =	vadd.f32 v10, v9;
	v10 =	vmul.f32 v20, v20;
	v12 =	vadd.f32 v17, v12;
	v20 =	vld [tilespmem:s13+$0xA210]  }
0x27b: {  	v7 =	vadd.f32 v8, v7;
	v8 =	vmul.f32 v19, v19;
	v11 =	vadd.f32 v14, v11;
	v19 =	vld [tilespmem:s13+$0xA200]  }
0x27c: {  	v9 =	vadd.f32 v10, v9;
	v10 =	vmul.f32 v17, v17;
	v12 =	vadd.f32 v13, v12;
	v17 =	vld [tilespmem:s13+$0xAA10]  }
0x27d: {  	v7 =	vadd.f32 v8, v7;
	v8 =	vmul.f32 v15, v15;
	v11 =	vadd.f32 v18, v11;
	v15 =	vld [tilespmem:s13+$0xAA00]  }
0x27e: {  	v9 =	vadd.f32 v10, v9;
	v10 =	vmul.f32 v13, v13;
	v12 =	vadd.f32 v16, v12;
	v13 =	vld [tilespmem:s13+$0xB210]  }
0x27f: {  	v7 =	vadd.f32 v8, v7;
	v8 =	vmul.f32 v14, v14;
	v11 =	vadd.f32 v20, v11;
	v14 =	vld [tilespmem:s13+$0xB200]  }
0x280: {  	v9 =	vadd.f32 v10, v9;
	v10 =	vmul.f32 v16, v16;
	v12 =	vadd.f32 v19, v12;
	v16 =	vld [tilespmem:s13+$0xBA10]  }
0x281: {  	v7 =	vadd.f32 v8, v7;
	v8 =	vmul.f32 v18, v18;
	v11 =	vadd.f32 v17, v11;
	v18 =	vld [tilespmem:s13+$0xBA00]  }
0x282: {  	v9 =	vadd.f32 v10, v9;
	v10 =	vmul.f32 v19, v19;
	v12 =	vadd.f32 v15, v12;
	v19 =	vld [tilespmem:s13+$0xC210]  }
0x283: {  	v7 =	vadd.f32 v8, v7;
	v8 =	vmul.f32 v20, v20;
	v11 =	vadd.f32 v13, v11;
	v20 =	vld [tilespmem:s13+$0xC200]  }
0x284: {  	v9 =	vadd.f32 v10, v9;
	v10 =	vmul.f32 v15, v15;
	v12 =	vadd.f32 v14, v12;
	v15 =	vld [tilespmem:s13+$0xCA10]  }
0x285: {  	v7 =	vadd.f32 v8, v7;
	v8 =	vmul.f32 v17, v17;
	v11 =	vadd.f32 v16, v11;
	v17 =	vld [tilespmem:s13+$0xCA00]  }
0x286: {  	v9 =	vadd.f32 v10, v9;
	v10 =	vmul.f32 v14, v14;
	v12 =	vadd.f32 v18, v12;
	v14 =	vld [tilespmem:s13+$0xD210]  }
0x287: {  	v7 =	vadd.f32 v8, v7;
	v8 =	vmul.f32 v13, v13;
	v11 =	vadd.f32 v19, v11;
	v13 =	vld [tilespmem:s13+$0xD200]  }
0x288: {  	v9 =	vadd.f32 v10, v9;
	v10 =	vmul.f32 v18, v18;
	v12 =	vadd.f32 v20, v12;
	v18 =	vld [tilespmem:s13+$0xDA10]  }
0x289: {  	v7 =	vadd.f32 v8, v7;
	v8 =	vmul.f32 v16, v16;
	v11 =	vadd.f32 v15, v11;
	v16 =	vld [tilespmem:s13+$0xDA00]  }
0x28a: {  	v9 =	vadd.f32 v10, v9;
	v10 =	vmul.f32 v20, v20;
	v12 =	vadd.f32 v17, v12;
	v20 =	vld [tilespmem:s13+$0xE210]  }
0x28b: {  	v7 =	vadd.f32 v8, v7;
	v8 =	vmul.f32 v19, v19;
	v11 =	vadd.f32 v14, v11;
	v19 =	vld [tilespmem:s13+$0xE200]  }
0x28c: {  	v9 =	vadd.f32 v10, v9;
	v10 =	vmul.f32 v17, v17;
	v12 =	vadd.f32 v13, v12  }
0x28d: {  	v7 =	vadd.f32 v8, v7;
	v8 =	vmul.f32 v15, v15;
	v11 =	vadd.f32 v18, v11  }
0x28e: {  	v9 =	vadd.f32 v10, v9;
	v10 =	vmul.f32 v13, v13;
	v12 =	vadd.f32 v16, v12  }
0x28f: {  	v7 =	vadd.f32 v8, v7;
	v8 =	vmul.f32 v14, v14;
	v11 =	vadd.f32 v20, v11  }
0x290: {  	v9 =	vadd.f32 v10, v9;
	v10 =	vmul.f32 v16, v16;
	v12 =	vadd.f32 v19, v12  }
0x291: {  	v7 =	vadd.f32 v8, v7;
	v8 =	vmul.f32 v18, v18;
	v13 =	vmul.f32 v19, v19  }
0x292: {  	v9 =	vadd.f32 v10, v9;
	v11 =	vmul.f32 v11, v11;
	v10 =	vmul.f32 v12, v12  }
0x293: {  	v7 =	vadd.f32 v8, v7  }
0x294: {  	v8 =	vadd.f32 v13, v9;
	v9 =	vmul.f32 v20, v20;
	v10 =	vadd.f32 v11, v10  }
0x295: {  	v6 =	vld.idx.msk [tilespmem:v6+s7+$0x0], $0xffff  }
0x296: {  	v7 =	vadd.f32 v9, v7;
	v8 =	vsub.f32 v10, v8;
	v5 =	vld.idx.msk [tilespmem:v5+s7+$0x0], $0xffff;
	_ =	sdelay $0x1  }
0x297: {  	s12 =	sadd.s32 $0x10, s12;
	v7 =	vsub.f32 v8, v7  }
0x298: {  	v8 =	vld [tilespmem:s12+$0x0]  }
0x299: {  	v7 =	vmul.f32 $5.000000000e-01, v7;
	_ =	sdelay $0x1  }
0x29a: {  	v6 =	vmul.f32 v6, v4;
	v5 =	vadd.f32 v7, v5;
	_ =	sdelay $0x1  }
0x29b: {  	v5 =	vadd.f32 v5, v6;
	v6 =	vmul.f32 v8, v3;
	_ =	sdelay $0x1  }
0x29c: {  	v5 =	vadd.f32 v5, v6;
	_ =	sdelay $0x1  }
0x29d: {  	v5 =	vadd.f32 v5, v2  }
.Ltmp1:
0x29e: {  	s11 =	sadd.s32 $0x10, s11;
	(pc) =	sbr.rel @p0 .LBB2_4-.Ltmp1, $4  }
0x29f: {  	s13 =	sshra.s32 s14, $0x2;
	[tilespmem:s11+$0x0] =	vst v5  }
0x2a0: {  	v7 =	vld [tilespmem:s13+$0x1A10]  }
0x2a1: {  	v8 =	vld [tilespmem:s13+$0x2210]  }
0x2a2: {  	s14 =	sadd.s32 $0x80, s14;
	v9 =	vld [tilespmem:s13+$0x1A00]  }
0x2a3: {  	v10 =	vld [tilespmem:s13+$0x2200]  }
0x2a4: {  	v11 =	vld [tilespmem:s13+$0x2A10]  }
0x2a5: {  	v12 =	vld [tilespmem:s13+$0x2A00]  }
0x2a6: {  	v13 =	vld [tilespmem:s13+$0x3210]  }
0x2a7: {  	v14 =	vld [tilespmem:s13+$0x3200];
	v5 =	vadd.f32 v8, v7  }
0x2a8: {  	v16 =	vld [tilespmem:s13+$0x3A10];
	s10 =	sadd.s32 $0x1A, s10;
	v15 =	vadd.f32 v10, v9  }
0x2a9: {  	v18 =	vld [tilespmem:s13+$0x3A00];
	v6 =	vadd.s32 s10, v1;
	v62 =	vmul.f32 v7, v7;
	v17 =	vadd.f32 v11, v5  }
0x2aa: {  	v19 =	vld [tilespmem:s13+$0x4210];
	v61 =	vmul.f32 v9, v9;
	v10 =	vmul.f32 v10, v10;
	v15 =	vadd.f32 v12, v15  }
0x2ab: {  	v20 =	vld [tilespmem:s13+$0x4200];
	v63 =	vmul.f32 v8, v8;
	v5 =	vadd.s32 s10, v0;
	v17 =	vadd.f32 v13, v17  }
0x2ac: {  	v24 =	vld [tilespmem:s13+$0x4A10];
	v22 =	vmul.f32 v12, v12;
	v9 =	vadd.f32 v10, v61;
	v23 =	vadd.f32 v14, v15  }
0x2ad: {  	v27 =	vld [tilespmem:s13+$0x4A00];
	v7 =	vadd.f32 v63, v62;
	v25 =	vmul.f32 v11, v11;
	v26 =	vadd.f32 v16, v17  }
0x2ae: {  	v29 =	vld [tilespmem:s13+$0x5210];
	v28 =	vmul.f32 v14, v14;
	v9 =	vadd.f32 v22, v9;
	v12 =	vadd.f32 v18, v23  }
0x2af: {  	v31 =	vld [tilespmem:s13+$0x5200];
	v30 =	vmul.f32 v13, v13;
	v7 =	vadd.f32 v25, v7;
	v11 =	vadd.f32 v19, v26  }
0x2b0: {  	v33 =	vld [tilespmem:s13+$0x5A10];
	v32 =	vmul.f32 v18, v18;
	v9 =	vadd.f32 v28, v9;
	v12 =	vadd.f32 v20, v12  }
0x2b1: {  	v35 =	vld [tilespmem:s13+$0x5A00];
	v34 =	vmul.f32 v16, v16;
	v7 =	vadd.f32 v30, v7;
	v11 =	vadd.f32 v24, v11  }
0x2b2: {  	v37 =	vld [tilespmem:s13+$0x6210];
	v36 =	vmul.f32 v20, v20;
	v9 =	vadd.f32 v32, v9;
	v12 =	vadd.f32 v27, v12  }
0x2b3: {  	v39 =	vld [tilespmem:s13+$0x6200];
	v38 =	vmul.f32 v19, v19;
	v7 =	vadd.f32 v34, v7;
	v11 =	vadd.f32 v29, v11  }
0x2b4: {  	v41 =	vld [tilespmem:s13+$0x6A10];
	v40 =	vmul.f32 v27, v27;
	v9 =	vadd.f32 v36, v9;
	v12 =	vadd.f32 v31, v12  }
0x2b5: {  	v43 =	vld [tilespmem:s13+$0x6A00];
	v42 =	vmul.f32 v24, v24;
	v7 =	vadd.f32 v38, v7;
	v11 =	vadd.f32 v33, v11  }
0x2b6: {  	v45 =	vld [tilespmem:s13+$0x7210];
	v44 =	vmul.f32 v31, v31;
	v9 =	vadd.f32 v40, v9;
	v12 =	vadd.f32 v35, v12  }
0x2b7: {  	v47 =	vld [tilespmem:s13+$0x7200];
	v46 =	vmul.f32 v29, v29;
	v7 =	vadd.f32 v42, v7;
	v11 =	vadd.f32 v37, v11  }
0x2b8: {  	v49 =	vld [tilespmem:s13+$0x7A10];
	v48 =	vmul.f32 v35, v35;
	v9 =	vadd.f32 v44, v9;
	v12 =	vadd.f32 v39, v12  }
0x2b9: {  	v51 =	vld [tilespmem:s13+$0x7A00];
	v50 =	vmul.f32 v33, v33;
	v7 =	vadd.f32 v46, v7;
	v11 =	vadd.f32 v41, v11  }
0x2ba: {  	v53 =	vld [tilespmem:s13+$0x8210];
	v52 =	vmul.f32 v39, v39;
	v9 =	vadd.f32 v48, v9;
	v12 =	vadd.f32 v43, v12  }
0x2bb: {  	v55 =	vld [tilespmem:s13+$0x8200];
	v54 =	vmul.f32 v37, v37;
	v7 =	vadd.f32 v50, v7;
	v11 =	vadd.f32 v45, v11  }
0x2bc: {  	v57 =	vld [tilespmem:s13+$0x8A10];
	v56 =	vmul.f32 v43, v43;
	v9 =	vadd.f32 v52, v9;
	v12 =	vadd.f32 v47, v12  }
0x2bd: {  	v59 =	vld [tilespmem:s13+$0x8A00];
	v58 =	vmul.f32 v41, v41;
	v7 =	vadd.f32 v54, v7;
	v11 =	vadd.f32 v49, v11  }
0x2be: {  	v60 =	vmul.f32 v47, v47;
	v61 =	vld [tilespmem:s13+$0x9210];
	v9 =	vadd.f32 v56, v9;
	v12 =	vadd.f32 v51, v12  }
0x2bf: {  	v62 =	vmul.f32 v45, v45;
	v63 =	vld [tilespmem:s13+$0x9200];
	v7 =	vadd.f32 v58, v7;
	v11 =	vadd.f32 v53, v11  }
0x2c0: {  	v23 =	vmul.f32 v51, v51;
	v24 =	vld [tilespmem:s13+$0x9A10];
	v9 =	vadd.f32 v60, v9;
	v12 =	vadd.f32 v55, v12  }
0x2c1: {  	v25 =	vmul.f32 v49, v49;
	v26 =	vld [tilespmem:s13+$0x9A00];
	v7 =	vadd.f32 v62, v7;
	v11 =	vadd.f32 v57, v11  }
0x2c2: {  	v28 =	vld [tilespmem:s13+$0xA210];
	v27 =	vmul.f32 v55, v55;
	v9 =	vadd.f32 v23, v9;
	v12 =	vadd.f32 v59, v12  }
0x2c3: {  	v30 =	vld [tilespmem:s13+$0xA200];
	v29 =	vmul.f32 v53, v53;
	v7 =	vadd.f32 v25, v7;
	v11 =	vadd.f32 v61, v11  }
0x2c4: {  	v32 =	vld [tilespmem:s13+$0xAA10];
	v31 =	vmul.f32 v59, v59;
	v9 =	vadd.f32 v27, v9;
	v12 =	vadd.f32 v63, v12  }
0x2c5: {  	v34 =	vld [tilespmem:s13+$0xAA00];
	v33 =	vmul.f32 v57, v57;
	v7 =	vadd.f32 v29, v7;
	v11 =	vadd.f32 v24, v11  }
0x2c6: {  	v36 =	vld [tilespmem:s13+$0xB210];
	v35 =	vmul.f32 v63, v63;
	v9 =	vadd.f32 v31, v9;
	v12 =	vadd.f32 v26, v12  }
0x2c7: {  	v38 =	vld [tilespmem:s13+$0xB200];
	v37 =	vmul.f32 v61, v61;
	v7 =	vadd.f32 v33, v7;
	v11 =	vadd.f32 v28, v11  }
0x2c8: {  	v40 =	vld [tilespmem:s13+$0xBA10];
	v39 =	vmul.f32 v26, v26;
	v9 =	vadd.f32 v35, v9;
	v12 =	vadd.f32 v30, v12  }
0x2c9: {  	v42 =	vld [tilespmem:s13+$0xBA00];
	v41 =	vmul.f32 v24, v24;
	v7 =	vadd.f32 v37, v7;
	v11 =	vadd.f32 v32, v11  }
0x2ca: {  	v44 =	vld [tilespmem:s13+$0xC210];
	v43 =	vmul.f32 v30, v30;
	v9 =	vadd.f32 v39, v9;
	v12 =	vadd.f32 v34, v12  }
0x2cb: {  	v46 =	vld [tilespmem:s13+$0xC200];
	v45 =	vmul.f32 v28, v28;
	v7 =	vadd.f32 v41, v7;
	v11 =	vadd.f32 v36, v11  }
0x2cc: {  	v48 =	vld [tilespmem:s13+$0xCA10];
	v47 =	vmul.f32 v34, v34;
	v9 =	vadd.f32 v43, v9;
	v12 =	vadd.f32 v38, v12  }
0x2cd: {  	v50 =	vld [tilespmem:s13+$0xCA00];
	v49 =	vmul.f32 v32, v32;
	v7 =	vadd.f32 v45, v7;
	v11 =	vadd.f32 v40, v11  }
0x2ce: {  	v52 =	vld [tilespmem:s13+$0xD210];
	v51 =	vmul.f32 v38, v38;
	v9 =	vadd.f32 v47, v9;
	v12 =	vadd.f32 v42, v12  }
0x2cf: {  	v54 =	vld [tilespmem:s13+$0xD200];
	v53 =	vmul.f32 v36, v36;
	v7 =	vadd.f32 v49, v7;
	v11 =	vadd.f32 v44, v11  }
0x2d0: {  	v56 =	vld [tilespmem:s13+$0xDA10];
	v55 =	vmul.f32 v42, v42;
	v9 =	vadd.f32 v51, v9;
	v12 =	vadd.f32 v46, v12  }
0x2d1: {  	v58 =	vld [tilespmem:s13+$0xDA00];
	v57 =	vmul.f32 v40, v40;
	v7 =	vadd.f32 v53, v7;
	v11 =	vadd.f32 v48, v11  }
0x2d2: {  	v60 =	vld [tilespmem:s13+$0xE210];
	v59 =	vmul.f32 v46, v46;
	v9 =	vadd.f32 v55, v9;
	v12 =	vadd.f32 v50, v12  }
0x2d3: {  	v62 =	vld [tilespmem:s13+$0xE200];
	v61 =	vmul.f32 v44, v44;
	v7 =	vadd.f32 v57, v7;
	v11 =	vadd.f32 v52, v11  }
0x2d4: {  	v63 =	vmul.f32 v50, v50;
	v9 =	vadd.f32 v59, v9;
	v12 =	vadd.f32 v54, v12  }
0x2d5: {  	v17 =	vmul.f32 v48, v48;
	v7 =	vadd.f32 v61, v7;
	v11 =	vadd.f32 v56, v11  }
0x2d6: {  	v21 =	vmul.f32 v54, v54;
	v9 =	vadd.f32 v63, v9;
	v12 =	vadd.f32 v58, v12  }
0x2d7: {  	v22 =	vmul.f32 v52, v52;
	v7 =	vadd.f32 v17, v7;
	v11 =	vadd.f32 v60, v11  }
0x2d8: {  	v23 =	vmul.f32 v58, v58;
	v9 =	vadd.f32 v21, v9;
	v12 =	vadd.f32 v62, v12  }
0x2d9: {  	v25 =	vmul.f32 v62, v62;
	v24 =	vmul.f32 v56, v56;
	v7 =	vadd.f32 v22, v7  }
0x2da: {  	v9 =	vadd.f32 v23, v9;
	v11 =	vmul.f32 v11, v11;
	v26 =	vmul.f32 v12, v12  }
0x2db: {  	v7 =	vadd.f32 v24, v7  }
0x2dc: {  	v28 =	vmul.f32 v60, v60;
	v27 =	vadd.f32 v25, v9;
	v10 =	vadd.f32 v11, v26;
	_ =	sdelay $0x1  }
0x2dd: {  	v6 =	vld.idx.msk [tilespmem:v6+s7+$0x0], $0xffff;
	v7 =	vadd.f32 v28, v7;
	v8 =	vsub.f32 v10, v27  }
0x2de: {  	v5 =	vld.idx.msk [tilespmem:v5+s7+$0x0], $0xffff  }
0x2df: {  	s14 =	sadd.s32 $0x10, s12;
	v7 =	vsub.f32 v8, v7  }
0x2e0: {  	v29 =	vld [tilespmem:s14+$0x0]  }
0x2e1: {  	v7 =	vmul.f32 $5.000000000e-01, v7;
	_ =	sdelay $0x1  }
0x2e2: {  	v4 =	vmul.f32 v6, v4;
	v5 =	vadd.f32 v7, v5;
	_ =	sdelay $0x1  }
0x2e3: {  	v30 =	vmul.f32 v29, v3;
	v4 =	vadd.f32 v5, v4  }
0x2e4: {  	v3 =	vmul.u32 $0x10, v0  }
0x2e5: {  	v4 =	vadd.f32 v4, v30;
	_ =	sdelay $0x1  }
0x2e6: {  	v31 =	vor.u32 $0x1, v3;
	v2 =	vadd.f32 v4, v2  }
0x2e7: {  	s11 =	sadd.s32 $0x10, s11  }
0x2e8: {  	[tilespmem:s11+$0x0] =	vst v2;
	v2 =	vor.u32 $0x2, v3  }
0x2e9: {  	v32 =	vld.idx.msk [tilespmem:v3+s8+$0x0], $0xffff  }
0x2ea: {  	v33 =	vor.u32 $0x3, v3  }
0x2eb: {  	v4 =	vld.idx.msk [tilespmem:v31+s8+$0x0], $0xffff  }
0x2ec: {  	v34 =	vor.u32 $0x4, v3  }
0x2ed: {  	v2 =	vld.idx.msk [tilespmem:v2+s8+$0x0], $0xffff  }
0x2ee: {  	v35 =	vor.u32 $0x5, v3;
	v5 =	vadd.f32 $0.0e+00, v32  }
0x2ef: {  	v6 =	vld.idx.msk [tilespmem:v33+s8+$0x0], $0xffff  }
0x2f0: {  	v36 =	vor.u32 $0x6, v3;
	v4 =	vadd.f32 v4, v5  }
0x2f1: {  	v7 =	vld.idx.msk [tilespmem:v34+s8+$0x0], $0xffff  }
0x2f2: {  	v37 =	vor.u32 $0x7, v3;
	v2 =	vadd.f32 v2, v4  }
0x2f3: {  	v8 =	vld.idx.msk [tilespmem:v35+s8+$0x0], $0xffff  }
0x2f4: {  	v38 =	vor.u32 $0x8, v3;
	v2 =	vadd.f32 v6, v2  }
0x2f5: {  	v5 =	vld.idx.msk [tilespmem:v36+s8+$0x0], $0xffff  }
0x2f6: {  	v39 =	vor.u32 $0x9, v3;
	v2 =	vadd.f32 v7, v2  }
0x2f7: {  	v4 =	vld.idx.msk [tilespmem:v37+s8+$0x0], $0xffff  }
0x2f8: {  	v40 =	vor.u32 $0xA, v3;
	v2 =	vadd.f32 v8, v2  }
0x2f9: {  	v6 =	vld.idx.msk [tilespmem:v38+s8+$0x0], $0xffff  }
0x2fa: {  	v41 =	vor.u32 $0xB, v3;
	v2 =	vadd.f32 v5, v2  }
0x2fb: {  	v7 =	vld.idx.msk [tilespmem:v39+s8+$0x0], $0xffff  }
0x2fc: {  	v42 =	vor.u32 $0xC, v3;
	v2 =	vadd.f32 v4, v2  }
0x2fd: {  	v8 =	vld.idx.msk [tilespmem:v40+s8+$0x0], $0xffff  }
0x2fe: {  	v43 =	vor.u32 $0xD, v3;
	v2 =	vadd.f32 v6, v2  }
0x2ff: {  	v5 =	vld.idx.msk [tilespmem:v41+s8+$0x0], $0xffff  }
0x300: {  	v44 =	vor.u32 $0xE, v3;
	v2 =	vadd.f32 v7, v2  }
0x301: {  	v4 =	vld.idx.msk [tilespmem:v42+s8+$0x0], $0xffff  }
0x302: {  	v45 =	vor.u32 $0xF, v3;
	v2 =	vadd.f32 v8, v2  }
0x303: {  	v6 =	vld.idx.msk [tilespmem:v43+s8+$0x0], $0xffff  }
0x304: {  	v2 =	vadd.f32 v5, v2  }
0x305: {  	v46 =	vld.idx.msk [tilespmem:v44+s8+$0x0], $0xffff  }
0x306: {  	v2 =	vadd.f32 v4, v2  }
0x307: {  	v47 =	vld.idx.msk [tilespmem:v45+s8+$0x0], $0xffff  }
0x308: {  	v2 =	vadd.f32 v6, v2;
	_ =	sdelay $0x1  }
0x309: {  	v2 =	vadd.f32 v46, v2;
	_ =	sdelay $0x1  }
0x30a: {  	v2 =	vadd.f32 v47, v2;
	_ =	sdelay $0x1  }
0x30b: {  	v2 =	vsub.f32 $0.0e+00, v2;
	_ =	sdelay $0x1  }
0x30c: {  	v2 =	vmul.f32 $1.442695020e+00, v2;
	_ =	sdelay $0x1  }
0x30d: {  	(erf) = vpow2.f32 v2;
	_ =	sdelay $0x8  }
0x30e: {  	v2 =	vpop (erf)  }
0x30f: {  	v2 =	vadd.f32 $1.000000000e+00, v2;
	_ =	sdelay $0x1  }
0x310: {  	(erf) = vrcp.f32 v2;
	_ =	sdelay $0x5  }
0x311: {  	v2 =	vor.u32 $0x100, v3;
	_ =	sdelay $0x1  }
0x312: {  	v48 =	vor.u32 $0x101, v3  }
0x313: {  	v49 =	vpop (erf)  }
0x314: {  	v50 =	vor.u32 $0x102, v3;
	[tilespmem:$0x10730] =	vst v49  }
0x315: {  	v2 =	vld.idx.msk [tilespmem:v2+s8+$0x0], $0xffff  }
0x316: {  	v51 =	vor.u32 $0x103, v3  }
0x317: {  	v4 =	vld.idx.msk [tilespmem:v48+s8+$0x0], $0xffff  }
0x318: {  	v52 =	vor.u32 $0x104, v3  }
0x319: {  	v5 =	vld.idx.msk [tilespmem:v50+s8+$0x0], $0xffff  }
0x31a: {  	v53 =	vor.u32 $0x105, v3;
	v2 =	vadd.f32 $0.0e+00, v2  }
0x31b: {  	v6 =	vld.idx.msk [tilespmem:v51+s8+$0x0], $0xffff  }
0x31c: {  	v54 =	vor.u32 $0x106, v3;
	v2 =	vadd.f32 v4, v2  }
0x31d: {  	v7 =	vld.idx.msk [tilespmem:v52+s8+$0x0], $0xffff  }
0x31e: {  	v55 =	vor.u32 $0x107, v3;
	v2 =	vadd.f32 v5, v2  }
0x31f: {  	v8 =	vld.idx.msk [tilespmem:v53+s8+$0x0], $0xffff  }
0x320: {  	v56 =	vor.u32 $0x108, v3;
	v2 =	vadd.f32 v6, v2  }
0x321: {  	v4 =	vld.idx.msk [tilespmem:v54+s8+$0x0], $0xffff  }
0x322: {  	v57 =	vor.u32 $0x109, v3;
	v2 =	vadd.f32 v7, v2  }
0x323: {  	v5 =	vld.idx.msk [tilespmem:v55+s8+$0x0], $0xffff  }
0x324: {  	v58 =	vor.u32 $0x10A, v3;
	v2 =	vadd.f32 v8, v2  }
0x325: {  	v6 =	vld.idx.msk [tilespmem:v56+s8+$0x0], $0xffff  }
0x326: {  	v59 =	vor.u32 $0x10B, v3;
	v2 =	vadd.f32 v4, v2  }
0x327: {  	v7 =	vld.idx.msk [tilespmem:v57+s8+$0x0], $0xffff  }
0x328: {  	v60 =	vor.u32 $0x10C, v3;
	v2 =	vadd.f32 v5, v2  }
0x329: {  	v8 =	vld.idx.msk [tilespmem:v58+s8+$0x0], $0xffff  }
0x32a: {  	v61 =	vor.u32 $0x10D, v3;
	v2 =	vadd.f32 v6, v2  }
0x32b: {  	v4 =	vld.idx.msk [tilespmem:v59+s8+$0x0], $0xffff  }
0x32c: {  	v62 =	vor.u32 $0x10E, v3;
	v2 =	vadd.f32 v7, v2  }
0x32d: {  	v5 =	vld.idx.msk [tilespmem:v60+s8+$0x0], $0xffff  }
0x32e: {  	v63 =	vor.u32 $0x10F, v3;
	v2 =	vadd.f32 v8, v2  }
0x32f: {  	v6 =	vld.idx.msk [tilespmem:v61+s8+$0x0], $0xffff  }
0x330: {  	v2 =	vadd.f32 v4, v2  }
0x331: {  	v10 =	vld.idx.msk [tilespmem:v62+s8+$0x0], $0xffff  }
0x332: {  	v2 =	vadd.f32 v5, v2  }
0x333: {  	v11 =	vld.idx.msk [tilespmem:v63+s8+$0x0], $0xffff  }
0x334: {  	v2 =	vadd.f32 v6, v2;
	_ =	sdelay $0x1  }
0x335: {  	v2 =	vadd.f32 v10, v2;
	_ =	sdelay $0x1  }
0x336: {  	v2 =	vadd.f32 v11, v2;
	_ =	sdelay $0x1  }
0x337: {  	v2 =	vsub.f32 $0.0e+00, v2;
	_ =	sdelay $0x1  }
0x338: {  	v2 =	vmul.f32 $1.442695020e+00, v2;
	_ =	sdelay $0x1  }
0x339: {  	(erf) = vpow2.f32 v2;
	_ =	sdelay $0x8  }
0x33a: {  	v2 =	vpop (erf)  }
0x33b: {  	v2 =	vadd.f32 $1.000000000e+00, v2;
	_ =	sdelay $0x1  }
0x33c: {  	(erf) = vrcp.f32 v2;
	_ =	sdelay $0x5  }
0x33d: {  	v2 =	vor.u32 $0x200, v3;
	_ =	sdelay $0x1  }
0x33e: {  	v12 =	vor.u32 $0x201, v3  }
0x33f: {  	v13 =	vpop (erf)  }
0x340: {  	v14 =	vor.u32 $0x202, v3;
	[tilespmem:$0x10740] =	vst v13  }
0x341: {  	v2 =	vld.idx.msk [tilespmem:v2+s8+$0x0], $0xffff  }
0x342: {  	v15 =	vor.u32 $0x203, v3  }
0x343: {  	v4 =	vld.idx.msk [tilespmem:v12+s8+$0x0], $0xffff  }
0x344: {  	v16 =	vor.u32 $0x204, v3  }
0x345: {  	v5 =	vld.idx.msk [tilespmem:v14+s8+$0x0], $0xffff  }
0x346: {  	v17 =	vor.u32 $0x205, v3;
	v2 =	vadd.f32 $0.0e+00, v2  }
0x347: {  	v6 =	vld.idx.msk [tilespmem:v15+s8+$0x0], $0xffff  }
0x348: {  	v18 =	vor.u32 $0x206, v3;
	v2 =	vadd.f32 v4, v2  }
0x349: {  	v7 =	vld.idx.msk [tilespmem:v16+s8+$0x0], $0xffff  }
0x34a: {  	v19 =	vor.u32 $0x207, v3;
	v2 =	vadd.f32 v5, v2  }
0x34b: {  	v8 =	vld.idx.msk [tilespmem:v17+s8+$0x0], $0xffff  }
0x34c: {  	v20 =	vor.u32 $0x208, v3;
	v2 =	vadd.f32 v6, v2  }
0x34d: {  	v4 =	vld.idx.msk [tilespmem:v18+s8+$0x0], $0xffff  }
0x34e: {  	v21 =	vor.u32 $0x209, v3;
	v2 =	vadd.f32 v7, v2  }
0x34f: {  	v5 =	vld.idx.msk [tilespmem:v19+s8+$0x0], $0xffff  }
0x350: {  	v22 =	vor.u32 $0x20A, v3;
	v2 =	vadd.f32 v8, v2  }
0x351: {  	v6 =	vld.idx.msk [tilespmem:v20+s8+$0x0], $0xffff  }
0x352: {  	v23 =	vor.u32 $0x20B, v3;
	v2 =	vadd.f32 v4, v2  }
0x353: {  	v7 =	vld.idx.msk [tilespmem:v21+s8+$0x0], $0xffff  }
0x354: {  	v24 =	vor.u32 $0x20C, v3;
	v2 =	vadd.f32 v5, v2  }
0x355: {  	v8 =	vld.idx.msk [tilespmem:v22+s8+$0x0], $0xffff  }
0x356: {  	v25 =	vor.u32 $0x20D, v3;
	v2 =	vadd.f32 v6, v2  }
0x357: {  	v4 =	vld.idx.msk [tilespmem:v23+s8+$0x0], $0xffff  }
0x358: {  	v26 =	vor.u32 $0x20E, v3;
	v2 =	vadd.f32 v7, v2  }
0x359: {  	v5 =	vld.idx.msk [tilespmem:v24+s8+$0x0], $0xffff  }
0x35a: {  	v27 =	vor.u32 $0x20F, v3;
	v2 =	vadd.f32 v8, v2  }
0x35b: {  	v6 =	vld.idx.msk [tilespmem:v25+s8+$0x0], $0xffff  }
0x35c: {  	v2 =	vadd.f32 v4, v2  }
0x35d: {  	v28 =	vld.idx.msk [tilespmem:v26+s8+$0x0], $0xffff  }
0x35e: {  	v2 =	vadd.f32 v5, v2  }
0x35f: {  	v29 =	vld.idx.msk [tilespmem:v27+s8+$0x0], $0xffff  }
0x360: {  	v2 =	vadd.f32 v6, v2;
	_ =	sdelay $0x1  }
0x361: {  	v2 =	vadd.f32 v28, v2;
	_ =	sdelay $0x1  }
0x362: {  	v2 =	vadd.f32 v29, v2;
	_ =	sdelay $0x1  }
0x363: {  	v2 =	vsub.f32 $0.0e+00, v2;
	_ =	sdelay $0x1  }
0x364: {  	v2 =	vmul.f32 $1.442695020e+00, v2;
	_ =	sdelay $0x1  }
0x365: {  	(erf) = vpow2.f32 v2;
	_ =	sdelay $0x8  }
0x366: {  	v2 =	vpop (erf)  }
0x367: {  	v2 =	vadd.f32 $1.000000000e+00, v2;
	_ =	sdelay $0x1  }
0x368: {  	(erf) = vrcp.f32 v2;
	_ =	sdelay $0x5  }
0x369: {  	v2 =	vor.u32 $0x300, v3;
	_ =	sdelay $0x1  }
0x36a: {  	v30 =	vor.u32 $0x301, v3  }
0x36b: {  	v31 =	vpop (erf)  }
0x36c: {  	v32 =	vor.u32 $0x302, v3;
	[tilespmem:$0x10750] =	vst v31  }
0x36d: {  	v2 =	vld.idx.msk [tilespmem:v2+s8+$0x0], $0xffff  }
0x36e: {  	v33 =	vor.u32 $0x303, v3  }
0x36f: {  	v4 =	vld.idx.msk [tilespmem:v30+s8+$0x0], $0xffff  }
0x370: {  	v34 =	vor.u32 $0x304, v3  }
0x371: {  	v5 =	vld.idx.msk [tilespmem:v32+s8+$0x0], $0xffff  }
0x372: {  	v35 =	vor.u32 $0x305, v3;
	v2 =	vadd.f32 $0.0e+00, v2  }
0x373: {  	v6 =	vld.idx.msk [tilespmem:v33+s8+$0x0], $0xffff  }
0x374: {  	v36 =	vor.u32 $0x306, v3;
	v2 =	vadd.f32 v4, v2  }
0x375: {  	v7 =	vld.idx.msk [tilespmem:v34+s8+$0x0], $0xffff  }
0x376: {  	v37 =	vor.u32 $0x307, v3;
	v2 =	vadd.f32 v5, v2  }
0x377: {  	v8 =	vld.idx.msk [tilespmem:v35+s8+$0x0], $0xffff  }
0x378: {  	v38 =	vor.u32 $0x308, v3;
	v2 =	vadd.f32 v6, v2  }
0x379: {  	v4 =	vld.idx.msk [tilespmem:v36+s8+$0x0], $0xffff  }
0x37a: {  	v39 =	vor.u32 $0x309, v3;
	v2 =	vadd.f32 v7, v2  }
0x37b: {  	v5 =	vld.idx.msk [tilespmem:v37+s8+$0x0], $0xffff  }
0x37c: {  	v40 =	vor.u32 $0x30A, v3;
	v2 =	vadd.f32 v8, v2  }
0x37d: {  	v6 =	vld.idx.msk [tilespmem:v38+s8+$0x0], $0xffff  }
0x37e: {  	v41 =	vor.u32 $0x30B, v3;
	v2 =	vadd.f32 v4, v2  }
0x37f: {  	v7 =	vld.idx.msk [tilespmem:v39+s8+$0x0], $0xffff  }
0x380: {  	v42 =	vor.u32 $0x30C, v3;
	v2 =	vadd.f32 v5, v2  }
0x381: {  	v8 =	vld.idx.msk [tilespmem:v40+s8+$0x0], $0xffff  }
0x382: {  	v43 =	vor.u32 $0x30D, v3;
	v2 =	vadd.f32 v6, v2  }
0x383: {  	v4 =	vld.idx.msk [tilespmem:v41+s8+$0x0], $0xffff  }
0x384: {  	v44 =	vor.u32 $0x30E, v3;
	v2 =	vadd.f32 v7, v2  }
0x385: {  	v5 =	vld.idx.msk [tilespmem:v42+s8+$0x0], $0xffff  }
0x386: {  	v45 =	vor.u32 $0x30F, v3;
	v2 =	vadd.f32 v8, v2  }
0x387: {  	v6 =	vld.idx.msk [tilespmem:v43+s8+$0x0], $0xffff  }
0x388: {  	v2 =	vadd.f32 v4, v2  }
0x389: {  	v46 =	vld.idx.msk [tilespmem:v44+s8+$0x0], $0xffff  }
0x38a: {  	v2 =	vadd.f32 v5, v2  }
0x38b: {  	v47 =	vld.idx.msk [tilespmem:v45+s8+$0x0], $0xffff  }
0x38c: {  	v2 =	vadd.f32 v6, v2;
	_ =	sdelay $0x1  }
0x38d: {  	v2 =	vadd.f32 v46, v2;
	_ =	sdelay $0x1  }
0x38e: {  	v2 =	vadd.f32 v47, v2;
	_ =	sdelay $0x1  }
0x38f: {  	v2 =	vsub.f32 $0.0e+00, v2;
	_ =	sdelay $0x1  }
0x390: {  	v2 =	vmul.f32 $1.442695020e+00, v2;
	_ =	sdelay $0x1  }
0x391: {  	(erf) = vpow2.f32 v2;
	_ =	sdelay $0x8  }
0x392: {  	v2 =	vpop (erf)  }
0x393: {  	v2 =	vadd.f32 $1.000000000e+00, v2;
	_ =	sdelay $0x1  }
0x394: {  	(erf) = vrcp.f32 v2;
	_ =	sdelay $0x5  }
0x395: {  	v2 =	vor.u32 $0x400, v3;
	_ =	sdelay $0x1  }
0x396: {  	v48 =	vor.u32 $0x401, v3  }
0x397: {  	v49 =	vpop (erf)  }
0x398: {  	v50 =	vor.u32 $0x402, v3;
	[tilespmem:$0x10760] =	vst v49  }
0x399: {  	v2 =	vld.idx.msk [tilespmem:v2+s8+$0x0], $0xffff  }
0x39a: {  	v51 =	vor.u32 $0x403, v3  }
0x39b: {  	v4 =	vld.idx.msk [tilespmem:v48+s8+$0x0], $0xffff  }
0x39c: {  	v52 =	vor.u32 $0x404, v3  }
0x39d: {  	v5 =	vld.idx.msk [tilespmem:v50+s8+$0x0], $0xffff  }
0x39e: {  	v53 =	vor.u32 $0x405, v3;
	v2 =	vadd.f32 $0.0e+00, v2  }
0x39f: {  	v6 =	vld.idx.msk [tilespmem:v51+s8+$0x0], $0xffff  }
0x3a0: {  	v54 =	vor.u32 $0x406, v3;
	v2 =	vadd.f32 v4, v2  }
0x3a1: {  	v7 =	vld.idx.msk [tilespmem:v52+s8+$0x0], $0xffff  }
0x3a2: {  	v55 =	vor.u32 $0x407, v3;
	v2 =	vadd.f32 v5, v2  }
0x3a3: {  	v8 =	vld.idx.msk [tilespmem:v53+s8+$0x0], $0xffff  }
0x3a4: {  	v56 =	vor.u32 $0x408, v3;
	v2 =	vadd.f32 v6, v2  }
0x3a5: {  	v4 =	vld.idx.msk [tilespmem:v54+s8+$0x0], $0xffff  }
0x3a6: {  	v57 =	vor.u32 $0x409, v3;
	v2 =	vadd.f32 v7, v2  }
0x3a7: {  	v5 =	vld.idx.msk [tilespmem:v55+s8+$0x0], $0xffff  }
0x3a8: {  	v58 =	vor.u32 $0x40A, v3;
	v2 =	vadd.f32 v8, v2  }
0x3a9: {  	v6 =	vld.idx.msk [tilespmem:v56+s8+$0x0], $0xffff  }
0x3aa: {  	v59 =	vor.u32 $0x40B, v3;
	v2 =	vadd.f32 v4, v2  }
0x3ab: {  	v7 =	vld.idx.msk [tilespmem:v57+s8+$0x0], $0xffff  }
0x3ac: {  	v60 =	vor.u32 $0x40C, v3;
	v2 =	vadd.f32 v5, v2  }
0x3ad: {  	v8 =	vld.idx.msk [tilespmem:v58+s8+$0x0], $0xffff  }
0x3ae: {  	v61 =	vor.u32 $0x40D, v3;
	v2 =	vadd.f32 v6, v2  }
0x3af: {  	v4 =	vld.idx.msk [tilespmem:v59+s8+$0x0], $0xffff  }
0x3b0: {  	v62 =	vor.u32 $0x40E, v3;
	v2 =	vadd.f32 v7, v2  }
0x3b1: {  	v5 =	vld.idx.msk [tilespmem:v60+s8+$0x0], $0xffff  }
0x3b2: {  	v63 =	vor.u32 $0x40F, v3;
	v2 =	vadd.f32 v8, v2  }
0x3b3: {  	v6 =	vld.idx.msk [tilespmem:v61+s8+$0x0], $0xffff  }
0x3b4: {  	v2 =	vadd.f32 v4, v2  }
0x3b5: {  	v10 =	vld.idx.msk [tilespmem:v62+s8+$0x0], $0xffff  }
0x3b6: {  	v2 =	vadd.f32 v5, v2  }
0x3b7: {  	v11 =	vld.idx.msk [tilespmem:v63+s8+$0x0], $0xffff  }
0x3b8: {  	v2 =	vadd.f32 v6, v2;
	_ =	sdelay $0x1  }
0x3b9: {  	v2 =	vadd.f32 v10, v2;
	_ =	sdelay $0x1  }
0x3ba: {  	v2 =	vadd.f32 v11, v2;
	_ =	sdelay $0x1  }
0x3bb: {  	v2 =	vsub.f32 $0.0e+00, v2;
	_ =	sdelay $0x1  }
0x3bc: {  	v2 =	vmul.f32 $1.442695020e+00, v2;
	_ =	sdelay $0x1  }
0x3bd: {  	(erf) = vpow2.f32 v2;
	_ =	sdelay $0x8  }
0x3be: {  	v2 =	vpop (erf)  }
0x3bf: {  	v2 =	vadd.f32 $1.000000000e+00, v2;
	_ =	sdelay $0x1  }
0x3c0: {  	(erf) = vrcp.f32 v2;
	_ =	sdelay $0x5  }
0x3c1: {  	v2 =	vor.u32 $0x500, v3;
	_ =	sdelay $0x1  }
0x3c2: {  	v12 =	vor.u32 $0x501, v3  }
0x3c3: {  	v13 =	vpop (erf)  }
0x3c4: {  	v14 =	vor.u32 $0x502, v3;
	[tilespmem:$0x10770] =	vst v13  }
0x3c5: {  	v2 =	vld.idx.msk [tilespmem:v2+s8+$0x0], $0xffff  }
0x3c6: {  	v15 =	vor.u32 $0x503, v3  }
0x3c7: {  	v4 =	vld.idx.msk [tilespmem:v12+s8+$0x0], $0xffff  }
0x3c8: {  	v16 =	vor.u32 $0x504, v3  }
0x3c9: {  	v5 =	vld.idx.msk [tilespmem:v14+s8+$0x0], $0xffff  }
0x3ca: {  	v17 =	vor.u32 $0x505, v3;
	v2 =	vadd.f32 $0.0e+00, v2  }
0x3cb: {  	v6 =	vld.idx.msk [tilespmem:v15+s8+$0x0], $0xffff  }
0x3cc: {  	v18 =	vor.u32 $0x506, v3;
	v2 =	vadd.f32 v4, v2  }
0x3cd: {  	v7 =	vld.idx.msk [tilespmem:v16+s8+$0x0], $0xffff  }
0x3ce: {  	v19 =	vor.u32 $0x507, v3;
	v2 =	vadd.f32 v5, v2  }
0x3cf: {  	v8 =	vld.idx.msk [tilespmem:v17+s8+$0x0], $0xffff  }
0x3d0: {  	v20 =	vor.u32 $0x508, v3;
	v2 =	vadd.f32 v6, v2  }
0x3d1: {  	v4 =	vld.idx.msk [tilespmem:v18+s8+$0x0], $0xffff  }
0x3d2: {  	v21 =	vor.u32 $0x509, v3;
	v2 =	vadd.f32 v7, v2  }
0x3d3: {  	v5 =	vld.idx.msk [tilespmem:v19+s8+$0x0], $0xffff  }
0x3d4: {  	v22 =	vor.u32 $0x50A, v3;
	v2 =	vadd.f32 v8, v2  }
0x3d5: {  	v6 =	vld.idx.msk [tilespmem:v20+s8+$0x0], $0xffff  }
0x3d6: {  	v23 =	vor.u32 $0x50B, v3;
	v2 =	vadd.f32 v4, v2  }
0x3d7: {  	v7 =	vld.idx.msk [tilespmem:v21+s8+$0x0], $0xffff  }
0x3d8: {  	v24 =	vor.u32 $0x50C, v3;
	v2 =	vadd.f32 v5, v2  }
0x3d9: {  	v8 =	vld.idx.msk [tilespmem:v22+s8+$0x0], $0xffff  }
0x3da: {  	v25 =	vor.u32 $0x50D, v3;
	v2 =	vadd.f32 v6, v2  }
0x3db: {  	v4 =	vld.idx.msk [tilespmem:v23+s8+$0x0], $0xffff  }
0x3dc: {  	v26 =	vor.u32 $0x50E, v3;
	v2 =	vadd.f32 v7, v2  }
0x3dd: {  	v5 =	vld.idx.msk [tilespmem:v24+s8+$0x0], $0xffff  }
0x3de: {  	v27 =	vor.u32 $0x50F, v3;
	v2 =	vadd.f32 v8, v2  }
0x3df: {  	v6 =	vld.idx.msk [tilespmem:v25+s8+$0x0], $0xffff  }
0x3e0: {  	v2 =	vadd.f32 v4, v2  }
0x3e1: {  	v28 =	vld.idx.msk [tilespmem:v26+s8+$0x0], $0xffff  }
0x3e2: {  	v2 =	vadd.f32 v5, v2  }
0x3e3: {  	v29 =	vld.idx.msk [tilespmem:v27+s8+$0x0], $0xffff  }
0x3e4: {  	v2 =	vadd.f32 v6, v2;
	_ =	sdelay $0x1  }
0x3e5: {  	v2 =	vadd.f32 v28, v2;
	_ =	sdelay $0x1  }
0x3e6: {  	v2 =	vadd.f32 v29, v2;
	_ =	sdelay $0x1  }
0x3e7: {  	v2 =	vsub.f32 $0.0e+00, v2;
	_ =	sdelay $0x1  }
0x3e8: {  	v2 =	vmul.f32 $1.442695020e+00, v2;
	_ =	sdelay $0x1  }
0x3e9: {  	(erf) = vpow2.f32 v2;
	_ =	sdelay $0x8  }
0x3ea: {  	v2 =	vpop (erf)  }
0x3eb: {  	v2 =	vadd.f32 $1.000000000e+00, v2;
	_ =	sdelay $0x1  }
0x3ec: {  	(erf) = vrcp.f32 v2;
	_ =	sdelay $0x5  }
0x3ed: {  	v2 =	vor.u32 $0x600, v3;
	_ =	sdelay $0x1  }
0x3ee: {  	v30 =	vor.u32 $0x601, v3  }
0x3ef: {  	v31 =	vpop (erf)  }
0x3f0: {  	v32 =	vor.u32 $0x602, v3;
	[tilespmem:$0x10780] =	vst v31  }
0x3f1: {  	v2 =	vld.idx.msk [tilespmem:v2+s8+$0x0], $0xffff  }
0x3f2: {  	v33 =	vor.u32 $0x603, v3  }
0x3f3: {  	v4 =	vld.idx.msk [tilespmem:v30+s8+$0x0], $0xffff  }
0x3f4: {  	v34 =	vor.u32 $0x604, v3  }
0x3f5: {  	v5 =	vld.idx.msk [tilespmem:v32+s8+$0x0], $0xffff  }
0x3f6: {  	v35 =	vor.u32 $0x605, v3;
	v2 =	vadd.f32 $0.0e+00, v2  }
0x3f7: {  	v6 =	vld.idx.msk [tilespmem:v33+s8+$0x0], $0xffff  }
0x3f8: {  	v36 =	vor.u32 $0x606, v3;
	v2 =	vadd.f32 v4, v2  }
0x3f9: {  	v7 =	vld.idx.msk [tilespmem:v34+s8+$0x0], $0xffff  }
0x3fa: {  	v37 =	vor.u32 $0x607, v3;
	v2 =	vadd.f32 v5, v2  }
0x3fb: {  	v8 =	vld.idx.msk [tilespmem:v35+s8+$0x0], $0xffff  }
0x3fc: {  	v38 =	vor.u32 $0x608, v3;
	v2 =	vadd.f32 v6, v2  }
0x3fd: {  	v4 =	vld.idx.msk [tilespmem:v36+s8+$0x0], $0xffff  }
0x3fe: {  	v39 =	vor.u32 $0x609, v3;
	v2 =	vadd.f32 v7, v2  }
0x3ff: {  	v5 =	vld.idx.msk [tilespmem:v37+s8+$0x0], $0xffff  }
0x400: {  	v40 =	vor.u32 $0x60A, v3;
	v2 =	vadd.f32 v8, v2  }
0x401: {  	v6 =	vld.idx.msk [tilespmem:v38+s8+$0x0], $0xffff  }
0x402: {  	v41 =	vor.u32 $0x60B, v3;
	v2 =	vadd.f32 v4, v2  }
0x403: {  	v7 =	vld.idx.msk [tilespmem:v39+s8+$0x0], $0xffff  }
0x404: {  	v42 =	vor.u32 $0x60C, v3;
	v2 =	vadd.f32 v5, v2  }
0x405: {  	v8 =	vld.idx.msk [tilespmem:v40+s8+$0x0], $0xffff  }
0x406: {  	v43 =	vor.u32 $0x60D, v3;
	v2 =	vadd.f32 v6, v2  }
0x407: {  	v4 =	vld.idx.msk [tilespmem:v41+s8+$0x0], $0xffff  }
0x408: {  	v44 =	vor.u32 $0x60E, v3;
	v2 =	vadd.f32 v7, v2  }
0x409: {  	v5 =	vld.idx.msk [tilespmem:v42+s8+$0x0], $0xffff  }
0x40a: {  	v45 =	vor.u32 $0x60F, v3;
	v2 =	vadd.f32 v8, v2  }
0x40b: {  	v6 =	vld.idx.msk [tilespmem:v43+s8+$0x0], $0xffff  }
0x40c: {  	v2 =	vadd.f32 v4, v2  }
0x40d: {  	v46 =	vld.idx.msk [tilespmem:v44+s8+$0x0], $0xffff  }
0x40e: {  	v2 =	vadd.f32 v5, v2  }
0x40f: {  	v47 =	vld.idx.msk [tilespmem:v45+s8+$0x0], $0xffff  }
0x410: {  	v2 =	vadd.f32 v6, v2;
	_ =	sdelay $0x1  }
0x411: {  	v2 =	vadd.f32 v46, v2;
	_ =	sdelay $0x1  }
0x412: {  	v2 =	vadd.f32 v47, v2;
	_ =	sdelay $0x1  }
0x413: {  	v2 =	vsub.f32 $0.0e+00, v2;
	_ =	sdelay $0x1  }
0x414: {  	v2 =	vmul.f32 $1.442695020e+00, v2;
	_ =	sdelay $0x1  }
0x415: {  	(erf) = vpow2.f32 v2;
	_ =	sdelay $0x8  }
0x416: {  	v2 =	vpop (erf)  }
0x417: {  	v2 =	vadd.f32 $1.000000000e+00, v2;
	_ =	sdelay $0x1  }
0x418: {  	(erf) = vrcp.f32 v2;
	_ =	sdelay $0x5  }
0x419: {  	v2 =	vor.u32 $0x700, v3;
	_ =	sdelay $0x1  }
0x41a: {  	v48 =	vor.u32 $0x701, v3  }
0x41b: {  	v49 =	vpop (erf)  }
0x41c: {  	v50 =	vor.u32 $0x702, v3;
	[tilespmem:$0x10790] =	vst v49  }
0x41d: {  	v2 =	vld.idx.msk [tilespmem:v2+s8+$0x0], $0xffff  }
0x41e: {  	v51 =	vor.u32 $0x703, v3  }
0x41f: {  	v4 =	vld.idx.msk [tilespmem:v48+s8+$0x0], $0xffff  }
0x420: {  	v52 =	vor.u32 $0x704, v3  }
0x421: {  	v5 =	vld.idx.msk [tilespmem:v50+s8+$0x0], $0xffff  }
0x422: {  	v53 =	vor.u32 $0x705, v3;
	v2 =	vadd.f32 $0.0e+00, v2  }
0x423: {  	v6 =	vld.idx.msk [tilespmem:v51+s8+$0x0], $0xffff  }
0x424: {  	v54 =	vor.u32 $0x706, v3;
	v2 =	vadd.f32 v4, v2  }
0x425: {  	v7 =	vld.idx.msk [tilespmem:v52+s8+$0x0], $0xffff  }
0x426: {  	v55 =	vor.u32 $0x707, v3;
	v2 =	vadd.f32 v5, v2  }
0x427: {  	v8 =	vld.idx.msk [tilespmem:v53+s8+$0x0], $0xffff  }
0x428: {  	v56 =	vor.u32 $0x708, v3;
	v2 =	vadd.f32 v6, v2  }
0x429: {  	v4 =	vld.idx.msk [tilespmem:v54+s8+$0x0], $0xffff  }
0x42a: {  	v57 =	vor.u32 $0x709, v3;
	v2 =	vadd.f32 v7, v2  }
0x42b: {  	v5 =	vld.idx.msk [tilespmem:v55+s8+$0x0], $0xffff  }
0x42c: {  	v58 =	vor.u32 $0x70A, v3;
	v2 =	vadd.f32 v8, v2  }
0x42d: {  	v6 =	vld.idx.msk [tilespmem:v56+s8+$0x0], $0xffff  }
0x42e: {  	v59 =	vor.u32 $0x70B, v3;
	v2 =	vadd.f32 v4, v2  }
0x42f: {  	v7 =	vld.idx.msk [tilespmem:v57+s8+$0x0], $0xffff  }
0x430: {  	v60 =	vor.u32 $0x70C, v3;
	v2 =	vadd.f32 v5, v2  }
0x431: {  	v8 =	vld.idx.msk [tilespmem:v58+s8+$0x0], $0xffff  }
0x432: {  	v61 =	vor.u32 $0x70D, v3;
	v2 =	vadd.f32 v6, v2  }
0x433: {  	v4 =	vld.idx.msk [tilespmem:v59+s8+$0x0], $0xffff  }
0x434: {  	v62 =	vor.u32 $0x70E, v3;
	v2 =	vadd.f32 v7, v2  }
0x435: {  	v5 =	vld.idx.msk [tilespmem:v60+s8+$0x0], $0xffff  }
0x436: {  	v3 =	vor.u32 $0x70F, v3;
	v2 =	vadd.f32 v8, v2  }
0x437: {  	v6 =	vld.idx.msk [tilespmem:v61+s8+$0x0], $0xffff  }
0x438: {  	v2 =	vadd.f32 v4, v2  }
0x439: {  	v63 =	vld.idx.msk [tilespmem:v62+s8+$0x0], $0xffff  }
0x43a: {  	v2 =	vadd.f32 v5, v2  }
0x43b: {  	v3 =	vld.idx.msk [tilespmem:v3+s8+$0x0], $0xffff  }
0x43c: {  	v2 =	vadd.f32 v6, v2;
	_ =	sdelay $0x1  }
0x43d: {  	v2 =	vadd.f32 v63, v2;
	_ =	sdelay $0x1  }
0x43e: {  	v2 =	vadd.f32 v3, v2;
	_ =	sdelay $0x1  }
0x43f: {  	v2 =	vsub.f32 $0.0e+00, v2;
	_ =	sdelay $0x1  }
0x440: {  	v2 =	vmul.f32 $1.442695020e+00, v2;
	_ =	sdelay $0x1  }
0x441: {  	(erf) = vpow2.f32 v2;
	_ =	sdelay $0x8  }
0x442: {  	v2 =	vpop (erf)  }
0x443: {  	v2 =	vadd.f32 $1.000000000e+00, v2;
	_ =	sdelay $0x1  }
0x444: {  	(erf) = vrcp.f32 v2;
	_ =	sdelay $0x8  }
0x445: {  	v2 =	vpop (erf)  }
0x446: {  	s12 =	rddreg [dreg:$0x10];
	s13 =	simm.s32 $0x10730;
	[tilespmem:$0x107A0] =	vst v2  }
0x447: {  	[hbm4b:s12+s2] =	stream.linear.scatter [tilespmem:s13], [sflag:$0x3], $0x80, $0x38;
	[tilespmem:$0x107B0] =	vst v63  }
0x448: {  	_ =	swait.ge [sflag:s18], $0x80  }
0x449: {  	s9 =	sadd.s32 $0x1, s9;
	s14 =	rddreg [dreg:$0x11]  }
0x44a: {  	p0 =	sne.s32 s9, s14  }
.Ltmp2:
0x44b: {  	_ = 	snop;
	(pc) =	sbr.rel @p0 .LBB2_1-.Ltmp2, $3  }
0x44c: {  	_ =	sdelay $0x1  }
0x44d: {  	[sflag:s18] =	ssyncset.done $0x0  }
0x44e: {  	[sflag:s18] =	ssyncadd.s32 $0xFFFFFF80  }
0x44f: {  	_ =	sfence.sel $0x180000  }
0x450: {  	[bflag:$0x0] =	sbarrier.arrive $0xFFFF  }
0x451: {  	_ =	strace $0x90000047  }
0x452: {  	s0 =	stileid.u32;
	[bflag:$0x2] =	sbarrier.arrive $0xFFFF  }
0x453: {  	p0 =	sne.s32 s0, $0x0;
	s0 =	rddreg [dreg:$0x2]  }
0x454: {  	s0 =	sadd.s32 @!p0 $0x100000, s0  }
0x455: {  	[sflag:s0] =	ssyncadd.tile.s32 @!p0 $0x1;
	_ =	shalt  }
.Lfunc_end2:
_tile_overlayer_lowered:
.L_overlay_start_2:
0x456: {  	(tag) =	ssettag $0x2  }
0x457: {  	s0 =	rddreg [dreg:$0x0];
	s2 =	stileid.u32  }
0x458: {  	s1 =	rddreg [dreg:$0x1];
	p0 =	sne.s32 s2, $0x0  }
0x459: {  	s3 =	rddreg [dreg:$0x2];
	[bflag:$0x3] =	sbarrier.arrive $0xFFFF;
	s2 =	simm.s32 @!p0 $0x1C03  }
0x45a: {  	[timem:s3], [sflag:s2] =	dma.local @!p0 [hbm:s0], s1  }
0x45b: {  	s0 =	simm.s32 @!p0 $0x3  }
0x45c: {  	_ =	swait.ge @!p0 [sflag:s0], s1  }
0x45d: {  	s1 =	ssub.s32 @!p0 $0x0, s1;
	[sflag:s0] =	ssyncset.done @!p0 $0x0  }
0x45e: {  	[sflag:s0] =	ssyncadd.s32 @!p0 s1  }
0x45f: {  	[bflag:$0x3] =	sbarrier.arrive $0xFFFF  }
0x460: {  	_ =	shalt  }

</sc_bundles>
